<compile_context>
chip_gen: v7x
topology: tpu7x:2x2x1
jax: 0.10.2.dev20260603
libtpu: 0.0.44.dev20260713+nightly
codegen_flags: <defaults>
</compile_context>

<pallas_src>
import jax
import jax.numpy as jnp
from jax import lax
from jax.experimental import pallas as pl
from jax.experimental.pallas import tpu as pltpu
from jax.experimental.pallas import tpu_sc as plsc

N = 10000
E = 320000
D = 128
G = 3

NC = 2
NS = 16
NW = NC * NS

EDGES_PER_TILE = E // NW
CHUNK = 80
NCHUNK = EDGES_PER_TILE // CHUNK
NP = 10112
ROWS_PER_TILE = NP // NS
NB = -(-ROWS_PER_TILE // CHUNK)
NB_LAST = ROWS_PER_TILE - (NB - 1) * CHUNK

PBLK = 1264


def _prep_body(nf_ref, wt_ref, b_ref, out_ref):
    x = nf_ref[...]
    s = jnp.dot(x, wt_ref[...], preferred_element_type=jnp.float32)
    s = s + b_ref[...]
    s = s - jnp.max(s, axis=1, keepdims=True)
    e = jnp.exp(s)
    coeff = e / jnp.sum(e, axis=1, keepdims=True)
    out_ref[0] = coeff
    for g in range(G):
        out_ref[g + 1] = x * coeff[:, g:g + 1]


def _prep(node_feature, W, b):
    wt = jnp.zeros((D, D), jnp.float32).at[:, :G].set(W.T)
    bp = jnp.full((1, D), -1e30, jnp.float32).at[0, :G].set(b)
    nf_p = jnp.zeros((NP, D), jnp.float32).at[:N].set(node_feature)
    return pl.pallas_call(
        _prep_body,
        grid=(NP // PBLK,),
        in_specs=[
            pl.BlockSpec((PBLK, D), lambda i: (i, 0)),
            pl.BlockSpec((D, D), lambda i: (0, 0)),
            pl.BlockSpec((1, D), lambda i: (0, 0)),
        ],
        out_specs=pl.BlockSpec((G + 1, PBLK, D), lambda i: (0, i, 0)),
        out_shape=jax.ShapeDtypeStruct((G + 1, NP, D), jnp.float32),
    )(nf_p, wt, bp)


def _edge_body(prep_h, src_h, dst_h, zrow_h, ones_h,
               acc_out,
               src_a, src_b, dst_v, rows_v, rows_b, ones_v,
               acc_sh, sem, sem_b):
    c = lax.axis_index("c")
    s = lax.axis_index("s")
    r0 = s * ROWS_PER_TILE
    wid = c * NS + s
    ebase = wid * EDGES_PER_TILE
    pltpu.sync_copy(ones_h, ones_v)

    for g in range(G + 1):
        pltpu.sync_copy(zrow_h, rows_v)
        for k in range(NB):
            sz = CHUNK if k < NB - 1 else NB_LAST
            pltpu.sync_copy(rows_v.at[pl.ds(0, sz)],
                            acc_sh.at[pl.ds(r0 + k * CHUNK, sz)])
        plsc.subcore_barrier()

        if g < G:
            tab = prep_h.at[g + 1]
            pltpu.sync_copy(src_h.at[pl.ds(ebase, CHUNK)], src_a)
            pltpu.async_copy(tab.at[src_a], rows_v, sem)

            def chunk_body(j, carry, tab=tab):
                base = ebase + 2 * j * CHUNK
                pltpu.sync_copy(src_h.at[pl.ds(base + CHUNK, CHUNK)], src_b)
                pltpu.async_copy(tab.at[src_b], rows_b, sem_b)
                pltpu.sync_copy(dst_h.at[pl.ds(base, CHUNK)], dst_v)
                pltpu.make_async_copy(tab.at[src_a], rows_v, sem).wait()
                pltpu.sync_copy(rows_v, acc_sh.at[dst_v], add=True)
                pltpu.sync_copy(src_h.at[pl.ds(base + 2 * CHUNK, CHUNK)],
                                src_a)
                pltpu.async_copy(tab.at[src_a], rows_v, sem)
                pltpu.sync_copy(dst_h.at[pl.ds(base + CHUNK, CHUNK)], dst_v)
                pltpu.make_async_copy(tab.at[src_b], rows_b, sem_b).wait()
                pltpu.sync_copy(rows_b, acc_sh.at[dst_v], add=True)
                return carry

            lax.fori_loop(0, (NCHUNK - 1) // 2, chunk_body, 0)
            base = ebase + (NCHUNK - 1) * CHUNK
            pltpu.sync_copy(dst_h.at[pl.ds(base, CHUNK)], dst_v)
            pltpu.make_async_copy(tab.at[src_a], rows_v, sem).wait()
            pltpu.sync_copy(rows_v, acc_sh.at[dst_v], add=True)
        else:
            def deg_body(k, carry):
                base = ebase + k * CHUNK
                pltpu.sync_copy(dst_h.at[pl.ds(base, CHUNK)], dst_v)
                pltpu.sync_copy(ones_v, acc_sh.at[dst_v], add=True)
                return carry

            lax.fori_loop(0, NCHUNK, deg_body, 0)
        plsc.subcore_barrier()

        for k in range(NB):
            sz = CHUNK if k < NB - 1 else NB_LAST
            sl = pl.ds(r0 + k * CHUNK, sz)
            pltpu.sync_copy(acc_sh.at[sl], rows_v.at[pl.ds(0, sz)])
            pltpu.sync_copy(rows_v.at[pl.ds(0, sz)], acc_out.at[g, c, sl])


def _edge_pass(prep, src, dst):
    mesh = plsc.VectorSubcoreMesh(core_axis_name="c", subcore_axis_name="s")
    zrow = jnp.zeros((CHUNK, D), jnp.float32)
    ones = jnp.zeros((CHUNK, D), jnp.float32).at[:, 0].set(1.0)
    fn = pl.kernel(
        _edge_body,
        out_type=jax.ShapeDtypeStruct((G + 1, NC, NP, D), jnp.float32),
        mesh=mesh,
        scratch_types=[
            pltpu.VMEM((CHUNK,), jnp.int32),
            pltpu.VMEM((CHUNK,), jnp.int32),
            pltpu.VMEM((CHUNK,), jnp.int32),
            pltpu.VMEM((CHUNK, D), jnp.float32),
            pltpu.VMEM((CHUNK, D), jnp.float32),
            pltpu.VMEM((CHUNK, D), jnp.float32),
            pltpu.VMEM_SHARED((NP, D), jnp.float32),
            pltpu.SemaphoreType.DMA,
            pltpu.SemaphoreType.DMA,
        ],
    )
    return fn(prep, src, dst, zrow, ones)


BLK = 1000


def _combine_body(acc_ref, coeff_ref, out_ref):
    dg = acc_ref[G, 0, :, 0:1] + acc_ref[G, 1, :, 0:1]
    a = jnp.zeros((BLK, D), jnp.float32)
    for g in range(G):
        sg = acc_ref[g, 0] + acc_ref[g, 1]
        a = a + sg * coeff_ref[:, g:g + 1]
    out_ref[...] = a * (1.0 / jnp.maximum(dg, 1.0))


def _combine(acc_part, coeff):
    return pl.pallas_call(
        _combine_body,
        grid=(N // BLK,),
        in_specs=[
            pl.BlockSpec((G + 1, NC, BLK, D), lambda i: (0, 0, i, 0)),
            pl.BlockSpec((BLK, D), lambda i: (i, 0)),
        ],
        out_specs=pl.BlockSpec((BLK, D), lambda i: (i, 0)),
        out_shape=jax.ShapeDtypeStruct((N, D), jnp.float32),
    )(acc_part[:, :, :N], coeff)


def kernel(node_feature, edge_index, W, b):
    src = edge_index[0].astype(jnp.int32)
    dst = edge_index[1].astype(jnp.int32)
    prep = _prep(node_feature, W, b)
    acc_part = _edge_pass(prep, src, dst)
    return _combine(acc_part, prep[0, :N])

# --- scband reference (transcript-rebuilt; emitter-appended) ---
"""Pipeline reference for scband-linear-grouping-37297495998973 (READ-ONLY COPY).

The authoritative reference and input builder live on the scoring server;
editing this copy changes nothing except your own understanding.
"""

import jax, jax.numpy as jnp
import numpy as np

N = 10000
E = 320000
D = 128
G = 3
T = 1.0


def setup_inputs(seed: int = 0) -> dict:
    key = jax.random.key(seed)
    k1, k2, k3, k4 = jax.random.split(key, 4)
    node_feature = jax.random.normal(k1, (N, D), dtype=jnp.float32)
    edge_index = jax.random.randint(k2, (2, E), 0, N).astype(jnp.int64)
    # Linear(embed_dim=D, num_groups=G): weight [G, D], bias [G]
    bound = 1.0 / np.sqrt(D)
    W = jax.random.uniform(k3, (G, D), minval=-bound, maxval=bound, dtype=jnp.float32)
    b = jax.random.uniform(k4, (G,), minval=-bound, maxval=bound, dtype=jnp.float32)
    return {"node_feature": node_feature, "edge_index": edge_index, "W": W, "b": b}


def reference(node_feature, edge_index, W, b):
    # fc + softmax grouping
    unnormalized_score = node_feature @ W.T + b            # [N, G]
    incidence_coeff = jax.nn.softmax(unnormalized_score / T, axis=1)  # [N, G]
    # weighted per-node per-group features
    weighted_individual_feat = node_feature[:, None, :] * incidence_coeff[:, :, None]  # [N, G, D]
    src = edge_index[0]
    dst = edge_index[1]
    # message: gather src weighted features; reduce: mean over mailbox (in-neighbors)
    msgs = weighted_individual_feat[src]                   # [E, G, D]
    summed = jax.ops.segment_sum(msgs, dst, num_segments=N)  # [N, G, D]
    deg = jax.ops.segment_sum(jnp.ones((E,), dtype=jnp.float32), dst, num_segments=N)  # [N]
    group_feat = summed / jnp.clip(deg, 1.0)[:, None, None]  # [N, G, D] (zero-in-degree nodes stay 0, matching DGL)
    weighted_group_feat = (group_feat * incidence_coeff[:, :, None]).sum(axis=1)  # [N, D]
    return weighted_group_feat

if __name__ == "__main__":
    import jax
    _d = setup_inputs()
    print(jax.jit(kernel)(*tuple(_d.values())))

</pallas_src>

<mosaic_0001>
#map = affine_map<(d0, d1) -> (0, 0, 0)>
#map1 = affine_map<(d0, d1) -> (0)>
#map2 = affine_map<(d0, d1) -> (0, 0)>
#map3 = affine_map<(d0, d1) -> (0, 0, 0, 0)>
module attributes {stable_mosaic.version = 14 : i64} {
  func.func @_edge_body(%arg0: i32, %arg1: i32, %arg2: memref<4x10112x128xf32, #tpu.memory_space<hbm>>, %arg3: memref<320000xi32, #tpu.memory_space<hbm>>, %arg4: memref<320000xi32, #tpu.memory_space<hbm>>, %arg5: memref<80x128xf32, #tpu.memory_space<hbm>>, %arg6: memref<80x128xf32, #tpu.memory_space<hbm>>, %arg7: memref<4x2x10112x128xf32, #tpu.memory_space<hbm>>, %arg8: memref<80xi32, #tpu.memory_space<vmem>>, %arg9: memref<80xi32, #tpu.memory_space<vmem>>, %arg10: memref<80xi32, #tpu.memory_space<vmem>>, %arg11: memref<80x128xf32, #tpu.memory_space<vmem>>, %arg12: memref<80x128xf32, #tpu.memory_space<vmem>>, %arg13: memref<80x128xf32, #tpu.memory_space<vmem>>, %arg14: memref<10112x128xf32, #tpu.memory_space<vmem_shared>>, %arg15: memref<!tpu.dma_semaphore, #tpu.memory_space<semaphore_mem>>, %arg16: memref<!tpu.dma_semaphore, #tpu.memory_space<semaphore_mem>>) attributes {dimension_semantics = [#tpu.dimension_semantics<core_parallel>, #tpu.dimension_semantics<subcore_parallel>], iteration_bounds = array<i64: 2, 16>, scalar_prefetch = 0 : i64, scratch_operands = 9 : i64, tpu.core_type = #tpu.core_type<sc_vector_subcore>, window_params = [{transform_indices = #map}, {transform_indices = #map1}, {transform_indices = #map1}, {transform_indices = #map2}, {transform_indices = #map2}, {transform_indices = #map3}]} {
    %mul3A = arith.constant 632 : i32
    %mul3A_0 = arith.muli %arg1, %mul3A : i32
    %mul3A_1 = arith.constant 16 : i32
    %mul3A_2 = arith.muli %arg0, %mul3A_1 : i32
    %add3A = arith.addi %mul3A_2, %arg1 : i32
    %mul3A_3 = arith.constant 10000 : i32
    %mul3A_4 = arith.muli %add3A, %mul3A_3 : i32
    "tpu.region"() ({
      %run_scoped3A_249 = tpu.sem_alloc : memref<!tpu.dma_semaphore, #tpu.memory_space<semaphore_mem>>
      tpu.enqueue_dma source(%arg6 : memref<80x128xf32, #tpu.memory_space<hbm>>) target(%arg13 : memref<80x128xf32, #tpu.memory_space<vmem>>) target_semaphore(%run_scoped3A_249 : memref<!tpu.dma_semaphore, #tpu.memory_space<semaphore_mem>>)
      tpu.wait_dma2 semaphore(%run_scoped3A_249 : memref<!tpu.dma_semaphore, #tpu.memory_space<semaphore_mem>>) src(%arg6 : memref<80x128xf32, #tpu.memory_space<hbm>>) dst(%arg13 : memref<80x128xf32, #tpu.memory_space<vmem>>)
      tpu.yield
    }) : () -> ()
    "tpu.region"() ({
      %run_scoped3A_249 = tpu.sem_alloc : memref<!tpu.dma_semaphore, #tpu.memory_space<semaphore_mem>>
      tpu.enqueue_dma source(%arg5 : memref<80x128xf32, #tpu.memory_space<hbm>>) target(%arg11 : memref<80x128xf32, #tpu.memory_space<vmem>>) target_semaphore(%run_scoped3A_249 : memref<!tpu.dma_semaphore, #tpu.memory_space<semaphore_mem>>)
      tpu.wait_dma2 semaphore(%run_scoped3A_249 : memref<!tpu.dma_semaphore, #tpu.memory_space<semaphore_mem>>) src(%arg5 : memref<80x128xf32, #tpu.memory_space<hbm>>) dst(%arg11 : memref<80x128xf32, #tpu.memory_space<vmem>>)
      tpu.yield
    }) : () -> ()
    %add3A_5 = arith.constant 0 : i32
    %add3A_6 = arith.addi %mul3A_0, %add3A_5 : i32
    "tpu.region"() ({
      %run_scoped3A_249 = tpu.sem_alloc : memref<!tpu.dma_semaphore, #tpu.memory_space<semaphore_mem>>
      %dma_start3A_250 = arith.constant 0 : i32
      %dma_start3A_251 = arith.constant 0 : i32
      %dma_start3A_252 = tpu.memref_slice %arg11[%dma_start3A_250, %dma_start3A_251] : memref<80x128xf32, #tpu.memory_space<vmem>> -> memref<80x128xf32, #tpu.memory_space<vmem>>
      %dma_start3A_253 = arith.constant 0 : i32
      %dma_start3A_254 = tpu.memref_slice %arg14[%add3A_6, %dma_start3A_253] : memref<10112x128xf32, #tpu.memory_space<vmem_shared>> -> memref<80x128xf32, #tpu.memory_space<vmem_shared>>
      %dma_start3A_255 = arith.constant 0 : i32
      %dma_start3A_256 = tpu.memref_slice %arg14[%add3A_6, %dma_start3A_255] : memref<10112x128xf32, #tpu.memory_space<vmem_shared>> -> memref<80x128xf32, #tpu.memory_space<vmem_shared>>
      %dma_start3A_257 = arith.constant 0 : i32
      %dma_start3A_258 = arith.constant 0 : i32
      %dma_start3A_259 = tpu.memref_slice %arg11[%dma_start3A_257, %dma_start3A_258] : memref<80x128xf32, #tpu.memory_space<vmem>> -> memref<80x128xf32, #tpu.memory_space<vmem>>
      tpu.enqueue_dma source(%dma_start3A_259 : memref<80x128xf32, #tpu.memory_space<vmem>>) target(%dma_start3A_256 : memref<80x128xf32, #tpu.memory_space<vmem_shared>>) target_semaphore(%run_scoped3A_249 : memref<!tpu.dma_semaphore, #tpu.memory_space<semaphore_mem>>)
      %dma_wait3A_260 = arith.constant 0 : i32
      %dma_wait3A_261 = arith.constant 0 : i32
      %dma_wait3A_262 = tpu.memref_slice %arg11[%dma_wait3A_260, %dma_wait3A_261] : memref<80x128xf32, #tpu.memory_space<vmem>> -> memref<80x128xf32, #tpu.memory_space<vmem>>
      %dma_wait3A_263 = arith.constant 0 : i32
      %dma_wait3A_264 = tpu.memref_slice %arg14[%add3A_6, %dma_wait3A_263] : memref<10112x128xf32, #tpu.memory_space<vmem_shared>> -> memref<80x128xf32, #tpu.memory_space<vmem_shared>>
      %dma_wait3A_265 = arith.constant 0 : i32
      %dma_wait3A_266 = tpu.memref_slice %arg14[%add3A_6, %dma_wait3A_265] : memref<10112x128xf32, #tpu.memory_space<vmem_shared>> -> memref<80x128xf32, #tpu.memory_space<vmem_shared>>
      %dma_wait3A_267 = arith.constant 0 : i32
      %dma_wait3A_268 = arith.constant 0 : i32
      %dma_wait3A_269 = tpu.memref_slice %arg11[%dma_wait3A_267, %dma_wait3A_268] : memref<80x128xf32, #tpu.memory_space<vmem>> -> memref<80x128xf32, #tpu.memory_space<vmem>>
      tpu.wait_dma2 semaphore(%run_scoped3A_249 : memref<!tpu.dma_semaphore, #tpu.memory_space<semaphore_mem>>) src(%dma_wait3A_269 : memref<80x128xf32, #tpu.memory_space<vmem>>) dst(%dma_wait3A_266 : memref<80x128xf32, #tpu.memory_space<vmem_shared>>)
      tpu.yield
    }) : () -> ()
    %add3A_7 = arith.constant 80 : i32
    %add3A_8 = arith.addi %mul3A_0, %add3A_7 : i32
    "tpu.region"() ({
      %run_scoped3A_249 = tpu.sem_alloc : memref<!tpu.dma_semaphore, #tpu.memory_space<semaphore_mem>>
      %dma_start3A_250 = arith.constant 0 : i32
      %dma_start3A_251 = arith.constant 0 : i32
      %dma_start3A_252 = tpu.memref_slice %arg11[%dma_start3A_250, %dma_start3A_251] : memref<80x128xf32, #tpu.memory_space<vmem>> -> memref<80x128xf32, #tpu.memory_space<vmem>>
      %dma_start3A_253 = arith.constant 0 : i32
      %dma_start3A_254 = tpu.memref_slice %arg14[%add3A_8, %dma_start3A_253] : memref<10112x128xf32, #tpu.memory_space<vmem_shared>> -> memref<80x128xf32, #tpu.memory_space<vmem_shared>>
      %dma_start3A_255 = arith.constant 0 : i32
      %dma_start3A_256 = tpu.memref_slice %arg14[%add3A_8, %dma_start3A_255] : memref<10112x128xf32, #tpu.memory_space<vmem_shared>> -> memref<80x128xf32, #tpu.memory_space<vmem_shared>>
      %dma_start3A_257 = arith.constant 0 : i32
      %dma_start3A_258 = arith.constant 0 : i32
      %dma_start3A_259 = tpu.memref_slice %arg11[%dma_start3A_257, %dma_start3A_258] : memref<80x128xf32, #tpu.memory_space<vmem>> -> memref<80x128xf32, #tpu.memory_space<vmem>>
      tpu.enqueue_dma source(%dma_start3A_259 : memref<80x128xf32, #tpu.memory_space<vmem>>) target(%dma_start3A_256 : memref<80x128xf32, #tpu.memory_space<vmem_shared>>) target_semaphore(%run_scoped3A_249 : memref<!tpu.dma_semaphore, #tpu.memory_space<semaphore_mem>>)
      %dma_wait3A_260 = arith.constant 0 : i32
      %dma_wait3A_261 = arith.constant 0 : i32
      %dma_wait3A_262 = tpu.memref_slice %arg11[%dma_wait3A_260, %dma_wait3A_261] : memref<80x128xf32, #tpu.memory_space<vmem>> -> memref<80x128xf32, #tpu.memory_space<vmem>>
      %dma_wait3A_263 = arith.constant 0 : i32
      %dma_wait3A_264 = tpu.memref_slice %arg14[%add3A_8, %dma_wait3A_263] : memref<10112x128xf32, #tpu.memory_space<vmem_shared>> -> memref<80x128xf32, #tpu.memory_space<vmem_shared>>
      %dma_wait3A_265 = arith.constant 0 : i32
      %dma_wait3A_266 = tpu.memref_slice %arg14[%add3A_8, %dma_wait3A_265] : memref<10112x128xf32, #tpu.memory_space<vmem_shared>> -> memref<80x128xf32, #tpu.memory_space<vmem_shared>>
      %dma_wait3A_267 = arith.constant 0 : i32
      %dma_wait3A_268 = arith.constant 0 : i32
      %dma_wait3A_269 = tpu.memref_slice %arg11[%dma_wait3A_267, %dma_wait3A_268] : memref<80x128xf32, #tpu.memory_space<vmem>> -> memref<80x128xf32, #tpu.memory_space<vmem>>
      tpu.wait_dma2 semaphore(%run_scoped3A_249 : memref<!tpu.dma_semaphore, #tpu.memory_space<semaphore_mem>>) src(%dma_wait3A_269 : memref<80x128xf32, #tpu.memory_space<vmem>>) dst(%dma_wait3A_266 : memref<80x128xf32, #tpu.memory_space<vmem_shared>>)
      tpu.yield
    }) : () -> ()
    %add3A_9 = arith.constant 160 : i32
    %add3A_10 = arith.addi %mul3A_0, %add3A_9 : i32
    "tpu.region"() ({
      %run_scoped3A_249 = tpu.sem_alloc : memref<!tpu.dma_semaphore, #tpu.memory_space<semaphore_mem>>
      %dma_start3A_250 = arith.constant 0 : i32
      %dma_start3A_251 = arith.constant 0 : i32
      %dma_start3A_252 = tpu.memref_slice %arg11[%dma_start3A_250, %dma_start3A_251] : memref<80x128xf32, #tpu.memory_space<vmem>> -> memref<80x128xf32, #tpu.memory_space<vmem>>
      %dma_start3A_253 = arith.constant 0 : i32
      %dma_start3A_254 = tpu.memref_slice %arg14[%add3A_10, %dma_start3A_253] : memref<10112x128xf32, #tpu.memory_space<vmem_shared>> -> memref<80x128xf32, #tpu.memory_space<vmem_shared>>
      %dma_start3A_255 = arith.constant 0 : i32
      %dma_start3A_256 = tpu.memref_slice %arg14[%add3A_10, %dma_start3A_255] : memref<10112x128xf32, #tpu.memory_space<vmem_shared>> -> memref<80x128xf32, #tpu.memory_space<vmem_shared>>
      %dma_start3A_257 = arith.constant 0 : i32
      %dma_start3A_258 = arith.constant 0 : i32
      %dma_start3A_259 = tpu.memref_slice %arg11[%dma_start3A_257, %dma_start3A_258] : memref<80x128xf32, #tpu.memory_space<vmem>> -> memref<80x128xf32, #tpu.memory_space<vmem>>
      tpu.enqueue_dma source(%dma_start3A_259 : memref<80x128xf32, #tpu.memory_space<vmem>>) target(%dma_start3A_256 : memref<80x128xf32, #tpu.memory_space<vmem_shared>>) target_semaphore(%run_scoped3A_249 : memref<!tpu.dma_semaphore, #tpu.memory_space<semaphore_mem>>)
      %dma_wait3A_260 = arith.constant 0 : i32
      %dma_wait3A_261 = arith.constant 0 : i32
      %dma_wait3A_262 = tpu.memref_slice %arg11[%dma_wait3A_260, %dma_wait3A_261] : memref<80x128xf32, #tpu.memory_space<vmem>> -> memref<80x128xf32, #tpu.memory_space<vmem>>
      %dma_wait3A_263 = arith.constant 0 : i32
      %dma_wait3A_264 = tpu.memref_slice %arg14[%add3A_10, %dma_wait3A_263] : memref<10112x128xf32, #tpu.memory_space<vmem_shared>> -> memref<80x128xf32, #tpu.memory_space<vmem_shared>>
      %dma_wait3A_265 = arith.constant 0 : i32
      %dma_wait3A_266 = tpu.memref_slice %arg14[%add3A_10, %dma_wait3A_265] : memref<10112x128xf32, #tpu.memory_space<vmem_shared>> -> memref<80x128xf32, #tpu.memory_space<vmem_shared>>
      %dma_wait3A_267 = arith.constant 0 : i32
      %dma_wait3A_268 = arith.constant 0 : i32
      %dma_wait3A_269 = tpu.memref_slice %arg11[%dma_wait3A_267, %dma_wait3A_268] : memref<80x128xf32, #tpu.memory_space<vmem>> -> memref<80x128xf32, #tpu.memory_space<vmem>>
      tpu.wait_dma2 semaphore(%run_scoped3A_249 : memref<!tpu.dma_semaphore, #tpu.memory_space<semaphore_mem>>) src(%dma_wait3A_269 : memref<80x128xf32, #tpu.memory_space<vmem>>) dst(%dma_wait3A_266 : memref<80x128xf32, #tpu.memory_space<vmem_shared>>)
      tpu.yield
    }) : () -> ()
    %add3A_11 = arith.constant 240 : i32
    %add3A_12 = arith.addi %mul3A_0, %add3A_11 : i32
    "tpu.region"() ({
      %run_scoped3A_249 = tpu.sem_alloc : memref<!tpu.dma_semaphore, #tpu.memory_space<semaphore_mem>>
      %dma_start3A_250 = arith.constant 0 : i32
      %dma_start3A_251 = arith.constant 0 : i32
      %dma_start3A_252 = tpu.memref_slice %arg11[%dma_start3A_250, %dma_start3A_251] : memref<80x128xf32, #tpu.memory_space<vmem>> -> memref<80x128xf32, #tpu.memory_space<vmem>>
      %dma_start3A_253 = arith.constant 0 : i32
      %dma_start3A_254 = tpu.memref_slice %arg14[%add3A_12, %dma_start3A_253] : memref<10112x128xf32, #tpu.memory_space<vmem_shared>> -> memref<80x128xf32, #tpu.memory_space<vmem_shared>>
      %dma_start3A_255 = arith.constant 0 : i32
      %dma_start3A_256 = tpu.memref_slice %arg14[%add3A_12, %dma_start3A_255] : memref<10112x128xf32, #tpu.memory_space<vmem_shared>> -> memref<80x128xf32, #tpu.memory_space<vmem_shared>>
      %dma_start3A_257 = arith.constant 0 : i32
      %dma_start3A_258 = arith.constant 0 : i32
      %dma_start3A_259 = tpu.memref_slice %arg11[%dma_start3A_257, %dma_start3A_258] : memref<80x128xf32, #tpu.memory_space<vmem>> -> memref<80x128xf32, #tpu.memory_space<vmem>>
      tpu.enqueue_dma source(%dma_start3A_259 : memref<80x128xf32, #tpu.memory_space<vmem>>) target(%dma_start3A_256 : memref<80x128xf32, #tpu.memory_space<vmem_shared>>) target_semaphore(%run_scoped3A_249 : memref<!tpu.dma_semaphore, #tpu.memory_space<semaphore_mem>>)
      %dma_wait3A_260 = arith.constant 0 : i32
      %dma_wait3A_261 = arith.constant 0 : i32
      %dma_wait3A_262 = tpu.memref_slice %arg11[%dma_wait3A_260, %dma_wait3A_261] : memref<80x128xf32, #tpu.memory_space<vmem>> -> memref<80x128xf32, #tpu.memory_space<vmem>>
      %dma_wait3A_263 = arith.constant 0 : i32
      %dma_wait3A_264 = tpu.memref_slice %arg14[%add3A_12, %dma_wait3A_263] : memref<10112x128xf32, #tpu.memory_space<vmem_shared>> -> memref<80x128xf32, #tpu.memory_space<vmem_shared>>
      %dma_wait3A_265 = arith.constant 0 : i32
      %dma_wait3A_266 = tpu.memref_slice %arg14[%add3A_12, %dma_wait3A_265] : memref<10112x128xf32, #tpu.memory_space<vmem_shared>> -> memref<80x128xf32, #tpu.memory_space<vmem_shared>>
      %dma_wait3A_267 = arith.constant 0 : i32
      %dma_wait3A_268 = arith.constant 0 : i32
      %dma_wait3A_269 = tpu.memref_slice %arg11[%dma_wait3A_267, %dma_wait3A_268] : memref<80x128xf32, #tpu.memory_space<vmem>> -> memref<80x128xf32, #tpu.memory_space<vmem>>
      tpu.wait_dma2 semaphore(%run_scoped3A_249 : memref<!tpu.dma_semaphore, #tpu.memory_space<semaphore_mem>>) src(%dma_wait3A_269 : memref<80x128xf32, #tpu.memory_space<vmem>>) dst(%dma_wait3A_266 : memref<80x128xf32, #tpu.memory_space<vmem_shared>>)
      tpu.yield
    }) : () -> ()
    %add3A_13 = arith.constant 320 : i32
    %add3A_14 = arith.addi %mul3A_0, %add3A_13 : i32
    "tpu.region"() ({
      %run_scoped3A_249 = tpu.sem_alloc : memref<!tpu.dma_semaphore, #tpu.memory_space<semaphore_mem>>
      %dma_start3A_250 = arith.constant 0 : i32
      %dma_start3A_251 = arith.constant 0 : i32
      %dma_start3A_252 = tpu.memref_slice %arg11[%dma_start3A_250, %dma_start3A_251] : memref<80x128xf32, #tpu.memory_space<vmem>> -> memref<80x128xf32, #tpu.memory_space<vmem>>
      %dma_start3A_253 = arith.constant 0 : i32
      %dma_start3A_254 = tpu.memref_slice %arg14[%add3A_14, %dma_start3A_253] : memref<10112x128xf32, #tpu.memory_space<vmem_shared>> -> memref<80x128xf32, #tpu.memory_space<vmem_shared>>
      %dma_start3A_255 = arith.constant 0 : i32
      %dma_start3A_256 = tpu.memref_slice %arg14[%add3A_14, %dma_start3A_255] : memref<10112x128xf32, #tpu.memory_space<vmem_shared>> -> memref<80x128xf32, #tpu.memory_space<vmem_shared>>
      %dma_start3A_257 = arith.constant 0 : i32
      %dma_start3A_258 = arith.constant 0 : i32
      %dma_start3A_259 = tpu.memref_slice %arg11[%dma_start3A_257, %dma_start3A_258] : memref<80x128xf32, #tpu.memory_space<vmem>> -> memref<80x128xf32, #tpu.memory_space<vmem>>
      tpu.enqueue_dma source(%dma_start3A_259 : memref<80x128xf32, #tpu.memory_space<vmem>>) target(%dma_start3A_256 : memref<80x128xf32, #tpu.memory_space<vmem_shared>>) target_semaphore(%run_scoped3A_249 : memref<!tpu.dma_semaphore, #tpu.memory_space<semaphore_mem>>)
      %dma_wait3A_260 = arith.constant 0 : i32
      %dma_wait3A_261 = arith.constant 0 : i32
      %dma_wait3A_262 = tpu.memref_slice %arg11[%dma_wait3A_260, %dma_wait3A_261] : memref<80x128xf32, #tpu.memory_space<vmem>> -> memref<80x128xf32, #tpu.memory_space<vmem>>
      %dma_wait3A_263 = arith.constant 0 : i32
      %dma_wait3A_264 = tpu.memref_slice %arg14[%add3A_14, %dma_wait3A_263] : memref<10112x128xf32, #tpu.memory_space<vmem_shared>> -> memref<80x128xf32, #tpu.memory_space<vmem_shared>>
      %dma_wait3A_265 = arith.constant 0 : i32
      %dma_wait3A_266 = tpu.memref_slice %arg14[%add3A_14, %dma_wait3A_265] : memref<10112x128xf32, #tpu.memory_space<vmem_shared>> -> memref<80x128xf32, #tpu.memory_space<vmem_shared>>
      %dma_wait3A_267 = arith.constant 0 : i32
      %dma_wait3A_268 = arith.constant 0 : i32
      %dma_wait3A_269 = tpu.memref_slice %arg11[%dma_wait3A_267, %dma_wait3A_268] : memref<80x128xf32, #tpu.memory_space<vmem>> -> memref<80x128xf32, #tpu.memory_space<vmem>>
      tpu.wait_dma2 semaphore(%run_scoped3A_249 : memref<!tpu.dma_semaphore, #tpu.memory_space<semaphore_mem>>) src(%dma_wait3A_269 : memref<80x128xf32, #tpu.memory_space<vmem>>) dst(%dma_wait3A_266 : memref<80x128xf32, #tpu.memory_space<vmem_shared>>)
      tpu.yield
    }) : () -> ()
    %add3A_15 = arith.constant 400 : i32
    %add3A_16 = arith.addi %mul3A_0, %add3A_15 : i32
    "tpu.region"() ({
      %run_scoped3A_249 = tpu.sem_alloc : memref<!tpu.dma_semaphore, #tpu.memory_space<semaphore_mem>>
      %dma_start3A_250 = arith.constant 0 : i32
      %dma_start3A_251 = arith.constant 0 : i32
      %dma_start3A_252 = tpu.memref_slice %arg11[%dma_start3A_250, %dma_start3A_251] : memref<80x128xf32, #tpu.memory_space<vmem>> -> memref<80x128xf32, #tpu.memory_space<vmem>>
      %dma_start3A_253 = arith.constant 0 : i32
      %dma_start3A_254 = tpu.memref_slice %arg14[%add3A_16, %dma_start3A_253] : memref<10112x128xf32, #tpu.memory_space<vmem_shared>> -> memref<80x128xf32, #tpu.memory_space<vmem_shared>>
      %dma_start3A_255 = arith.constant 0 : i32
      %dma_start3A_256 = tpu.memref_slice %arg14[%add3A_16, %dma_start3A_255] : memref<10112x128xf32, #tpu.memory_space<vmem_shared>> -> memref<80x128xf32, #tpu.memory_space<vmem_shared>>
      %dma_start3A_257 = arith.constant 0 : i32
      %dma_start3A_258 = arith.constant 0 : i32
      %dma_start3A_259 = tpu.memref_slice %arg11[%dma_start3A_257, %dma_start3A_258] : memref<80x128xf32, #tpu.memory_space<vmem>> -> memref<80x128xf32, #tpu.memory_space<vmem>>
      tpu.enqueue_dma source(%dma_start3A_259 : memref<80x128xf32, #tpu.memory_space<vmem>>) target(%dma_start3A_256 : memref<80x128xf32, #tpu.memory_space<vmem_shared>>) target_semaphore(%run_scoped3A_249 : memref<!tpu.dma_semaphore, #tpu.memory_space<semaphore_mem>>)
      %dma_wait3A_260 = arith.constant 0 : i32
      %dma_wait3A_261 = arith.constant 0 : i32
      %dma_wait3A_262 = tpu.memref_slice %arg11[%dma_wait3A_260, %dma_wait3A_261] : memref<80x128xf32, #tpu.memory_space<vmem>> -> memref<80x128xf32, #tpu.memory_space<vmem>>
      %dma_wait3A_263 = arith.constant 0 : i32
      %dma_wait3A_264 = tpu.memref_slice %arg14[%add3A_16, %dma_wait3A_263] : memref<10112x128xf32, #tpu.memory_space<vmem_shared>> -> memref<80x128xf32, #tpu.memory_space<vmem_shared>>
      %dma_wait3A_265 = arith.constant 0 : i32
      %dma_wait3A_266 = tpu.memref_slice %arg14[%add3A_16, %dma_wait3A_265] : memref<10112x128xf32, #tpu.memory_space<vmem_shared>> -> memref<80x128xf32, #tpu.memory_space<vmem_shared>>
      %dma_wait3A_267 = arith.constant 0 : i32
      %dma_wait3A_268 = arith.constant 0 : i32
      %dma_wait3A_269 = tpu.memref_slice %arg11[%dma_wait3A_267, %dma_wait3A_268] : memref<80x128xf32, #tpu.memory_space<vmem>> -> memref<80x128xf32, #tpu.memory_space<vmem>>
      tpu.wait_dma2 semaphore(%run_scoped3A_249 : memref<!tpu.dma_semaphore, #tpu.memory_space<semaphore_mem>>) src(%dma_wait3A_269 : memref<80x128xf32, #tpu.memory_space<vmem>>) dst(%dma_wait3A_266 : memref<80x128xf32, #tpu.memory_space<vmem_shared>>)
      tpu.yield
    }) : () -> ()
    %add3A_17 = arith.constant 480 : i32
    %add3A_18 = arith.addi %mul3A_0, %add3A_17 : i32
    "tpu.region"() ({
      %run_scoped3A_249 = tpu.sem_alloc : memref<!tpu.dma_semaphore, #tpu.memory_space<semaphore_mem>>
      %dma_start3A_250 = arith.constant 0 : i32
      %dma_start3A_251 = arith.constant 0 : i32
      %dma_start3A_252 = tpu.memref_slice %arg11[%dma_start3A_250, %dma_start3A_251] : memref<80x128xf32, #tpu.memory_space<vmem>> -> memref<80x128xf32, #tpu.memory_space<vmem>>
      %dma_start3A_253 = arith.constant 0 : i32
      %dma_start3A_254 = tpu.memref_slice %arg14[%add3A_18, %dma_start3A_253] : memref<10112x128xf32, #tpu.memory_space<vmem_shared>> -> memref<80x128xf32, #tpu.memory_space<vmem_shared>>
      %dma_start3A_255 = arith.constant 0 : i32
      %dma_start3A_256 = tpu.memref_slice %arg14[%add3A_18, %dma_start3A_255] : memref<10112x128xf32, #tpu.memory_space<vmem_shared>> -> memref<80x128xf32, #tpu.memory_space<vmem_shared>>
      %dma_start3A_257 = arith.constant 0 : i32
      %dma_start3A_258 = arith.constant 0 : i32
      %dma_start3A_259 = tpu.memref_slice %arg11[%dma_start3A_257, %dma_start3A_258] : memref<80x128xf32, #tpu.memory_space<vmem>> -> memref<80x128xf32, #tpu.memory_space<vmem>>
      tpu.enqueue_dma source(%dma_start3A_259 : memref<80x128xf32, #tpu.memory_space<vmem>>) target(%dma_start3A_256 : memref<80x128xf32, #tpu.memory_space<vmem_shared>>) target_semaphore(%run_scoped3A_249 : memref<!tpu.dma_semaphore, #tpu.memory_space<semaphore_mem>>)
      %dma_wait3A_260 = arith.constant 0 : i32
      %dma_wait3A_261 = arith.constant 0 : i32
      %dma_wait3A_262 = tpu.memref_slice %arg11[%dma_wait3A_260, %dma_wait3A_261] : memref<80x128xf32, #tpu.memory_space<vmem>> -> memref<80x128xf32, #tpu.memory_space<vmem>>
      %dma_wait3A_263 = arith.constant 0 : i32
      %dma_wait3A_264 = tpu.memref_slice %arg14[%add3A_18, %dma_wait3A_263] : memref<10112x128xf32, #tpu.memory_space<vmem_shared>> -> memref<80x128xf32, #tpu.memory_space<vmem_shared>>
      %dma_wait3A_265 = arith.constant 0 : i32
      %dma_wait3A_266 = tpu.memref_slice %arg14[%add3A_18, %dma_wait3A_265] : memref<10112x128xf32, #tpu.memory_space<vmem_shared>> -> memref<80x128xf32, #tpu.memory_space<vmem_shared>>
      %dma_wait3A_267 = arith.constant 0 : i32
      %dma_wait3A_268 = arith.constant 0 : i32
      %dma_wait3A_269 = tpu.memref_slice %arg11[%dma_wait3A_267, %dma_wait3A_268] : memref<80x128xf32, #tpu.memory_space<vmem>> -> memref<80x128xf32, #tpu.memory_space<vmem>>
      tpu.wait_dma2 semaphore(%run_scoped3A_249 : memref<!tpu.dma_semaphore, #tpu.memory_space<semaphore_mem>>) src(%dma_wait3A_269 : memref<80x128xf32, #tpu.memory_space<vmem>>) dst(%dma_wait3A_266 : memref<80x128xf32, #tpu.memory_space<vmem_shared>>)
      tpu.yield
    }) : () -> ()
    %add3A_19 = arith.constant 560 : i32
    %add3A_20 = arith.addi %mul3A_0, %add3A_19 : i32
    "tpu.region"() ({
      %run_scoped3A_249 = tpu.sem_alloc : memref<!tpu.dma_semaphore, #tpu.memory_space<semaphore_mem>>
      %dma_start3A_250 = arith.constant 0 : i32
      %dma_start3A_251 = arith.constant 0 : i32
      %dma_start3A_252 = tpu.memref_slice %arg11[%dma_start3A_250, %dma_start3A_251] : memref<80x128xf32, #tpu.memory_space<vmem>> -> memref<72x128xf32, #tpu.memory_space<vmem>>
      %dma_start3A_253 = arith.constant 0 : i32
      %dma_start3A_254 = tpu.memref_slice %arg14[%add3A_20, %dma_start3A_253] : memref<10112x128xf32, #tpu.memory_space<vmem_shared>> -> memref<72x128xf32, #tpu.memory_space<vmem_shared>>
      %dma_start3A_255 = arith.constant 0 : i32
      %dma_start3A_256 = tpu.memref_slice %arg14[%add3A_20, %dma_start3A_255] : memref<10112x128xf32, #tpu.memory_space<vmem_shared>> -> memref<72x128xf32, #tpu.memory_space<vmem_shared>>
      %dma_start3A_257 = arith.constant 0 : i32
      %dma_start3A_258 = arith.constant 0 : i32
      %dma_start3A_259 = tpu.memref_slice %arg11[%dma_start3A_257, %dma_start3A_258] : memref<80x128xf32, #tpu.memory_space<vmem>> -> memref<72x128xf32, #tpu.memory_space<vmem>>
      tpu.enqueue_dma source(%dma_start3A_259 : memref<72x128xf32, #tpu.memory_space<vmem>>) target(%dma_start3A_256 : memref<72x128xf32, #tpu.memory_space<vmem_shared>>) target_semaphore(%run_scoped3A_249 : memref<!tpu.dma_semaphore, #tpu.memory_space<semaphore_mem>>)
      %dma_wait3A_260 = arith.constant 0 : i32
      %dma_wait3A_261 = arith.constant 0 : i32
      %dma_wait3A_262 = tpu.memref_slice %arg11[%dma_wait3A_260, %dma_wait3A_261] : memref<80x128xf32, #tpu.memory_space<vmem>> -> memref<72x128xf32, #tpu.memory_space<vmem>>
      %dma_wait3A_263 = arith.constant 0 : i32
      %dma_wait3A_264 = tpu.memref_slice %arg14[%add3A_20, %dma_wait3A_263] : memref<10112x128xf32, #tpu.memory_space<vmem_shared>> -> memref<72x128xf32, #tpu.memory_space<vmem_shared>>
      %dma_wait3A_265 = arith.constant 0 : i32
      %dma_wait3A_266 = tpu.memref_slice %arg14[%add3A_20, %dma_wait3A_265] : memref<10112x128xf32, #tpu.memory_space<vmem_shared>> -> memref<72x128xf32, #tpu.memory_space<vmem_shared>>
      %dma_wait3A_267 = arith.constant 0 : i32
      %dma_wait3A_268 = arith.constant 0 : i32
      %dma_wait3A_269 = tpu.memref_slice %arg11[%dma_wait3A_267, %dma_wait3A_268] : memref<80x128xf32, #tpu.memory_space<vmem>> -> memref<72x128xf32, #tpu.memory_space<vmem>>
      tpu.wait_dma2 semaphore(%run_scoped3A_249 : memref<!tpu.dma_semaphore, #tpu.memory_space<semaphore_mem>>) src(%dma_wait3A_269 : memref<72x128xf32, #tpu.memory_space<vmem>>) dst(%dma_wait3A_266 : memref<72x128xf32, #tpu.memory_space<vmem_shared>>)
      tpu.yield
    }) : () -> ()
    %barrier3A = arith.constant 0 : index
    tpu.barrier barrier_id(%barrier3A)
    "tpu.region"() ({
      %run_scoped3A_249 = tpu.sem_alloc : memref<!tpu.dma_semaphore, #tpu.memory_space<semaphore_mem>>
      %dma_start3A_250 = tpu.memref_slice %arg3[%mul3A_4] : memref<320000xi32, #tpu.memory_space<hbm>> -> memref<80xi32, #tpu.memory_space<hbm>>
      %dma_start3A_251 = tpu.memref_slice %arg3[%mul3A_4] : memref<320000xi32, #tpu.memory_space<hbm>> -> memref<80xi32, #tpu.memory_space<hbm>>
      tpu.enqueue_dma source(%dma_start3A_251 : memref<80xi32, #tpu.memory_space<hbm>>) target(%arg8 : memref<80xi32, #tpu.memory_space<vmem>>) target_semaphore(%run_scoped3A_249 : memref<!tpu.dma_semaphore, #tpu.memory_space<semaphore_mem>>)
      %dma_wait3A_252 = tpu.memref_slice %arg3[%mul3A_4] : memref<320000xi32, #tpu.memory_space<hbm>> -> memref<80xi32, #tpu.memory_space<hbm>>
      %dma_wait3A_253 = tpu.memref_slice %arg3[%mul3A_4] : memref<320000xi32, #tpu.memory_space<hbm>> -> memref<80xi32, #tpu.memory_space<hbm>>
      tpu.wait_dma2 semaphore(%run_scoped3A_249 : memref<!tpu.dma_semaphore, #tpu.memory_space<semaphore_mem>>) src(%dma_wait3A_253 : memref<80xi32, #tpu.memory_space<hbm>>) dst(%arg8 : memref<80xi32, #tpu.memory_space<vmem>>)
      tpu.yield
    }) : () -> ()
    %dma_start3A = arith.constant 1 : i32
    %dma_start3A_21 = arith.constant 0 : i32
    %dma_start3A_22 = arith.constant 0 : i32
    %dma_start3A_23 = tpu.memref_slice %arg2[%dma_start3A, %dma_start3A_21, %dma_start3A_22] : memref<4x10112x128xf32, #tpu.memory_space<hbm>> -> memref<1x10112x128xf32, #tpu.memory_space<hbm>>
    %dma_start3A_24 = tpu.memref_squeeze %dma_start3A_23 : memref<1x10112x128xf32, #tpu.memory_space<hbm>> -> memref<10112x128xf32, #tpu.memory_space<hbm>>
    %dma_start3A_25 = arith.constant 0 : i32
    %dma_start3A_26 = arith.constant 0 : i32
    %dma_start3A_27 = tpu.memref_slice %dma_start3A_24[%dma_start3A_25, %dma_start3A_26] : memref<10112x128xf32, #tpu.memory_space<hbm>> -> memref<10112x128xf32, #tpu.memory_space<hbm>>
    tpu.enqueue_indirect_dma source(%dma_start3A_27 : memref<10112x128xf32, #tpu.memory_space<hbm>>) target(%arg11 : memref<80x128xf32, #tpu.memory_space<vmem>>) offsets(%arg8 : memref<80xi32, #tpu.memory_space<vmem>>) semaphore(%arg15 : memref<!tpu.dma_semaphore, #tpu.memory_space<semaphore_mem>>)
    %scan3A = arith.constant 0 : i32
    %scan3A_28 = arith.constant 1 : i32
    %scan3A_29 = arith.constant 0 : i32
    %scan3A_30 = arith.constant 62 : i32
    %scan3A_31 = arith.addi %scan3A_29, %scan3A_30 : i32
    %scan3A_32 = arith.constant 1 : i32
    scf.for %scan3A_249 = %scan3A_29 to %scan3A_31 step %scan3A_32  : i32 {
      %mul3A_250 = arith.constant 2 : i32
      %mul3A_251 = arith.muli %mul3A_250, %scan3A_249 : i32
      %mul3A_252 = arith.constant 80 : i32
      %mul3A_253 = arith.muli %mul3A_251, %mul3A_252 : i32
      %add3A_254 = arith.addi %mul3A_4, %mul3A_253 : i32
      %add3A_255 = arith.constant 80 : i32
      %add3A_256 = arith.addi %add3A_254, %add3A_255 : i32
      "tpu.region"() ({
        %run_scoped3A_289 = tpu.sem_alloc : memref<!tpu.dma_semaphore, #tpu.memory_space<semaphore_mem>>
        %dma_start3A_290 = tpu.memref_slice %arg3[%add3A_256] : memref<320000xi32, #tpu.memory_space<hbm>> -> memref<80xi32, #tpu.memory_space<hbm>>
        %dma_start3A_291 = tpu.memref_slice %arg3[%add3A_256] : memref<320000xi32, #tpu.memory_space<hbm>> -> memref<80xi32, #tpu.memory_space<hbm>>
        tpu.enqueue_dma source(%dma_start3A_291 : memref<80xi32, #tpu.memory_space<hbm>>) target(%arg9 : memref<80xi32, #tpu.memory_space<vmem>>) target_semaphore(%run_scoped3A_289 : memref<!tpu.dma_semaphore, #tpu.memory_space<semaphore_mem>>)
        %dma_wait3A_292 = tpu.memref_slice %arg3[%add3A_256] : memref<320000xi32, #tpu.memory_space<hbm>> -> memref<80xi32, #tpu.memory_space<hbm>>
        %dma_wait3A_293 = tpu.memref_slice %arg3[%add3A_256] : memref<320000xi32, #tpu.memory_space<hbm>> -> memref<80xi32, #tpu.memory_space<hbm>>
        tpu.wait_dma2 semaphore(%run_scoped3A_289 : memref<!tpu.dma_semaphore, #tpu.memory_space<semaphore_mem>>) src(%dma_wait3A_293 : memref<80xi32, #tpu.memory_space<hbm>>) dst(%arg9 : memref<80xi32, #tpu.memory_space<vmem>>)
        tpu.yield
      }) : () -> ()
      %dma_start3A_257 = arith.constant 0 : i32
      %dma_start3A_258 = arith.constant 0 : i32
      %dma_start3A_259 = tpu.memref_slice %arg2[%scan3A_28, %dma_start3A_257, %dma_start3A_258] : memref<4x10112x128xf32, #tpu.memory_space<hbm>> -> memref<1x10112x128xf32, #tpu.memory_space<hbm>>
      %dma_start3A_260 = tpu.memref_squeeze %dma_start3A_259 : memref<1x10112x128xf32, #tpu.memory_space<hbm>> -> memref<10112x128xf32, #tpu.memory_space<hbm>>
      %dma_start3A_261 = arith.constant 0 : i32
      %dma_start3A_262 = arith.constant 0 : i32
      %dma_start3A_263 = tpu.memref_slice %dma_start3A_260[%dma_start3A_261, %dma_start3A_262] : memref<10112x128xf32, #tpu.memory_space<hbm>> -> memref<10112x128xf32, #tpu.memory_space<hbm>>
      tpu.enqueue_indirect_dma source(%dma_start3A_263 : memref<10112x128xf32, #tpu.memory_space<hbm>>) target(%arg12 : memref<80x128xf32, #tpu.memory_space<vmem>>) offsets(%arg9 : memref<80xi32, #tpu.memory_space<vmem>>) semaphore(%arg16 : memref<!tpu.dma_semaphore, #tpu.memory_space<semaphore_mem>>)
      "tpu.region"() ({
        %run_scoped3A_289 = tpu.sem_alloc : memref<!tpu.dma_semaphore, #tpu.memory_space<semaphore_mem>>
        %dma_start3A_290 = tpu.memref_slice %arg4[%add3A_254] : memref<320000xi32, #tpu.memory_space<hbm>> -> memref<80xi32, #tpu.memory_space<hbm>>
        %dma_start3A_291 = tpu.memref_slice %arg4[%add3A_254] : memref<320000xi32, #tpu.memory_space<hbm>> -> memref<80xi32, #tpu.memory_space<hbm>>
        tpu.enqueue_dma source(%dma_start3A_291 : memref<80xi32, #tpu.memory_space<hbm>>) target(%arg10 : memref<80xi32, #tpu.memory_space<vmem>>) target_semaphore(%run_scoped3A_289 : memref<!tpu.dma_semaphore, #tpu.memory_space<semaphore_mem>>)
        %dma_wait3A_292 = tpu.memref_slice %arg4[%add3A_254] : memref<320000xi32, #tpu.memory_space<hbm>> -> memref<80xi32, #tpu.memory_space<hbm>>
        %dma_wait3A_293 = tpu.memref_slice %arg4[%add3A_254] : memref<320000xi32, #tpu.memory_space<hbm>> -> memref<80xi32, #tpu.memory_space<hbm>>
        tpu.wait_dma2 semaphore(%run_scoped3A_289 : memref<!tpu.dma_semaphore, #tpu.memory_space<semaphore_mem>>) src(%dma_wait3A_293 : memref<80xi32, #tpu.memory_space<hbm>>) dst(%arg10 : memref<80xi32, #tpu.memory_space<vmem>>)
        tpu.yield
      }) : () -> ()
      %dma_wait3A_264 = arith.constant 0 : i32
      %dma_wait3A_265 = arith.constant 0 : i32
      %dma_wait3A_266 = tpu.memref_slice %arg2[%scan3A_28, %dma_wait3A_264, %dma_wait3A_265] : memref<4x10112x128xf32, #tpu.memory_space<hbm>> -> memref<1x10112x128xf32, #tpu.memory_space<hbm>>
      %dma_wait3A_267 = tpu.memref_squeeze %dma_wait3A_266 : memref<1x10112x128xf32, #tpu.memory_space<hbm>> -> memref<10112x128xf32, #tpu.memory_space<hbm>>
      %dma_wait3A_268 = arith.constant 0 : i32
      %dma_wait3A_269 = arith.constant 0 : i32
      %dma_wait3A_270 = tpu.memref_slice %dma_wait3A_267[%dma_wait3A_268, %dma_wait3A_269] : memref<10112x128xf32, #tpu.memory_space<hbm>> -> memref<10112x128xf32, #tpu.memory_space<hbm>>
      tpu.wait_indirect_dma semaphore(%arg15 : memref<!tpu.dma_semaphore, #tpu.memory_space<semaphore_mem>>) src(%dma_wait3A_270 : memref<10112x128xf32, #tpu.memory_space<hbm>>) dst(%arg11 : memref<80x128xf32, #tpu.memory_space<vmem>>)
      "tpu.region"() ({
        %run_scoped3A_289 = tpu.sem_alloc : memref<!tpu.dma_semaphore, #tpu.memory_space<semaphore_mem>>
        %dma_start3A_290 = arith.constant 0 : i32
        %dma_start3A_291 = arith.constant 0 : i32
        %dma_start3A_292 = tpu.memref_slice %arg14[%dma_start3A_290, %dma_start3A_291] : memref<10112x128xf32, #tpu.memory_space<vmem_shared>> -> memref<10112x128xf32, #tpu.memory_space<vmem_shared>>
        tpu.enqueue_indirect_dma source(%arg11 : memref<80x128xf32, #tpu.memory_space<vmem>>) target(%dma_start3A_292 : memref<10112x128xf32, #tpu.memory_space<vmem_shared>>) offsets(%arg10 : memref<80xi32, #tpu.memory_space<vmem>>) semaphore(%run_scoped3A_289 : memref<!tpu.dma_semaphore, #tpu.memory_space<semaphore_mem>>) {add = true}
        %dma_wait3A_293 = arith.constant 0 : i32
        %dma_wait3A_294 = arith.constant 0 : i32
        %dma_wait3A_295 = tpu.memref_slice %arg14[%dma_wait3A_293, %dma_wait3A_294] : memref<10112x128xf32, #tpu.memory_space<vmem_shared>> -> memref<10112x128xf32, #tpu.memory_space<vmem_shared>>
        tpu.wait_indirect_dma semaphore(%run_scoped3A_289 : memref<!tpu.dma_semaphore, #tpu.memory_space<semaphore_mem>>) src(%arg11 : memref<80x128xf32, #tpu.memory_space<vmem>>) dst(%dma_wait3A_295 : memref<10112x128xf32, #tpu.memory_space<vmem_shared>>)
        tpu.yield
      }) : () -> ()
      %add3A_271 = arith.constant 160 : i32
      %add3A_272 = arith.addi %add3A_254, %add3A_271 : i32
      "tpu.region"() ({
        %run_scoped3A_289 = tpu.sem_alloc : memref<!tpu.dma_semaphore, #tpu.memory_space<semaphore_mem>>
        %dma_start3A_290 = tpu.memref_slice %arg3[%add3A_272] : memref<320000xi32, #tpu.memory_space<hbm>> -> memref<80xi32, #tpu.memory_space<hbm>>
        %dma_start3A_291 = tpu.memref_slice %arg3[%add3A_272] : memref<320000xi32, #tpu.memory_space<hbm>> -> memref<80xi32, #tpu.memory_space<hbm>>
        tpu.enqueue_dma source(%dma_start3A_291 : memref<80xi32, #tpu.memory_space<hbm>>) target(%arg8 : memref<80xi32, #tpu.memory_space<vmem>>) target_semaphore(%run_scoped3A_289 : memref<!tpu.dma_semaphore, #tpu.memory_space<semaphore_mem>>)
        %dma_wait3A_292 = tpu.memref_slice %arg3[%add3A_272] : memref<320000xi32, #tpu.memory_space<hbm>> -> memref<80xi32, #tpu.memory_space<hbm>>
        %dma_wait3A_293 = tpu.memref_slice %arg3[%add3A_272] : memref<320000xi32, #tpu.memory_space<hbm>> -> memref<80xi32, #tpu.memory_space<hbm>>
        tpu.wait_dma2 semaphore(%run_scoped3A_289 : memref<!tpu.dma_semaphore, #tpu.memory_space<semaphore_mem>>) src(%dma_wait3A_293 : memref<80xi32, #tpu.memory_space<hbm>>) dst(%arg8 : memref<80xi32, #tpu.memory_space<vmem>>)
        tpu.yield
      }) : () -> ()
      %dma_start3A_273 = arith.constant 0 : i32
      %dma_start3A_274 = arith.constant 0 : i32
      %dma_start3A_275 = tpu.memref_slice %arg2[%scan3A_28, %dma_start3A_273, %dma_start3A_274] : memref<4x10112x128xf32, #tpu.memory_space<hbm>> -> memref<1x10112x128xf32, #tpu.memory_space<hbm>>
      %dma_start3A_276 = tpu.memref_squeeze %dma_start3A_275 : memref<1x10112x128xf32, #tpu.memory_space<hbm>> -> memref<10112x128xf32, #tpu.memory_space<hbm>>
      %dma_start3A_277 = arith.constant 0 : i32
      %dma_start3A_278 = arith.constant 0 : i32
      %dma_start3A_279 = tpu.memref_slice %dma_start3A_276[%dma_start3A_277, %dma_start3A_278] : memref<10112x128xf32, #tpu.memory_space<hbm>> -> memref<10112x128xf32, #tpu.memory_space<hbm>>
      tpu.enqueue_indirect_dma source(%dma_start3A_279 : memref<10112x128xf32, #tpu.memory_space<hbm>>) target(%arg11 : memref<80x128xf32, #tpu.memory_space<vmem>>) offsets(%arg8 : memref<80xi32, #tpu.memory_space<vmem>>) semaphore(%arg15 : memref<!tpu.dma_semaphore, #tpu.memory_space<semaphore_mem>>)
      %add3A_280 = arith.constant 80 : i32
      %add3A_281 = arith.addi %add3A_254, %add3A_280 : i32
      "tpu.region"() ({
        %run_scoped3A_289 = tpu.sem_alloc : memref<!tpu.dma_semaphore, #tpu.memory_space<semaphore_mem>>
        %dma_start3A_290 = tpu.memref_slice %arg4[%add3A_281] : memref<320000xi32, #tpu.memory_space<hbm>> -> memref<80xi32, #tpu.memory_space<hbm>>
        %dma_start3A_291 = tpu.memref_slice %arg4[%add3A_281] : memref<320000xi32, #tpu.memory_space<hbm>> -> memref<80xi32, #tpu.memory_space<hbm>>
        tpu.enqueue_dma source(%dma_start3A_291 : memref<80xi32, #tpu.memory_space<hbm>>) target(%arg10 : memref<80xi32, #tpu.memory_space<vmem>>) target_semaphore(%run_scoped3A_289 : memref<!tpu.dma_semaphore, #tpu.memory_space<semaphore_mem>>)
        %dma_wait3A_292 = tpu.memref_slice %arg4[%add3A_281] : memref<320000xi32, #tpu.memory_space<hbm>> -> memref<80xi32, #tpu.memory_space<hbm>>
        %dma_wait3A_293 = tpu.memref_slice %arg4[%add3A_281] : memref<320000xi32, #tpu.memory_space<hbm>> -> memref<80xi32, #tpu.memory_space<hbm>>
        tpu.wait_dma2 semaphore(%run_scoped3A_289 : memref<!tpu.dma_semaphore, #tpu.memory_space<semaphore_mem>>) src(%dma_wait3A_293 : memref<80xi32, #tpu.memory_space<hbm>>) dst(%arg10 : memref<80xi32, #tpu.memory_space<vmem>>)
        tpu.yield
      }) : () -> ()
      %dma_wait3A_282 = arith.constant 0 : i32
      %dma_wait3A_283 = arith.constant 0 : i32
      %dma_wait3A_284 = tpu.memref_slice %arg2[%scan3A_28, %dma_wait3A_282, %dma_wait3A_283] : memref<4x10112x128xf32, #tpu.memory_space<hbm>> -> memref<1x10112x128xf32, #tpu.memory_space<hbm>>
      %dma_wait3A_285 = tpu.memref_squeeze %dma_wait3A_284 : memref<1x10112x128xf32, #tpu.memory_space<hbm>> -> memref<10112x128xf32, #tpu.memory_space<hbm>>
      %dma_wait3A_286 = arith.constant 0 : i32
      %dma_wait3A_287 = arith.constant 0 : i32
      %dma_wait3A_288 = tpu.memref_slice %dma_wait3A_285[%dma_wait3A_286, %dma_wait3A_287] : memref<10112x128xf32, #tpu.memory_space<hbm>> -> memref<10112x128xf32, #tpu.memory_space<hbm>>
      tpu.wait_indirect_dma semaphore(%arg16 : memref<!tpu.dma_semaphore, #tpu.memory_space<semaphore_mem>>) src(%dma_wait3A_288 : memref<10112x128xf32, #tpu.memory_space<hbm>>) dst(%arg12 : memref<80x128xf32, #tpu.memory_space<vmem>>)
      "tpu.region"() ({
        %run_scoped3A_289 = tpu.sem_alloc : memref<!tpu.dma_semaphore, #tpu.memory_space<semaphore_mem>>
        %dma_start3A_290 = arith.constant 0 : i32
        %dma_start3A_291 = arith.constant 0 : i32
        %dma_start3A_292 = tpu.memref_slice %arg14[%dma_start3A_290, %dma_start3A_291] : memref<10112x128xf32, #tpu.memory_space<vmem_shared>> -> memref<10112x128xf32, #tpu.memory_space<vmem_shared>>
        tpu.enqueue_indirect_dma source(%arg12 : memref<80x128xf32, #tpu.memory_space<vmem>>) target(%dma_start3A_292 : memref<10112x128xf32, #tpu.memory_space<vmem_shared>>) offsets(%arg10 : memref<80xi32, #tpu.memory_space<vmem>>) semaphore(%run_scoped3A_289 : memref<!tpu.dma_semaphore, #tpu.memory_space<semaphore_mem>>) {add = true}
        %dma_wait3A_293 = arith.constant 0 : i32
        %dma_wait3A_294 = arith.constant 0 : i32
        %dma_wait3A_295 = tpu.memref_slice %arg14[%dma_wait3A_293, %dma_wait3A_294] : memref<10112x128xf32, #tpu.memory_space<vmem_shared>> -> memref<10112x128xf32, #tpu.memory_space<vmem_shared>>
        tpu.wait_indirect_dma semaphore(%run_scoped3A_289 : memref<!tpu.dma_semaphore, #tpu.memory_space<semaphore_mem>>) src(%arg12 : memref<80x128xf32, #tpu.memory_space<vmem>>) dst(%dma_wait3A_295 : memref<10112x128xf32, #tpu.memory_space<vmem_shared>>)
        tpu.yield
      }) : () -> ()
    }
    %scan3A_33 = arith.constant 62 : i32
    %add3A_34 = arith.constant 9920 : i32
    %add3A_35 = arith.addi %mul3A_4, %add3A_34 : i32
    "tpu.region"() ({
      %run_scoped3A_249 = tpu.sem_alloc : memref<!tpu.dma_semaphore, #tpu.memory_space<semaphore_mem>>
      %dma_start3A_250 = tpu.memref_slice %arg4[%add3A_35] : memref<320000xi32, #tpu.memory_space<hbm>> -> memref<80xi32, #tpu.memory_space<hbm>>
      %dma_start3A_251 = tpu.memref_slice %arg4[%add3A_35] : memref<320000xi32, #tpu.memory_space<hbm>> -> memref<80xi32, #tpu.memory_space<hbm>>
      tpu.enqueue_dma source(%dma_start3A_251 : memref<80xi32, #tpu.memory_space<hbm>>) target(%arg10 : memref<80xi32, #tpu.memory_space<vmem>>) target_semaphore(%run_scoped3A_249 : memref<!tpu.dma_semaphore, #tpu.memory_space<semaphore_mem>>)
      %dma_wait3A_252 = tpu.memref_slice %arg4[%add3A_35] : memref<320000xi32, #tpu.memory_space<hbm>> -> memref<80xi32, #tpu.memory_space<hbm>>
      %dma_wait3A_253 = tpu.memref_slice %arg4[%add3A_35] : memref<320000xi32, #tpu.memory_space<hbm>> -> memref<80xi32, #tpu.memory_space<hbm>>
      tpu.wait_dma2 semaphore(%run_scoped3A_249 : memref<!tpu.dma_semaphore, #tpu.memory_space<semaphore_mem>>) src(%dma_wait3A_253 : memref<80xi32, #tpu.memory_space<hbm>>) dst(%arg10 : memref<80xi32, #tpu.memory_space<vmem>>)
      tpu.yield
    }) : () -> ()
    %dma_wait3A = arith.constant 1 : i32
    %dma_wait3A_36 = arith.constant 0 : i32
    %dma_wait3A_37 = arith.constant 0 : i32
    %dma_wait3A_38 = tpu.memref_slice %arg2[%dma_wait3A, %dma_wait3A_36, %dma_wait3A_37] : memref<4x10112x128xf32, #tpu.memory_space<hbm>> -> memref<1x10112x128xf32, #tpu.memory_space<hbm>>
    %dma_wait3A_39 = tpu.memref_squeeze %dma_wait3A_38 : memref<1x10112x128xf32, #tpu.memory_space<hbm>> -> memref<10112x128xf32, #tpu.memory_space<hbm>>
    %dma_wait3A_40 = arith.constant 0 : i32
    %dma_wait3A_41 = arith.constant 0 : i32
    %dma_wait3A_42 = tpu.memref_slice %dma_wait3A_39[%dma_wait3A_40, %dma_wait3A_41] : memref<10112x128xf32, #tpu.memory_space<hbm>> -> memref<10112x128xf32, #tpu.memory_space<hbm>>
    tpu.wait_indirect_dma semaphore(%arg15 : memref<!tpu.dma_semaphore, #tpu.memory_space<semaphore_mem>>) src(%dma_wait3A_42 : memref<10112x128xf32, #tpu.memory_space<hbm>>) dst(%arg11 : memref<80x128xf32, #tpu.memory_space<vmem>>)
    "tpu.region"() ({
      %run_scoped3A_249 = tpu.sem_alloc : memref<!tpu.dma_semaphore, #tpu.memory_space<semaphore_mem>>
      %dma_start3A_250 = arith.constant 0 : i32
      %dma_start3A_251 = arith.constant 0 : i32
      %dma_start3A_252 = tpu.memref_slice %arg14[%dma_start3A_250, %dma_start3A_251] : memref<10112x128xf32, #tpu.memory_space<vmem_shared>> -> memref<10112x128xf32, #tpu.memory_space<vmem_shared>>
      tpu.enqueue_indirect_dma source(%arg11 : memref<80x128xf32, #tpu.memory_space<vmem>>) target(%dma_start3A_252 : memref<10112x128xf32, #tpu.memory_space<vmem_shared>>) offsets(%arg10 : memref<80xi32, #tpu.memory_space<vmem>>) semaphore(%run_scoped3A_249 : memref<!tpu.dma_semaphore, #tpu.memory_space<semaphore_mem>>) {add = true}
      %dma_wait3A_253 = arith.constant 0 : i32
      %dma_wait3A_254 = arith.constant 0 : i32
      %dma_wait3A_255 = tpu.memref_slice %arg14[%dma_wait3A_253, %dma_wait3A_254] : memref<10112x128xf32, #tpu.memory_space<vmem_shared>> -> memref<10112x128xf32, #tpu.memory_space<vmem_shared>>
      tpu.wait_indirect_dma semaphore(%run_scoped3A_249 : memref<!tpu.dma_semaphore, #tpu.memory_space<semaphore_mem>>) src(%arg11 : memref<80x128xf32, #tpu.memory_space<vmem>>) dst(%dma_wait3A_255 : memref<10112x128xf32, #tpu.memory_space<vmem_shared>>)
      tpu.yield
    }) : () -> ()
    %barrier3A_43 = arith.constant 0 : index
    tpu.barrier barrier_id(%barrier3A_43)
    %add3A_44 = arith.constant 0 : i32
    %add3A_45 = arith.addi %mul3A_0, %add3A_44 : i32
    "tpu.region"() ({
      %run_scoped3A_249 = tpu.sem_alloc : memref<!tpu.dma_semaphore, #tpu.memory_space<semaphore_mem>>
      %dma_start3A_250 = arith.constant 0 : i32
      %dma_start3A_251 = arith.constant 0 : i32
      %dma_start3A_252 = tpu.memref_slice %arg11[%dma_start3A_250, %dma_start3A_251] : memref<80x128xf32, #tpu.memory_space<vmem>> -> memref<80x128xf32, #tpu.memory_space<vmem>>
      %dma_start3A_253 = arith.constant 0 : i32
      %dma_start3A_254 = tpu.memref_slice %arg14[%add3A_45, %dma_start3A_253] : memref<10112x128xf32, #tpu.memory_space<vmem_shared>> -> memref<80x128xf32, #tpu.memory_space<vmem_shared>>
      %dma_start3A_255 = arith.constant 0 : i32
      %dma_start3A_256 = arith.constant 0 : i32
      %dma_start3A_257 = tpu.memref_slice %arg11[%dma_start3A_255, %dma_start3A_256] : memref<80x128xf32, #tpu.memory_space<vmem>> -> memref<80x128xf32, #tpu.memory_space<vmem>>
      %dma_start3A_258 = arith.constant 0 : i32
      %dma_start3A_259 = tpu.memref_slice %arg14[%add3A_45, %dma_start3A_258] : memref<10112x128xf32, #tpu.memory_space<vmem_shared>> -> memref<80x128xf32, #tpu.memory_space<vmem_shared>>
      tpu.enqueue_dma source(%dma_start3A_259 : memref<80x128xf32, #tpu.memory_space<vmem_shared>>) target(%dma_start3A_257 : memref<80x128xf32, #tpu.memory_space<vmem>>) target_semaphore(%run_scoped3A_249 : memref<!tpu.dma_semaphore, #tpu.memory_space<semaphore_mem>>)
      %dma_wait3A_260 = arith.constant 0 : i32
      %dma_wait3A_261 = arith.constant 0 : i32
      %dma_wait3A_262 = tpu.memref_slice %arg11[%dma_wait3A_260, %dma_wait3A_261] : memref<80x128xf32, #tpu.memory_space<vmem>> -> memref<80x128xf32, #tpu.memory_space<vmem>>
      %dma_wait3A_263 = arith.constant 0 : i32
      %dma_wait3A_264 = tpu.memref_slice %arg14[%add3A_45, %dma_wait3A_263] : memref<10112x128xf32, #tpu.memory_space<vmem_shared>> -> memref<80x128xf32, #tpu.memory_space<vmem_shared>>
      %dma_wait3A_265 = arith.constant 0 : i32
      %dma_wait3A_266 = arith.constant 0 : i32
      %dma_wait3A_267 = tpu.memref_slice %arg11[%dma_wait3A_265, %dma_wait3A_266] : memref<80x128xf32, #tpu.memory_space<vmem>> -> memref<80x128xf32, #tpu.memory_space<vmem>>
      %dma_wait3A_268 = arith.constant 0 : i32
      %dma_wait3A_269 = tpu.memref_slice %arg14[%add3A_45, %dma_wait3A_268] : memref<10112x128xf32, #tpu.memory_space<vmem_shared>> -> memref<80x128xf32, #tpu.memory_space<vmem_shared>>
      tpu.wait_dma2 semaphore(%run_scoped3A_249 : memref<!tpu.dma_semaphore, #tpu.memory_space<semaphore_mem>>) src(%dma_wait3A_269 : memref<80x128xf32, #tpu.memory_space<vmem_shared>>) dst(%dma_wait3A_267 : memref<80x128xf32, #tpu.memory_space<vmem>>)
      tpu.yield
    }) : () -> ()
    %run_scoped3A = arith.constant 0 : i32
    "tpu.region"() ({
      %run_scoped3A_249 = tpu.sem_alloc : memref<!tpu.dma_semaphore, #tpu.memory_space<semaphore_mem>>
      %dma_start3A_250 = arith.constant 0 : i32
      %dma_start3A_251 = arith.constant 0 : i32
      %dma_start3A_252 = tpu.memref_slice %arg11[%dma_start3A_250, %dma_start3A_251] : memref<80x128xf32, #tpu.memory_space<vmem>> -> memref<80x128xf32, #tpu.memory_space<vmem>>
      %dma_start3A_253 = arith.constant 0 : i32
      %dma_start3A_254 = tpu.memref_slice %arg7[%run_scoped3A, %arg0, %add3A_45, %dma_start3A_253] : memref<4x2x10112x128xf32, #tpu.memory_space<hbm>> -> memref<1x1x80x128xf32, #tpu.memory_space<hbm>>
      %dma_start3A_255 = tpu.memref_squeeze %dma_start3A_254 : memref<1x1x80x128xf32, #tpu.memory_space<hbm>> -> memref<80x128xf32, #tpu.memory_space<hbm>>
      %dma_start3A_256 = arith.constant 0 : i32
      %dma_start3A_257 = tpu.memref_slice %arg7[%run_scoped3A, %arg0, %add3A_45, %dma_start3A_256] : memref<4x2x10112x128xf32, #tpu.memory_space<hbm>> -> memref<1x1x80x128xf32, #tpu.memory_space<hbm>>
      %dma_start3A_258 = tpu.memref_squeeze %dma_start3A_257 : memref<1x1x80x128xf32, #tpu.memory_space<hbm>> -> memref<80x128xf32, #tpu.memory_space<hbm>>
      %dma_start3A_259 = arith.constant 0 : i32
      %dma_start3A_260 = arith.constant 0 : i32
      %dma_start3A_261 = tpu.memref_slice %arg11[%dma_start3A_259, %dma_start3A_260] : memref<80x128xf32, #tpu.memory_space<vmem>> -> memref<80x128xf32, #tpu.memory_space<vmem>>
      tpu.enqueue_dma source(%dma_start3A_261 : memref<80x128xf32, #tpu.memory_space<vmem>>) target(%dma_start3A_258 : memref<80x128xf32, #tpu.memory_space<hbm>>) target_semaphore(%run_scoped3A_249 : memref<!tpu.dma_semaphore, #tpu.memory_space<semaphore_mem>>)
      %dma_wait3A_262 = arith.constant 0 : i32
      %dma_wait3A_263 = arith.constant 0 : i32
      %dma_wait3A_264 = tpu.memref_slice %arg11[%dma_wait3A_262, %dma_wait3A_263] : memref<80x128xf32, #tpu.memory_space<vmem>> -> memref<80x128xf32, #tpu.memory_space<vmem>>
      %dma_wait3A_265 = arith.constant 0 : i32
      %dma_wait3A_266 = tpu.memref_slice %arg7[%run_scoped3A, %arg0, %add3A_45, %dma_wait3A_265] : memref<4x2x10112x128xf32, #tpu.memory_space<hbm>> -> memref<1x1x80x128xf32, #tpu.memory_space<hbm>>
      %dma_wait3A_267 = tpu.memref_squeeze %dma_wait3A_266 : memref<1x1x80x128xf32, #tpu.memory_space<hbm>> -> memref<80x128xf32, #tpu.memory_space<hbm>>
      %dma_wait3A_268 = arith.constant 0 : i32
      %dma_wait3A_269 = tpu.memref_slice %arg7[%run_scoped3A, %arg0, %add3A_45, %dma_wait3A_268] : memref<4x2x10112x128xf32, #tpu.memory_space<hbm>> -> memref<1x1x80x128xf32, #tpu.memory_space<hbm>>
      %dma_wait3A_270 = tpu.memref_squeeze %dma_wait3A_269 : memref<1x1x80x128xf32, #tpu.memory_space<hbm>> -> memref<80x128xf32, #tpu.memory_space<hbm>>
      %dma_wait3A_271 = arith.constant 0 : i32
      %dma_wait3A_272 = arith.constant 0 : i32
      %dma_wait3A_273 = tpu.memref_slice %arg11[%dma_wait3A_271, %dma_wait3A_272] : memref<80x128xf32, #tpu.memory_space<vmem>> -> memref<80x128xf32, #tpu.memory_space<vmem>>
      tpu.wait_dma2 semaphore(%run_scoped3A_249 : memref<!tpu.dma_semaphore, #tpu.memory_space<semaphore_mem>>) src(%dma_wait3A_273 : memref<80x128xf32, #tpu.memory_space<vmem>>) dst(%dma_wait3A_270 : memref<80x128xf32, #tpu.memory_space<hbm>>)
      tpu.yield
    }) : () -> ()
    %add3A_46 = arith.constant 80 : i32
    %add3A_47 = arith.addi %mul3A_0, %add3A_46 : i32
    "tpu.region"() ({
      %run_scoped3A_249 = tpu.sem_alloc : memref<!tpu.dma_semaphore, #tpu.memory_space<semaphore_mem>>
      %dma_start3A_250 = arith.constant 0 : i32
      %dma_start3A_251 = arith.constant 0 : i32
      %dma_start3A_252 = tpu.memref_slice %arg11[%dma_start3A_250, %dma_start3A_251] : memref<80x128xf32, #tpu.memory_space<vmem>> -> memref<80x128xf32, #tpu.memory_space<vmem>>
      %dma_start3A_253 = arith.constant 0 : i32
      %dma_start3A_254 = tpu.memref_slice %arg14[%add3A_47, %dma_start3A_253] : memref<10112x128xf32, #tpu.memory_space<vmem_shared>> -> memref<80x128xf32, #tpu.memory_space<vmem_shared>>
      %dma_start3A_255 = arith.constant 0 : i32
      %dma_start3A_256 = arith.constant 0 : i32
      %dma_start3A_257 = tpu.memref_slice %arg11[%dma_start3A_255, %dma_start3A_256] : memref<80x128xf32, #tpu.memory_space<vmem>> -> memref<80x128xf32, #tpu.memory_space<vmem>>
      %dma_start3A_258 = arith.constant 0 : i32
      %dma_start3A_259 = tpu.memref_slice %arg14[%add3A_47, %dma_start3A_258] : memref<10112x128xf32, #tpu.memory_space<vmem_shared>> -> memref<80x128xf32, #tpu.memory_space<vmem_shared>>
      tpu.enqueue_dma source(%dma_start3A_259 : memref<80x128xf32, #tpu.memory_space<vmem_shared>>) target(%dma_start3A_257 : memref<80x128xf32, #tpu.memory_space<vmem>>) target_semaphore(%run_scoped3A_249 : memref<!tpu.dma_semaphore, #tpu.memory_space<semaphore_mem>>)
      %dma_wait3A_260 = arith.constant 0 : i32
      %dma_wait3A_261 = arith.constant 0 : i32
      %dma_wait3A_262 = tpu.memref_slice %arg11[%dma_wait3A_260, %dma_wait3A_261] : memref<80x128xf32, #tpu.memory_space<vmem>> -> memref<80x128xf32, #tpu.memory_space<vmem>>
      %dma_wait3A_263 = arith.constant 0 : i32
      %dma_wait3A_264 = tpu.memref_slice %arg14[%add3A_47, %dma_wait3A_263] : memref<10112x128xf32, #tpu.memory_space<vmem_shared>> -> memref<80x128xf32, #tpu.memory_space<vmem_shared>>
      %dma_wait3A_265 = arith.constant 0 : i32
      %dma_wait3A_266 = arith.constant 0 : i32
      %dma_wait3A_267 = tpu.memref_slice %arg11[%dma_wait3A_265, %dma_wait3A_266] : memref<80x128xf32, #tpu.memory_space<vmem>> -> memref<80x128xf32, #tpu.memory_space<vmem>>
      %dma_wait3A_268 = arith.constant 0 : i32
      %dma_wait3A_269 = tpu.memref_slice %arg14[%add3A_47, %dma_wait3A_268] : memref<10112x128xf32, #tpu.memory_space<vmem_shared>> -> memref<80x128xf32, #tpu.memory_space<vmem_shared>>
      tpu.wait_dma2 semaphore(%run_scoped3A_249 : memref<!tpu.dma_semaphore, #tpu.memory_space<semaphore_mem>>) src(%dma_wait3A_269 : memref<80x128xf32, #tpu.memory_space<vmem_shared>>) dst(%dma_wait3A_267 : memref<80x128xf32, #tpu.memory_space<vmem>>)
      tpu.yield
    }) : () -> ()
    %run_scoped3A_48 = arith.constant 0 : i32
    "tpu.region"() ({
      %run_scoped3A_249 = tpu.sem_alloc : memref<!tpu.dma_semaphore, #tpu.memory_space<semaphore_mem>>
      %dma_start3A_250 = arith.constant 0 : i32
      %dma_start3A_251 = arith.constant 0 : i32
      %dma_start3A_252 = tpu.memref_slice %arg11[%dma_start3A_250, %dma_start3A_251] : memref<80x128xf32, #tpu.memory_space<vmem>> -> memref<80x128xf32, #tpu.memory_space<vmem>>
      %dma_start3A_253 = arith.constant 0 : i32
      %dma_start3A_254 = tpu.memref_slice %arg7[%run_scoped3A_48, %arg0, %add3A_47, %dma_start3A_253] : memref<4x2x10112x128xf32, #tpu.memory_space<hbm>> -> memref<1x1x80x128xf32, #tpu.memory_space<hbm>>
      %dma_start3A_255 = tpu.memref_squeeze %dma_start3A_254 : memref<1x1x80x128xf32, #tpu.memory_space<hbm>> -> memref<80x128xf32, #tpu.memory_space<hbm>>
      %dma_start3A_256 = arith.constant 0 : i32
      %dma_start3A_257 = tpu.memref_slice %arg7[%run_scoped3A_48, %arg0, %add3A_47, %dma_start3A_256] : memref<4x2x10112x128xf32, #tpu.memory_space<hbm>> -> memref<1x1x80x128xf32, #tpu.memory_space<hbm>>
      %dma_start3A_258 = tpu.memref_squeeze %dma_start3A_257 : memref<1x1x80x128xf32, #tpu.memory_space<hbm>> -> memref<80x128xf32, #tpu.memory_space<hbm>>
      %dma_start3A_259 = arith.constant 0 : i32
      %dma_start3A_260 = arith.constant 0 : i32
      %dma_start3A_261 = tpu.memref_slice %arg11[%dma_start3A_259, %dma_start3A_260] : memref<80x128xf32, #tpu.memory_space<vmem>> -> memref<80x128xf32, #tpu.memory_space<vmem>>
      tpu.enqueue_dma source(%dma_start3A_261 : memref<80x128xf32, #tpu.memory_space<vmem>>) target(%dma_start3A_258 : memref<80x128xf32, #tpu.memory_space<hbm>>) target_semaphore(%run_scoped3A_249 : memref<!tpu.dma_semaphore, #tpu.memory_space<semaphore_mem>>)
      %dma_wait3A_262 = arith.constant 0 : i32
      %dma_wait3A_263 = arith.constant 0 : i32
      %dma_wait3A_264 = tpu.memref_slice %arg11[%dma_wait3A_262, %dma_wait3A_263] : memref<80x128xf32, #tpu.memory_space<vmem>> -> memref<80x128xf32, #tpu.memory_space<vmem>>
      %dma_wait3A_265 = arith.constant 0 : i32
      %dma_wait3A_266 = tpu.memref_slice %arg7[%run_scoped3A_48, %arg0, %add3A_47, %dma_wait3A_265] : memref<4x2x10112x128xf32, #tpu.memory_space<hbm>> -> memref<1x1x80x128xf32, #tpu.memory_space<hbm>>
      %dma_wait3A_267 = tpu.memref_squeeze %dma_wait3A_266 : memref<1x1x80x128xf32, #tpu.memory_space<hbm>> -> memref<80x128xf32, #tpu.memory_space<hbm>>
      %dma_wait3A_268 = arith.constant 0 : i32
      %dma_wait3A_269 = tpu.memref_slice %arg7[%run_scoped3A_48, %arg0, %add3A_47, %dma_wait3A_268] : memref<4x2x10112x128xf32, #tpu.memory_space<hbm>> -> memref<1x1x80x128xf32, #tpu.memory_space<hbm>>
      %dma_wait3A_270 = tpu.memref_squeeze %dma_wait3A_269 : memref<1x1x80x128xf32, #tpu.memory_space<hbm>> -> memref<80x128xf32, #tpu.memory_space<hbm>>
      %dma_wait3A_271 = arith.constant 0 : i32
      %dma_wait3A_272 = arith.constant 0 : i32
      %dma_wait3A_273 = tpu.memref_slice %arg11[%dma_wait3A_271, %dma_wait3A_272] : memref<80x128xf32, #tpu.memory_space<vmem>> -> memref<80x128xf32, #tpu.memory_space<vmem>>
      tpu.wait_dma2 semaphore(%run_scoped3A_249 : memref<!tpu.dma_semaphore, #tpu.memory_space<semaphore_mem>>) src(%dma_wait3A_273 : memref<80x128xf32, #tpu.memory_space<vmem>>) dst(%dma_wait3A_270 : memref<80x128xf32, #tpu.memory_space<hbm>>)
      tpu.yield
    }) : () -> ()
    %add3A_49 = arith.constant 160 : i32
    %add3A_50 = arith.addi %mul3A_0, %add3A_49 : i32
    "tpu.region"() ({
      %run_scoped3A_249 = tpu.sem_alloc : memref<!tpu.dma_semaphore, #tpu.memory_space<semaphore_mem>>
      %dma_start3A_250 = arith.constant 0 : i32
      %dma_start3A_251 = arith.constant 0 : i32
      %dma_start3A_252 = tpu.memref_slice %arg11[%dma_start3A_250, %dma_start3A_251] : memref<80x128xf32, #tpu.memory_space<vmem>> -> memref<80x128xf32, #tpu.memory_space<vmem>>
      %dma_start3A_253 = arith.constant 0 : i32
      %dma_start3A_254 = tpu.memref_slice %arg14[%add3A_50, %dma_start3A_253] : memref<10112x128xf32, #tpu.memory_space<vmem_shared>> -> memref<80x128xf32, #tpu.memory_space<vmem_shared>>
      %dma_start3A_255 = arith.constant 0 : i32
      %dma_start3A_256 = arith.constant 0 : i32
      %dma_start3A_257 = tpu.memref_slice %arg11[%dma_start3A_255, %dma_start3A_256] : memref<80x128xf32, #tpu.memory_space<vmem>> -> memref<80x128xf32, #tpu.memory_space<vmem>>
      %dma_start3A_258 = arith.constant 0 : i32
      %dma_start3A_259 = tpu.memref_slice %arg14[%add3A_50, %dma_start3A_258] : memref<10112x128xf32, #tpu.memory_space<vmem_shared>> -> memref<80x128xf32, #tpu.memory_space<vmem_shared>>
      tpu.enqueue_dma source(%dma_start3A_259 : memref<80x128xf32, #tpu.memory_space<vmem_shared>>) target(%dma_start3A_257 : memref<80x128xf32, #tpu.memory_space<vmem>>) target_semaphore(%run_scoped3A_249 : memref<!tpu.dma_semaphore, #tpu.memory_space<semaphore_mem>>)
      %dma_wait3A_260 = arith.constant 0 : i32
      %dma_wait3A_261 = arith.constant 0 : i32
      %dma_wait3A_262 = tpu.memref_slice %arg11[%dma_wait3A_260, %dma_wait3A_261] : memref<80x128xf32, #tpu.memory_space<vmem>> -> memref<80x128xf32, #tpu.memory_space<vmem>>
      %dma_wait3A_263 = arith.constant 0 : i32
      %dma_wait3A_264 = tpu.memref_slice %arg14[%add3A_50, %dma_wait3A_263] : memref<10112x128xf32, #tpu.memory_space<vmem_shared>> -> memref<80x128xf32, #tpu.memory_space<vmem_shared>>
      %dma_wait3A_265 = arith.constant 0 : i32
      %dma_wait3A_266 = arith.constant 0 : i32
      %dma_wait3A_267 = tpu.memref_slice %arg11[%dma_wait3A_265, %dma_wait3A_266] : memref<80x128xf32, #tpu.memory_space<vmem>> -> memref<80x128xf32, #tpu.memory_space<vmem>>
      %dma_wait3A_268 = arith.constant 0 : i32
      %dma_wait3A_269 = tpu.memref_slice %arg14[%add3A_50, %dma_wait3A_268] : memref<10112x128xf32, #tpu.memory_space<vmem_shared>> -> memref<80x128xf32, #tpu.memory_space<vmem_shared>>
      tpu.wait_dma2 semaphore(%run_scoped3A_249 : memref<!tpu.dma_semaphore, #tpu.memory_space<semaphore_mem>>) src(%dma_wait3A_269 : memref<80x128xf32, #tpu.memory_space<vmem_shared>>) dst(%dma_wait3A_267 : memref<80x128xf32, #tpu.memory_space<vmem>>)
      tpu.yield
    }) : () -> ()
    %run_scoped3A_51 = arith.constant 0 : i32
    "tpu.region"() ({
      %run_scoped3A_249 = tpu.sem_alloc : memref<!tpu.dma_semaphore, #tpu.memory_space<semaphore_mem>>
      %dma_start3A_250 = arith.constant 0 : i32
      %dma_start3A_251 = arith.constant 0 : i32
      %dma_start3A_252 = tpu.memref_slice %arg11[%dma_start3A_250, %dma_start3A_251] : memref<80x128xf32, #tpu.memory_space<vmem>> -> memref<80x128xf32, #tpu.memory_space<vmem>>
      %dma_start3A_253 = arith.constant 0 : i32
      %dma_start3A_254 = tpu.memref_slice %arg7[%run_scoped3A_51, %arg0, %add3A_50, %dma_start3A_253] : memref<4x2x10112x128xf32, #tpu.memory_space<hbm>> -> memref<1x1x80x128xf32, #tpu.memory_space<hbm>>
      %dma_start3A_255 = tpu.memref_squeeze %dma_start3A_254 : memref<1x1x80x128xf32, #tpu.memory_space<hbm>> -> memref<80x128xf32, #tpu.memory_space<hbm>>
      %dma_start3A_256 = arith.constant 0 : i32
      %dma_start3A_257 = tpu.memref_slice %arg7[%run_scoped3A_51, %arg0, %add3A_50, %dma_start3A_256] : memref<4x2x10112x128xf32, #tpu.memory_space<hbm>> -> memref<1x1x80x128xf32, #tpu.memory_space<hbm>>
      %dma_start3A_258 = tpu.memref_squeeze %dma_start3A_257 : memref<1x1x80x128xf32, #tpu.memory_space<hbm>> -> memref<80x128xf32, #tpu.memory_space<hbm>>
      %dma_start3A_259 = arith.constant 0 : i32
      %dma_start3A_260 = arith.constant 0 : i32
      %dma_start3A_261 = tpu.memref_slice %arg11[%dma_start3A_259, %dma_start3A_260] : memref<80x128xf32, #tpu.memory_space<vmem>> -> memref<80x128xf32, #tpu.memory_space<vmem>>
      tpu.enqueue_dma source(%dma_start3A_261 : memref<80x128xf32, #tpu.memory_space<vmem>>) target(%dma_start3A_258 : memref<80x128xf32, #tpu.memory_space<hbm>>) target_semaphore(%run_scoped3A_249 : memref<!tpu.dma_semaphore, #tpu.memory_space<semaphore_mem>>)
      %dma_wait3A_262 = arith.constant 0 : i32
      %dma_wait3A_263 = arith.constant 0 : i32
      %dma_wait3A_264 = tpu.memref_slice %arg11[%dma_wait3A_262, %dma_wait3A_263] : memref<80x128xf32, #tpu.memory_space<vmem>> -> memref<80x128xf32, #tpu.memory_space<vmem>>
      %dma_wait3A_265 = arith.constant 0 : i32
      %dma_wait3A_266 = tpu.memref_slice %arg7[%run_scoped3A_51, %arg0, %add3A_50, %dma_wait3A_265] : memref<4x2x10112x128xf32, #tpu.memory_space<hbm>> -> memref<1x1x80x128xf32, #tpu.memory_space<hbm>>
      %dma_wait3A_267 = tpu.memref_squeeze %dma_wait3A_266 : memref<1x1x80x128xf32, #tpu.memory_space<hbm>> -> memref<80x128xf32, #tpu.memory_space<hbm>>
      %dma_wait3A_268 = arith.constant 0 : i32
      %dma_wait3A_269 = tpu.memref_slice %arg7[%run_scoped3A_51, %arg0, %add3A_50, %dma_wait3A_268] : memref<4x2x10112x128xf32, #tpu.memory_space<hbm>> -> memref<1x1x80x128xf32, #tpu.memory_space<hbm>>
      %dma_wait3A_270 = tpu.memref_squeeze %dma_wait3A_269 : memref<1x1x80x128xf32, #tpu.memory_space<hbm>> -> memref<80x128xf32, #tpu.memory_space<hbm>>
      %dma_wait3A_271 = arith.constant 0 : i32
      %dma_wait3A_272 = arith.constant 0 : i32
      %dma_wait3A_273 = tpu.memref_slice %arg11[%dma_wait3A_271, %dma_wait3A_272] : memref<80x128xf32, #tpu.memory_space<vmem>> -> memref<80x128xf32, #tpu.memory_space<vmem>>
      tpu.wait_dma2 semaphore(%run_scoped3A_249 : memref<!tpu.dma_semaphore, #tpu.memory_space<semaphore_mem>>) src(%dma_wait3A_273 : memref<80x128xf32, #tpu.memory_space<vmem>>) dst(%dma_wait3A_270 : memref<80x128xf32, #tpu.memory_space<hbm>>)
      tpu.yield
    }) : () -> ()
    %add3A_52 = arith.constant 240 : i32
    %add3A_53 = arith.addi %mul3A_0, %add3A_52 : i32
    "tpu.region"() ({
      %run_scoped3A_249 = tpu.sem_alloc : memref<!tpu.dma_semaphore, #tpu.memory_space<semaphore_mem>>
      %dma_start3A_250 = arith.constant 0 : i32
      %dma_start3A_251 = arith.constant 0 : i32
      %dma_start3A_252 = tpu.memref_slice %arg11[%dma_start3A_250, %dma_start3A_251] : memref<80x128xf32, #tpu.memory_space<vmem>> -> memref<80x128xf32, #tpu.memory_space<vmem>>
      %dma_start3A_253 = arith.constant 0 : i32
      %dma_start3A_254 = tpu.memref_slice %arg14[%add3A_53, %dma_start3A_253] : memref<10112x128xf32, #tpu.memory_space<vmem_shared>> -> memref<80x128xf32, #tpu.memory_space<vmem_shared>>
      %dma_start3A_255 = arith.constant 0 : i32
      %dma_start3A_256 = arith.constant 0 : i32
      %dma_start3A_257 = tpu.memref_slice %arg11[%dma_start3A_255, %dma_start3A_256] : memref<80x128xf32, #tpu.memory_space<vmem>> -> memref<80x128xf32, #tpu.memory_space<vmem>>
      %dma_start3A_258 = arith.constant 0 : i32
      %dma_start3A_259 = tpu.memref_slice %arg14[%add3A_53, %dma_start3A_258] : memref<10112x128xf32, #tpu.memory_space<vmem_shared>> -> memref<80x128xf32, #tpu.memory_space<vmem_shared>>
      tpu.enqueue_dma source(%dma_start3A_259 : memref<80x128xf32, #tpu.memory_space<vmem_shared>>) target(%dma_start3A_257 : memref<80x128xf32, #tpu.memory_space<vmem>>) target_semaphore(%run_scoped3A_249 : memref<!tpu.dma_semaphore, #tpu.memory_space<semaphore_mem>>)
      %dma_wait3A_260 = arith.constant 0 : i32
      %dma_wait3A_261 = arith.constant 0 : i32
      %dma_wait3A_262 = tpu.memref_slice %arg11[%dma_wait3A_260, %dma_wait3A_261] : memref<80x128xf32, #tpu.memory_space<vmem>> -> memref<80x128xf32, #tpu.memory_space<vmem>>
      %dma_wait3A_263 = arith.constant 0 : i32
      %dma_wait3A_264 = tpu.memref_slice %arg14[%add3A_53, %dma_wait3A_263] : memref<10112x128xf32, #tpu.memory_space<vmem_shared>> -> memref<80x128xf32, #tpu.memory_space<vmem_shared>>
      %dma_wait3A_265 = arith.constant 0 : i32
      %dma_wait3A_266 = arith.constant 0 : i32
      %dma_wait3A_267 = tpu.memref_slice %arg11[%dma_wait3A_265, %dma_wait3A_266] : memref<80x128xf32, #tpu.memory_space<vmem>> -> memref<80x128xf32, #tpu.memory_space<vmem>>
      %dma_wait3A_268 = arith.constant 0 : i32
      %dma_wait3A_269 = tpu.memref_slice %arg14[%add3A_53, %dma_wait3A_268] : memref<10112x128xf32, #tpu.memory_space<vmem_shared>> -> memref<80x128xf32, #tpu.memory_space<vmem_shared>>
      tpu.wait_dma2 semaphore(%run_scoped3A_249 : memref<!tpu.dma_semaphore, #tpu.memory_space<semaphore_mem>>) src(%dma_wait3A_269 : memref<80x128xf32, #tpu.memory_space<vmem_shared>>) dst(%dma_wait3A_267 : memref<80x128xf32, #tpu.memory_space<vmem>>)
      tpu.yield
    }) : () -> ()
    %run_scoped3A_54 = arith.constant 0 : i32
    "tpu.region"() ({
      %run_scoped3A_249 = tpu.sem_alloc : memref<!tpu.dma_semaphore, #tpu.memory_space<semaphore_mem>>
      %dma_start3A_250 = arith.constant 0 : i32
      %dma_start3A_251 = arith.constant 0 : i32
      %dma_start3A_252 = tpu.memref_slice %arg11[%dma_start3A_250, %dma_start3A_251] : memref<80x128xf32, #tpu.memory_space<vmem>> -> memref<80x128xf32, #tpu.memory_space<vmem>>
      %dma_start3A_253 = arith.constant 0 : i32
      %dma_start3A_254 = tpu.memref_slice %arg7[%run_scoped3A_54, %arg0, %add3A_53, %dma_start3A_253] : memref<4x2x10112x128xf32, #tpu.memory_space<hbm>> -> memref<1x1x80x128xf32, #tpu.memory_space<hbm>>
      %dma_start3A_255 = tpu.memref_squeeze %dma_start3A_254 : memref<1x1x80x128xf32, #tpu.memory_space<hbm>> -> memref<80x128xf32, #tpu.memory_space<hbm>>
      %dma_start3A_256 = arith.constant 0 : i32
      %dma_start3A_257 = tpu.memref_slice %arg7[%run_scoped3A_54, %arg0, %add3A_53, %dma_start3A_256] : memref<4x2x10112x128xf32, #tpu.memory_space<hbm>> -> memref<1x1x80x128xf32, #tpu.memory_space<hbm>>
      %dma_start3A_258 = tpu.memref_squeeze %dma_start3A_257 : memref<1x1x80x128xf32, #tpu.memory_space<hbm>> -> memref<80x128xf32, #tpu.memory_space<hbm>>
      %dma_start3A_259 = arith.constant 0 : i32
      %dma_start3A_260 = arith.constant 0 : i32
      %dma_start3A_261 = tpu.memref_slice %arg11[%dma_start3A_259, %dma_start3A_260] : memref<80x128xf32, #tpu.memory_space<vmem>> -> memref<80x128xf32, #tpu.memory_space<vmem>>
      tpu.enqueue_dma source(%dma_start3A_261 : memref<80x128xf32, #tpu.memory_space<vmem>>) target(%dma_start3A_258 : memref<80x128xf32, #tpu.memory_space<hbm>>) target_semaphore(%run_scoped3A_249 : memref<!tpu.dma_semaphore, #tpu.memory_space<semaphore_mem>>)
      %dma_wait3A_262 = arith.constant 0 : i32
      %dma_wait3A_263 = arith.constant 0 : i32
      %dma_wait3A_264 = tpu.memref_slice %arg11[%dma_wait3A_262, %dma_wait3A_263] : memref<80x128xf32, #tpu.memory_space<vmem>> -> memref<80x128xf32, #tpu.memory_space<vmem>>
      %dma_wait3A_265 = arith.constant 0 : i32
      %dma_wait3A_266 = tpu.memref_slice %arg7[%run_scoped3A_54, %arg0, %add3A_53, %dma_wait3A_265] : memref<4x2x10112x128xf32, #tpu.memory_space<hbm>> -> memref<1x1x80x128xf32, #tpu.memory_space<hbm>>
      %dma_wait3A_267 = tpu.memref_squeeze %dma_wait3A_266 : memref<1x1x80x128xf32, #tpu.memory_space<hbm>> -> memref<80x128xf32, #tpu.memory_space<hbm>>
      %dma_wait3A_268 = arith.constant 0 : i32
      %dma_wait3A_269 = tpu.memref_slice %arg7[%run_scoped3A_54, %arg0, %add3A_53, %dma_wait3A_268] : memref<4x2x10112x128xf32, #tpu.memory_space<hbm>> -> memref<1x1x80x128xf32, #tpu.memory_space<hbm>>
      %dma_wait3A_270 = tpu.memref_squeeze %dma_wait3A_269 : memref<1x1x80x128xf32, #tpu.memory_space<hbm>> -> memref<80x128xf32, #tpu.memory_space<hbm>>
      %dma_wait3A_271 = arith.constant 0 : i32
      %dma_wait3A_272 = arith.constant 0 : i32
      %dma_wait3A_273 = tpu.memref_slice %arg11[%dma_wait3A_271, %dma_wait3A_272] : memref<80x128xf32, #tpu.memory_space<vmem>> -> memref<80x128xf32, #tpu.memory_space<vmem>>
      tpu.wait_dma2 semaphore(%run_scoped3A_249 : memref<!tpu.dma_semaphore, #tpu.memory_space<semaphore_mem>>) src(%dma_wait3A_273 : memref<80x128xf32, #tpu.memory_space<vmem>>) dst(%dma_wait3A_270 : memref<80x128xf32, #tpu.memory_space<hbm>>)
      tpu.yield
    }) : () -> ()
    %add3A_55 = arith.constant 320 : i32
    %add3A_56 = arith.addi %mul3A_0, %add3A_55 : i32
    "tpu.region"() ({
      %run_scoped3A_249 = tpu.sem_alloc : memref<!tpu.dma_semaphore, #tpu.memory_space<semaphore_mem>>
      %dma_start3A_250 = arith.constant 0 : i32
      %dma_start3A_251 = arith.constant 0 : i32
      %dma_start3A_252 = tpu.memref_slice %arg11[%dma_start3A_250, %dma_start3A_251] : memref<80x128xf32, #tpu.memory_space<vmem>> -> memref<80x128xf32, #tpu.memory_space<vmem>>
      %dma_start3A_253 = arith.constant 0 : i32
      %dma_start3A_254 = tpu.memref_slice %arg14[%add3A_56, %dma_start3A_253] : memref<10112x128xf32, #tpu.memory_space<vmem_shared>> -> memref<80x128xf32, #tpu.memory_space<vmem_shared>>
      %dma_start3A_255 = arith.constant 0 : i32
      %dma_start3A_256 = arith.constant 0 : i32
      %dma_start3A_257 = tpu.memref_slice %arg11[%dma_start3A_255, %dma_start3A_256] : memref<80x128xf32, #tpu.memory_space<vmem>> -> memref<80x128xf32, #tpu.memory_space<vmem>>
      %dma_start3A_258 = arith.constant 0 : i32
      %dma_start3A_259 = tpu.memref_slice %arg14[%add3A_56, %dma_start3A_258] : memref<10112x128xf32, #tpu.memory_space<vmem_shared>> -> memref<80x128xf32, #tpu.memory_space<vmem_shared>>
      tpu.enqueue_dma source(%dma_start3A_259 : memref<80x128xf32, #tpu.memory_space<vmem_shared>>) target(%dma_start3A_257 : memref<80x128xf32, #tpu.memory_space<vmem>>) target_semaphore(%run_scoped3A_249 : memref<!tpu.dma_semaphore, #tpu.memory_space<semaphore_mem>>)
      %dma_wait3A_260 = arith.constant 0 : i32
      %dma_wait3A_261 = arith.constant 0 : i32
      %dma_wait3A_262 = tpu.memref_slice %arg11[%dma_wait3A_260, %dma_wait3A_261] : memref<80x128xf32, #tpu.memory_space<vmem>> -> memref<80x128xf32, #tpu.memory_space<vmem>>
      %dma_wait3A_263 = arith.constant 0 : i32
      %dma_wait3A_264 = tpu.memref_slice %arg14[%add3A_56, %dma_wait3A_263] : memref<10112x128xf32, #tpu.memory_space<vmem_shared>> -> memref<80x128xf32, #tpu.memory_space<vmem_shared>>
      %dma_wait3A_265 = arith.constant 0 : i32
      %dma_wait3A_266 = arith.constant 0 : i32
      %dma_wait3A_267 = tpu.memref_slice %arg11[%dma_wait3A_265, %dma_wait3A_266] : memref<80x128xf32, #tpu.memory_space<vmem>> -> memref<80x128xf32, #tpu.memory_space<vmem>>
      %dma_wait3A_268 = arith.constant 0 : i32
      %dma_wait3A_269 = tpu.memref_slice %arg14[%add3A_56, %dma_wait3A_268] : memref<10112x128xf32, #tpu.memory_space<vmem_shared>> -> memref<80x128xf32, #tpu.memory_space<vmem_shared>>
      tpu.wait_dma2 semaphore(%run_scoped3A_249 : memref<!tpu.dma_semaphore, #tpu.memory_space<semaphore_mem>>) src(%dma_wait3A_269 : memref<80x128xf32, #tpu.memory_space<vmem_shared>>) dst(%dma_wait3A_267 : memref<80x128xf32, #tpu.memory_space<vmem>>)
      tpu.yield
    }) : () -> ()
    %run_scoped3A_57 = arith.constant 0 : i32
    "tpu.region"() ({
      %run_scoped3A_249 = tpu.sem_alloc : memref<!tpu.dma_semaphore, #tpu.memory_space<semaphore_mem>>
      %dma_start3A_250 = arith.constant 0 : i32
      %dma_start3A_251 = arith.constant 0 : i32
      %dma_start3A_252 = tpu.memref_slice %arg11[%dma_start3A_250, %dma_start3A_251] : memref<80x128xf32, #tpu.memory_space<vmem>> -> memref<80x128xf32, #tpu.memory_space<vmem>>
      %dma_start3A_253 = arith.constant 0 : i32
      %dma_start3A_254 = tpu.memref_slice %arg7[%run_scoped3A_57, %arg0, %add3A_56, %dma_start3A_253] : memref<4x2x10112x128xf32, #tpu.memory_space<hbm>> -> memref<1x1x80x128xf32, #tpu.memory_space<hbm>>
      %dma_start3A_255 = tpu.memref_squeeze %dma_start3A_254 : memref<1x1x80x128xf32, #tpu.memory_space<hbm>> -> memref<80x128xf32, #tpu.memory_space<hbm>>
      %dma_start3A_256 = arith.constant 0 : i32
      %dma_start3A_257 = tpu.memref_slice %arg7[%run_scoped3A_57, %arg0, %add3A_56, %dma_start3A_256] : memref<4x2x10112x128xf32, #tpu.memory_space<hbm>> -> memref<1x1x80x128xf32, #tpu.memory_space<hbm>>
      %dma_start3A_258 = tpu.memref_squeeze %dma_start3A_257 : memref<1x1x80x128xf32, #tpu.memory_space<hbm>> -> memref<80x128xf32, #tpu.memory_space<hbm>>
      %dma_start3A_259 = arith.constant 0 : i32
      %dma_start3A_260 = arith.constant 0 : i32
      %dma_start3A_261 = tpu.memref_slice %arg11[%dma_start3A_259, %dma_start3A_260] : memref<80x128xf32, #tpu.memory_space<vmem>> -> memref<80x128xf32, #tpu.memory_space<vmem>>
      tpu.enqueue_dma source(%dma_start3A_261 : memref<80x128xf32, #tpu.memory_space<vmem>>) target(%dma_start3A_258 : memref<80x128xf32, #tpu.memory_space<hbm>>) target_semaphore(%run_scoped3A_249 : memref<!tpu.dma_semaphore, #tpu.memory_space<semaphore_mem>>)
      %dma_wait3A_262 = arith.constant 0 : i32
      %dma_wait3A_263 = arith.constant 0 : i32
      %dma_wait3A_264 = tpu.memref_slice %arg11[%dma_wait3A_262, %dma_wait3A_263] : memref<80x128xf32, #tpu.memory_space<vmem>> -> memref<80x128xf32, #tpu.memory_space<vmem>>
      %dma_wait3A_265 = arith.constant 0 : i32
      %dma_wait3A_266 = tpu.memref_slice %arg7[%run_scoped3A_57, %arg0, %add3A_56, %dma_wait3A_265] : memref<4x2x10112x128xf32, #tpu.memory_space<hbm>> -> memref<1x1x80x128xf32, #tpu.memory_space<hbm>>
      %dma_wait3A_267 = tpu.memref_squeeze %dma_wait3A_266 : memref<1x1x80x128xf32, #tpu.memory_space<hbm>> -> memref<80x128xf32, #tpu.memory_space<hbm>>
      %dma_wait3A_268 = arith.constant 0 : i32
      %dma_wait3A_269 = tpu.memref_slice %arg7[%run_scoped3A_57, %arg0, %add3A_56, %dma_wait3A_268] : memref<4x2x10112x128xf32, #tpu.memory_space<hbm>> -> memref<1x1x80x128xf32, #tpu.memory_space<hbm>>
      %dma_wait3A_270 = tpu.memref_squeeze %dma_wait3A_269 : memref<1x1x80x128xf32, #tpu.memory_space<hbm>> -> memref<80x128xf32, #tpu.memory_space<hbm>>
      %dma_wait3A_271 = arith.constant 0 : i32
      %dma_wait3A_272 = arith.constant 0 : i32
      %dma_wait3A_273 = tpu.memref_slice %arg11[%dma_wait3A_271, %dma_wait3A_272] : memref<80x128xf32, #tpu.memory_space<vmem>> -> memref<80x128xf32, #tpu.memory_space<vmem>>
      tpu.wait_dma2 semaphore(%run_scoped3A_249 : memref<!tpu.dma_semaphore, #tpu.memory_space<semaphore_mem>>) src(%dma_wait3A_273 : memref<80x128xf32, #tpu.memory_space<vmem>>) dst(%dma_wait3A_270 : memref<80x128xf32, #tpu.memory_space<hbm>>)
      tpu.yield
    }) : () -> ()
    %add3A_58 = arith.constant 400 : i32
    %add3A_59 = arith.addi %mul3A_0, %add3A_58 : i32
    "tpu.region"() ({
      %run_scoped3A_249 = tpu.sem_alloc : memref<!tpu.dma_semaphore, #tpu.memory_space<semaphore_mem>>
      %dma_start3A_250 = arith.constant 0 : i32
      %dma_start3A_251 = arith.constant 0 : i32
      %dma_start3A_252 = tpu.memref_slice %arg11[%dma_start3A_250, %dma_start3A_251] : memref<80x128xf32, #tpu.memory_space<vmem>> -> memref<80x128xf32, #tpu.memory_space<vmem>>
      %dma_start3A_253 = arith.constant 0 : i32
      %dma_start3A_254 = tpu.memref_slice %arg14[%add3A_59, %dma_start3A_253] : memref<10112x128xf32, #tpu.memory_space<vmem_shared>> -> memref<80x128xf32, #tpu.memory_space<vmem_shared>>
      %dma_start3A_255 = arith.constant 0 : i32
      %dma_start3A_256 = arith.constant 0 : i32
      %dma_start3A_257 = tpu.memref_slice %arg11[%dma_start3A_255, %dma_start3A_256] : memref<80x128xf32, #tpu.memory_space<vmem>> -> memref<80x128xf32, #tpu.memory_space<vmem>>
      %dma_start3A_258 = arith.constant 0 : i32
      %dma_start3A_259 = tpu.memref_slice %arg14[%add3A_59, %dma_start3A_258] : memref<10112x128xf32, #tpu.memory_space<vmem_shared>> -> memref<80x128xf32, #tpu.memory_space<vmem_shared>>
      tpu.enqueue_dma source(%dma_start3A_259 : memref<80x128xf32, #tpu.memory_space<vmem_shared>>) target(%dma_start3A_257 : memref<80x128xf32, #tpu.memory_space<vmem>>) target_semaphore(%run_scoped3A_249 : memref<!tpu.dma_semaphore, #tpu.memory_space<semaphore_mem>>)
      %dma_wait3A_260 = arith.constant 0 : i32
      %dma_wait3A_261 = arith.constant 0 : i32
      %dma_wait3A_262 = tpu.memref_slice %arg11[%dma_wait3A_260, %dma_wait3A_261] : memref<80x128xf32, #tpu.memory_space<vmem>> -> memref<80x128xf32, #tpu.memory_space<vmem>>
      %dma_wait3A_263 = arith.constant 0 : i32
      %dma_wait3A_264 = tpu.memref_slice %arg14[%add3A_59, %dma_wait3A_263] : memref<10112x128xf32, #tpu.memory_space<vmem_shared>> -> memref<80x128xf32, #tpu.memory_space<vmem_shared>>
      %dma_wait3A_265 = arith.constant 0 : i32
      %dma_wait3A_266 = arith.constant 0 : i32
      %dma_wait3A_267 = tpu.memref_slice %arg11[%dma_wait3A_265, %dma_wait3A_266] : memref<80x128xf32, #tpu.memory_space<vmem>> -> memref<80x128xf32, #tpu.memory_space<vmem>>
      %dma_wait3A_268 = arith.constant 0 : i32
      %dma_wait3A_269 = tpu.memref_slice %arg14[%add3A_59, %dma_wait3A_268] : memref<10112x128xf32, #tpu.memory_space<vmem_shared>> -> memref<80x128xf32, #tpu.memory_space<vmem_shared>>
      tpu.wait_dma2 semaphore(%run_scoped3A_249 : memref<!tpu.dma_semaphore, #tpu.memory_space<semaphore_mem>>) src(%dma_wait3A_269 : memref<80x128xf32, #tpu.memory_space<vmem_shared>>) dst(%dma_wait3A_267 : memref<80x128xf32, #tpu.memory_space<vmem>>)
      tpu.yield
    }) : () -> ()
    %run_scoped3A_60 = arith.constant 0 : i32
    "tpu.region"() ({
      %run_scoped3A_249 = tpu.sem_alloc : memref<!tpu.dma_semaphore, #tpu.memory_space<semaphore_mem>>
      %dma_start3A_250 = arith.constant 0 : i32
      %dma_start3A_251 = arith.constant 0 : i32
      %dma_start3A_252 = tpu.memref_slice %arg11[%dma_start3A_250, %dma_start3A_251] : memref<80x128xf32, #tpu.memory_space<vmem>> -> memref<80x128xf32, #tpu.memory_space<vmem>>
      %dma_start3A_253 = arith.constant 0 : i32
      %dma_start3A_254 = tpu.memref_slice %arg7[%run_scoped3A_60, %arg0, %add3A_59, %dma_start3A_253] : memref<4x2x10112x128xf32, #tpu.memory_space<hbm>> -> memref<1x1x80x128xf32, #tpu.memory_space<hbm>>
      %dma_start3A_255 = tpu.memref_squeeze %dma_start3A_254 : memref<1x1x80x128xf32, #tpu.memory_space<hbm>> -> memref<80x128xf32, #tpu.memory_space<hbm>>
      %dma_start3A_256 = arith.constant 0 : i32
      %dma_start3A_257 = tpu.memref_slice %arg7[%run_scoped3A_60, %arg0, %add3A_59, %dma_start3A_256] : memref<4x2x10112x128xf32, #tpu.memory_space<hbm>> -> memref<1x1x80x128xf32, #tpu.memory_space<hbm>>
      %dma_start3A_258 = tpu.memref_squeeze %dma_start3A_257 : memref<1x1x80x128xf32, #tpu.memory_space<hbm>> -> memref<80x128xf32, #tpu.memory_space<hbm>>
      %dma_start3A_259 = arith.constant 0 : i32
      %dma_start3A_260 = arith.constant 0 : i32
      %dma_start3A_261 = tpu.memref_slice %arg11[%dma_start3A_259, %dma_start3A_260] : memref<80x128xf32, #tpu.memory_space<vmem>> -> memref<80x128xf32, #tpu.memory_space<vmem>>
      tpu.enqueue_dma source(%dma_start3A_261 : memref<80x128xf32, #tpu.memory_space<vmem>>) target(%dma_start3A_258 : memref<80x128xf32, #tpu.memory_space<hbm>>) target_semaphore(%run_scoped3A_249 : memref<!tpu.dma_semaphore, #tpu.memory_space<semaphore_mem>>)
      %dma_wait3A_262 = arith.constant 0 : i32
      %dma_wait3A_263 = arith.constant 0 : i32
      %dma_wait3A_264 = tpu.memref_slice %arg11[%dma_wait3A_262, %dma_wait3A_263] : memref<80x128xf32, #tpu.memory_space<vmem>> -> memref<80x128xf32, #tpu.memory_space<vmem>>
      %dma_wait3A_265 = arith.constant 0 : i32
      %dma_wait3A_266 = tpu.memref_slice %arg7[%run_scoped3A_60, %arg0, %add3A_59, %dma_wait3A_265] : memref<4x2x10112x128xf32, #tpu.memory_space<hbm>> -> memref<1x1x80x128xf32, #tpu.memory_space<hbm>>
      %dma_wait3A_267 = tpu.memref_squeeze %dma_wait3A_266 : memref<1x1x80x128xf32, #tpu.memory_space<hbm>> -> memref<80x128xf32, #tpu.memory_space<hbm>>
      %dma_wait3A_268 = arith.constant 0 : i32
      %dma_wait3A_269 = tpu.memref_slice %arg7[%run_scoped3A_60, %arg0, %add3A_59, %dma_wait3A_268] : memref<4x2x10112x128xf32, #tpu.memory_space<hbm>> -> memref<1x1x80x128xf32, #tpu.memory_space<hbm>>
      %dma_wait3A_270 = tpu.memref_squeeze %dma_wait3A_269 : memref<1x1x80x128xf32, #tpu.memory_space<hbm>> -> memref<80x128xf32, #tpu.memory_space<hbm>>
      %dma_wait3A_271 = arith.constant 0 : i32
      %dma_wait3A_272 = arith.constant 0 : i32
      %dma_wait3A_273 = tpu.memref_slice %arg11[%dma_wait3A_271, %dma_wait3A_272] : memref<80x128xf32, #tpu.memory_space<vmem>> -> memref<80x128xf32, #tpu.memory_space<vmem>>
      tpu.wait_dma2 semaphore(%run_scoped3A_249 : memref<!tpu.dma_semaphore, #tpu.memory_space<semaphore_mem>>) src(%dma_wait3A_273 : memref<80x128xf32, #tpu.memory_space<vmem>>) dst(%dma_wait3A_270 : memref<80x128xf32, #tpu.memory_space<hbm>>)
      tpu.yield
    }) : () -> ()
    %add3A_61 = arith.constant 480 : i32
    %add3A_62 = arith.addi %mul3A_0, %add3A_61 : i32
    "tpu.region"() ({
      %run_scoped3A_249 = tpu.sem_alloc : memref<!tpu.dma_semaphore, #tpu.memory_space<semaphore_mem>>
      %dma_start3A_250 = arith.constant 0 : i32
      %dma_start3A_251 = arith.constant 0 : i32
      %dma_start3A_252 = tpu.memref_slice %arg11[%dma_start3A_250, %dma_start3A_251] : memref<80x128xf32, #tpu.memory_space<vmem>> -> memref<80x128xf32, #tpu.memory_space<vmem>>
      %dma_start3A_253 = arith.constant 0 : i32
      %dma_start3A_254 = tpu.memref_slice %arg14[%add3A_62, %dma_start3A_253] : memref<10112x128xf32, #tpu.memory_space<vmem_shared>> -> memref<80x128xf32, #tpu.memory_space<vmem_shared>>
      %dma_start3A_255 = arith.constant 0 : i32
      %dma_start3A_256 = arith.constant 0 : i32
      %dma_start3A_257 = tpu.memref_slice %arg11[%dma_start3A_255, %dma_start3A_256] : memref<80x128xf32, #tpu.memory_space<vmem>> -> memref<80x128xf32, #tpu.memory_space<vmem>>
      %dma_start3A_258 = arith.constant 0 : i32
      %dma_start3A_259 = tpu.memref_slice %arg14[%add3A_62, %dma_start3A_258] : memref<10112x128xf32, #tpu.memory_space<vmem_shared>> -> memref<80x128xf32, #tpu.memory_space<vmem_shared>>
      tpu.enqueue_dma source(%dma_start3A_259 : memref<80x128xf32, #tpu.memory_space<vmem_shared>>) target(%dma_start3A_257 : memref<80x128xf32, #tpu.memory_space<vmem>>) target_semaphore(%run_scoped3A_249 : memref<!tpu.dma_semaphore, #tpu.memory_space<semaphore_mem>>)
      %dma_wait3A_260 = arith.constant 0 : i32
      %dma_wait3A_261 = arith.constant 0 : i32
      %dma_wait3A_262 = tpu.memref_slice %arg11[%dma_wait3A_260, %dma_wait3A_261] : memref<80x128xf32, #tpu.memory_space<vmem>> -> memref<80x128xf32, #tpu.memory_space<vmem>>
      %dma_wait3A_263 = arith.constant 0 : i32
      %dma_wait3A_264 = tpu.memref_slice %arg14[%add3A_62, %dma_wait3A_263] : memref<10112x128xf32, #tpu.memory_space<vmem_shared>> -> memref<80x128xf32, #tpu.memory_space<vmem_shared>>
      %dma_wait3A_265 = arith.constant 0 : i32
      %dma_wait3A_266 = arith.constant 0 : i32
      %dma_wait3A_267 = tpu.memref_slice %arg11[%dma_wait3A_265, %dma_wait3A_266] : memref<80x128xf32, #tpu.memory_space<vmem>> -> memref<80x128xf32, #tpu.memory_space<vmem>>
      %dma_wait3A_268 = arith.constant 0 : i32
      %dma_wait3A_269 = tpu.memref_slice %arg14[%add3A_62, %dma_wait3A_268] : memref<10112x128xf32, #tpu.memory_space<vmem_shared>> -> memref<80x128xf32, #tpu.memory_space<vmem_shared>>
      tpu.wait_dma2 semaphore(%run_scoped3A_249 : memref<!tpu.dma_semaphore, #tpu.memory_space<semaphore_mem>>) src(%dma_wait3A_269 : memref<80x128xf32, #tpu.memory_space<vmem_shared>>) dst(%dma_wait3A_267 : memref<80x128xf32, #tpu.memory_space<vmem>>)
      tpu.yield
    }) : () -> ()
    %run_scoped3A_63 = arith.constant 0 : i32
    "tpu.region"() ({
      %run_scoped3A_249 = tpu.sem_alloc : memref<!tpu.dma_semaphore, #tpu.memory_space<semaphore_mem>>
      %dma_start3A_250 = arith.constant 0 : i32
      %dma_start3A_251 = arith.constant 0 : i32
      %dma_start3A_252 = tpu.memref_slice %arg11[%dma_start3A_250, %dma_start3A_251] : memref<80x128xf32, #tpu.memory_space<vmem>> -> memref<80x128xf32, #tpu.memory_space<vmem>>
      %dma_start3A_253 = arith.constant 0 : i32
      %dma_start3A_254 = tpu.memref_slice %arg7[%run_scoped3A_63, %arg0, %add3A_62, %dma_start3A_253] : memref<4x2x10112x128xf32, #tpu.memory_space<hbm>> -> memref<1x1x80x128xf32, #tpu.memory_space<hbm>>
      %dma_start3A_255 = tpu.memref_squeeze %dma_start3A_254 : memref<1x1x80x128xf32, #tpu.memory_space<hbm>> -> memref<80x128xf32, #tpu.memory_space<hbm>>
      %dma_start3A_256 = arith.constant 0 : i32
      %dma_start3A_257 = tpu.memref_slice %arg7[%run_scoped3A_63, %arg0, %add3A_62, %dma_start3A_256] : memref<4x2x10112x128xf32, #tpu.memory_space<hbm>> -> memref<1x1x80x128xf32, #tpu.memory_space<hbm>>
      %dma_start3A_258 = tpu.memref_squeeze %dma_start3A_257 : memref<1x1x80x128xf32, #tpu.memory_space<hbm>> -> memref<80x128xf32, #tpu.memory_space<hbm>>
      %dma_start3A_259 = arith.constant 0 : i32
      %dma_start3A_260 = arith.constant 0 : i32
      %dma_start3A_261 = tpu.memref_slice %arg11[%dma_start3A_259, %dma_start3A_260] : memref<80x128xf32, #tpu.memory_space<vmem>> -> memref<80x128xf32, #tpu.memory_space<vmem>>
      tpu.enqueue_dma source(%dma_start3A_261 : memref<80x128xf32, #tpu.memory_space<vmem>>) target(%dma_start3A_258 : memref<80x128xf32, #tpu.memory_space<hbm>>) target_semaphore(%run_scoped3A_249 : memref<!tpu.dma_semaphore, #tpu.memory_space<semaphore_mem>>)
      %dma_wait3A_262 = arith.constant 0 : i32
      %dma_wait3A_263 = arith.constant 0 : i32
      %dma_wait3A_264 = tpu.memref_slice %arg11[%dma_wait3A_262, %dma_wait3A_263] : memref<80x128xf32, #tpu.memory_space<vmem>> -> memref<80x128xf32, #tpu.memory_space<vmem>>
      %dma_wait3A_265 = arith.constant 0 : i32
      %dma_wait3A_266 = tpu.memref_slice %arg7[%run_scoped3A_63, %arg0, %add3A_62, %dma_wait3A_265] : memref<4x2x10112x128xf32, #tpu.memory_space<hbm>> -> memref<1x1x80x128xf32, #tpu.memory_space<hbm>>
      %dma_wait3A_267 = tpu.memref_squeeze %dma_wait3A_266 : memref<1x1x80x128xf32, #tpu.memory_space<hbm>> -> memref<80x128xf32, #tpu.memory_space<hbm>>
      %dma_wait3A_268 = arith.constant 0 : i32
      %dma_wait3A_269 = tpu.memref_slice %arg7[%run_scoped3A_63, %arg0, %add3A_62, %dma_wait3A_268] : memref<4x2x10112x128xf32, #tpu.memory_space<hbm>> -> memref<1x1x80x128xf32, #tpu.memory_space<hbm>>
      %dma_wait3A_270 = tpu.memref_squeeze %dma_wait3A_269 : memref<1x1x80x128xf32, #tpu.memory_space<hbm>> -> memref<80x128xf32, #tpu.memory_space<hbm>>
      %dma_wait3A_271 = arith.constant 0 : i32
      %dma_wait3A_272 = arith.constant 0 : i32
      %dma_wait3A_273 = tpu.memref_slice %arg11[%dma_wait3A_271, %dma_wait3A_272] : memref<80x128xf32, #tpu.memory_space<vmem>> -> memref<80x128xf32, #tpu.memory_space<vmem>>
      tpu.wait_dma2 semaphore(%run_scoped3A_249 : memref<!tpu.dma_semaphore, #tpu.memory_space<semaphore_mem>>) src(%dma_wait3A_273 : memref<80x128xf32, #tpu.memory_space<vmem>>) dst(%dma_wait3A_270 : memref<80x128xf32, #tpu.memory_space<hbm>>)
      tpu.yield
    }) : () -> ()
    %add3A_64 = arith.constant 560 : i32
    %add3A_65 = arith.addi %mul3A_0, %add3A_64 : i32
    "tpu.region"() ({
      %run_scoped3A_249 = tpu.sem_alloc : memref<!tpu.dma_semaphore, #tpu.memory_space<semaphore_mem>>
      %dma_start3A_250 = arith.constant 0 : i32
      %dma_start3A_251 = arith.constant 0 : i32
      %dma_start3A_252 = tpu.memref_slice %arg11[%dma_start3A_250, %dma_start3A_251] : memref<80x128xf32, #tpu.memory_space<vmem>> -> memref<72x128xf32, #tpu.memory_space<vmem>>
      %dma_start3A_253 = arith.constant 0 : i32
      %dma_start3A_254 = tpu.memref_slice %arg14[%add3A_65, %dma_start3A_253] : memref<10112x128xf32, #tpu.memory_space<vmem_shared>> -> memref<72x128xf32, #tpu.memory_space<vmem_shared>>
      %dma_start3A_255 = arith.constant 0 : i32
      %dma_start3A_256 = arith.constant 0 : i32
      %dma_start3A_257 = tpu.memref_slice %arg11[%dma_start3A_255, %dma_start3A_256] : memref<80x128xf32, #tpu.memory_space<vmem>> -> memref<72x128xf32, #tpu.memory_space<vmem>>
      %dma_start3A_258 = arith.constant 0 : i32
      %dma_start3A_259 = tpu.memref_slice %arg14[%add3A_65, %dma_start3A_258] : memref<10112x128xf32, #tpu.memory_space<vmem_shared>> -> memref<72x128xf32, #tpu.memory_space<vmem_shared>>
      tpu.enqueue_dma source(%dma_start3A_259 : memref<72x128xf32, #tpu.memory_space<vmem_shared>>) target(%dma_start3A_257 : memref<72x128xf32, #tpu.memory_space<vmem>>) target_semaphore(%run_scoped3A_249 : memref<!tpu.dma_semaphore, #tpu.memory_space<semaphore_mem>>)
      %dma_wait3A_260 = arith.constant 0 : i32
      %dma_wait3A_261 = arith.constant 0 : i32
      %dma_wait3A_262 = tpu.memref_slice %arg11[%dma_wait3A_260, %dma_wait3A_261] : memref<80x128xf32, #tpu.memory_space<vmem>> -> memref<72x128xf32, #tpu.memory_space<vmem>>
      %dma_wait3A_263 = arith.constant 0 : i32
      %dma_wait3A_264 = tpu.memref_slice %arg14[%add3A_65, %dma_wait3A_263] : memref<10112x128xf32, #tpu.memory_space<vmem_shared>> -> memref<72x128xf32, #tpu.memory_space<vmem_shared>>
      %dma_wait3A_265 = arith.constant 0 : i32
      %dma_wait3A_266 = arith.constant 0 : i32
      %dma_wait3A_267 = tpu.memref_slice %arg11[%dma_wait3A_265, %dma_wait3A_266] : memref<80x128xf32, #tpu.memory_space<vmem>> -> memref<72x128xf32, #tpu.memory_space<vmem>>
      %dma_wait3A_268 = arith.constant 0 : i32
      %dma_wait3A_269 = tpu.memref_slice %arg14[%add3A_65, %dma_wait3A_268] : memref<10112x128xf32, #tpu.memory_space<vmem_shared>> -> memref<72x128xf32, #tpu.memory_space<vmem_shared>>
      tpu.wait_dma2 semaphore(%run_scoped3A_249 : memref<!tpu.dma_semaphore, #tpu.memory_space<semaphore_mem>>) src(%dma_wait3A_269 : memref<72x128xf32, #tpu.memory_space<vmem_shared>>) dst(%dma_wait3A_267 : memref<72x128xf32, #tpu.memory_space<vmem>>)
      tpu.yield
    }) : () -> ()
    %run_scoped3A_66 = arith.constant 0 : i32
    "tpu.region"() ({
      %run_scoped3A_249 = tpu.sem_alloc : memref<!tpu.dma_semaphore, #tpu.memory_space<semaphore_mem>>
      %dma_start3A_250 = arith.constant 0 : i32
      %dma_start3A_251 = arith.constant 0 : i32
      %dma_start3A_252 = tpu.memref_slice %arg11[%dma_start3A_250, %dma_start3A_251] : memref<80x128xf32, #tpu.memory_space<vmem>> -> memref<72x128xf32, #tpu.memory_space<vmem>>
      %dma_start3A_253 = arith.constant 0 : i32
      %dma_start3A_254 = tpu.memref_slice %arg7[%run_scoped3A_66, %arg0, %add3A_65, %dma_start3A_253] : memref<4x2x10112x128xf32, #tpu.memory_space<hbm>> -> memref<1x1x72x128xf32, #tpu.memory_space<hbm>>
      %dma_start3A_255 = tpu.memref_squeeze %dma_start3A_254 : memref<1x1x72x128xf32, #tpu.memory_space<hbm>> -> memref<72x128xf32, #tpu.memory_space<hbm>>
      %dma_start3A_256 = arith.constant 0 : i32
      %dma_start3A_257 = tpu.memref_slice %arg7[%run_scoped3A_66, %arg0, %add3A_65, %dma_start3A_256] : memref<4x2x10112x128xf32, #tpu.memory_space<hbm>> -> memref<1x1x72x128xf32, #tpu.memory_space<hbm>>
      %dma_start3A_258 = tpu.memref_squeeze %dma_start3A_257 : memref<1x1x72x128xf32, #tpu.memory_space<hbm>> -> memref<72x128xf32, #tpu.memory_space<hbm>>
      %dma_start3A_259 = arith.constant 0 : i32
      %dma_start3A_260 = arith.constant 0 : i32
      %dma_start3A_261 = tpu.memref_slice %arg11[%dma_start3A_259, %dma_start3A_260] : memref<80x128xf32, #tpu.memory_space<vmem>> -> memref<72x128xf32, #tpu.memory_space<vmem>>
      tpu.enqueue_dma source(%dma_start3A_261 : memref<72x128xf32, #tpu.memory_space<vmem>>) target(%dma_start3A_258 : memref<72x128xf32, #tpu.memory_space<hbm>>) target_semaphore(%run_scoped3A_249 : memref<!tpu.dma_semaphore, #tpu.memory_space<semaphore_mem>>)
      %dma_wait3A_262 = arith.constant 0 : i32
      %dma_wait3A_263 = arith.constant 0 : i32
      %dma_wait3A_264 = tpu.memref_slice %arg11[%dma_wait3A_262, %dma_wait3A_263] : memref<80x128xf32, #tpu.memory_space<vmem>> -> memref<72x128xf32, #tpu.memory_space<vmem>>
      %dma_wait3A_265 = arith.constant 0 : i32
      %dma_wait3A_266 = tpu.memref_slice %arg7[%run_scoped3A_66, %arg0, %add3A_65, %dma_wait3A_265] : memref<4x2x10112x128xf32, #tpu.memory_space<hbm>> -> memref<1x1x72x128xf32, #tpu.memory_space<hbm>>
      %dma_wait3A_267 = tpu.memref_squeeze %dma_wait3A_266 : memref<1x1x72x128xf32, #tpu.memory_space<hbm>> -> memref<72x128xf32, #tpu.memory_space<hbm>>
      %dma_wait3A_268 = arith.constant 0 : i32
      %dma_wait3A_269 = tpu.memref_slice %arg7[%run_scoped3A_66, %arg0, %add3A_65, %dma_wait3A_268] : memref<4x2x10112x128xf32, #tpu.memory_space<hbm>> -> memref<1x1x72x128xf32, #tpu.memory_space<hbm>>
      %dma_wait3A_270 = tpu.memref_squeeze %dma_wait3A_269 : memref<1x1x72x128xf32, #tpu.memory_space<hbm>> -> memref<72x128xf32, #tpu.memory_space<hbm>>
      %dma_wait3A_271 = arith.constant 0 : i32
      %dma_wait3A_272 = arith.constant 0 : i32
      %dma_wait3A_273 = tpu.memref_slice %arg11[%dma_wait3A_271, %dma_wait3A_272] : memref<80x128xf32, #tpu.memory_space<vmem>> -> memref<72x128xf32, #tpu.memory_space<vmem>>
      tpu.wait_dma2 semaphore(%run_scoped3A_249 : memref<!tpu.dma_semaphore, #tpu.memory_space<semaphore_mem>>) src(%dma_wait3A_273 : memref<72x128xf32, #tpu.memory_space<vmem>>) dst(%dma_wait3A_270 : memref<72x128xf32, #tpu.memory_space<hbm>>)
      tpu.yield
    }) : () -> ()
    "tpu.region"() ({
      %run_scoped3A_249 = tpu.sem_alloc : memref<!tpu.dma_semaphore, #tpu.memory_space<semaphore_mem>>
      tpu.enqueue_dma source(%arg5 : memref<80x128xf32, #tpu.memory_space<hbm>>) target(%arg11 : memref<80x128xf32, #tpu.memory_space<vmem>>) target_semaphore(%run_scoped3A_249 : memref<!tpu.dma_semaphore, #tpu.memory_space<semaphore_mem>>)
      tpu.wait_dma2 semaphore(%run_scoped3A_249 : memref<!tpu.dma_semaphore, #tpu.memory_space<semaphore_mem>>) src(%arg5 : memref<80x128xf32, #tpu.memory_space<hbm>>) dst(%arg11 : memref<80x128xf32, #tpu.memory_space<vmem>>)
      tpu.yield
    }) : () -> ()
    %add3A_67 = arith.constant 0 : i32
    %add3A_68 = arith.addi %mul3A_0, %add3A_67 : i32
    "tpu.region"() ({
      %run_scoped3A_249 = tpu.sem_alloc : memref<!tpu.dma_semaphore, #tpu.memory_space<semaphore_mem>>
      %dma_start3A_250 = arith.constant 0 : i32
      %dma_start3A_251 = arith.constant 0 : i32
      %dma_start3A_252 = tpu.memref_slice %arg11[%dma_start3A_250, %dma_start3A_251] : memref<80x128xf32, #tpu.memory_space<vmem>> -> memref<80x128xf32, #tpu.memory_space<vmem>>
      %dma_start3A_253 = arith.constant 0 : i32
      %dma_start3A_254 = tpu.memref_slice %arg14[%add3A_68, %dma_start3A_253] : memref<10112x128xf32, #tpu.memory_space<vmem_shared>> -> memref<80x128xf32, #tpu.memory_space<vmem_shared>>
      %dma_start3A_255 = arith.constant 0 : i32
      %dma_start3A_256 = tpu.memref_slice %arg14[%add3A_68, %dma_start3A_255] : memref<10112x128xf32, #tpu.memory_space<vmem_shared>> -> memref<80x128xf32, #tpu.memory_space<vmem_shared>>
      %dma_start3A_257 = arith.constant 0 : i32
      %dma_start3A_258 = arith.constant 0 : i32
      %dma_start3A_259 = tpu.memref_slice %arg11[%dma_start3A_257, %dma_start3A_258] : memref<80x128xf32, #tpu.memory_space<vmem>> -> memref<80x128xf32, #tpu.memory_space<vmem>>
      tpu.enqueue_dma source(%dma_start3A_259 : memref<80x128xf32, #tpu.memory_space<vmem>>) target(%dma_start3A_256 : memref<80x128xf32, #tpu.memory_space<vmem_shared>>) target_semaphore(%run_scoped3A_249 : memref<!tpu.dma_semaphore, #tpu.memory_space<semaphore_mem>>)
      %dma_wait3A_260 = arith.constant 0 : i32
      %dma_wait3A_261 = arith.constant 0 : i32
      %dma_wait3A_262 = tpu.memref_slice %arg11[%dma_wait3A_260, %dma_wait3A_261] : memref<80x128xf32, #tpu.memory_space<vmem>> -> memref<80x128xf32, #tpu.memory_space<vmem>>
      %dma_wait3A_263 = arith.constant 0 : i32
      %dma_wait3A_264 = tpu.memref_slice %arg14[%add3A_68, %dma_wait3A_263] : memref<10112x128xf32, #tpu.memory_space<vmem_shared>> -> memref<80x128xf32, #tpu.memory_space<vmem_shared>>
      %dma_wait3A_265 = arith.constant 0 : i32
      %dma_wait3A_266 = tpu.memref_slice %arg14[%add3A_68, %dma_wait3A_265] : memref<10112x128xf32, #tpu.memory_space<vmem_shared>> -> memref<80x128xf32, #tpu.memory_space<vmem_shared>>
      %dma_wait3A_267 = arith.constant 0 : i32
      %dma_wait3A_268 = arith.constant 0 : i32
      %dma_wait3A_269 = tpu.memref_slice %arg11[%dma_wait3A_267, %dma_wait3A_268] : memref<80x128xf32, #tpu.memory_space<vmem>> -> memref<80x128xf32, #tpu.memory_space<vmem>>
      tpu.wait_dma2 semaphore(%run_scoped3A_249 : memref<!tpu.dma_semaphore, #tpu.memory_space<semaphore_mem>>) src(%dma_wait3A_269 : memref<80x128xf32, #tpu.memory_space<vmem>>) dst(%dma_wait3A_266 : memref<80x128xf32, #tpu.memory_space<vmem_shared>>)
      tpu.yield
    }) : () -> ()
    %add3A_69 = arith.constant 80 : i32
    %add3A_70 = arith.addi %mul3A_0, %add3A_69 : i32
    "tpu.region"() ({
      %run_scoped3A_249 = tpu.sem_alloc : memref<!tpu.dma_semaphore, #tpu.memory_space<semaphore_mem>>
      %dma_start3A_250 = arith.constant 0 : i32
      %dma_start3A_251 = arith.constant 0 : i32
      %dma_start3A_252 = tpu.memref_slice %arg11[%dma_start3A_250, %dma_start3A_251] : memref<80x128xf32, #tpu.memory_space<vmem>> -> memref<80x128xf32, #tpu.memory_space<vmem>>
      %dma_start3A_253 = arith.constant 0 : i32
      %dma_start3A_254 = tpu.memref_slice %arg14[%add3A_70, %dma_start3A_253] : memref<10112x128xf32, #tpu.memory_space<vmem_shared>> -> memref<80x128xf32, #tpu.memory_space<vmem_shared>>
      %dma_start3A_255 = arith.constant 0 : i32
      %dma_start3A_256 = tpu.memref_slice %arg14[%add3A_70, %dma_start3A_255] : memref<10112x128xf32, #tpu.memory_space<vmem_shared>> -> memref<80x128xf32, #tpu.memory_space<vmem_shared>>
      %dma_start3A_257 = arith.constant 0 : i32
      %dma_start3A_258 = arith.constant 0 : i32
      %dma_start3A_259 = tpu.memref_slice %arg11[%dma_start3A_257, %dma_start3A_258] : memref<80x128xf32, #tpu.memory_space<vmem>> -> memref<80x128xf32, #tpu.memory_space<vmem>>
      tpu.enqueue_dma source(%dma_start3A_259 : memref<80x128xf32, #tpu.memory_space<vmem>>) target(%dma_start3A_256 : memref<80x128xf32, #tpu.memory_space<vmem_shared>>) target_semaphore(%run_scoped3A_249 : memref<!tpu.dma_semaphore, #tpu.memory_space<semaphore_mem>>)
      %dma_wait3A_260 = arith.constant 0 : i32
      %dma_wait3A_261 = arith.constant 0 : i32
      %dma_wait3A_262 = tpu.memref_slice %arg11[%dma_wait3A_260, %dma_wait3A_261] : memref<80x128xf32, #tpu.memory_space<vmem>> -> memref<80x128xf32, #tpu.memory_space<vmem>>
      %dma_wait3A_263 = arith.constant 0 : i32
      %dma_wait3A_264 = tpu.memref_slice %arg14[%add3A_70, %dma_wait3A_263] : memref<10112x128xf32, #tpu.memory_space<vmem_shared>> -> memref<80x128xf32, #tpu.memory_space<vmem_shared>>
      %dma_wait3A_265 = arith.constant 0 : i32
      %dma_wait3A_266 = tpu.memref_slice %arg14[%add3A_70, %dma_wait3A_265] : memref<10112x128xf32, #tpu.memory_space<vmem_shared>> -> memref<80x128xf32, #tpu.memory_space<vmem_shared>>
      %dma_wait3A_267 = arith.constant 0 : i32
      %dma_wait3A_268 = arith.constant 0 : i32
      %dma_wait3A_269 = tpu.memref_slice %arg11[%dma_wait3A_267, %dma_wait3A_268] : memref<80x128xf32, #tpu.memory_space<vmem>> -> memref<80x128xf32, #tpu.memory_space<vmem>>
      tpu.wait_dma2 semaphore(%run_scoped3A_249 : memref<!tpu.dma_semaphore, #tpu.memory_space<semaphore_mem>>) src(%dma_wait3A_269 : memref<80x128xf32, #tpu.memory_space<vmem>>) dst(%dma_wait3A_266 : memref<80x128xf32, #tpu.memory_space<vmem_shared>>)
      tpu.yield
    }) : () -> ()
    %add3A_71 = arith.constant 160 : i32
    %add3A_72 = arith.addi %mul3A_0, %add3A_71 : i32
    "tpu.region"() ({
      %run_scoped3A_249 = tpu.sem_alloc : memref<!tpu.dma_semaphore, #tpu.memory_space<semaphore_mem>>
      %dma_start3A_250 = arith.constant 0 : i32
      %dma_start3A_251 = arith.constant 0 : i32
      %dma_start3A_252 = tpu.memref_slice %arg11[%dma_start3A_250, %dma_start3A_251] : memref<80x128xf32, #tpu.memory_space<vmem>> -> memref<80x128xf32, #tpu.memory_space<vmem>>
      %dma_start3A_253 = arith.constant 0 : i32
      %dma_start3A_254 = tpu.memref_slice %arg14[%add3A_72, %dma_start3A_253] : memref<10112x128xf32, #tpu.memory_space<vmem_shared>> -> memref<80x128xf32, #tpu.memory_space<vmem_shared>>
      %dma_start3A_255 = arith.constant 0 : i32
      %dma_start3A_256 = tpu.memref_slice %arg14[%add3A_72, %dma_start3A_255] : memref<10112x128xf32, #tpu.memory_space<vmem_shared>> -> memref<80x128xf32, #tpu.memory_space<vmem_shared>>
      %dma_start3A_257 = arith.constant 0 : i32
      %dma_start3A_258 = arith.constant 0 : i32
      %dma_start3A_259 = tpu.memref_slice %arg11[%dma_start3A_257, %dma_start3A_258] : memref<80x128xf32, #tpu.memory_space<vmem>> -> memref<80x128xf32, #tpu.memory_space<vmem>>
      tpu.enqueue_dma source(%dma_start3A_259 : memref<80x128xf32, #tpu.memory_space<vmem>>) target(%dma_start3A_256 : memref<80x128xf32, #tpu.memory_space<vmem_shared>>) target_semaphore(%run_scoped3A_249 : memref<!tpu.dma_semaphore, #tpu.memory_space<semaphore_mem>>)
      %dma_wait3A_260 = arith.constant 0 : i32
      %dma_wait3A_261 = arith.constant 0 : i32
      %dma_wait3A_262 = tpu.memref_slice %arg11[%dma_wait3A_260, %dma_wait3A_261] : memref<80x128xf32, #tpu.memory_space<vmem>> -> memref<80x128xf32, #tpu.memory_space<vmem>>
      %dma_wait3A_263 = arith.constant 0 : i32
      %dma_wait3A_264 = tpu.memref_slice %arg14[%add3A_72, %dma_wait3A_263] : memref<10112x128xf32, #tpu.memory_space<vmem_shared>> -> memref<80x128xf32, #tpu.memory_space<vmem_shared>>
      %dma_wait3A_265 = arith.constant 0 : i32
      %dma_wait3A_266 = tpu.memref_slice %arg14[%add3A_72, %dma_wait3A_265] : memref<10112x128xf32, #tpu.memory_space<vmem_shared>> -> memref<80x128xf32, #tpu.memory_space<vmem_shared>>
      %dma_wait3A_267 = arith.constant 0 : i32
      %dma_wait3A_268 = arith.constant 0 : i32
      %dma_wait3A_269 = tpu.memref_slice %arg11[%dma_wait3A_267, %dma_wait3A_268] : memref<80x128xf32, #tpu.memory_space<vmem>> -> memref<80x128xf32, #tpu.memory_space<vmem>>
      tpu.wait_dma2 semaphore(%run_scoped3A_249 : memref<!tpu.dma_semaphore, #tpu.memory_space<semaphore_mem>>) src(%dma_wait3A_269 : memref<80x128xf32, #tpu.memory_space<vmem>>) dst(%dma_wait3A_266 : memref<80x128xf32, #tpu.memory_space<vmem_shared>>)
      tpu.yield
    }) : () -> ()
    %add3A_73 = arith.constant 240 : i32
    %add3A_74 = arith.addi %mul3A_0, %add3A_73 : i32
    "tpu.region"() ({
      %run_scoped3A_249 = tpu.sem_alloc : memref<!tpu.dma_semaphore, #tpu.memory_space<semaphore_mem>>
      %dma_start3A_250 = arith.constant 0 : i32
      %dma_start3A_251 = arith.constant 0 : i32
      %dma_start3A_252 = tpu.memref_slice %arg11[%dma_start3A_250, %dma_start3A_251] : memref<80x128xf32, #tpu.memory_space<vmem>> -> memref<80x128xf32, #tpu.memory_space<vmem>>
      %dma_start3A_253 = arith.constant 0 : i32
      %dma_start3A_254 = tpu.memref_slice %arg14[%add3A_74, %dma_start3A_253] : memref<10112x128xf32, #tpu.memory_space<vmem_shared>> -> memref<80x128xf32, #tpu.memory_space<vmem_shared>>
      %dma_start3A_255 = arith.constant 0 : i32
      %dma_start3A_256 = tpu.memref_slice %arg14[%add3A_74, %dma_start3A_255] : memref<10112x128xf32, #tpu.memory_space<vmem_shared>> -> memref<80x128xf32, #tpu.memory_space<vmem_shared>>
      %dma_start3A_257 = arith.constant 0 : i32
      %dma_start3A_258 = arith.constant 0 : i32
      %dma_start3A_259 = tpu.memref_slice %arg11[%dma_start3A_257, %dma_start3A_258] : memref<80x128xf32, #tpu.memory_space<vmem>> -> memref<80x128xf32, #tpu.memory_space<vmem>>
      tpu.enqueue_dma source(%dma_start3A_259 : memref<80x128xf32, #tpu.memory_space<vmem>>) target(%dma_start3A_256 : memref<80x128xf32, #tpu.memory_space<vmem_shared>>) target_semaphore(%run_scoped3A_249 : memref<!tpu.dma_semaphore, #tpu.memory_space<semaphore_mem>>)
      %dma_wait3A_260 = arith.constant 0 : i32
      %dma_wait3A_261 = arith.constant 0 : i32
      %dma_wait3A_262 = tpu.memref_slice %arg11[%dma_wait3A_260, %dma_wait3A_261] : memref<80x128xf32, #tpu.memory_space<vmem>> -> memref<80x128xf32, #tpu.memory_space<vmem>>
      %dma_wait3A_263 = arith.constant 0 : i32
      %dma_wait3A_264 = tpu.memref_slice %arg14[%add3A_74, %dma_wait3A_263] : memref<10112x128xf32, #tpu.memory_space<vmem_shared>> -> memref<80x128xf32, #tpu.memory_space<vmem_shared>>
      %dma_wait3A_265 = arith.constant 0 : i32
      %dma_wait3A_266 = tpu.memref_slice %arg14[%add3A_74, %dma_wait3A_265] : memref<10112x128xf32, #tpu.memory_space<vmem_shared>> -> memref<80x128xf32, #tpu.memory_space<vmem_shared>>
      %dma_wait3A_267 = arith.constant 0 : i32
      %dma_wait3A_268 = arith.constant 0 : i32
      %dma_wait3A_269 = tpu.memref_slice %arg11[%dma_wait3A_267, %dma_wait3A_268] : memref<80x128xf32, #tpu.memory_space<vmem>> -> memref<80x128xf32, #tpu.memory_space<vmem>>
      tpu.wait_dma2 semaphore(%run_scoped3A_249 : memref<!tpu.dma_semaphore, #tpu.memory_space<semaphore_mem>>) src(%dma_wait3A_269 : memref<80x128xf32, #tpu.memory_space<vmem>>) dst(%dma_wait3A_266 : memref<80x128xf32, #tpu.memory_space<vmem_shared>>)
      tpu.yield
    }) : () -> ()
    %add3A_75 = arith.constant 320 : i32
    %add3A_76 = arith.addi %mul3A_0, %add3A_75 : i32
    "tpu.region"() ({
      %run_scoped3A_249 = tpu.sem_alloc : memref<!tpu.dma_semaphore, #tpu.memory_space<semaphore_mem>>
      %dma_start3A_250 = arith.constant 0 : i32
      %dma_start3A_251 = arith.constant 0 : i32
      %dma_start3A_252 = tpu.memref_slice %arg11[%dma_start3A_250, %dma_start3A_251] : memref<80x128xf32, #tpu.memory_space<vmem>> -> memref<80x128xf32, #tpu.memory_space<vmem>>
      %dma_start3A_253 = arith.constant 0 : i32
      %dma_start3A_254 = tpu.memref_slice %arg14[%add3A_76, %dma_start3A_253] : memref<10112x128xf32, #tpu.memory_space<vmem_shared>> -> memref<80x128xf32, #tpu.memory_space<vmem_shared>>
      %dma_start3A_255 = arith.constant 0 : i32
      %dma_start3A_256 = tpu.memref_slice %arg14[%add3A_76, %dma_start3A_255] : memref<10112x128xf32, #tpu.memory_space<vmem_shared>> -> memref<80x128xf32, #tpu.memory_space<vmem_shared>>
      %dma_start3A_257 = arith.constant 0 : i32
      %dma_start3A_258 = arith.constant 0 : i32
      %dma_start3A_259 = tpu.memref_slice %arg11[%dma_start3A_257, %dma_start3A_258] : memref<80x128xf32, #tpu.memory_space<vmem>> -> memref<80x128xf32, #tpu.memory_space<vmem>>
      tpu.enqueue_dma source(%dma_start3A_259 : memref<80x128xf32, #tpu.memory_space<vmem>>) target(%dma_start3A_256 : memref<80x128xf32, #tpu.memory_space<vmem_shared>>) target_semaphore(%run_scoped3A_249 : memref<!tpu.dma_semaphore, #tpu.memory_space<semaphore_mem>>)
      %dma_wait3A_260 = arith.constant 0 : i32
      %dma_wait3A_261 = arith.constant 0 : i32
      %dma_wait3A_262 = tpu.memref_slice %arg11[%dma_wait3A_260, %dma_wait3A_261] : memref<80x128xf32, #tpu.memory_space<vmem>> -> memref<80x128xf32, #tpu.memory_space<vmem>>
      %dma_wait3A_263 = arith.constant 0 : i32
      %dma_wait3A_264 = tpu.memref_slice %arg14[%add3A_76, %dma_wait3A_263] : memref<10112x128xf32, #tpu.memory_space<vmem_shared>> -> memref<80x128xf32, #tpu.memory_space<vmem_shared>>
      %dma_wait3A_265 = arith.constant 0 : i32
      %dma_wait3A_266 = tpu.memref_slice %arg14[%add3A_76, %dma_wait3A_265] : memref<10112x128xf32, #tpu.memory_space<vmem_shared>> -> memref<80x128xf32, #tpu.memory_space<vmem_shared>>
      %dma_wait3A_267 = arith.constant 0 : i32
      %dma_wait3A_268 = arith.constant 0 : i32
      %dma_wait3A_269 = tpu.memref_slice %arg11[%dma_wait3A_267, %dma_wait3A_268] : memref<80x128xf32, #tpu.memory_space<vmem>> -> memref<80x128xf32, #tpu.memory_space<vmem>>
      tpu.wait_dma2 semaphore(%run_scoped3A_249 : memref<!tpu.dma_semaphore, #tpu.memory_space<semaphore_mem>>) src(%dma_wait3A_269 : memref<80x128xf32, #tpu.memory_space<vmem>>) dst(%dma_wait3A_266 : memref<80x128xf32, #tpu.memory_space<vmem_shared>>)
      tpu.yield
    }) : () -> ()
    %add3A_77 = arith.constant 400 : i32
    %add3A_78 = arith.addi %mul3A_0, %add3A_77 : i32
    "tpu.region"() ({
      %run_scoped3A_249 = tpu.sem_alloc : memref<!tpu.dma_semaphore, #tpu.memory_space<semaphore_mem>>
      %dma_start3A_250 = arith.constant 0 : i32
      %dma_start3A_251 = arith.constant 0 : i32
      %dma_start3A_252 = tpu.memref_slice %arg11[%dma_start3A_250, %dma_start3A_251] : memref<80x128xf32, #tpu.memory_space<vmem>> -> memref<80x128xf32, #tpu.memory_space<vmem>>
      %dma_start3A_253 = arith.constant 0 : i32
      %dma_start3A_254 = tpu.memref_slice %arg14[%add3A_78, %dma_start3A_253] : memref<10112x128xf32, #tpu.memory_space<vmem_shared>> -> memref<80x128xf32, #tpu.memory_space<vmem_shared>>
      %dma_start3A_255 = arith.constant 0 : i32
      %dma_start3A_256 = tpu.memref_slice %arg14[%add3A_78, %dma_start3A_255] : memref<10112x128xf32, #tpu.memory_space<vmem_shared>> -> memref<80x128xf32, #tpu.memory_space<vmem_shared>>
      %dma_start3A_257 = arith.constant 0 : i32
      %dma_start3A_258 = arith.constant 0 : i32
      %dma_start3A_259 = tpu.memref_slice %arg11[%dma_start3A_257, %dma_start3A_258] : memref<80x128xf32, #tpu.memory_space<vmem>> -> memref<80x128xf32, #tpu.memory_space<vmem>>
      tpu.enqueue_dma source(%dma_start3A_259 : memref<80x128xf32, #tpu.memory_space<vmem>>) target(%dma_start3A_256 : memref<80x128xf32, #tpu.memory_space<vmem_shared>>) target_semaphore(%run_scoped3A_249 : memref<!tpu.dma_semaphore, #tpu.memory_space<semaphore_mem>>)
      %dma_wait3A_260 = arith.constant 0 : i32
      %dma_wait3A_261 = arith.constant 0 : i32
      %dma_wait3A_262 = tpu.memref_slice %arg11[%dma_wait3A_260, %dma_wait3A_261] : memref<80x128xf32, #tpu.memory_space<vmem>> -> memref<80x128xf32, #tpu.memory_space<vmem>>
      %dma_wait3A_263 = arith.constant 0 : i32
      %dma_wait3A_264 = tpu.memref_slice %arg14[%add3A_78, %dma_wait3A_263] : memref<10112x128xf32, #tpu.memory_space<vmem_shared>> -> memref<80x128xf32, #tpu.memory_space<vmem_shared>>
      %dma_wait3A_265 = arith.constant 0 : i32
      %dma_wait3A_266 = tpu.memref_slice %arg14[%add3A_78, %dma_wait3A_265] : memref<10112x128xf32, #tpu.memory_space<vmem_shared>> -> memref<80x128xf32, #tpu.memory_space<vmem_shared>>
      %dma_wait3A_267 = arith.constant 0 : i32
      %dma_wait3A_268 = arith.constant 0 : i32
      %dma_wait3A_269 = tpu.memref_slice %arg11[%dma_wait3A_267, %dma_wait3A_268] : memref<80x128xf32, #tpu.memory_space<vmem>> -> memref<80x128xf32, #tpu.memory_space<vmem>>
      tpu.wait_dma2 semaphore(%run_scoped3A_249 : memref<!tpu.dma_semaphore, #tpu.memory_space<semaphore_mem>>) src(%dma_wait3A_269 : memref<80x128xf32, #tpu.memory_space<vmem>>) dst(%dma_wait3A_266 : memref<80x128xf32, #tpu.memory_space<vmem_shared>>)
      tpu.yield
    }) : () -> ()
    %add3A_79 = arith.constant 480 : i32
    %add3A_80 = arith.addi %mul3A_0, %add3A_79 : i32
    "tpu.region"() ({
      %run_scoped3A_249 = tpu.sem_alloc : memref<!tpu.dma_semaphore, #tpu.memory_space<semaphore_mem>>
      %dma_start3A_250 = arith.constant 0 : i32
      %dma_start3A_251 = arith.constant 0 : i32
      %dma_start3A_252 = tpu.memref_slice %arg11[%dma_start3A_250, %dma_start3A_251] : memref<80x128xf32, #tpu.memory_space<vmem>> -> memref<80x128xf32, #tpu.memory_space<vmem>>
      %dma_start3A_253 = arith.constant 0 : i32
      %dma_start3A_254 = tpu.memref_slice %arg14[%add3A_80, %dma_start3A_253] : memref<10112x128xf32, #tpu.memory_space<vmem_shared>> -> memref<80x128xf32, #tpu.memory_space<vmem_shared>>
      %dma_start3A_255 = arith.constant 0 : i32
      %dma_start3A_256 = tpu.memref_slice %arg14[%add3A_80, %dma_start3A_255] : memref<10112x128xf32, #tpu.memory_space<vmem_shared>> -> memref<80x128xf32, #tpu.memory_space<vmem_shared>>
      %dma_start3A_257 = arith.constant 0 : i32
      %dma_start3A_258 = arith.constant 0 : i32
      %dma_start3A_259 = tpu.memref_slice %arg11[%dma_start3A_257, %dma_start3A_258] : memref<80x128xf32, #tpu.memory_space<vmem>> -> memref<80x128xf32, #tpu.memory_space<vmem>>
      tpu.enqueue_dma source(%dma_start3A_259 : memref<80x128xf32, #tpu.memory_space<vmem>>) target(%dma_start3A_256 : memref<80x128xf32, #tpu.memory_space<vmem_shared>>) target_semaphore(%run_scoped3A_249 : memref<!tpu.dma_semaphore, #tpu.memory_space<semaphore_mem>>)
      %dma_wait3A_260 = arith.constant 0 : i32
      %dma_wait3A_261 = arith.constant 0 : i32
      %dma_wait3A_262 = tpu.memref_slice %arg11[%dma_wait3A_260, %dma_wait3A_261] : memref<80x128xf32, #tpu.memory_space<vmem>> -> memref<80x128xf32, #tpu.memory_space<vmem>>
      %dma_wait3A_263 = arith.constant 0 : i32
      %dma_wait3A_264 = tpu.memref_slice %arg14[%add3A_80, %dma_wait3A_263] : memref<10112x128xf32, #tpu.memory_space<vmem_shared>> -> memref<80x128xf32, #tpu.memory_space<vmem_shared>>
      %dma_wait3A_265 = arith.constant 0 : i32
      %dma_wait3A_266 = tpu.memref_slice %arg14[%add3A_80, %dma_wait3A_265] : memref<10112x128xf32, #tpu.memory_space<vmem_shared>> -> memref<80x128xf32, #tpu.memory_space<vmem_shared>>
      %dma_wait3A_267 = arith.constant 0 : i32
      %dma_wait3A_268 = arith.constant 0 : i32
      %dma_wait3A_269 = tpu.memref_slice %arg11[%dma_wait3A_267, %dma_wait3A_268] : memref<80x128xf32, #tpu.memory_space<vmem>> -> memref<80x128xf32, #tpu.memory_space<vmem>>
      tpu.wait_dma2 semaphore(%run_scoped3A_249 : memref<!tpu.dma_semaphore, #tpu.memory_space<semaphore_mem>>) src(%dma_wait3A_269 : memref<80x128xf32, #tpu.memory_space<vmem>>) dst(%dma_wait3A_266 : memref<80x128xf32, #tpu.memory_space<vmem_shared>>)
      tpu.yield
    }) : () -> ()
    %add3A_81 = arith.constant 560 : i32
    %add3A_82 = arith.addi %mul3A_0, %add3A_81 : i32
    "tpu.region"() ({
      %run_scoped3A_249 = tpu.sem_alloc : memref<!tpu.dma_semaphore, #tpu.memory_space<semaphore_mem>>
      %dma_start3A_250 = arith.constant 0 : i32
      %dma_start3A_251 = arith.constant 0 : i32
      %dma_start3A_252 = tpu.memref_slice %arg11[%dma_start3A_250, %dma_start3A_251] : memref<80x128xf32, #tpu.memory_space<vmem>> -> memref<72x128xf32, #tpu.memory_space<vmem>>
      %dma_start3A_253 = arith.constant 0 : i32
      %dma_start3A_254 = tpu.memref_slice %arg14[%add3A_82, %dma_start3A_253] : memref<10112x128xf32, #tpu.memory_space<vmem_shared>> -> memref<72x128xf32, #tpu.memory_space<vmem_shared>>
      %dma_start3A_255 = arith.constant 0 : i32
      %dma_start3A_256 = tpu.memref_slice %arg14[%add3A_82, %dma_start3A_255] : memref<10112x128xf32, #tpu.memory_space<vmem_shared>> -> memref<72x128xf32, #tpu.memory_space<vmem_shared>>
      %dma_start3A_257 = arith.constant 0 : i32
      %dma_start3A_258 = arith.constant 0 : i32
      %dma_start3A_259 = tpu.memref_slice %arg11[%dma_start3A_257, %dma_start3A_258] : memref<80x128xf32, #tpu.memory_space<vmem>> -> memref<72x128xf32, #tpu.memory_space<vmem>>
      tpu.enqueue_dma source(%dma_start3A_259 : memref<72x128xf32, #tpu.memory_space<vmem>>) target(%dma_start3A_256 : memref<72x128xf32, #tpu.memory_space<vmem_shared>>) target_semaphore(%run_scoped3A_249 : memref<!tpu.dma_semaphore, #tpu.memory_space<semaphore_mem>>)
      %dma_wait3A_260 = arith.constant 0 : i32
      %dma_wait3A_261 = arith.constant 0 : i32
      %dma_wait3A_262 = tpu.memref_slice %arg11[%dma_wait3A_260, %dma_wait3A_261] : memref<80x128xf32, #tpu.memory_space<vmem>> -> memref<72x128xf32, #tpu.memory_space<vmem>>
      %dma_wait3A_263 = arith.constant 0 : i32
      %dma_wait3A_264 = tpu.memref_slice %arg14[%add3A_82, %dma_wait3A_263] : memref<10112x128xf32, #tpu.memory_space<vmem_shared>> -> memref<72x128xf32, #tpu.memory_space<vmem_shared>>
      %dma_wait3A_265 = arith.constant 0 : i32
      %dma_wait3A_266 = tpu.memref_slice %arg14[%add3A_82, %dma_wait3A_265] : memref<10112x128xf32, #tpu.memory_space<vmem_shared>> -> memref<72x128xf32, #tpu.memory_space<vmem_shared>>
      %dma_wait3A_267 = arith.constant 0 : i32
      %dma_wait3A_268 = arith.constant 0 : i32
      %dma_wait3A_269 = tpu.memref_slice %arg11[%dma_wait3A_267, %dma_wait3A_268] : memref<80x128xf32, #tpu.memory_space<vmem>> -> memref<72x128xf32, #tpu.memory_space<vmem>>
      tpu.wait_dma2 semaphore(%run_scoped3A_249 : memref<!tpu.dma_semaphore, #tpu.memory_space<semaphore_mem>>) src(%dma_wait3A_269 : memref<72x128xf32, #tpu.memory_space<vmem>>) dst(%dma_wait3A_266 : memref<72x128xf32, #tpu.memory_space<vmem_shared>>)
      tpu.yield
    }) : () -> ()
    %barrier3A_83 = arith.constant 0 : index
    tpu.barrier barrier_id(%barrier3A_83)
    "tpu.region"() ({
      %run_scoped3A_249 = tpu.sem_alloc : memref<!tpu.dma_semaphore, #tpu.memory_space<semaphore_mem>>
      %dma_start3A_250 = tpu.memref_slice %arg3[%mul3A_4] : memref<320000xi32, #tpu.memory_space<hbm>> -> memref<80xi32, #tpu.memory_space<hbm>>
      %dma_start3A_251 = tpu.memref_slice %arg3[%mul3A_4] : memref<320000xi32, #tpu.memory_space<hbm>> -> memref<80xi32, #tpu.memory_space<hbm>>
      tpu.enqueue_dma source(%dma_start3A_251 : memref<80xi32, #tpu.memory_space<hbm>>) target(%arg8 : memref<80xi32, #tpu.memory_space<vmem>>) target_semaphore(%run_scoped3A_249 : memref<!tpu.dma_semaphore, #tpu.memory_space<semaphore_mem>>)
      %dma_wait3A_252 = tpu.memref_slice %arg3[%mul3A_4] : memref<320000xi32, #tpu.memory_space<hbm>> -> memref<80xi32, #tpu.memory_space<hbm>>
      %dma_wait3A_253 = tpu.memref_slice %arg3[%mul3A_4] : memref<320000xi32, #tpu.memory_space<hbm>> -> memref<80xi32, #tpu.memory_space<hbm>>
      tpu.wait_dma2 semaphore(%run_scoped3A_249 : memref<!tpu.dma_semaphore, #tpu.memory_space<semaphore_mem>>) src(%dma_wait3A_253 : memref<80xi32, #tpu.memory_space<hbm>>) dst(%arg8 : memref<80xi32, #tpu.memory_space<vmem>>)
      tpu.yield
    }) : () -> ()
    %dma_start3A_84 = arith.constant 2 : i32
    %dma_start3A_85 = arith.constant 0 : i32
    %dma_start3A_86 = arith.constant 0 : i32
    %dma_start3A_87 = tpu.memref_slice %arg2[%dma_start3A_84, %dma_start3A_85, %dma_start3A_86] : memref<4x10112x128xf32, #tpu.memory_space<hbm>> -> memref<1x10112x128xf32, #tpu.memory_space<hbm>>
    %dma_start3A_88 = tpu.memref_squeeze %dma_start3A_87 : memref<1x10112x128xf32, #tpu.memory_space<hbm>> -> memref<10112x128xf32, #tpu.memory_space<hbm>>
    %dma_start3A_89 = arith.constant 0 : i32
    %dma_start3A_90 = arith.constant 0 : i32
    %dma_start3A_91 = tpu.memref_slice %dma_start3A_88[%dma_start3A_89, %dma_start3A_90] : memref<10112x128xf32, #tpu.memory_space<hbm>> -> memref<10112x128xf32, #tpu.memory_space<hbm>>
    tpu.enqueue_indirect_dma source(%dma_start3A_91 : memref<10112x128xf32, #tpu.memory_space<hbm>>) target(%arg11 : memref<80x128xf32, #tpu.memory_space<vmem>>) offsets(%arg8 : memref<80xi32, #tpu.memory_space<vmem>>) semaphore(%arg15 : memref<!tpu.dma_semaphore, #tpu.memory_space<semaphore_mem>>)
    %scan3A_92 = arith.constant 0 : i32
    %scan3A_93 = arith.constant 2 : i32
    %scan3A_94 = arith.constant 0 : i32
    %scan3A_95 = arith.constant 62 : i32
    %scan3A_96 = arith.addi %scan3A_94, %scan3A_95 : i32
    %scan3A_97 = arith.constant 1 : i32
    scf.for %scan3A_249 = %scan3A_94 to %scan3A_96 step %scan3A_97  : i32 {
      %mul3A_250 = arith.constant 2 : i32
      %mul3A_251 = arith.muli %mul3A_250, %scan3A_249 : i32
      %mul3A_252 = arith.constant 80 : i32
      %mul3A_253 = arith.muli %mul3A_251, %mul3A_252 : i32
      %add3A_254 = arith.addi %mul3A_4, %mul3A_253 : i32
      %add3A_255 = arith.constant 80 : i32
      %add3A_256 = arith.addi %add3A_254, %add3A_255 : i32
      "tpu.region"() ({
        %run_scoped3A_289 = tpu.sem_alloc : memref<!tpu.dma_semaphore, #tpu.memory_space<semaphore_mem>>
        %dma_start3A_290 = tpu.memref_slice %arg3[%add3A_256] : memref<320000xi32, #tpu.memory_space<hbm>> -> memref<80xi32, #tpu.memory_space<hbm>>
        %dma_start3A_291 = tpu.memref_slice %arg3[%add3A_256] : memref<320000xi32, #tpu.memory_space<hbm>> -> memref<80xi32, #tpu.memory_space<hbm>>
        tpu.enqueue_dma source(%dma_start3A_291 : memref<80xi32, #tpu.memory_space<hbm>>) target(%arg9 : memref<80xi32, #tpu.memory_space<vmem>>) target_semaphore(%run_scoped3A_289 : memref<!tpu.dma_semaphore, #tpu.memory_space<semaphore_mem>>)
        %dma_wait3A_292 = tpu.memref_slice %arg3[%add3A_256] : memref<320000xi32, #tpu.memory_space<hbm>> -> memref<80xi32, #tpu.memory_space<hbm>>
        %dma_wait3A_293 = tpu.memref_slice %arg3[%add3A_256] : memref<320000xi32, #tpu.memory_space<hbm>> -> memref<80xi32, #tpu.memory_space<hbm>>
        tpu.wait_dma2 semaphore(%run_scoped3A_289 : memref<!tpu.dma_semaphore, #tpu.memory_space<semaphore_mem>>) src(%dma_wait3A_293 : memref<80xi32, #tpu.memory_space<hbm>>) dst(%arg9 : memref<80xi32, #tpu.memory_space<vmem>>)
        tpu.yield
      }) : () -> ()
      %dma_start3A_257 = arith.constant 0 : i32
      %dma_start3A_258 = arith.constant 0 : i32
      %dma_start3A_259 = tpu.memref_slice %arg2[%scan3A_93, %dma_start3A_257, %dma_start3A_258] : memref<4x10112x128xf32, #tpu.memory_space<hbm>> -> memref<1x10112x128xf32, #tpu.memory_space<hbm>>
      %dma_start3A_260 = tpu.memref_squeeze %dma_start3A_259 : memref<1x10112x128xf32, #tpu.memory_space<hbm>> -> memref<10112x128xf32, #tpu.memory_space<hbm>>
      %dma_start3A_261 = arith.constant 0 : i32
      %dma_start3A_262 = arith.constant 0 : i32
      %dma_start3A_263 = tpu.memref_slice %dma_start3A_260[%dma_start3A_261, %dma_start3A_262] : memref<10112x128xf32, #tpu.memory_space<hbm>> -> memref<10112x128xf32, #tpu.memory_space<hbm>>
      tpu.enqueue_indirect_dma source(%dma_start3A_263 : memref<10112x128xf32, #tpu.memory_space<hbm>>) target(%arg12 : memref<80x128xf32, #tpu.memory_space<vmem>>) offsets(%arg9 : memref<80xi32, #tpu.memory_space<vmem>>) semaphore(%arg16 : memref<!tpu.dma_semaphore, #tpu.memory_space<semaphore_mem>>)
      "tpu.region"() ({
        %run_scoped3A_289 = tpu.sem_alloc : memref<!tpu.dma_semaphore, #tpu.memory_space<semaphore_mem>>
        %dma_start3A_290 = tpu.memref_slice %arg4[%add3A_254] : memref<320000xi32, #tpu.memory_space<hbm>> -> memref<80xi32, #tpu.memory_space<hbm>>
        %dma_start3A_291 = tpu.memref_slice %arg4[%add3A_254] : memref<320000xi32, #tpu.memory_space<hbm>> -> memref<80xi32, #tpu.memory_space<hbm>>
        tpu.enqueue_dma source(%dma_start3A_291 : memref<80xi32, #tpu.memory_space<hbm>>) target(%arg10 : memref<80xi32, #tpu.memory_space<vmem>>) target_semaphore(%run_scoped3A_289 : memref<!tpu.dma_semaphore, #tpu.memory_space<semaphore_mem>>)
        %dma_wait3A_292 = tpu.memref_slice %arg4[%add3A_254] : memref<320000xi32, #tpu.memory_space<hbm>> -> memref<80xi32, #tpu.memory_space<hbm>>
        %dma_wait3A_293 = tpu.memref_slice %arg4[%add3A_254] : memref<320000xi32, #tpu.memory_space<hbm>> -> memref<80xi32, #tpu.memory_space<hbm>>
        tpu.wait_dma2 semaphore(%run_scoped3A_289 : memref<!tpu.dma_semaphore, #tpu.memory_space<semaphore_mem>>) src(%dma_wait3A_293 : memref<80xi32, #tpu.memory_space<hbm>>) dst(%arg10 : memref<80xi32, #tpu.memory_space<vmem>>)
        tpu.yield
      }) : () -> ()
      %dma_wait3A_264 = arith.constant 0 : i32
      %dma_wait3A_265 = arith.constant 0 : i32
      %dma_wait3A_266 = tpu.memref_slice %arg2[%scan3A_93, %dma_wait3A_264, %dma_wait3A_265] : memref<4x10112x128xf32, #tpu.memory_space<hbm>> -> memref<1x10112x128xf32, #tpu.memory_space<hbm>>
      %dma_wait3A_267 = tpu.memref_squeeze %dma_wait3A_266 : memref<1x10112x128xf32, #tpu.memory_space<hbm>> -> memref<10112x128xf32, #tpu.memory_space<hbm>>
      %dma_wait3A_268 = arith.constant 0 : i32
      %dma_wait3A_269 = arith.constant 0 : i32
      %dma_wait3A_270 = tpu.memref_slice %dma_wait3A_267[%dma_wait3A_268, %dma_wait3A_269] : memref<10112x128xf32, #tpu.memory_space<hbm>> -> memref<10112x128xf32, #tpu.memory_space<hbm>>
      tpu.wait_indirect_dma semaphore(%arg15 : memref<!tpu.dma_semaphore, #tpu.memory_space<semaphore_mem>>) src(%dma_wait3A_270 : memref<10112x128xf32, #tpu.memory_space<hbm>>) dst(%arg11 : memref<80x128xf32, #tpu.memory_space<vmem>>)
      "tpu.region"() ({
        %run_scoped3A_289 = tpu.sem_alloc : memref<!tpu.dma_semaphore, #tpu.memory_space<semaphore_mem>>
        %dma_start3A_290 = arith.constant 0 : i32
        %dma_start3A_291 = arith.constant 0 : i32
        %dma_start3A_292 = tpu.memref_slice %arg14[%dma_start3A_290, %dma_start3A_291] : memref<10112x128xf32, #tpu.memory_space<vmem_shared>> -> memref<10112x128xf32, #tpu.memory_space<vmem_shared>>
        tpu.enqueue_indirect_dma source(%arg11 : memref<80x128xf32, #tpu.memory_space<vmem>>) target(%dma_start3A_292 : memref<10112x128xf32, #tpu.memory_space<vmem_shared>>) offsets(%arg10 : memref<80xi32, #tpu.memory_space<vmem>>) semaphore(%run_scoped3A_289 : memref<!tpu.dma_semaphore, #tpu.memory_space<semaphore_mem>>) {add = true}
        %dma_wait3A_293 = arith.constant 0 : i32
        %dma_wait3A_294 = arith.constant 0 : i32
        %dma_wait3A_295 = tpu.memref_slice %arg14[%dma_wait3A_293, %dma_wait3A_294] : memref<10112x128xf32, #tpu.memory_space<vmem_shared>> -> memref<10112x128xf32, #tpu.memory_space<vmem_shared>>
        tpu.wait_indirect_dma semaphore(%run_scoped3A_289 : memref<!tpu.dma_semaphore, #tpu.memory_space<semaphore_mem>>) src(%arg11 : memref<80x128xf32, #tpu.memory_space<vmem>>) dst(%dma_wait3A_295 : memref<10112x128xf32, #tpu.memory_space<vmem_shared>>)
        tpu.yield
      }) : () -> ()
      %add3A_271 = arith.constant 160 : i32
      %add3A_272 = arith.addi %add3A_254, %add3A_271 : i32
      "tpu.region"() ({
        %run_scoped3A_289 = tpu.sem_alloc : memref<!tpu.dma_semaphore, #tpu.memory_space<semaphore_mem>>
        %dma_start3A_290 = tpu.memref_slice %arg3[%add3A_272] : memref<320000xi32, #tpu.memory_space<hbm>> -> memref<80xi32, #tpu.memory_space<hbm>>
        %dma_start3A_291 = tpu.memref_slice %arg3[%add3A_272] : memref<320000xi32, #tpu.memory_space<hbm>> -> memref<80xi32, #tpu.memory_space<hbm>>
        tpu.enqueue_dma source(%dma_start3A_291 : memref<80xi32, #tpu.memory_space<hbm>>) target(%arg8 : memref<80xi32, #tpu.memory_space<vmem>>) target_semaphore(%run_scoped3A_289 : memref<!tpu.dma_semaphore, #tpu.memory_space<semaphore_mem>>)
        %dma_wait3A_292 = tpu.memref_slice %arg3[%add3A_272] : memref<320000xi32, #tpu.memory_space<hbm>> -> memref<80xi32, #tpu.memory_space<hbm>>
        %dma_wait3A_293 = tpu.memref_slice %arg3[%add3A_272] : memref<320000xi32, #tpu.memory_space<hbm>> -> memref<80xi32, #tpu.memory_space<hbm>>
        tpu.wait_dma2 semaphore(%run_scoped3A_289 : memref<!tpu.dma_semaphore, #tpu.memory_space<semaphore_mem>>) src(%dma_wait3A_293 : memref<80xi32, #tpu.memory_space<hbm>>) dst(%arg8 : memref<80xi32, #tpu.memory_space<vmem>>)
        tpu.yield
      }) : () -> ()
      %dma_start3A_273 = arith.constant 0 : i32
      %dma_start3A_274 = arith.constant 0 : i32
      %dma_start3A_275 = tpu.memref_slice %arg2[%scan3A_93, %dma_start3A_273, %dma_start3A_274] : memref<4x10112x128xf32, #tpu.memory_space<hbm>> -> memref<1x10112x128xf32, #tpu.memory_space<hbm>>
      %dma_start3A_276 = tpu.memref_squeeze %dma_start3A_275 : memref<1x10112x128xf32, #tpu.memory_space<hbm>> -> memref<10112x128xf32, #tpu.memory_space<hbm>>
      %dma_start3A_277 = arith.constant 0 : i32
      %dma_start3A_278 = arith.constant 0 : i32
      %dma_start3A_279 = tpu.memref_slice %dma_start3A_276[%dma_start3A_277, %dma_start3A_278] : memref<10112x128xf32, #tpu.memory_space<hbm>> -> memref<10112x128xf32, #tpu.memory_space<hbm>>
      tpu.enqueue_indirect_dma source(%dma_start3A_279 : memref<10112x128xf32, #tpu.memory_space<hbm>>) target(%arg11 : memref<80x128xf32, #tpu.memory_space<vmem>>) offsets(%arg8 : memref<80xi32, #tpu.memory_space<vmem>>) semaphore(%arg15 : memref<!tpu.dma_semaphore, #tpu.memory_space<semaphore_mem>>)
      %add3A_280 = arith.constant 80 : i32
      %add3A_281 = arith.addi %add3A_254, %add3A_280 : i32
      "tpu.region"() ({
        %run_scoped3A_289 = tpu.sem_alloc : memref<!tpu.dma_semaphore, #tpu.memory_space<semaphore_mem>>
        %dma_start3A_290 = tpu.memref_slice %arg4[%add3A_281] : memref<320000xi32, #tpu.memory_space<hbm>> -> memref<80xi32, #tpu.memory_space<hbm>>
        %dma_start3A_291 = tpu.memref_slice %arg4[%add3A_281] : memref<320000xi32, #tpu.memory_space<hbm>> -> memref<80xi32, #tpu.memory_space<hbm>>
        tpu.enqueue_dma source(%dma_start3A_291 : memref<80xi32, #tpu.memory_space<hbm>>) target(%arg10 : memref<80xi32, #tpu.memory_space<vmem>>) target_semaphore(%run_scoped3A_289 : memref<!tpu.dma_semaphore, #tpu.memory_space<semaphore_mem>>)
        %dma_wait3A_292 = tpu.memref_slice %arg4[%add3A_281] : memref<320000xi32, #tpu.memory_space<hbm>> -> memref<80xi32, #tpu.memory_space<hbm>>
        %dma_wait3A_293 = tpu.memref_slice %arg4[%add3A_281] : memref<320000xi32, #tpu.memory_space<hbm>> -> memref<80xi32, #tpu.memory_space<hbm>>
        tpu.wait_dma2 semaphore(%run_scoped3A_289 : memref<!tpu.dma_semaphore, #tpu.memory_space<semaphore_mem>>) src(%dma_wait3A_293 : memref<80xi32, #tpu.memory_space<hbm>>) dst(%arg10 : memref<80xi32, #tpu.memory_space<vmem>>)
        tpu.yield
      }) : () -> ()
      %dma_wait3A_282 = arith.constant 0 : i32
      %dma_wait3A_283 = arith.constant 0 : i32
      %dma_wait3A_284 = tpu.memref_slice %arg2[%scan3A_93, %dma_wait3A_282, %dma_wait3A_283] : memref<4x10112x128xf32, #tpu.memory_space<hbm>> -> memref<1x10112x128xf32, #tpu.memory_space<hbm>>
      %dma_wait3A_285 = tpu.memref_squeeze %dma_wait3A_284 : memref<1x10112x128xf32, #tpu.memory_space<hbm>> -> memref<10112x128xf32, #tpu.memory_space<hbm>>
      %dma_wait3A_286 = arith.constant 0 : i32
      %dma_wait3A_287 = arith.constant 0 : i32
      %dma_wait3A_288 = tpu.memref_slice %dma_wait3A_285[%dma_wait3A_286, %dma_wait3A_287] : memref<10112x128xf32, #tpu.memory_space<hbm>> -> memref<10112x128xf32, #tpu.memory_space<hbm>>
      tpu.wait_indirect_dma semaphore(%arg16 : memref<!tpu.dma_semaphore, #tpu.memory_space<semaphore_mem>>) src(%dma_wait3A_288 : memref<10112x128xf32, #tpu.memory_space<hbm>>) dst(%arg12 : memref<80x128xf32, #tpu.memory_space<vmem>>)
      "tpu.region"() ({
        %run_scoped3A_289 = tpu.sem_alloc : memref<!tpu.dma_semaphore, #tpu.memory_space<semaphore_mem>>
        %dma_start3A_290 = arith.constant 0 : i32
        %dma_start3A_291 = arith.constant 0 : i32
        %dma_start3A_292 = tpu.memref_slice %arg14[%dma_start3A_290, %dma_start3A_291] : memref<10112x128xf32, #tpu.memory_space<vmem_shared>> -> memref<10112x128xf32, #tpu.memory_space<vmem_shared>>
        tpu.enqueue_indirect_dma source(%arg12 : memref<80x128xf32, #tpu.memory_space<vmem>>) target(%dma_start3A_292 : memref<10112x128xf32, #tpu.memory_space<vmem_shared>>) offsets(%arg10 : memref<80xi32, #tpu.memory_space<vmem>>) semaphore(%run_scoped3A_289 : memref<!tpu.dma_semaphore, #tpu.memory_space<semaphore_mem>>) {add = true}
        %dma_wait3A_293 = arith.constant 0 : i32
        %dma_wait3A_294 = arith.constant 0 : i32
        %dma_wait3A_295 = tpu.memref_slice %arg14[%dma_wait3A_293, %dma_wait3A_294] : memref<10112x128xf32, #tpu.memory_space<vmem_shared>> -> memref<10112x128xf32, #tpu.memory_space<vmem_shared>>
        tpu.wait_indirect_dma semaphore(%run_scoped3A_289 : memref<!tpu.dma_semaphore, #tpu.memory_space<semaphore_mem>>) src(%arg12 : memref<80x128xf32, #tpu.memory_space<vmem>>) dst(%dma_wait3A_295 : memref<10112x128xf32, #tpu.memory_space<vmem_shared>>)
        tpu.yield
      }) : () -> ()
    }
    %scan3A_98 = arith.constant 62 : i32
    %add3A_99 = arith.constant 9920 : i32
    %add3A_100 = arith.addi %mul3A_4, %add3A_99 : i32
    "tpu.region"() ({
      %run_scoped3A_249 = tpu.sem_alloc : memref<!tpu.dma_semaphore, #tpu.memory_space<semaphore_mem>>
      %dma_start3A_250 = tpu.memref_slice %arg4[%add3A_100] : memref<320000xi32, #tpu.memory_space<hbm>> -> memref<80xi32, #tpu.memory_space<hbm>>
      %dma_start3A_251 = tpu.memref_slice %arg4[%add3A_100] : memref<320000xi32, #tpu.memory_space<hbm>> -> memref<80xi32, #tpu.memory_space<hbm>>
      tpu.enqueue_dma source(%dma_start3A_251 : memref<80xi32, #tpu.memory_space<hbm>>) target(%arg10 : memref<80xi32, #tpu.memory_space<vmem>>) target_semaphore(%run_scoped3A_249 : memref<!tpu.dma_semaphore, #tpu.memory_space<semaphore_mem>>)
      %dma_wait3A_252 = tpu.memref_slice %arg4[%add3A_100] : memref<320000xi32, #tpu.memory_space<hbm>> -> memref<80xi32, #tpu.memory_space<hbm>>
      %dma_wait3A_253 = tpu.memref_slice %arg4[%add3A_100] : memref<320000xi32, #tpu.memory_space<hbm>> -> memref<80xi32, #tpu.memory_space<hbm>>
      tpu.wait_dma2 semaphore(%run_scoped3A_249 : memref<!tpu.dma_semaphore, #tpu.memory_space<semaphore_mem>>) src(%dma_wait3A_253 : memref<80xi32, #tpu.memory_space<hbm>>) dst(%arg10 : memref<80xi32, #tpu.memory_space<vmem>>)
      tpu.yield
    }) : () -> ()
    %dma_wait3A_101 = arith.constant 2 : i32
    %dma_wait3A_102 = arith.constant 0 : i32
    %dma_wait3A_103 = arith.constant 0 : i32
    %dma_wait3A_104 = tpu.memref_slice %arg2[%dma_wait3A_101, %dma_wait3A_102, %dma_wait3A_103] : memref<4x10112x128xf32, #tpu.memory_space<hbm>> -> memref<1x10112x128xf32, #tpu.memory_space<hbm>>
    %dma_wait3A_105 = tpu.memref_squeeze %dma_wait3A_104 : memref<1x10112x128xf32, #tpu.memory_space<hbm>> -> memref<10112x128xf32, #tpu.memory_space<hbm>>
    %dma_wait3A_106 = arith.constant 0 : i32
    %dma_wait3A_107 = arith.constant 0 : i32
    %dma_wait3A_108 = tpu.memref_slice %dma_wait3A_105[%dma_wait3A_106, %dma_wait3A_107] : memref<10112x128xf32, #tpu.memory_space<hbm>> -> memref<10112x128xf32, #tpu.memory_space<hbm>>
    tpu.wait_indirect_dma semaphore(%arg15 : memref<!tpu.dma_semaphore, #tpu.memory_space<semaphore_mem>>) src(%dma_wait3A_108 : memref<10112x128xf32, #tpu.memory_space<hbm>>) dst(%arg11 : memref<80x128xf32, #tpu.memory_space<vmem>>)
    "tpu.region"() ({
      %run_scoped3A_249 = tpu.sem_alloc : memref<!tpu.dma_semaphore, #tpu.memory_space<semaphore_mem>>
      %dma_start3A_250 = arith.constant 0 : i32
      %dma_start3A_251 = arith.constant 0 : i32
      %dma_start3A_252 = tpu.memref_slice %arg14[%dma_start3A_250, %dma_start3A_251] : memref<10112x128xf32, #tpu.memory_space<vmem_shared>> -> memref<10112x128xf32, #tpu.memory_space<vmem_shared>>
      tpu.enqueue_indirect_dma source(%arg11 : memref<80x128xf32, #tpu.memory_space<vmem>>) target(%dma_start3A_252 : memref<10112x128xf32, #tpu.memory_space<vmem_shared>>) offsets(%arg10 : memref<80xi32, #tpu.memory_space<vmem>>) semaphore(%run_scoped3A_249 : memref<!tpu.dma_semaphore, #tpu.memory_space<semaphore_mem>>) {add = true}
      %dma_wait3A_253 = arith.constant 0 : i32
      %dma_wait3A_254 = arith.constant 0 : i32
      %dma_wait3A_255 = tpu.memref_slice %arg14[%dma_wait3A_253, %dma_wait3A_254] : memref<10112x128xf32, #tpu.memory_space<vmem_shared>> -> memref<10112x128xf32, #tpu.memory_space<vmem_shared>>
      tpu.wait_indirect_dma semaphore(%run_scoped3A_249 : memref<!tpu.dma_semaphore, #tpu.memory_space<semaphore_mem>>) src(%arg11 : memref<80x128xf32, #tpu.memory_space<vmem>>) dst(%dma_wait3A_255 : memref<10112x128xf32, #tpu.memory_space<vmem_shared>>)
      tpu.yield
    }) : () -> ()
    %barrier3A_109 = arith.constant 0 : index
    tpu.barrier barrier_id(%barrier3A_109)
    %add3A_110 = arith.constant 0 : i32
    %add3A_111 = arith.addi %mul3A_0, %add3A_110 : i32
    "tpu.region"() ({
      %run_scoped3A_249 = tpu.sem_alloc : memref<!tpu.dma_semaphore, #tpu.memory_space<semaphore_mem>>
      %dma_start3A_250 = arith.constant 0 : i32
      %dma_start3A_251 = arith.constant 0 : i32
      %dma_start3A_252 = tpu.memref_slice %arg11[%dma_start3A_250, %dma_start3A_251] : memref<80x128xf32, #tpu.memory_space<vmem>> -> memref<80x128xf32, #tpu.memory_space<vmem>>
      %dma_start3A_253 = arith.constant 0 : i32
      %dma_start3A_254 = tpu.memref_slice %arg14[%add3A_111, %dma_start3A_253] : memref<10112x128xf32, #tpu.memory_space<vmem_shared>> -> memref<80x128xf32, #tpu.memory_space<vmem_shared>>
      %dma_start3A_255 = arith.constant 0 : i32
      %dma_start3A_256 = arith.constant 0 : i32
      %dma_start3A_257 = tpu.memref_slice %arg11[%dma_start3A_255, %dma_start3A_256] : memref<80x128xf32, #tpu.memory_space<vmem>> -> memref<80x128xf32, #tpu.memory_space<vmem>>
      %dma_start3A_258 = arith.constant 0 : i32
      %dma_start3A_259 = tpu.memref_slice %arg14[%add3A_111, %dma_start3A_258] : memref<10112x128xf32, #tpu.memory_space<vmem_shared>> -> memref<80x128xf32, #tpu.memory_space<vmem_shared>>
      tpu.enqueue_dma source(%dma_start3A_259 : memref<80x128xf32, #tpu.memory_space<vmem_shared>>) target(%dma_start3A_257 : memref<80x128xf32, #tpu.memory_space<vmem>>) target_semaphore(%run_scoped3A_249 : memref<!tpu.dma_semaphore, #tpu.memory_space<semaphore_mem>>)
      %dma_wait3A_260 = arith.constant 0 : i32
      %dma_wait3A_261 = arith.constant 0 : i32
      %dma_wait3A_262 = tpu.memref_slice %arg11[%dma_wait3A_260, %dma_wait3A_261] : memref<80x128xf32, #tpu.memory_space<vmem>> -> memref<80x128xf32, #tpu.memory_space<vmem>>
      %dma_wait3A_263 = arith.constant 0 : i32
      %dma_wait3A_264 = tpu.memref_slice %arg14[%add3A_111, %dma_wait3A_263] : memref<10112x128xf32, #tpu.memory_space<vmem_shared>> -> memref<80x128xf32, #tpu.memory_space<vmem_shared>>
      %dma_wait3A_265 = arith.constant 0 : i32
      %dma_wait3A_266 = arith.constant 0 : i32
      %dma_wait3A_267 = tpu.memref_slice %arg11[%dma_wait3A_265, %dma_wait3A_266] : memref<80x128xf32, #tpu.memory_space<vmem>> -> memref<80x128xf32, #tpu.memory_space<vmem>>
      %dma_wait3A_268 = arith.constant 0 : i32
      %dma_wait3A_269 = tpu.memref_slice %arg14[%add3A_111, %dma_wait3A_268] : memref<10112x128xf32, #tpu.memory_space<vmem_shared>> -> memref<80x128xf32, #tpu.memory_space<vmem_shared>>
      tpu.wait_dma2 semaphore(%run_scoped3A_249 : memref<!tpu.dma_semaphore, #tpu.memory_space<semaphore_mem>>) src(%dma_wait3A_269 : memref<80x128xf32, #tpu.memory_space<vmem_shared>>) dst(%dma_wait3A_267 : memref<80x128xf32, #tpu.memory_space<vmem>>)
      tpu.yield
    }) : () -> ()
    %run_scoped3A_112 = arith.constant 1 : i32
    "tpu.region"() ({
      %run_scoped3A_249 = tpu.sem_alloc : memref<!tpu.dma_semaphore, #tpu.memory_space<semaphore_mem>>
      %dma_start3A_250 = arith.constant 0 : i32
      %dma_start3A_251 = arith.constant 0 : i32
      %dma_start3A_252 = tpu.memref_slice %arg11[%dma_start3A_250, %dma_start3A_251] : memref<80x128xf32, #tpu.memory_space<vmem>> -> memref<80x128xf32, #tpu.memory_space<vmem>>
      %dma_start3A_253 = arith.constant 0 : i32
      %dma_start3A_254 = tpu.memref_slice %arg7[%run_scoped3A_112, %arg0, %add3A_111, %dma_start3A_253] : memref<4x2x10112x128xf32, #tpu.memory_space<hbm>> -> memref<1x1x80x128xf32, #tpu.memory_space<hbm>>
      %dma_start3A_255 = tpu.memref_squeeze %dma_start3A_254 : memref<1x1x80x128xf32, #tpu.memory_space<hbm>> -> memref<80x128xf32, #tpu.memory_space<hbm>>
      %dma_start3A_256 = arith.constant 0 : i32
      %dma_start3A_257 = tpu.memref_slice %arg7[%run_scoped3A_112, %arg0, %add3A_111, %dma_start3A_256] : memref<4x2x10112x128xf32, #tpu.memory_space<hbm>> -> memref<1x1x80x128xf32, #tpu.memory_space<hbm>>
      %dma_start3A_258 = tpu.memref_squeeze %dma_start3A_257 : memref<1x1x80x128xf32, #tpu.memory_space<hbm>> -> memref<80x128xf32, #tpu.memory_space<hbm>>
      %dma_start3A_259 = arith.constant 0 : i32
      %dma_start3A_260 = arith.constant 0 : i32
      %dma_start3A_261 = tpu.memref_slice %arg11[%dma_start3A_259, %dma_start3A_260] : memref<80x128xf32, #tpu.memory_space<vmem>> -> memref<80x128xf32, #tpu.memory_space<vmem>>
      tpu.enqueue_dma source(%dma_start3A_261 : memref<80x128xf32, #tpu.memory_space<vmem>>) target(%dma_start3A_258 : memref<80x128xf32, #tpu.memory_space<hbm>>) target_semaphore(%run_scoped3A_249 : memref<!tpu.dma_semaphore, #tpu.memory_space<semaphore_mem>>)
      %dma_wait3A_262 = arith.constant 0 : i32
      %dma_wait3A_263 = arith.constant 0 : i32
      %dma_wait3A_264 = tpu.memref_slice %arg11[%dma_wait3A_262, %dma_wait3A_263] : memref<80x128xf32, #tpu.memory_space<vmem>> -> memref<80x128xf32, #tpu.memory_space<vmem>>
      %dma_wait3A_265 = arith.constant 0 : i32
      %dma_wait3A_266 = tpu.memref_slice %arg7[%run_scoped3A_112, %arg0, %add3A_111, %dma_wait3A_265] : memref<4x2x10112x128xf32, #tpu.memory_space<hbm>> -> memref<1x1x80x128xf32, #tpu.memory_space<hbm>>
      %dma_wait3A_267 = tpu.memref_squeeze %dma_wait3A_266 : memref<1x1x80x128xf32, #tpu.memory_space<hbm>> -> memref<80x128xf32, #tpu.memory_space<hbm>>
      %dma_wait3A_268 = arith.constant 0 : i32
      %dma_wait3A_269 = tpu.memref_slice %arg7[%run_scoped3A_112, %arg0, %add3A_111, %dma_wait3A_268] : memref<4x2x10112x128xf32, #tpu.memory_space<hbm>> -> memref<1x1x80x128xf32, #tpu.memory_space<hbm>>
      %dma_wait3A_270 = tpu.memref_squeeze %dma_wait3A_269 : memref<1x1x80x128xf32, #tpu.memory_space<hbm>> -> memref<80x128xf32, #tpu.memory_space<hbm>>
      %dma_wait3A_271 = arith.constant 0 : i32
      %dma_wait3A_272 = arith.constant 0 : i32
      %dma_wait3A_273 = tpu.memref_slice %arg11[%dma_wait3A_271, %dma_wait3A_272] : memref<80x128xf32, #tpu.memory_space<vmem>> -> memref<80x128xf32, #tpu.memory_space<vmem>>
      tpu.wait_dma2 semaphore(%run_scoped3A_249 : memref<!tpu.dma_semaphore, #tpu.memory_space<semaphore_mem>>) src(%dma_wait3A_273 : memref<80x128xf32, #tpu.memory_space<vmem>>) dst(%dma_wait3A_270 : memref<80x128xf32, #tpu.memory_space<hbm>>)
      tpu.yield
    }) : () -> ()
    %add3A_113 = arith.constant 80 : i32
    %add3A_114 = arith.addi %mul3A_0, %add3A_113 : i32
    "tpu.region"() ({
      %run_scoped3A_249 = tpu.sem_alloc : memref<!tpu.dma_semaphore, #tpu.memory_space<semaphore_mem>>
      %dma_start3A_250 = arith.constant 0 : i32
      %dma_start3A_251 = arith.constant 0 : i32
      %dma_start3A_252 = tpu.memref_slice %arg11[%dma_start3A_250, %dma_start3A_251] : memref<80x128xf32, #tpu.memory_space<vmem>> -> memref<80x128xf32, #tpu.memory_space<vmem>>
      %dma_start3A_253 = arith.constant 0 : i32
      %dma_start3A_254 = tpu.memref_slice %arg14[%add3A_114, %dma_start3A_253] : memref<10112x128xf32, #tpu.memory_space<vmem_shared>> -> memref<80x128xf32, #tpu.memory_space<vmem_shared>>
      %dma_start3A_255 = arith.constant 0 : i32
      %dma_start3A_256 = arith.constant 0 : i32
      %dma_start3A_257 = tpu.memref_slice %arg11[%dma_start3A_255, %dma_start3A_256] : memref<80x128xf32, #tpu.memory_space<vmem>> -> memref<80x128xf32, #tpu.memory_space<vmem>>
      %dma_start3A_258 = arith.constant 0 : i32
      %dma_start3A_259 = tpu.memref_slice %arg14[%add3A_114, %dma_start3A_258] : memref<10112x128xf32, #tpu.memory_space<vmem_shared>> -> memref<80x128xf32, #tpu.memory_space<vmem_shared>>
      tpu.enqueue_dma source(%dma_start3A_259 : memref<80x128xf32, #tpu.memory_space<vmem_shared>>) target(%dma_start3A_257 : memref<80x128xf32, #tpu.memory_space<vmem>>) target_semaphore(%run_scoped3A_249 : memref<!tpu.dma_semaphore, #tpu.memory_space<semaphore_mem>>)
      %dma_wait3A_260 = arith.constant 0 : i32
      %dma_wait3A_261 = arith.constant 0 : i32
      %dma_wait3A_262 = tpu.memref_slice %arg11[%dma_wait3A_260, %dma_wait3A_261] : memref<80x128xf32, #tpu.memory_space<vmem>> -> memref<80x128xf32, #tpu.memory_space<vmem>>
      %dma_wait3A_263 = arith.constant 0 : i32
      %dma_wait3A_264 = tpu.memref_slice %arg14[%add3A_114, %dma_wait3A_263] : memref<10112x128xf32, #tpu.memory_space<vmem_shared>> -> memref<80x128xf32, #tpu.memory_space<vmem_shared>>
      %dma_wait3A_265 = arith.constant 0 : i32
      %dma_wait3A_266 = arith.constant 0 : i32
      %dma_wait3A_267 = tpu.memref_slice %arg11[%dma_wait3A_265, %dma_wait3A_266] : memref<80x128xf32, #tpu.memory_space<vmem>> -> memref<80x128xf32, #tpu.memory_space<vmem>>
      %dma_wait3A_268 = arith.constant 0 : i32
      %dma_wait3A_269 = tpu.memref_slice %arg14[%add3A_114, %dma_wait3A_268] : memref<10112x128xf32, #tpu.memory_space<vmem_shared>> -> memref<80x128xf32, #tpu.memory_space<vmem_shared>>
      tpu.wait_dma2 semaphore(%run_scoped3A_249 : memref<!tpu.dma_semaphore, #tpu.memory_space<semaphore_mem>>) src(%dma_wait3A_269 : memref<80x128xf32, #tpu.memory_space<vmem_shared>>) dst(%dma_wait3A_267 : memref<80x128xf32, #tpu.memory_space<vmem>>)
      tpu.yield
    }) : () -> ()
    %run_scoped3A_115 = arith.constant 1 : i32
    "tpu.region"() ({
      %run_scoped3A_249 = tpu.sem_alloc : memref<!tpu.dma_semaphore, #tpu.memory_space<semaphore_mem>>
      %dma_start3A_250 = arith.constant 0 : i32
      %dma_start3A_251 = arith.constant 0 : i32
      %dma_start3A_252 = tpu.memref_slice %arg11[%dma_start3A_250, %dma_start3A_251] : memref<80x128xf32, #tpu.memory_space<vmem>> -> memref<80x128xf32, #tpu.memory_space<vmem>>
      %dma_start3A_253 = arith.constant 0 : i32
      %dma_start3A_254 = tpu.memref_slice %arg7[%run_scoped3A_115, %arg0, %add3A_114, %dma_start3A_253] : memref<4x2x10112x128xf32, #tpu.memory_space<hbm>> -> memref<1x1x80x128xf32, #tpu.memory_space<hbm>>
      %dma_start3A_255 = tpu.memref_squeeze %dma_start3A_254 : memref<1x1x80x128xf32, #tpu.memory_space<hbm>> -> memref<80x128xf32, #tpu.memory_space<hbm>>
      %dma_start3A_256 = arith.constant 0 : i32
      %dma_start3A_257 = tpu.memref_slice %arg7[%run_scoped3A_115, %arg0, %add3A_114, %dma_start3A_256] : memref<4x2x10112x128xf32, #tpu.memory_space<hbm>> -> memref<1x1x80x128xf32, #tpu.memory_space<hbm>>
      %dma_start3A_258 = tpu.memref_squeeze %dma_start3A_257 : memref<1x1x80x128xf32, #tpu.memory_space<hbm>> -> memref<80x128xf32, #tpu.memory_space<hbm>>
      %dma_start3A_259 = arith.constant 0 : i32
      %dma_start3A_260 = arith.constant 0 : i32
      %dma_start3A_261 = tpu.memref_slice %arg11[%dma_start3A_259, %dma_start3A_260] : memref<80x128xf32, #tpu.memory_space<vmem>> -> memref<80x128xf32, #tpu.memory_space<vmem>>
      tpu.enqueue_dma source(%dma_start3A_261 : memref<80x128xf32, #tpu.memory_space<vmem>>) target(%dma_start3A_258 : memref<80x128xf32, #tpu.memory_space<hbm>>) target_semaphore(%run_scoped3A_249 : memref<!tpu.dma_semaphore, #tpu.memory_space<semaphore_mem>>)
      %dma_wait3A_262 = arith.constant 0 : i32
      %dma_wait3A_263 = arith.constant 0 : i32
      %dma_wait3A_264 = tpu.memref_slice %arg11[%dma_wait3A_262, %dma_wait3A_263] : memref<80x128xf32, #tpu.memory_space<vmem>> -> memref<80x128xf32, #tpu.memory_space<vmem>>
      %dma_wait3A_265 = arith.constant 0 : i32
      %dma_wait3A_266 = tpu.memref_slice %arg7[%run_scoped3A_115, %arg0, %add3A_114, %dma_wait3A_265] : memref<4x2x10112x128xf32, #tpu.memory_space<hbm>> -> memref<1x1x80x128xf32, #tpu.memory_space<hbm>>
      %dma_wait3A_267 = tpu.memref_squeeze %dma_wait3A_266 : memref<1x1x80x128xf32, #tpu.memory_space<hbm>> -> memref<80x128xf32, #tpu.memory_space<hbm>>
      %dma_wait3A_268 = arith.constant 0 : i32
      %dma_wait3A_269 = tpu.memref_slice %arg7[%run_scoped3A_115, %arg0, %add3A_114, %dma_wait3A_268] : memref<4x2x10112x128xf32, #tpu.memory_space<hbm>> -> memref<1x1x80x128xf32, #tpu.memory_space<hbm>>
      %dma_wait3A_270 = tpu.memref_squeeze %dma_wait3A_269 : memref<1x1x80x128xf32, #tpu.memory_space<hbm>> -> memref<80x128xf32, #tpu.memory_space<hbm>>
      %dma_wait3A_271 = arith.constant 0 : i32
      %dma_wait3A_272 = arith.constant 0 : i32
      %dma_wait3A_273 = tpu.memref_slice %arg11[%dma_wait3A_271, %dma_wait3A_272] : memref<80x128xf32, #tpu.memory_space<vmem>> -> memref<80x128xf32, #tpu.memory_space<vmem>>
      tpu.wait_dma2 semaphore(%run_scoped3A_249 : memref<!tpu.dma_semaphore, #tpu.memory_space<semaphore_mem>>) src(%dma_wait3A_273 : memref<80x128xf32, #tpu.memory_space<vmem>>) dst(%dma_wait3A_270 : memref<80x128xf32, #tpu.memory_space<hbm>>)
      tpu.yield
    }) : () -> ()
    %add3A_116 = arith.constant 160 : i32
    %add3A_117 = arith.addi %mul3A_0, %add3A_116 : i32
    "tpu.region"() ({
      %run_scoped3A_249 = tpu.sem_alloc : memref<!tpu.dma_semaphore, #tpu.memory_space<semaphore_mem>>
      %dma_start3A_250 = arith.constant 0 : i32
      %dma_start3A_251 = arith.constant 0 : i32
      %dma_start3A_252 = tpu.memref_slice %arg11[%dma_start3A_250, %dma_start3A_251] : memref<80x128xf32, #tpu.memory_space<vmem>> -> memref<80x128xf32, #tpu.memory_space<vmem>>
      %dma_start3A_253 = arith.constant 0 : i32
      %dma_start3A_254 = tpu.memref_slice %arg14[%add3A_117, %dma_start3A_253] : memref<10112x128xf32, #tpu.memory_space<vmem_shared>> -> memref<80x128xf32, #tpu.memory_space<vmem_shared>>
      %dma_start3A_255 = arith.constant 0 : i32
      %dma_start3A_256 = arith.constant 0 : i32
      %dma_start3A_257 = tpu.memref_slice %arg11[%dma_start3A_255, %dma_start3A_256] : memref<80x128xf32, #tpu.memory_space<vmem>> -> memref<80x128xf32, #tpu.memory_space<vmem>>
      %dma_start3A_258 = arith.constant 0 : i32
      %dma_start3A_259 = tpu.memref_slice %arg14[%add3A_117, %dma_start3A_258] : memref<10112x128xf32, #tpu.memory_space<vmem_shared>> -> memref<80x128xf32, #tpu.memory_space<vmem_shared>>
      tpu.enqueue_dma source(%dma_start3A_259 : memref<80x128xf32, #tpu.memory_space<vmem_shared>>) target(%dma_start3A_257 : memref<80x128xf32, #tpu.memory_space<vmem>>) target_semaphore(%run_scoped3A_249 : memref<!tpu.dma_semaphore, #tpu.memory_space<semaphore_mem>>)
      %dma_wait3A_260 = arith.constant 0 : i32
      %dma_wait3A_261 = arith.constant 0 : i32
      %dma_wait3A_262 = tpu.memref_slice %arg11[%dma_wait3A_260, %dma_wait3A_261] : memref<80x128xf32, #tpu.memory_space<vmem>> -> memref<80x128xf32, #tpu.memory_space<vmem>>
      %dma_wait3A_263 = arith.constant 0 : i32
      %dma_wait3A_264 = tpu.memref_slice %arg14[%add3A_117, %dma_wait3A_263] : memref<10112x128xf32, #tpu.memory_space<vmem_shared>> -> memref<80x128xf32, #tpu.memory_space<vmem_shared>>
      %dma_wait3A_265 = arith.constant 0 : i32
      %dma_wait3A_266 = arith.constant 0 : i32
      %dma_wait3A_267 = tpu.memref_slice %arg11[%dma_wait3A_265, %dma_wait3A_266] : memref<80x128xf32, #tpu.memory_space<vmem>> -> memref<80x128xf32, #tpu.memory_space<vmem>>
      %dma_wait3A_268 = arith.constant 0 : i32
      %dma_wait3A_269 = tpu.memref_slice %arg14[%add3A_117, %dma_wait3A_268] : memref<10112x128xf32, #tpu.memory_space<vmem_shared>> -> memref<80x128xf32, #tpu.memory_space<vmem_shared>>
      tpu.wait_dma2 semaphore(%run_scoped3A_249 : memref<!tpu.dma_semaphore, #tpu.memory_space<semaphore_mem>>) src(%dma_wait3A_269 : memref<80x128xf32, #tpu.memory_space<vmem_shared>>) dst(%dma_wait3A_267 : memref<80x128xf32, #tpu.memory_space<vmem>>)
      tpu.yield
    }) : () -> ()
    %run_scoped3A_118 = arith.constant 1 : i32
    "tpu.region"() ({
      %run_scoped3A_249 = tpu.sem_alloc : memref<!tpu.dma_semaphore, #tpu.memory_space<semaphore_mem>>
      %dma_start3A_250 = arith.constant 0 : i32
      %dma_start3A_251 = arith.constant 0 : i32
      %dma_start3A_252 = tpu.memref_slice %arg11[%dma_start3A_250, %dma_start3A_251] : memref<80x128xf32, #tpu.memory_space<vmem>> -> memref<80x128xf32, #tpu.memory_space<vmem>>
      %dma_start3A_253 = arith.constant 0 : i32
      %dma_start3A_254 = tpu.memref_slice %arg7[%run_scoped3A_118, %arg0, %add3A_117, %dma_start3A_253] : memref<4x2x10112x128xf32, #tpu.memory_space<hbm>> -> memref<1x1x80x128xf32, #tpu.memory_space<hbm>>
      %dma_start3A_255 = tpu.memref_squeeze %dma_start3A_254 : memref<1x1x80x128xf32, #tpu.memory_space<hbm>> -> memref<80x128xf32, #tpu.memory_space<hbm>>
      %dma_start3A_256 = arith.constant 0 : i32
      %dma_start3A_257 = tpu.memref_slice %arg7[%run_scoped3A_118, %arg0, %add3A_117, %dma_start3A_256] : memref<4x2x10112x128xf32, #tpu.memory_space<hbm>> -> memref<1x1x80x128xf32, #tpu.memory_space<hbm>>
      %dma_start3A_258 = tpu.memref_squeeze %dma_start3A_257 : memref<1x1x80x128xf32, #tpu.memory_space<hbm>> -> memref<80x128xf32, #tpu.memory_space<hbm>>
      %dma_start3A_259 = arith.constant 0 : i32
      %dma_start3A_260 = arith.constant 0 : i32
      %dma_start3A_261 = tpu.memref_slice %arg11[%dma_start3A_259, %dma_start3A_260] : memref<80x128xf32, #tpu.memory_space<vmem>> -> memref<80x128xf32, #tpu.memory_space<vmem>>
      tpu.enqueue_dma source(%dma_start3A_261 : memref<80x128xf32, #tpu.memory_space<vmem>>) target(%dma_start3A_258 : memref<80x128xf32, #tpu.memory_space<hbm>>) target_semaphore(%run_scoped3A_249 : memref<!tpu.dma_semaphore, #tpu.memory_space<semaphore_mem>>)
      %dma_wait3A_262 = arith.constant 0 : i32
      %dma_wait3A_263 = arith.constant 0 : i32
      %dma_wait3A_264 = tpu.memref_slice %arg11[%dma_wait3A_262, %dma_wait3A_263] : memref<80x128xf32, #tpu.memory_space<vmem>> -> memref<80x128xf32, #tpu.memory_space<vmem>>
      %dma_wait3A_265 = arith.constant 0 : i32
      %dma_wait3A_266 = tpu.memref_slice %arg7[%run_scoped3A_118, %arg0, %add3A_117, %dma_wait3A_265] : memref<4x2x10112x128xf32, #tpu.memory_space<hbm>> -> memref<1x1x80x128xf32, #tpu.memory_space<hbm>>
      %dma_wait3A_267 = tpu.memref_squeeze %dma_wait3A_266 : memref<1x1x80x128xf32, #tpu.memory_space<hbm>> -> memref<80x128xf32, #tpu.memory_space<hbm>>
      %dma_wait3A_268 = arith.constant 0 : i32
      %dma_wait3A_269 = tpu.memref_slice %arg7[%run_scoped3A_118, %arg0, %add3A_117, %dma_wait3A_268] : memref<4x2x10112x128xf32, #tpu.memory_space<hbm>> -> memref<1x1x80x128xf32, #tpu.memory_space<hbm>>
      %dma_wait3A_270 = tpu.memref_squeeze %dma_wait3A_269 : memref<1x1x80x128xf32, #tpu.memory_space<hbm>> -> memref<80x128xf32, #tpu.memory_space<hbm>>
      %dma_wait3A_271 = arith.constant 0 : i32
      %dma_wait3A_272 = arith.constant 0 : i32
      %dma_wait3A_273 = tpu.memref_slice %arg11[%dma_wait3A_271, %dma_wait3A_272] : memref<80x128xf32, #tpu.memory_space<vmem>> -> memref<80x128xf32, #tpu.memory_space<vmem>>
      tpu.wait_dma2 semaphore(%run_scoped3A_249 : memref<!tpu.dma_semaphore, #tpu.memory_space<semaphore_mem>>) src(%dma_wait3A_273 : memref<80x128xf32, #tpu.memory_space<vmem>>) dst(%dma_wait3A_270 : memref<80x128xf32, #tpu.memory_space<hbm>>)
      tpu.yield
    }) : () -> ()
    %add3A_119 = arith.constant 240 : i32
    %add3A_120 = arith.addi %mul3A_0, %add3A_119 : i32
    "tpu.region"() ({
      %run_scoped3A_249 = tpu.sem_alloc : memref<!tpu.dma_semaphore, #tpu.memory_space<semaphore_mem>>
      %dma_start3A_250 = arith.constant 0 : i32
      %dma_start3A_251 = arith.constant 0 : i32
      %dma_start3A_252 = tpu.memref_slice %arg11[%dma_start3A_250, %dma_start3A_251] : memref<80x128xf32, #tpu.memory_space<vmem>> -> memref<80x128xf32, #tpu.memory_space<vmem>>
      %dma_start3A_253 = arith.constant 0 : i32
      %dma_start3A_254 = tpu.memref_slice %arg14[%add3A_120, %dma_start3A_253] : memref<10112x128xf32, #tpu.memory_space<vmem_shared>> -> memref<80x128xf32, #tpu.memory_space<vmem_shared>>
      %dma_start3A_255 = arith.constant 0 : i32
      %dma_start3A_256 = arith.constant 0 : i32
      %dma_start3A_257 = tpu.memref_slice %arg11[%dma_start3A_255, %dma_start3A_256] : memref<80x128xf32, #tpu.memory_space<vmem>> -> memref<80x128xf32, #tpu.memory_space<vmem>>
      %dma_start3A_258 = arith.constant 0 : i32
      %dma_start3A_259 = tpu.memref_slice %arg14[%add3A_120, %dma_start3A_258] : memref<10112x128xf32, #tpu.memory_space<vmem_shared>> -> memref<80x128xf32, #tpu.memory_space<vmem_shared>>
      tpu.enqueue_dma source(%dma_start3A_259 : memref<80x128xf32, #tpu.memory_space<vmem_shared>>) target(%dma_start3A_257 : memref<80x128xf32, #tpu.memory_space<vmem>>) target_semaphore(%run_scoped3A_249 : memref<!tpu.dma_semaphore, #tpu.memory_space<semaphore_mem>>)
      %dma_wait3A_260 = arith.constant 0 : i32
      %dma_wait3A_261 = arith.constant 0 : i32
      %dma_wait3A_262 = tpu.memref_slice %arg11[%dma_wait3A_260, %dma_wait3A_261] : memref<80x128xf32, #tpu.memory_space<vmem>> -> memref<80x128xf32, #tpu.memory_space<vmem>>
      %dma_wait3A_263 = arith.constant 0 : i32
      %dma_wait3A_264 = tpu.memref_slice %arg14[%add3A_120, %dma_wait3A_263] : memref<10112x128xf32, #tpu.memory_space<vmem_shared>> -> memref<80x128xf32, #tpu.memory_space<vmem_shared>>
      %dma_wait3A_265 = arith.constant 0 : i32
      %dma_wait3A_266 = arith.constant 0 : i32
      %dma_wait3A_267 = tpu.memref_slice %arg11[%dma_wait3A_265, %dma_wait3A_266] : memref<80x128xf32, #tpu.memory_space<vmem>> -> memref<80x128xf32, #tpu.memory_space<vmem>>
      %dma_wait3A_268 = arith.constant 0 : i32
      %dma_wait3A_269 = tpu.memref_slice %arg14[%add3A_120, %dma_wait3A_268] : memref<10112x128xf32, #tpu.memory_space<vmem_shared>> -> memref<80x128xf32, #tpu.memory_space<vmem_shared>>
      tpu.wait_dma2 semaphore(%run_scoped3A_249 : memref<!tpu.dma_semaphore, #tpu.memory_space<semaphore_mem>>) src(%dma_wait3A_269 : memref<80x128xf32, #tpu.memory_space<vmem_shared>>) dst(%dma_wait3A_267 : memref<80x128xf32, #tpu.memory_space<vmem>>)
      tpu.yield
    }) : () -> ()
    %run_scoped3A_121 = arith.constant 1 : i32
    "tpu.region"() ({
      %run_scoped3A_249 = tpu.sem_alloc : memref<!tpu.dma_semaphore, #tpu.memory_space<semaphore_mem>>
      %dma_start3A_250 = arith.constant 0 : i32
      %dma_start3A_251 = arith.constant 0 : i32
      %dma_start3A_252 = tpu.memref_slice %arg11[%dma_start3A_250, %dma_start3A_251] : memref<80x128xf32, #tpu.memory_space<vmem>> -> memref<80x128xf32, #tpu.memory_space<vmem>>
      %dma_start3A_253 = arith.constant 0 : i32
      %dma_start3A_254 = tpu.memref_slice %arg7[%run_scoped3A_121, %arg0, %add3A_120, %dma_start3A_253] : memref<4x2x10112x128xf32, #tpu.memory_space<hbm>> -> memref<1x1x80x128xf32, #tpu.memory_space<hbm>>
      %dma_start3A_255 = tpu.memref_squeeze %dma_start3A_254 : memref<1x1x80x128xf32, #tpu.memory_space<hbm>> -> memref<80x128xf32, #tpu.memory_space<hbm>>
      %dma_start3A_256 = arith.constant 0 : i32
      %dma_start3A_257 = tpu.memref_slice %arg7[%run_scoped3A_121, %arg0, %add3A_120, %dma_start3A_256] : memref<4x2x10112x128xf32, #tpu.memory_space<hbm>> -> memref<1x1x80x128xf32, #tpu.memory_space<hbm>>
      %dma_start3A_258 = tpu.memref_squeeze %dma_start3A_257 : memref<1x1x80x128xf32, #tpu.memory_space<hbm>> -> memref<80x128xf32, #tpu.memory_space<hbm>>
      %dma_start3A_259 = arith.constant 0 : i32
      %dma_start3A_260 = arith.constant 0 : i32
      %dma_start3A_261 = tpu.memref_slice %arg11[%dma_start3A_259, %dma_start3A_260] : memref<80x128xf32, #tpu.memory_space<vmem>> -> memref<80x128xf32, #tpu.memory_space<vmem>>
      tpu.enqueue_dma source(%dma_start3A_261 : memref<80x128xf32, #tpu.memory_space<vmem>>) target(%dma_start3A_258 : memref<80x128xf32, #tpu.memory_space<hbm>>) target_semaphore(%run_scoped3A_249 : memref<!tpu.dma_semaphore, #tpu.memory_space<semaphore_mem>>)
      %dma_wait3A_262 = arith.constant 0 : i32
      %dma_wait3A_263 = arith.constant 0 : i32
      %dma_wait3A_264 = tpu.memref_slice %arg11[%dma_wait3A_262, %dma_wait3A_263] : memref<80x128xf32, #tpu.memory_space<vmem>> -> memref<80x128xf32, #tpu.memory_space<vmem>>
      %dma_wait3A_265 = arith.constant 0 : i32
      %dma_wait3A_266 = tpu.memref_slice %arg7[%run_scoped3A_121, %arg0, %add3A_120, %dma_wait3A_265] : memref<4x2x10112x128xf32, #tpu.memory_space<hbm>> -> memref<1x1x80x128xf32, #tpu.memory_space<hbm>>
      %dma_wait3A_267 = tpu.memref_squeeze %dma_wait3A_266 : memref<1x1x80x128xf32, #tpu.memory_space<hbm>> -> memref<80x128xf32, #tpu.memory_space<hbm>>
      %dma_wait3A_268 = arith.constant 0 : i32
      %dma_wait3A_269 = tpu.memref_slice %arg7[%run_scoped3A_121, %arg0, %add3A_120, %dma_wait3A_268] : memref<4x2x10112x128xf32, #tpu.memory_space<hbm>> -> memref<1x1x80x128xf32, #tpu.memory_space<hbm>>
      %dma_wait3A_270 = tpu.memref_squeeze %dma_wait3A_269 : memref<1x1x80x128xf32, #tpu.memory_space<hbm>> -> memref<80x128xf32, #tpu.memory_space<hbm>>
      %dma_wait3A_271 = arith.constant 0 : i32
      %dma_wait3A_272 = arith.constant 0 : i32
      %dma_wait3A_273 = tpu.memref_slice %arg11[%dma_wait3A_271, %dma_wait3A_272] : memref<80x128xf32, #tpu.memory_space<vmem>> -> memref<80x128xf32, #tpu.memory_space<vmem>>
      tpu.wait_dma2 semaphore(%run_scoped3A_249 : memref<!tpu.dma_semaphore, #tpu.memory_space<semaphore_mem>>) src(%dma_wait3A_273 : memref<80x128xf32, #tpu.memory_space<vmem>>) dst(%dma_wait3A_270 : memref<80x128xf32, #tpu.memory_space<hbm>>)
      tpu.yield
    }) : () -> ()
    %add3A_122 = arith.constant 320 : i32
    %add3A_123 = arith.addi %mul3A_0, %add3A_122 : i32
    "tpu.region"() ({
      %run_scoped3A_249 = tpu.sem_alloc : memref<!tpu.dma_semaphore, #tpu.memory_space<semaphore_mem>>
      %dma_start3A_250 = arith.constant 0 : i32
      %dma_start3A_251 = arith.constant 0 : i32
      %dma_start3A_252 = tpu.memref_slice %arg11[%dma_start3A_250, %dma_start3A_251] : memref<80x128xf32, #tpu.memory_space<vmem>> -> memref<80x128xf32, #tpu.memory_space<vmem>>
      %dma_start3A_253 = arith.constant 0 : i32
      %dma_start3A_254 = tpu.memref_slice %arg14[%add3A_123, %dma_start3A_253] : memref<10112x128xf32, #tpu.memory_space<vmem_shared>> -> memref<80x128xf32, #tpu.memory_space<vmem_shared>>
      %dma_start3A_255 = arith.constant 0 : i32
      %dma_start3A_256 = arith.constant 0 : i32
      %dma_start3A_257 = tpu.memref_slice %arg11[%dma_start3A_255, %dma_start3A_256] : memref<80x128xf32, #tpu.memory_space<vmem>> -> memref<80x128xf32, #tpu.memory_space<vmem>>
      %dma_start3A_258 = arith.constant 0 : i32
      %dma_start3A_259 = tpu.memref_slice %arg14[%add3A_123, %dma_start3A_258] : memref<10112x128xf32, #tpu.memory_space<vmem_shared>> -> memref<80x128xf32, #tpu.memory_space<vmem_shared>>
      tpu.enqueue_dma source(%dma_start3A_259 : memref<80x128xf32, #tpu.memory_space<vmem_shared>>) target(%dma_start3A_257 : memref<80x128xf32, #tpu.memory_space<vmem>>) target_semaphore(%run_scoped3A_249 : memref<!tpu.dma_semaphore, #tpu.memory_space<semaphore_mem>>)
      %dma_wait3A_260 = arith.constant 0 : i32
      %dma_wait3A_261 = arith.constant 0 : i32
      %dma_wait3A_262 = tpu.memref_slice %arg11[%dma_wait3A_260, %dma_wait3A_261] : memref<80x128xf32, #tpu.memory_space<vmem>> -> memref<80x128xf32, #tpu.memory_space<vmem>>
      %dma_wait3A_263 = arith.constant 0 : i32
      %dma_wait3A_264 = tpu.memref_slice %arg14[%add3A_123, %dma_wait3A_263] : memref<10112x128xf32, #tpu.memory_space<vmem_shared>> -> memref<80x128xf32, #tpu.memory_space<vmem_shared>>
      %dma_wait3A_265 = arith.constant 0 : i32
      %dma_wait3A_266 = arith.constant 0 : i32
      %dma_wait3A_267 = tpu.memref_slice %arg11[%dma_wait3A_265, %dma_wait3A_266] : memref<80x128xf32, #tpu.memory_space<vmem>> -> memref<80x128xf32, #tpu.memory_space<vmem>>
      %dma_wait3A_268 = arith.constant 0 : i32
      %dma_wait3A_269 = tpu.memref_slice %arg14[%add3A_123, %dma_wait3A_268] : memref<10112x128xf32, #tpu.memory_space<vmem_shared>> -> memref<80x128xf32, #tpu.memory_space<vmem_shared>>
      tpu.wait_dma2 semaphore(%run_scoped3A_249 : memref<!tpu.dma_semaphore, #tpu.memory_space<semaphore_mem>>) src(%dma_wait3A_269 : memref<80x128xf32, #tpu.memory_space<vmem_shared>>) dst(%dma_wait3A_267 : memref<80x128xf32, #tpu.memory_space<vmem>>)
      tpu.yield
    }) : () -> ()
    %run_scoped3A_124 = arith.constant 1 : i32
    "tpu.region"() ({
      %run_scoped3A_249 = tpu.sem_alloc : memref<!tpu.dma_semaphore, #tpu.memory_space<semaphore_mem>>
      %dma_start3A_250 = arith.constant 0 : i32
      %dma_start3A_251 = arith.constant 0 : i32
      %dma_start3A_252 = tpu.memref_slice %arg11[%dma_start3A_250, %dma_start3A_251] : memref<80x128xf32, #tpu.memory_space<vmem>> -> memref<80x128xf32, #tpu.memory_space<vmem>>
      %dma_start3A_253 = arith.constant 0 : i32
      %dma_start3A_254 = tpu.memref_slice %arg7[%run_scoped3A_124, %arg0, %add3A_123, %dma_start3A_253] : memref<4x2x10112x128xf32, #tpu.memory_space<hbm>> -> memref<1x1x80x128xf32, #tpu.memory_space<hbm>>
      %dma_start3A_255 = tpu.memref_squeeze %dma_start3A_254 : memref<1x1x80x128xf32, #tpu.memory_space<hbm>> -> memref<80x128xf32, #tpu.memory_space<hbm>>
      %dma_start3A_256 = arith.constant 0 : i32
      %dma_start3A_257 = tpu.memref_slice %arg7[%run_scoped3A_124, %arg0, %add3A_123, %dma_start3A_256] : memref<4x2x10112x128xf32, #tpu.memory_space<hbm>> -> memref<1x1x80x128xf32, #tpu.memory_space<hbm>>
      %dma_start3A_258 = tpu.memref_squeeze %dma_start3A_257 : memref<1x1x80x128xf32, #tpu.memory_space<hbm>> -> memref<80x128xf32, #tpu.memory_space<hbm>>
      %dma_start3A_259 = arith.constant 0 : i32
      %dma_start3A_260 = arith.constant 0 : i32
      %dma_start3A_261 = tpu.memref_slice %arg11[%dma_start3A_259, %dma_start3A_260] : memref<80x128xf32, #tpu.memory_space<vmem>> -> memref<80x128xf32, #tpu.memory_space<vmem>>
      tpu.enqueue_dma source(%dma_start3A_261 : memref<80x128xf32, #tpu.memory_space<vmem>>) target(%dma_start3A_258 : memref<80x128xf32, #tpu.memory_space<hbm>>) target_semaphore(%run_scoped3A_249 : memref<!tpu.dma_semaphore, #tpu.memory_space<semaphore_mem>>)
      %dma_wait3A_262 = arith.constant 0 : i32
      %dma_wait3A_263 = arith.constant 0 : i32
      %dma_wait3A_264 = tpu.memref_slice %arg11[%dma_wait3A_262, %dma_wait3A_263] : memref<80x128xf32, #tpu.memory_space<vmem>> -> memref<80x128xf32, #tpu.memory_space<vmem>>
      %dma_wait3A_265 = arith.constant 0 : i32
      %dma_wait3A_266 = tpu.memref_slice %arg7[%run_scoped3A_124, %arg0, %add3A_123, %dma_wait3A_265] : memref<4x2x10112x128xf32, #tpu.memory_space<hbm>> -> memref<1x1x80x128xf32, #tpu.memory_space<hbm>>
      %dma_wait3A_267 = tpu.memref_squeeze %dma_wait3A_266 : memref<1x1x80x128xf32, #tpu.memory_space<hbm>> -> memref<80x128xf32, #tpu.memory_space<hbm>>
      %dma_wait3A_268 = arith.constant 0 : i32
      %dma_wait3A_269 = tpu.memref_slice %arg7[%run_scoped3A_124, %arg0, %add3A_123, %dma_wait3A_268] : memref<4x2x10112x128xf32, #tpu.memory_space<hbm>> -> memref<1x1x80x128xf32, #tpu.memory_space<hbm>>
      %dma_wait3A_270 = tpu.memref_squeeze %dma_wait3A_269 : memref<1x1x80x128xf32, #tpu.memory_space<hbm>> -> memref<80x128xf32, #tpu.memory_space<hbm>>
      %dma_wait3A_271 = arith.constant 0 : i32
      %dma_wait3A_272 = arith.constant 0 : i32
      %dma_wait3A_273 = tpu.memref_slice %arg11[%dma_wait3A_271, %dma_wait3A_272] : memref<80x128xf32, #tpu.memory_space<vmem>> -> memref<80x128xf32, #tpu.memory_space<vmem>>
      tpu.wait_dma2 semaphore(%run_scoped3A_249 : memref<!tpu.dma_semaphore, #tpu.memory_space<semaphore_mem>>) src(%dma_wait3A_273 : memref<80x128xf32, #tpu.memory_space<vmem>>) dst(%dma_wait3A_270 : memref<80x128xf32, #tpu.memory_space<hbm>>)
      tpu.yield
    }) : () -> ()
    %add3A_125 = arith.constant 400 : i32
    %add3A_126 = arith.addi %mul3A_0, %add3A_125 : i32
    "tpu.region"() ({
      %run_scoped3A_249 = tpu.sem_alloc : memref<!tpu.dma_semaphore, #tpu.memory_space<semaphore_mem>>
      %dma_start3A_250 = arith.constant 0 : i32
      %dma_start3A_251 = arith.constant 0 : i32
      %dma_start3A_252 = tpu.memref_slice %arg11[%dma_start3A_250, %dma_start3A_251] : memref<80x128xf32, #tpu.memory_space<vmem>> -> memref<80x128xf32, #tpu.memory_space<vmem>>
      %dma_start3A_253 = arith.constant 0 : i32
      %dma_start3A_254 = tpu.memref_slice %arg14[%add3A_126, %dma_start3A_253] : memref<10112x128xf32, #tpu.memory_space<vmem_shared>> -> memref<80x128xf32, #tpu.memory_space<vmem_shared>>
      %dma_start3A_255 = arith.constant 0 : i32
      %dma_start3A_256 = arith.constant 0 : i32
      %dma_start3A_257 = tpu.memref_slice %arg11[%dma_start3A_255, %dma_start3A_256] : memref<80x128xf32, #tpu.memory_space<vmem>> -> memref<80x128xf32, #tpu.memory_space<vmem>>
      %dma_start3A_258 = arith.constant 0 : i32
      %dma_start3A_259 = tpu.memref_slice %arg14[%add3A_126, %dma_start3A_258] : memref<10112x128xf32, #tpu.memory_space<vmem_shared>> -> memref<80x128xf32, #tpu.memory_space<vmem_shared>>
      tpu.enqueue_dma source(%dma_start3A_259 : memref<80x128xf32, #tpu.memory_space<vmem_shared>>) target(%dma_start3A_257 : memref<80x128xf32, #tpu.memory_space<vmem>>) target_semaphore(%run_scoped3A_249 : memref<!tpu.dma_semaphore, #tpu.memory_space<semaphore_mem>>)
      %dma_wait3A_260 = arith.constant 0 : i32
      %dma_wait3A_261 = arith.constant 0 : i32
      %dma_wait3A_262 = tpu.memref_slice %arg11[%dma_wait3A_260, %dma_wait3A_261] : memref<80x128xf32, #tpu.memory_space<vmem>> -> memref<80x128xf32, #tpu.memory_space<vmem>>
      %dma_wait3A_263 = arith.constant 0 : i32
      %dma_wait3A_264 = tpu.memref_slice %arg14[%add3A_126, %dma_wait3A_263] : memref<10112x128xf32, #tpu.memory_space<vmem_shared>> -> memref<80x128xf32, #tpu.memory_space<vmem_shared>>
      %dma_wait3A_265 = arith.constant 0 : i32
      %dma_wait3A_266 = arith.constant 0 : i32
      %dma_wait3A_267 = tpu.memref_slice %arg11[%dma_wait3A_265, %dma_wait3A_266] : memref<80x128xf32, #tpu.memory_space<vmem>> -> memref<80x128xf32, #tpu.memory_space<vmem>>
      %dma_wait3A_268 = arith.constant 0 : i32
      %dma_wait3A_269 = tpu.memref_slice %arg14[%add3A_126, %dma_wait3A_268] : memref<10112x128xf32, #tpu.memory_space<vmem_shared>> -> memref<80x128xf32, #tpu.memory_space<vmem_shared>>
      tpu.wait_dma2 semaphore(%run_scoped3A_249 : memref<!tpu.dma_semaphore, #tpu.memory_space<semaphore_mem>>) src(%dma_wait3A_269 : memref<80x128xf32, #tpu.memory_space<vmem_shared>>) dst(%dma_wait3A_267 : memref<80x128xf32, #tpu.memory_space<vmem>>)
      tpu.yield
    }) : () -> ()
    %run_scoped3A_127 = arith.constant 1 : i32
    "tpu.region"() ({
      %run_scoped3A_249 = tpu.sem_alloc : memref<!tpu.dma_semaphore, #tpu.memory_space<semaphore_mem>>
      %dma_start3A_250 = arith.constant 0 : i32
      %dma_start3A_251 = arith.constant 0 : i32
      %dma_start3A_252 = tpu.memref_slice %arg11[%dma_start3A_250, %dma_start3A_251] : memref<80x128xf32, #tpu.memory_space<vmem>> -> memref<80x128xf32, #tpu.memory_space<vmem>>
      %dma_start3A_253 = arith.constant 0 : i32
      %dma_start3A_254 = tpu.memref_slice %arg7[%run_scoped3A_127, %arg0, %add3A_126, %dma_start3A_253] : memref<4x2x10112x128xf32, #tpu.memory_space<hbm>> -> memref<1x1x80x128xf32, #tpu.memory_space<hbm>>
      %dma_start3A_255 = tpu.memref_squeeze %dma_start3A_254 : memref<1x1x80x128xf32, #tpu.memory_space<hbm>> -> memref<80x128xf32, #tpu.memory_space<hbm>>
      %dma_start3A_256 = arith.constant 0 : i32
      %dma_start3A_257 = tpu.memref_slice %arg7[%run_scoped3A_127, %arg0, %add3A_126, %dma_start3A_256] : memref<4x2x10112x128xf32, #tpu.memory_space<hbm>> -> memref<1x1x80x128xf32, #tpu.memory_space<hbm>>
      %dma_start3A_258 = tpu.memref_squeeze %dma_start3A_257 : memref<1x1x80x128xf32, #tpu.memory_space<hbm>> -> memref<80x128xf32, #tpu.memory_space<hbm>>
      %dma_start3A_259 = arith.constant 0 : i32
      %dma_start3A_260 = arith.constant 0 : i32
      %dma_start3A_261 = tpu.memref_slice %arg11[%dma_start3A_259, %dma_start3A_260] : memref<80x128xf32, #tpu.memory_space<vmem>> -> memref<80x128xf32, #tpu.memory_space<vmem>>
      tpu.enqueue_dma source(%dma_start3A_261 : memref<80x128xf32, #tpu.memory_space<vmem>>) target(%dma_start3A_258 : memref<80x128xf32, #tpu.memory_space<hbm>>) target_semaphore(%run_scoped3A_249 : memref<!tpu.dma_semaphore, #tpu.memory_space<semaphore_mem>>)
      %dma_wait3A_262 = arith.constant 0 : i32
      %dma_wait3A_263 = arith.constant 0 : i32
      %dma_wait3A_264 = tpu.memref_slice %arg11[%dma_wait3A_262, %dma_wait3A_263] : memref<80x128xf32, #tpu.memory_space<vmem>> -> memref<80x128xf32, #tpu.memory_space<vmem>>
      %dma_wait3A_265 = arith.constant 0 : i32
      %dma_wait3A_266 = tpu.memref_slice %arg7[%run_scoped3A_127, %arg0, %add3A_126, %dma_wait3A_265] : memref<4x2x10112x128xf32, #tpu.memory_space<hbm>> -> memref<1x1x80x128xf32, #tpu.memory_space<hbm>>
      %dma_wait3A_267 = tpu.memref_squeeze %dma_wait3A_266 : memref<1x1x80x128xf32, #tpu.memory_space<hbm>> -> memref<80x128xf32, #tpu.memory_space<hbm>>
      %dma_wait3A_268 = arith.constant 0 : i32
      %dma_wait3A_269 = tpu.memref_slice %arg7[%run_scoped3A_127, %arg0, %add3A_126, %dma_wait3A_268] : memref<4x2x10112x128xf32, #tpu.memory_space<hbm>> -> memref<1x1x80x128xf32, #tpu.memory_space<hbm>>
      %dma_wait3A_270 = tpu.memref_squeeze %dma_wait3A_269 : memref<1x1x80x128xf32, #tpu.memory_space<hbm>> -> memref<80x128xf32, #tpu.memory_space<hbm>>
      %dma_wait3A_271 = arith.constant 0 : i32
      %dma_wait3A_272 = arith.constant 0 : i32
      %dma_wait3A_273 = tpu.memref_slice %arg11[%dma_wait3A_271, %dma_wait3A_272] : memref<80x128xf32, #tpu.memory_space<vmem>> -> memref<80x128xf32, #tpu.memory_space<vmem>>
      tpu.wait_dma2 semaphore(%run_scoped3A_249 : memref<!tpu.dma_semaphore, #tpu.memory_space<semaphore_mem>>) src(%dma_wait3A_273 : memref<80x128xf32, #tpu.memory_space<vmem>>) dst(%dma_wait3A_270 : memref<80x128xf32, #tpu.memory_space<hbm>>)
      tpu.yield
    }) : () -> ()
    %add3A_128 = arith.constant 480 : i32
    %add3A_129 = arith.addi %mul3A_0, %add3A_128 : i32
    "tpu.region"() ({
      %run_scoped3A_249 = tpu.sem_alloc : memref<!tpu.dma_semaphore, #tpu.memory_space<semaphore_mem>>
      %dma_start3A_250 = arith.constant 0 : i32
      %dma_start3A_251 = arith.constant 0 : i32
      %dma_start3A_252 = tpu.memref_slice %arg11[%dma_start3A_250, %dma_start3A_251] : memref<80x128xf32, #tpu.memory_space<vmem>> -> memref<80x128xf32, #tpu.memory_space<vmem>>
      %dma_start3A_253 = arith.constant 0 : i32
      %dma_start3A_254 = tpu.memref_slice %arg14[%add3A_129, %dma_start3A_253] : memref<10112x128xf32, #tpu.memory_space<vmem_shared>> -> memref<80x128xf32, #tpu.memory_space<vmem_shared>>
      %dma_start3A_255 = arith.constant 0 : i32
      %dma_start3A_256 = arith.constant 0 : i32
      %dma_start3A_257 = tpu.memref_slice %arg11[%dma_start3A_255, %dma_start3A_256] : memref<80x128xf32, #tpu.memory_space<vmem>> -> memref<80x128xf32, #tpu.memory_space<vmem>>
      %dma_start3A_258 = arith.constant 0 : i32
      %dma_start3A_259 = tpu.memref_slice %arg14[%add3A_129, %dma_start3A_258] : memref<10112x128xf32, #tpu.memory_space<vmem_shared>> -> memref<80x128xf32, #tpu.memory_space<vmem_shared>>
      tpu.enqueue_dma source(%dma_start3A_259 : memref<80x128xf32, #tpu.memory_space<vmem_shared>>) target(%dma_start3A_257 : memref<80x128xf32, #tpu.memory_space<vmem>>) target_semaphore(%run_scoped3A_249 : memref<!tpu.dma_semaphore, #tpu.memory_space<semaphore_mem>>)
      %dma_wait3A_260 = arith.constant 0 : i32
      %dma_wait3A_261 = arith.constant 0 : i32
      %dma_wait3A_262 = tpu.memref_slice %arg11[%dma_wait3A_260, %dma_wait3A_261] : memref<80x128xf32, #tpu.memory_space<vmem>> -> memref<80x128xf32, #tpu.memory_space<vmem>>
      %dma_wait3A_263 = arith.constant 0 : i32
      %dma_wait3A_264 = tpu.memref_slice %arg14[%add3A_129, %dma_wait3A_263] : memref<10112x128xf32, #tpu.memory_space<vmem_shared>> -> memref<80x128xf32, #tpu.memory_space<vmem_shared>>
      %dma_wait3A_265 = arith.constant 0 : i32
      %dma_wait3A_266 = arith.constant 0 : i32
      %dma_wait3A_267 = tpu.memref_slice %arg11[%dma_wait3A_265, %dma_wait3A_266] : memref<80x128xf32, #tpu.memory_space<vmem>> -> memref<80x128xf32, #tpu.memory_space<vmem>>
      %dma_wait3A_268 = arith.constant 0 : i32
      %dma_wait3A_269 = tpu.memref_slice %arg14[%add3A_129, %dma_wait3A_268] : memref<10112x128xf32, #tpu.memory_space<vmem_shared>> -> memref<80x128xf32, #tpu.memory_space<vmem_shared>>
      tpu.wait_dma2 semaphore(%run_scoped3A_249 : memref<!tpu.dma_semaphore, #tpu.memory_space<semaphore_mem>>) src(%dma_wait3A_269 : memref<80x128xf32, #tpu.memory_space<vmem_shared>>) dst(%dma_wait3A_267 : memref<80x128xf32, #tpu.memory_space<vmem>>)
      tpu.yield
    }) : () -> ()
    %run_scoped3A_130 = arith.constant 1 : i32
    "tpu.region"() ({
      %run_scoped3A_249 = tpu.sem_alloc : memref<!tpu.dma_semaphore, #tpu.memory_space<semaphore_mem>>
      %dma_start3A_250 = arith.constant 0 : i32
      %dma_start3A_251 = arith.constant 0 : i32
      %dma_start3A_252 = tpu.memref_slice %arg11[%dma_start3A_250, %dma_start3A_251] : memref<80x128xf32, #tpu.memory_space<vmem>> -> memref<80x128xf32, #tpu.memory_space<vmem>>
      %dma_start3A_253 = arith.constant 0 : i32
      %dma_start3A_254 = tpu.memref_slice %arg7[%run_scoped3A_130, %arg0, %add3A_129, %dma_start3A_253] : memref<4x2x10112x128xf32, #tpu.memory_space<hbm>> -> memref<1x1x80x128xf32, #tpu.memory_space<hbm>>
      %dma_start3A_255 = tpu.memref_squeeze %dma_start3A_254 : memref<1x1x80x128xf32, #tpu.memory_space<hbm>> -> memref<80x128xf32, #tpu.memory_space<hbm>>
      %dma_start3A_256 = arith.constant 0 : i32
      %dma_start3A_257 = tpu.memref_slice %arg7[%run_scoped3A_130, %arg0, %add3A_129, %dma_start3A_256] : memref<4x2x10112x128xf32, #tpu.memory_space<hbm>> -> memref<1x1x80x128xf32, #tpu.memory_space<hbm>>
      %dma_start3A_258 = tpu.memref_squeeze %dma_start3A_257 : memref<1x1x80x128xf32, #tpu.memory_space<hbm>> -> memref<80x128xf32, #tpu.memory_space<hbm>>
      %dma_start3A_259 = arith.constant 0 : i32
      %dma_start3A_260 = arith.constant 0 : i32
      %dma_start3A_261 = tpu.memref_slice %arg11[%dma_start3A_259, %dma_start3A_260] : memref<80x128xf32, #tpu.memory_space<vmem>> -> memref<80x128xf32, #tpu.memory_space<vmem>>
      tpu.enqueue_dma source(%dma_start3A_261 : memref<80x128xf32, #tpu.memory_space<vmem>>) target(%dma_start3A_258 : memref<80x128xf32, #tpu.memory_space<hbm>>) target_semaphore(%run_scoped3A_249 : memref<!tpu.dma_semaphore, #tpu.memory_space<semaphore_mem>>)
      %dma_wait3A_262 = arith.constant 0 : i32
      %dma_wait3A_263 = arith.constant 0 : i32
      %dma_wait3A_264 = tpu.memref_slice %arg11[%dma_wait3A_262, %dma_wait3A_263] : memref<80x128xf32, #tpu.memory_space<vmem>> -> memref<80x128xf32, #tpu.memory_space<vmem>>
      %dma_wait3A_265 = arith.constant 0 : i32
      %dma_wait3A_266 = tpu.memref_slice %arg7[%run_scoped3A_130, %arg0, %add3A_129, %dma_wait3A_265] : memref<4x2x10112x128xf32, #tpu.memory_space<hbm>> -> memref<1x1x80x128xf32, #tpu.memory_space<hbm>>
      %dma_wait3A_267 = tpu.memref_squeeze %dma_wait3A_266 : memref<1x1x80x128xf32, #tpu.memory_space<hbm>> -> memref<80x128xf32, #tpu.memory_space<hbm>>
      %dma_wait3A_268 = arith.constant 0 : i32
      %dma_wait3A_269 = tpu.memref_slice %arg7[%run_scoped3A_130, %arg0, %add3A_129, %dma_wait3A_268] : memref<4x2x10112x128xf32, #tpu.memory_space<hbm>> -> memref<1x1x80x128xf32, #tpu.memory_space<hbm>>
      %dma_wait3A_270 = tpu.memref_squeeze %dma_wait3A_269 : memref<1x1x80x128xf32, #tpu.memory_space<hbm>> -> memref<80x128xf32, #tpu.memory_space<hbm>>
      %dma_wait3A_271 = arith.constant 0 : i32
      %dma_wait3A_272 = arith.constant 0 : i32
      %dma_wait3A_273 = tpu.memref_slice %arg11[%dma_wait3A_271, %dma_wait3A_272] : memref<80x128xf32, #tpu.memory_space<vmem>> -> memref<80x128xf32, #tpu.memory_space<vmem>>
      tpu.wait_dma2 semaphore(%run_scoped3A_249 : memref<!tpu.dma_semaphore, #tpu.memory_space<semaphore_mem>>) src(%dma_wait3A_273 : memref<80x128xf32, #tpu.memory_space<vmem>>) dst(%dma_wait3A_270 : memref<80x128xf32, #tpu.memory_space<hbm>>)
      tpu.yield
    }) : () -> ()
    %add3A_131 = arith.constant 560 : i32
    %add3A_132 = arith.addi %mul3A_0, %add3A_131 : i32
    "tpu.region"() ({
      %run_scoped3A_249 = tpu.sem_alloc : memref<!tpu.dma_semaphore, #tpu.memory_space<semaphore_mem>>
      %dma_start3A_250 = arith.constant 0 : i32
      %dma_start3A_251 = arith.constant 0 : i32
      %dma_start3A_252 = tpu.memref_slice %arg11[%dma_start3A_250, %dma_start3A_251] : memref<80x128xf32, #tpu.memory_space<vmem>> -> memref<72x128xf32, #tpu.memory_space<vmem>>
      %dma_start3A_253 = arith.constant 0 : i32
      %dma_start3A_254 = tpu.memref_slice %arg14[%add3A_132, %dma_start3A_253] : memref<10112x128xf32, #tpu.memory_space<vmem_shared>> -> memref<72x128xf32, #tpu.memory_space<vmem_shared>>
      %dma_start3A_255 = arith.constant 0 : i32
      %dma_start3A_256 = arith.constant 0 : i32
      %dma_start3A_257 = tpu.memref_slice %arg11[%dma_start3A_255, %dma_start3A_256] : memref<80x128xf32, #tpu.memory_space<vmem>> -> memref<72x128xf32, #tpu.memory_space<vmem>>
      %dma_start3A_258 = arith.constant 0 : i32
      %dma_start3A_259 = tpu.memref_slice %arg14[%add3A_132, %dma_start3A_258] : memref<10112x128xf32, #tpu.memory_space<vmem_shared>> -> memref<72x128xf32, #tpu.memory_space<vmem_shared>>
      tpu.enqueue_dma source(%dma_start3A_259 : memref<72x128xf32, #tpu.memory_space<vmem_shared>>) target(%dma_start3A_257 : memref<72x128xf32, #tpu.memory_space<vmem>>) target_semaphore(%run_scoped3A_249 : memref<!tpu.dma_semaphore, #tpu.memory_space<semaphore_mem>>)
      %dma_wait3A_260 = arith.constant 0 : i32
      %dma_wait3A_261 = arith.constant 0 : i32
      %dma_wait3A_262 = tpu.memref_slice %arg11[%dma_wait3A_260, %dma_wait3A_261] : memref<80x128xf32, #tpu.memory_space<vmem>> -> memref<72x128xf32, #tpu.memory_space<vmem>>
      %dma_wait3A_263 = arith.constant 0 : i32
      %dma_wait3A_264 = tpu.memref_slice %arg14[%add3A_132, %dma_wait3A_263] : memref<10112x128xf32, #tpu.memory_space<vmem_shared>> -> memref<72x128xf32, #tpu.memory_space<vmem_shared>>
      %dma_wait3A_265 = arith.constant 0 : i32
      %dma_wait3A_266 = arith.constant 0 : i32
      %dma_wait3A_267 = tpu.memref_slice %arg11[%dma_wait3A_265, %dma_wait3A_266] : memref<80x128xf32, #tpu.memory_space<vmem>> -> memref<72x128xf32, #tpu.memory_space<vmem>>
      %dma_wait3A_268 = arith.constant 0 : i32
      %dma_wait3A_269 = tpu.memref_slice %arg14[%add3A_132, %dma_wait3A_268] : memref<10112x128xf32, #tpu.memory_space<vmem_shared>> -> memref<72x128xf32, #tpu.memory_space<vmem_shared>>
      tpu.wait_dma2 semaphore(%run_scoped3A_249 : memref<!tpu.dma_semaphore, #tpu.memory_space<semaphore_mem>>) src(%dma_wait3A_269 : memref<72x128xf32, #tpu.memory_space<vmem_shared>>) dst(%dma_wait3A_267 : memref<72x128xf32, #tpu.memory_space<vmem>>)
      tpu.yield
    }) : () -> ()
    %run_scoped3A_133 = arith.constant 1 : i32
    "tpu.region"() ({
      %run_scoped3A_249 = tpu.sem_alloc : memref<!tpu.dma_semaphore, #tpu.memory_space<semaphore_mem>>
      %dma_start3A_250 = arith.constant 0 : i32
      %dma_start3A_251 = arith.constant 0 : i32
      %dma_start3A_252 = tpu.memref_slice %arg11[%dma_start3A_250, %dma_start3A_251] : memref<80x128xf32, #tpu.memory_space<vmem>> -> memref<72x128xf32, #tpu.memory_space<vmem>>
      %dma_start3A_253 = arith.constant 0 : i32
      %dma_start3A_254 = tpu.memref_slice %arg7[%run_scoped3A_133, %arg0, %add3A_132, %dma_start3A_253] : memref<4x2x10112x128xf32, #tpu.memory_space<hbm>> -> memref<1x1x72x128xf32, #tpu.memory_space<hbm>>
      %dma_start3A_255 = tpu.memref_squeeze %dma_start3A_254 : memref<1x1x72x128xf32, #tpu.memory_space<hbm>> -> memref<72x128xf32, #tpu.memory_space<hbm>>
      %dma_start3A_256 = arith.constant 0 : i32
      %dma_start3A_257 = tpu.memref_slice %arg7[%run_scoped3A_133, %arg0, %add3A_132, %dma_start3A_256] : memref<4x2x10112x128xf32, #tpu.memory_space<hbm>> -> memref<1x1x72x128xf32, #tpu.memory_space<hbm>>
      %dma_start3A_258 = tpu.memref_squeeze %dma_start3A_257 : memref<1x1x72x128xf32, #tpu.memory_space<hbm>> -> memref<72x128xf32, #tpu.memory_space<hbm>>
      %dma_start3A_259 = arith.constant 0 : i32
      %dma_start3A_260 = arith.constant 0 : i32
      %dma_start3A_261 = tpu.memref_slice %arg11[%dma_start3A_259, %dma_start3A_260] : memref<80x128xf32, #tpu.memory_space<vmem>> -> memref<72x128xf32, #tpu.memory_space<vmem>>
      tpu.enqueue_dma source(%dma_start3A_261 : memref<72x128xf32, #tpu.memory_space<vmem>>) target(%dma_start3A_258 : memref<72x128xf32, #tpu.memory_space<hbm>>) target_semaphore(%run_scoped3A_249 : memref<!tpu.dma_semaphore, #tpu.memory_space<semaphore_mem>>)
      %dma_wait3A_262 = arith.constant 0 : i32
      %dma_wait3A_263 = arith.constant 0 : i32
      %dma_wait3A_264 = tpu.memref_slice %arg11[%dma_wait3A_262, %dma_wait3A_263] : memref<80x128xf32, #tpu.memory_space<vmem>> -> memref<72x128xf32, #tpu.memory_space<vmem>>
      %dma_wait3A_265 = arith.constant 0 : i32
      %dma_wait3A_266 = tpu.memref_slice %arg7[%run_scoped3A_133, %arg0, %add3A_132, %dma_wait3A_265] : memref<4x2x10112x128xf32, #tpu.memory_space<hbm>> -> memref<1x1x72x128xf32, #tpu.memory_space<hbm>>
      %dma_wait3A_267 = tpu.memref_squeeze %dma_wait3A_266 : memref<1x1x72x128xf32, #tpu.memory_space<hbm>> -> memref<72x128xf32, #tpu.memory_space<hbm>>
      %dma_wait3A_268 = arith.constant 0 : i32
      %dma_wait3A_269 = tpu.memref_slice %arg7[%run_scoped3A_133, %arg0, %add3A_132, %dma_wait3A_268] : memref<4x2x10112x128xf32, #tpu.memory_space<hbm>> -> memref<1x1x72x128xf32, #tpu.memory_space<hbm>>
      %dma_wait3A_270 = tpu.memref_squeeze %dma_wait3A_269 : memref<1x1x72x128xf32, #tpu.memory_space<hbm>> -> memref<72x128xf32, #tpu.memory_space<hbm>>
      %dma_wait3A_271 = arith.constant 0 : i32
      %dma_wait3A_272 = arith.constant 0 : i32
      %dma_wait3A_273 = tpu.memref_slice %arg11[%dma_wait3A_271, %dma_wait3A_272] : memref<80x128xf32, #tpu.memory_space<vmem>> -> memref<72x128xf32, #tpu.memory_space<vmem>>
      tpu.wait_dma2 semaphore(%run_scoped3A_249 : memref<!tpu.dma_semaphore, #tpu.memory_space<semaphore_mem>>) src(%dma_wait3A_273 : memref<72x128xf32, #tpu.memory_space<vmem>>) dst(%dma_wait3A_270 : memref<72x128xf32, #tpu.memory_space<hbm>>)
      tpu.yield
    }) : () -> ()
    "tpu.region"() ({
      %run_scoped3A_249 = tpu.sem_alloc : memref<!tpu.dma_semaphore, #tpu.memory_space<semaphore_mem>>
      tpu.enqueue_dma source(%arg5 : memref<80x128xf32, #tpu.memory_space<hbm>>) target(%arg11 : memref<80x128xf32, #tpu.memory_space<vmem>>) target_semaphore(%run_scoped3A_249 : memref<!tpu.dma_semaphore, #tpu.memory_space<semaphore_mem>>)
      tpu.wait_dma2 semaphore(%run_scoped3A_249 : memref<!tpu.dma_semaphore, #tpu.memory_space<semaphore_mem>>) src(%arg5 : memref<80x128xf32, #tpu.memory_space<hbm>>) dst(%arg11 : memref<80x128xf32, #tpu.memory_space<vmem>>)
      tpu.yield
    }) : () -> ()
    %add3A_134 = arith.constant 0 : i32
    %add3A_135 = arith.addi %mul3A_0, %add3A_134 : i32
    "tpu.region"() ({
      %run_scoped3A_249 = tpu.sem_alloc : memref<!tpu.dma_semaphore, #tpu.memory_space<semaphore_mem>>
      %dma_start3A_250 = arith.constant 0 : i32
      %dma_start3A_251 = arith.constant 0 : i32
      %dma_start3A_252 = tpu.memref_slice %arg11[%dma_start3A_250, %dma_start3A_251] : memref<80x128xf32, #tpu.memory_space<vmem>> -> memref<80x128xf32, #tpu.memory_space<vmem>>
      %dma_start3A_253 = arith.constant 0 : i32
      %dma_start3A_254 = tpu.memref_slice %arg14[%add3A_135, %dma_start3A_253] : memref<10112x128xf32, #tpu.memory_space<vmem_shared>> -> memref<80x128xf32, #tpu.memory_space<vmem_shared>>
      %dma_start3A_255 = arith.constant 0 : i32
      %dma_start3A_256 = tpu.memref_slice %arg14[%add3A_135, %dma_start3A_255] : memref<10112x128xf32, #tpu.memory_space<vmem_shared>> -> memref<80x128xf32, #tpu.memory_space<vmem_shared>>
      %dma_start3A_257 = arith.constant 0 : i32
      %dma_start3A_258 = arith.constant 0 : i32
      %dma_start3A_259 = tpu.memref_slice %arg11[%dma_start3A_257, %dma_start3A_258] : memref<80x128xf32, #tpu.memory_space<vmem>> -> memref<80x128xf32, #tpu.memory_space<vmem>>
      tpu.enqueue_dma source(%dma_start3A_259 : memref<80x128xf32, #tpu.memory_space<vmem>>) target(%dma_start3A_256 : memref<80x128xf32, #tpu.memory_space<vmem_shared>>) target_semaphore(%run_scoped3A_249 : memref<!tpu.dma_semaphore, #tpu.memory_space<semaphore_mem>>)
      %dma_wait3A_260 = arith.constant 0 : i32
      %dma_wait3A_261 = arith.constant 0 : i32
      %dma_wait3A_262 = tpu.memref_slice %arg11[%dma_wait3A_260, %dma_wait3A_261] : memref<80x128xf32, #tpu.memory_space<vmem>> -> memref<80x128xf32, #tpu.memory_space<vmem>>
      %dma_wait3A_263 = arith.constant 0 : i32
      %dma_wait3A_264 = tpu.memref_slice %arg14[%add3A_135, %dma_wait3A_263] : memref<10112x128xf32, #tpu.memory_space<vmem_shared>> -> memref<80x128xf32, #tpu.memory_space<vmem_shared>>
      %dma_wait3A_265 = arith.constant 0 : i32
      %dma_wait3A_266 = tpu.memref_slice %arg14[%add3A_135, %dma_wait3A_265] : memref<10112x128xf32, #tpu.memory_space<vmem_shared>> -> memref<80x128xf32, #tpu.memory_space<vmem_shared>>
      %dma_wait3A_267 = arith.constant 0 : i32
      %dma_wait3A_268 = arith.constant 0 : i32
      %dma_wait3A_269 = tpu.memref_slice %arg11[%dma_wait3A_267, %dma_wait3A_268] : memref<80x128xf32, #tpu.memory_space<vmem>> -> memref<80x128xf32, #tpu.memory_space<vmem>>
      tpu.wait_dma2 semaphore(%run_scoped3A_249 : memref<!tpu.dma_semaphore, #tpu.memory_space<semaphore_mem>>) src(%dma_wait3A_269 : memref<80x128xf32, #tpu.memory_space<vmem>>) dst(%dma_wait3A_266 : memref<80x128xf32, #tpu.memory_space<vmem_shared>>)
      tpu.yield
    }) : () -> ()
    %add3A_136 = arith.constant 80 : i32
    %add3A_137 = arith.addi %mul3A_0, %add3A_136 : i32
    "tpu.region"() ({
      %run_scoped3A_249 = tpu.sem_alloc : memref<!tpu.dma_semaphore, #tpu.memory_space<semaphore_mem>>
      %dma_start3A_250 = arith.constant 0 : i32
      %dma_start3A_251 = arith.constant 0 : i32
      %dma_start3A_252 = tpu.memref_slice %arg11[%dma_start3A_250, %dma_start3A_251] : memref<80x128xf32, #tpu.memory_space<vmem>> -> memref<80x128xf32, #tpu.memory_space<vmem>>
      %dma_start3A_253 = arith.constant 0 : i32
      %dma_start3A_254 = tpu.memref_slice %arg14[%add3A_137, %dma_start3A_253] : memref<10112x128xf32, #tpu.memory_space<vmem_shared>> -> memref<80x128xf32, #tpu.memory_space<vmem_shared>>
      %dma_start3A_255 = arith.constant 0 : i32
      %dma_start3A_256 = tpu.memref_slice %arg14[%add3A_137, %dma_start3A_255] : memref<10112x128xf32, #tpu.memory_space<vmem_shared>> -> memref<80x128xf32, #tpu.memory_space<vmem_shared>>
      %dma_start3A_257 = arith.constant 0 : i32
      %dma_start3A_258 = arith.constant 0 : i32
      %dma_start3A_259 = tpu.memref_slice %arg11[%dma_start3A_257, %dma_start3A_258] : memref<80x128xf32, #tpu.memory_space<vmem>> -> memref<80x128xf32, #tpu.memory_space<vmem>>
      tpu.enqueue_dma source(%dma_start3A_259 : memref<80x128xf32, #tpu.memory_space<vmem>>) target(%dma_start3A_256 : memref<80x128xf32, #tpu.memory_space<vmem_shared>>) target_semaphore(%run_scoped3A_249 : memref<!tpu.dma_semaphore, #tpu.memory_space<semaphore_mem>>)
      %dma_wait3A_260 = arith.constant 0 : i32
      %dma_wait3A_261 = arith.constant 0 : i32
      %dma_wait3A_262 = tpu.memref_slice %arg11[%dma_wait3A_260, %dma_wait3A_261] : memref<80x128xf32, #tpu.memory_space<vmem>> -> memref<80x128xf32, #tpu.memory_space<vmem>>
      %dma_wait3A_263 = arith.constant 0 : i32
      %dma_wait3A_264 = tpu.memref_slice %arg14[%add3A_137, %dma_wait3A_263] : memref<10112x128xf32, #tpu.memory_space<vmem_shared>> -> memref<80x128xf32, #tpu.memory_space<vmem_shared>>
      %dma_wait3A_265 = arith.constant 0 : i32
      %dma_wait3A_266 = tpu.memref_slice %arg14[%add3A_137, %dma_wait3A_265] : memref<10112x128xf32, #tpu.memory_space<vmem_shared>> -> memref<80x128xf32, #tpu.memory_space<vmem_shared>>
      %dma_wait3A_267 = arith.constant 0 : i32
      %dma_wait3A_268 = arith.constant 0 : i32
      %dma_wait3A_269 = tpu.memref_slice %arg11[%dma_wait3A_267, %dma_wait3A_268] : memref<80x128xf32, #tpu.memory_space<vmem>> -> memref<80x128xf32, #tpu.memory_space<vmem>>
      tpu.wait_dma2 semaphore(%run_scoped3A_249 : memref<!tpu.dma_semaphore, #tpu.memory_space<semaphore_mem>>) src(%dma_wait3A_269 : memref<80x128xf32, #tpu.memory_space<vmem>>) dst(%dma_wait3A_266 : memref<80x128xf32, #tpu.memory_space<vmem_shared>>)
      tpu.yield
    }) : () -> ()
    %add3A_138 = arith.constant 160 : i32
    %add3A_139 = arith.addi %mul3A_0, %add3A_138 : i32
    "tpu.region"() ({
      %run_scoped3A_249 = tpu.sem_alloc : memref<!tpu.dma_semaphore, #tpu.memory_space<semaphore_mem>>
      %dma_start3A_250 = arith.constant 0 : i32
      %dma_start3A_251 = arith.constant 0 : i32
      %dma_start3A_252 = tpu.memref_slice %arg11[%dma_start3A_250, %dma_start3A_251] : memref<80x128xf32, #tpu.memory_space<vmem>> -> memref<80x128xf32, #tpu.memory_space<vmem>>
      %dma_start3A_253 = arith.constant 0 : i32
      %dma_start3A_254 = tpu.memref_slice %arg14[%add3A_139, %dma_start3A_253] : memref<10112x128xf32, #tpu.memory_space<vmem_shared>> -> memref<80x128xf32, #tpu.memory_space<vmem_shared>>
      %dma_start3A_255 = arith.constant 0 : i32
      %dma_start3A_256 = tpu.memref_slice %arg14[%add3A_139, %dma_start3A_255] : memref<10112x128xf32, #tpu.memory_space<vmem_shared>> -> memref<80x128xf32, #tpu.memory_space<vmem_shared>>
      %dma_start3A_257 = arith.constant 0 : i32
      %dma_start3A_258 = arith.constant 0 : i32
      %dma_start3A_259 = tpu.memref_slice %arg11[%dma_start3A_257, %dma_start3A_258] : memref<80x128xf32, #tpu.memory_space<vmem>> -> memref<80x128xf32, #tpu.memory_space<vmem>>
      tpu.enqueue_dma source(%dma_start3A_259 : memref<80x128xf32, #tpu.memory_space<vmem>>) target(%dma_start3A_256 : memref<80x128xf32, #tpu.memory_space<vmem_shared>>) target_semaphore(%run_scoped3A_249 : memref<!tpu.dma_semaphore, #tpu.memory_space<semaphore_mem>>)
      %dma_wait3A_260 = arith.constant 0 : i32
      %dma_wait3A_261 = arith.constant 0 : i32
      %dma_wait3A_262 = tpu.memref_slice %arg11[%dma_wait3A_260, %dma_wait3A_261] : memref<80x128xf32, #tpu.memory_space<vmem>> -> memref<80x128xf32, #tpu.memory_space<vmem>>
      %dma_wait3A_263 = arith.constant 0 : i32
      %dma_wait3A_264 = tpu.memref_slice %arg14[%add3A_139, %dma_wait3A_263] : memref<10112x128xf32, #tpu.memory_space<vmem_shared>> -> memref<80x128xf32, #tpu.memory_space<vmem_shared>>
      %dma_wait3A_265 = arith.constant 0 : i32
      %dma_wait3A_266 = tpu.memref_slice %arg14[%add3A_139, %dma_wait3A_265] : memref<10112x128xf32, #tpu.memory_space<vmem_shared>> -> memref<80x128xf32, #tpu.memory_space<vmem_shared>>
      %dma_wait3A_267 = arith.constant 0 : i32
      %dma_wait3A_268 = arith.constant 0 : i32
      %dma_wait3A_269 = tpu.memref_slice %arg11[%dma_wait3A_267, %dma_wait3A_268] : memref<80x128xf32, #tpu.memory_space<vmem>> -> memref<80x128xf32, #tpu.memory_space<vmem>>
      tpu.wait_dma2 semaphore(%run_scoped3A_249 : memref<!tpu.dma_semaphore, #tpu.memory_space<semaphore_mem>>) src(%dma_wait3A_269 : memref<80x128xf32, #tpu.memory_space<vmem>>) dst(%dma_wait3A_266 : memref<80x128xf32, #tpu.memory_space<vmem_shared>>)
      tpu.yield
    }) : () -> ()
    %add3A_140 = arith.constant 240 : i32
    %add3A_141 = arith.addi %mul3A_0, %add3A_140 : i32
    "tpu.region"() ({
      %run_scoped3A_249 = tpu.sem_alloc : memref<!tpu.dma_semaphore, #tpu.memory_space<semaphore_mem>>
      %dma_start3A_250 = arith.constant 0 : i32
      %dma_start3A_251 = arith.constant 0 : i32
      %dma_start3A_252 = tpu.memref_slice %arg11[%dma_start3A_250, %dma_start3A_251] : memref<80x128xf32, #tpu.memory_space<vmem>> -> memref<80x128xf32, #tpu.memory_space<vmem>>
      %dma_start3A_253 = arith.constant 0 : i32
      %dma_start3A_254 = tpu.memref_slice %arg14[%add3A_141, %dma_start3A_253] : memref<10112x128xf32, #tpu.memory_space<vmem_shared>> -> memref<80x128xf32, #tpu.memory_space<vmem_shared>>
      %dma_start3A_255 = arith.constant 0 : i32
      %dma_start3A_256 = tpu.memref_slice %arg14[%add3A_141, %dma_start3A_255] : memref<10112x128xf32, #tpu.memory_space<vmem_shared>> -> memref<80x128xf32, #tpu.memory_space<vmem_shared>>
      %dma_start3A_257 = arith.constant 0 : i32
      %dma_start3A_258 = arith.constant 0 : i32
      %dma_start3A_259 = tpu.memref_slice %arg11[%dma_start3A_257, %dma_start3A_258] : memref<80x128xf32, #tpu.memory_space<vmem>> -> memref<80x128xf32, #tpu.memory_space<vmem>>
      tpu.enqueue_dma source(%dma_start3A_259 : memref<80x128xf32, #tpu.memory_space<vmem>>) target(%dma_start3A_256 : memref<80x128xf32, #tpu.memory_space<vmem_shared>>) target_semaphore(%run_scoped3A_249 : memref<!tpu.dma_semaphore, #tpu.memory_space<semaphore_mem>>)
      %dma_wait3A_260 = arith.constant 0 : i32
      %dma_wait3A_261 = arith.constant 0 : i32
      %dma_wait3A_262 = tpu.memref_slice %arg11[%dma_wait3A_260, %dma_wait3A_261] : memref<80x128xf32, #tpu.memory_space<vmem>> -> memref<80x128xf32, #tpu.memory_space<vmem>>
      %dma_wait3A_263 = arith.constant 0 : i32
      %dma_wait3A_264 = tpu.memref_slice %arg14[%add3A_141, %dma_wait3A_263] : memref<10112x128xf32, #tpu.memory_space<vmem_shared>> -> memref<80x128xf32, #tpu.memory_space<vmem_shared>>
      %dma_wait3A_265 = arith.constant 0 : i32
      %dma_wait3A_266 = tpu.memref_slice %arg14[%add3A_141, %dma_wait3A_265] : memref<10112x128xf32, #tpu.memory_space<vmem_shared>> -> memref<80x128xf32, #tpu.memory_space<vmem_shared>>
      %dma_wait3A_267 = arith.constant 0 : i32
      %dma_wait3A_268 = arith.constant 0 : i32
      %dma_wait3A_269 = tpu.memref_slice %arg11[%dma_wait3A_267, %dma_wait3A_268] : memref<80x128xf32, #tpu.memory_space<vmem>> -> memref<80x128xf32, #tpu.memory_space<vmem>>
      tpu.wait_dma2 semaphore(%run_scoped3A_249 : memref<!tpu.dma_semaphore, #tpu.memory_space<semaphore_mem>>) src(%dma_wait3A_269 : memref<80x128xf32, #tpu.memory_space<vmem>>) dst(%dma_wait3A_266 : memref<80x128xf32, #tpu.memory_space<vmem_shared>>)
      tpu.yield
    }) : () -> ()
    %add3A_142 = arith.constant 320 : i32
    %add3A_143 = arith.addi %mul3A_0, %add3A_142 : i32
    "tpu.region"() ({
      %run_scoped3A_249 = tpu.sem_alloc : memref<!tpu.dma_semaphore, #tpu.memory_space<semaphore_mem>>
      %dma_start3A_250 = arith.constant 0 : i32
      %dma_start3A_251 = arith.constant 0 : i32
      %dma_start3A_252 = tpu.memref_slice %arg11[%dma_start3A_250, %dma_start3A_251] : memref<80x128xf32, #tpu.memory_space<vmem>> -> memref<80x128xf32, #tpu.memory_space<vmem>>
      %dma_start3A_253 = arith.constant 0 : i32
      %dma_start3A_254 = tpu.memref_slice %arg14[%add3A_143, %dma_start3A_253] : memref<10112x128xf32, #tpu.memory_space<vmem_shared>> -> memref<80x128xf32, #tpu.memory_space<vmem_shared>>
      %dma_start3A_255 = arith.constant 0 : i32
      %dma_start3A_256 = tpu.memref_slice %arg14[%add3A_143, %dma_start3A_255] : memref<10112x128xf32, #tpu.memory_space<vmem_shared>> -> memref<80x128xf32, #tpu.memory_space<vmem_shared>>
      %dma_start3A_257 = arith.constant 0 : i32
      %dma_start3A_258 = arith.constant 0 : i32
      %dma_start3A_259 = tpu.memref_slice %arg11[%dma_start3A_257, %dma_start3A_258] : memref<80x128xf32, #tpu.memory_space<vmem>> -> memref<80x128xf32, #tpu.memory_space<vmem>>
      tpu.enqueue_dma source(%dma_start3A_259 : memref<80x128xf32, #tpu.memory_space<vmem>>) target(%dma_start3A_256 : memref<80x128xf32, #tpu.memory_space<vmem_shared>>) target_semaphore(%run_scoped3A_249 : memref<!tpu.dma_semaphore, #tpu.memory_space<semaphore_mem>>)
      %dma_wait3A_260 = arith.constant 0 : i32
      %dma_wait3A_261 = arith.constant 0 : i32
      %dma_wait3A_262 = tpu.memref_slice %arg11[%dma_wait3A_260, %dma_wait3A_261] : memref<80x128xf32, #tpu.memory_space<vmem>> -> memref<80x128xf32, #tpu.memory_space<vmem>>
      %dma_wait3A_263 = arith.constant 0 : i32
      %dma_wait3A_264 = tpu.memref_slice %arg14[%add3A_143, %dma_wait3A_263] : memref<10112x128xf32, #tpu.memory_space<vmem_shared>> -> memref<80x128xf32, #tpu.memory_space<vmem_shared>>
      %dma_wait3A_265 = arith.constant 0 : i32
      %dma_wait3A_266 = tpu.memref_slice %arg14[%add3A_143, %dma_wait3A_265] : memref<10112x128xf32, #tpu.memory_space<vmem_shared>> -> memref<80x128xf32, #tpu.memory_space<vmem_shared>>
      %dma_wait3A_267 = arith.constant 0 : i32
      %dma_wait3A_268 = arith.constant 0 : i32
      %dma_wait3A_269 = tpu.memref_slice %arg11[%dma_wait3A_267, %dma_wait3A_268] : memref<80x128xf32, #tpu.memory_space<vmem>> -> memref<80x128xf32, #tpu.memory_space<vmem>>
      tpu.wait_dma2 semaphore(%run_scoped3A_249 : memref<!tpu.dma_semaphore, #tpu.memory_space<semaphore_mem>>) src(%dma_wait3A_269 : memref<80x128xf32, #tpu.memory_space<vmem>>) dst(%dma_wait3A_266 : memref<80x128xf32, #tpu.memory_space<vmem_shared>>)
      tpu.yield
    }) : () -> ()
    %add3A_144 = arith.constant 400 : i32
    %add3A_145 = arith.addi %mul3A_0, %add3A_144 : i32
    "tpu.region"() ({
      %run_scoped3A_249 = tpu.sem_alloc : memref<!tpu.dma_semaphore, #tpu.memory_space<semaphore_mem>>
      %dma_start3A_250 = arith.constant 0 : i32
      %dma_start3A_251 = arith.constant 0 : i32
      %dma_start3A_252 = tpu.memref_slice %arg11[%dma_start3A_250, %dma_start3A_251] : memref<80x128xf32, #tpu.memory_space<vmem>> -> memref<80x128xf32, #tpu.memory_space<vmem>>
      %dma_start3A_253 = arith.constant 0 : i32
      %dma_start3A_254 = tpu.memref_slice %arg14[%add3A_145, %dma_start3A_253] : memref<10112x128xf32, #tpu.memory_space<vmem_shared>> -> memref<80x128xf32, #tpu.memory_space<vmem_shared>>
      %dma_start3A_255 = arith.constant 0 : i32
      %dma_start3A_256 = tpu.memref_slice %arg14[%add3A_145, %dma_start3A_255] : memref<10112x128xf32, #tpu.memory_space<vmem_shared>> -> memref<80x128xf32, #tpu.memory_space<vmem_shared>>
      %dma_start3A_257 = arith.constant 0 : i32
      %dma_start3A_258 = arith.constant 0 : i32
      %dma_start3A_259 = tpu.memref_slice %arg11[%dma_start3A_257, %dma_start3A_258] : memref<80x128xf32, #tpu.memory_space<vmem>> -> memref<80x128xf32, #tpu.memory_space<vmem>>
      tpu.enqueue_dma source(%dma_start3A_259 : memref<80x128xf32, #tpu.memory_space<vmem>>) target(%dma_start3A_256 : memref<80x128xf32, #tpu.memory_space<vmem_shared>>) target_semaphore(%run_scoped3A_249 : memref<!tpu.dma_semaphore, #tpu.memory_space<semaphore_mem>>)
      %dma_wait3A_260 = arith.constant 0 : i32
      %dma_wait3A_261 = arith.constant 0 : i32
      %dma_wait3A_262 = tpu.memref_slice %arg11[%dma_wait3A_260, %dma_wait3A_261] : memref<80x128xf32, #tpu.memory_space<vmem>> -> memref<80x128xf32, #tpu.memory_space<vmem>>
      %dma_wait3A_263 = arith.constant 0 : i32
      %dma_wait3A_264 = tpu.memref_slice %arg14[%add3A_145, %dma_wait3A_263] : memref<10112x128xf32, #tpu.memory_space<vmem_shared>> -> memref<80x128xf32, #tpu.memory_space<vmem_shared>>
      %dma_wait3A_265 = arith.constant 0 : i32
      %dma_wait3A_266 = tpu.memref_slice %arg14[%add3A_145, %dma_wait3A_265] : memref<10112x128xf32, #tpu.memory_space<vmem_shared>> -> memref<80x128xf32, #tpu.memory_space<vmem_shared>>
      %dma_wait3A_267 = arith.constant 0 : i32
      %dma_wait3A_268 = arith.constant 0 : i32
      %dma_wait3A_269 = tpu.memref_slice %arg11[%dma_wait3A_267, %dma_wait3A_268] : memref<80x128xf32, #tpu.memory_space<vmem>> -> memref<80x128xf32, #tpu.memory_space<vmem>>
      tpu.wait_dma2 semaphore(%run_scoped3A_249 : memref<!tpu.dma_semaphore, #tpu.memory_space<semaphore_mem>>) src(%dma_wait3A_269 : memref<80x128xf32, #tpu.memory_space<vmem>>) dst(%dma_wait3A_266 : memref<80x128xf32, #tpu.memory_space<vmem_shared>>)
      tpu.yield
    }) : () -> ()
    %add3A_146 = arith.constant 480 : i32
    %add3A_147 = arith.addi %mul3A_0, %add3A_146 : i32
    "tpu.region"() ({
      %run_scoped3A_249 = tpu.sem_alloc : memref<!tpu.dma_semaphore, #tpu.memory_space<semaphore_mem>>
      %dma_start3A_250 = arith.constant 0 : i32
      %dma_start3A_251 = arith.constant 0 : i32
      %dma_start3A_252 = tpu.memref_slice %arg11[%dma_start3A_250, %dma_start3A_251] : memref<80x128xf32, #tpu.memory_space<vmem>> -> memref<80x128xf32, #tpu.memory_space<vmem>>
      %dma_start3A_253 = arith.constant 0 : i32
      %dma_start3A_254 = tpu.memref_slice %arg14[%add3A_147, %dma_start3A_253] : memref<10112x128xf32, #tpu.memory_space<vmem_shared>> -> memref<80x128xf32, #tpu.memory_space<vmem_shared>>
      %dma_start3A_255 = arith.constant 0 : i32
      %dma_start3A_256 = tpu.memref_slice %arg14[%add3A_147, %dma_start3A_255] : memref<10112x128xf32, #tpu.memory_space<vmem_shared>> -> memref<80x128xf32, #tpu.memory_space<vmem_shared>>
      %dma_start3A_257 = arith.constant 0 : i32
      %dma_start3A_258 = arith.constant 0 : i32
      %dma_start3A_259 = tpu.memref_slice %arg11[%dma_start3A_257, %dma_start3A_258] : memref<80x128xf32, #tpu.memory_space<vmem>> -> memref<80x128xf32, #tpu.memory_space<vmem>>
      tpu.enqueue_dma source(%dma_start3A_259 : memref<80x128xf32, #tpu.memory_space<vmem>>) target(%dma_start3A_256 : memref<80x128xf32, #tpu.memory_space<vmem_shared>>) target_semaphore(%run_scoped3A_249 : memref<!tpu.dma_semaphore, #tpu.memory_space<semaphore_mem>>)
      %dma_wait3A_260 = arith.constant 0 : i32
      %dma_wait3A_261 = arith.constant 0 : i32
      %dma_wait3A_262 = tpu.memref_slice %arg11[%dma_wait3A_260, %dma_wait3A_261] : memref<80x128xf32, #tpu.memory_space<vmem>> -> memref<80x128xf32, #tpu.memory_space<vmem>>
      %dma_wait3A_263 = arith.constant 0 : i32
      %dma_wait3A_264 = tpu.memref_slice %arg14[%add3A_147, %dma_wait3A_263] : memref<10112x128xf32, #tpu.memory_space<vmem_shared>> -> memref<80x128xf32, #tpu.memory_space<vmem_shared>>
      %dma_wait3A_265 = arith.constant 0 : i32
      %dma_wait3A_266 = tpu.memref_slice %arg14[%add3A_147, %dma_wait3A_265] : memref<10112x128xf32, #tpu.memory_space<vmem_shared>> -> memref<80x128xf32, #tpu.memory_space<vmem_shared>>
      %dma_wait3A_267 = arith.constant 0 : i32
      %dma_wait3A_268 = arith.constant 0 : i32
      %dma_wait3A_269 = tpu.memref_slice %arg11[%dma_wait3A_267, %dma_wait3A_268] : memref<80x128xf32, #tpu.memory_space<vmem>> -> memref<80x128xf32, #tpu.memory_space<vmem>>
      tpu.wait_dma2 semaphore(%run_scoped3A_249 : memref<!tpu.dma_semaphore, #tpu.memory_space<semaphore_mem>>) src(%dma_wait3A_269 : memref<80x128xf32, #tpu.memory_space<vmem>>) dst(%dma_wait3A_266 : memref<80x128xf32, #tpu.memory_space<vmem_shared>>)
      tpu.yield
    }) : () -> ()
    %add3A_148 = arith.constant 560 : i32
    %add3A_149 = arith.addi %mul3A_0, %add3A_148 : i32
    "tpu.region"() ({
      %run_scoped3A_249 = tpu.sem_alloc : memref<!tpu.dma_semaphore, #tpu.memory_space<semaphore_mem>>
      %dma_start3A_250 = arith.constant 0 : i32
      %dma_start3A_251 = arith.constant 0 : i32
      %dma_start3A_252 = tpu.memref_slice %arg11[%dma_start3A_250, %dma_start3A_251] : memref<80x128xf32, #tpu.memory_space<vmem>> -> memref<72x128xf32, #tpu.memory_space<vmem>>
      %dma_start3A_253 = arith.constant 0 : i32
      %dma_start3A_254 = tpu.memref_slice %arg14[%add3A_149, %dma_start3A_253] : memref<10112x128xf32, #tpu.memory_space<vmem_shared>> -> memref<72x128xf32, #tpu.memory_space<vmem_shared>>
      %dma_start3A_255 = arith.constant 0 : i32
      %dma_start3A_256 = tpu.memref_slice %arg14[%add3A_149, %dma_start3A_255] : memref<10112x128xf32, #tpu.memory_space<vmem_shared>> -> memref<72x128xf32, #tpu.memory_space<vmem_shared>>
      %dma_start3A_257 = arith.constant 0 : i32
      %dma_start3A_258 = arith.constant 0 : i32
      %dma_start3A_259 = tpu.memref_slice %arg11[%dma_start3A_257, %dma_start3A_258] : memref<80x128xf32, #tpu.memory_space<vmem>> -> memref<72x128xf32, #tpu.memory_space<vmem>>
      tpu.enqueue_dma source(%dma_start3A_259 : memref<72x128xf32, #tpu.memory_space<vmem>>) target(%dma_start3A_256 : memref<72x128xf32, #tpu.memory_space<vmem_shared>>) target_semaphore(%run_scoped3A_249 : memref<!tpu.dma_semaphore, #tpu.memory_space<semaphore_mem>>)
      %dma_wait3A_260 = arith.constant 0 : i32
      %dma_wait3A_261 = arith.constant 0 : i32
      %dma_wait3A_262 = tpu.memref_slice %arg11[%dma_wait3A_260, %dma_wait3A_261] : memref<80x128xf32, #tpu.memory_space<vmem>> -> memref<72x128xf32, #tpu.memory_space<vmem>>
      %dma_wait3A_263 = arith.constant 0 : i32
      %dma_wait3A_264 = tpu.memref_slice %arg14[%add3A_149, %dma_wait3A_263] : memref<10112x128xf32, #tpu.memory_space<vmem_shared>> -> memref<72x128xf32, #tpu.memory_space<vmem_shared>>
      %dma_wait3A_265 = arith.constant 0 : i32
      %dma_wait3A_266 = tpu.memref_slice %arg14[%add3A_149, %dma_wait3A_265] : memref<10112x128xf32, #tpu.memory_space<vmem_shared>> -> memref<72x128xf32, #tpu.memory_space<vmem_shared>>
      %dma_wait3A_267 = arith.constant 0 : i32
      %dma_wait3A_268 = arith.constant 0 : i32
      %dma_wait3A_269 = tpu.memref_slice %arg11[%dma_wait3A_267, %dma_wait3A_268] : memref<80x128xf32, #tpu.memory_space<vmem>> -> memref<72x128xf32, #tpu.memory_space<vmem>>
      tpu.wait_dma2 semaphore(%run_scoped3A_249 : memref<!tpu.dma_semaphore, #tpu.memory_space<semaphore_mem>>) src(%dma_wait3A_269 : memref<72x128xf32, #tpu.memory_space<vmem>>) dst(%dma_wait3A_266 : memref<72x128xf32, #tpu.memory_space<vmem_shared>>)
      tpu.yield
    }) : () -> ()
    %barrier3A_150 = arith.constant 0 : index
    tpu.barrier barrier_id(%barrier3A_150)
    "tpu.region"() ({
      %run_scoped3A_249 = tpu.sem_alloc : memref<!tpu.dma_semaphore, #tpu.memory_space<semaphore_mem>>
      %dma_start3A_250 = tpu.memref_slice %arg3[%mul3A_4] : memref<320000xi32, #tpu.memory_space<hbm>> -> memref<80xi32, #tpu.memory_space<hbm>>
      %dma_start3A_251 = tpu.memref_slice %arg3[%mul3A_4] : memref<320000xi32, #tpu.memory_space<hbm>> -> memref<80xi32, #tpu.memory_space<hbm>>
      tpu.enqueue_dma source(%dma_start3A_251 : memref<80xi32, #tpu.memory_space<hbm>>) target(%arg8 : memref<80xi32, #tpu.memory_space<vmem>>) target_semaphore(%run_scoped3A_249 : memref<!tpu.dma_semaphore, #tpu.memory_space<semaphore_mem>>)
      %dma_wait3A_252 = tpu.memref_slice %arg3[%mul3A_4] : memref<320000xi32, #tpu.memory_space<hbm>> -> memref<80xi32, #tpu.memory_space<hbm>>
      %dma_wait3A_253 = tpu.memref_slice %arg3[%mul3A_4] : memref<320000xi32, #tpu.memory_space<hbm>> -> memref<80xi32, #tpu.memory_space<hbm>>
      tpu.wait_dma2 semaphore(%run_scoped3A_249 : memref<!tpu.dma_semaphore, #tpu.memory_space<semaphore_mem>>) src(%dma_wait3A_253 : memref<80xi32, #tpu.memory_space<hbm>>) dst(%arg8 : memref<80xi32, #tpu.memory_space<vmem>>)
      tpu.yield
    }) : () -> ()
    %dma_start3A_151 = arith.constant 3 : i32
    %dma_start3A_152 = arith.constant 0 : i32
    %dma_start3A_153 = arith.constant 0 : i32
    %dma_start3A_154 = tpu.memref_slice %arg2[%dma_start3A_151, %dma_start3A_152, %dma_start3A_153] : memref<4x10112x128xf32, #tpu.memory_space<hbm>> -> memref<1x10112x128xf32, #tpu.memory_space<hbm>>
    %dma_start3A_155 = tpu.memref_squeeze %dma_start3A_154 : memref<1x10112x128xf32, #tpu.memory_space<hbm>> -> memref<10112x128xf32, #tpu.memory_space<hbm>>
    %dma_start3A_156 = arith.constant 0 : i32
    %dma_start3A_157 = arith.constant 0 : i32
    %dma_start3A_158 = tpu.memref_slice %dma_start3A_155[%dma_start3A_156, %dma_start3A_157] : memref<10112x128xf32, #tpu.memory_space<hbm>> -> memref<10112x128xf32, #tpu.memory_space<hbm>>
    tpu.enqueue_indirect_dma source(%dma_start3A_158 : memref<10112x128xf32, #tpu.memory_space<hbm>>) target(%arg11 : memref<80x128xf32, #tpu.memory_space<vmem>>) offsets(%arg8 : memref<80xi32, #tpu.memory_space<vmem>>) semaphore(%arg15 : memref<!tpu.dma_semaphore, #tpu.memory_space<semaphore_mem>>)
    %scan3A_159 = arith.constant 0 : i32
    %scan3A_160 = arith.constant 3 : i32
    %scan3A_161 = arith.constant 0 : i32
    %scan3A_162 = arith.constant 62 : i32
    %scan3A_163 = arith.addi %scan3A_161, %scan3A_162 : i32
    %scan3A_164 = arith.constant 1 : i32
    scf.for %scan3A_249 = %scan3A_161 to %scan3A_163 step %scan3A_164  : i32 {
      %mul3A_250 = arith.constant 2 : i32
      %mul3A_251 = arith.muli %mul3A_250, %scan3A_249 : i32
      %mul3A_252 = arith.constant 80 : i32
      %mul3A_253 = arith.muli %mul3A_251, %mul3A_252 : i32
      %add3A_254 = arith.addi %mul3A_4, %mul3A_253 : i32
      %add3A_255 = arith.constant 80 : i32
      %add3A_256 = arith.addi %add3A_254, %add3A_255 : i32
      "tpu.region"() ({
        %run_scoped3A_289 = tpu.sem_alloc : memref<!tpu.dma_semaphore, #tpu.memory_space<semaphore_mem>>
        %dma_start3A_290 = tpu.memref_slice %arg3[%add3A_256] : memref<320000xi32, #tpu.memory_space<hbm>> -> memref<80xi32, #tpu.memory_space<hbm>>
        %dma_start3A_291 = tpu.memref_slice %arg3[%add3A_256] : memref<320000xi32, #tpu.memory_space<hbm>> -> memref<80xi32, #tpu.memory_space<hbm>>
        tpu.enqueue_dma source(%dma_start3A_291 : memref<80xi32, #tpu.memory_space<hbm>>) target(%arg9 : memref<80xi32, #tpu.memory_space<vmem>>) target_semaphore(%run_scoped3A_289 : memref<!tpu.dma_semaphore, #tpu.memory_space<semaphore_mem>>)
        %dma_wait3A_292 = tpu.memref_slice %arg3[%add3A_256] : memref<320000xi32, #tpu.memory_space<hbm>> -> memref<80xi32, #tpu.memory_space<hbm>>
        %dma_wait3A_293 = tpu.memref_slice %arg3[%add3A_256] : memref<320000xi32, #tpu.memory_space<hbm>> -> memref<80xi32, #tpu.memory_space<hbm>>
        tpu.wait_dma2 semaphore(%run_scoped3A_289 : memref<!tpu.dma_semaphore, #tpu.memory_space<semaphore_mem>>) src(%dma_wait3A_293 : memref<80xi32, #tpu.memory_space<hbm>>) dst(%arg9 : memref<80xi32, #tpu.memory_space<vmem>>)
        tpu.yield
      }) : () -> ()
      %dma_start3A_257 = arith.constant 0 : i32
      %dma_start3A_258 = arith.constant 0 : i32
      %dma_start3A_259 = tpu.memref_slice %arg2[%scan3A_160, %dma_start3A_257, %dma_start3A_258] : memref<4x10112x128xf32, #tpu.memory_space<hbm>> -> memref<1x10112x128xf32, #tpu.memory_space<hbm>>
      %dma_start3A_260 = tpu.memref_squeeze %dma_start3A_259 : memref<1x10112x128xf32, #tpu.memory_space<hbm>> -> memref<10112x128xf32, #tpu.memory_space<hbm>>
      %dma_start3A_261 = arith.constant 0 : i32
      %dma_start3A_262 = arith.constant 0 : i32
      %dma_start3A_263 = tpu.memref_slice %dma_start3A_260[%dma_start3A_261, %dma_start3A_262] : memref<10112x128xf32, #tpu.memory_space<hbm>> -> memref<10112x128xf32, #tpu.memory_space<hbm>>
      tpu.enqueue_indirect_dma source(%dma_start3A_263 : memref<10112x128xf32, #tpu.memory_space<hbm>>) target(%arg12 : memref<80x128xf32, #tpu.memory_space<vmem>>) offsets(%arg9 : memref<80xi32, #tpu.memory_space<vmem>>) semaphore(%arg16 : memref<!tpu.dma_semaphore, #tpu.memory_space<semaphore_mem>>)
      "tpu.region"() ({
        %run_scoped3A_289 = tpu.sem_alloc : memref<!tpu.dma_semaphore, #tpu.memory_space<semaphore_mem>>
        %dma_start3A_290 = tpu.memref_slice %arg4[%add3A_254] : memref<320000xi32, #tpu.memory_space<hbm>> -> memref<80xi32, #tpu.memory_space<hbm>>
        %dma_start3A_291 = tpu.memref_slice %arg4[%add3A_254] : memref<320000xi32, #tpu.memory_space<hbm>> -> memref<80xi32, #tpu.memory_space<hbm>>
        tpu.enqueue_dma source(%dma_start3A_291 : memref<80xi32, #tpu.memory_space<hbm>>) target(%arg10 : memref<80xi32, #tpu.memory_space<vmem>>) target_semaphore(%run_scoped3A_289 : memref<!tpu.dma_semaphore, #tpu.memory_space<semaphore_mem>>)
        %dma_wait3A_292 = tpu.memref_slice %arg4[%add3A_254] : memref<320000xi32, #tpu.memory_space<hbm>> -> memref<80xi32, #tpu.memory_space<hbm>>
        %dma_wait3A_293 = tpu.memref_slice %arg4[%add3A_254] : memref<320000xi32, #tpu.memory_space<hbm>> -> memref<80xi32, #tpu.memory_space<hbm>>
        tpu.wait_dma2 semaphore(%run_scoped3A_289 : memref<!tpu.dma_semaphore, #tpu.memory_space<semaphore_mem>>) src(%dma_wait3A_293 : memref<80xi32, #tpu.memory_space<hbm>>) dst(%arg10 : memref<80xi32, #tpu.memory_space<vmem>>)
        tpu.yield
      }) : () -> ()
      %dma_wait3A_264 = arith.constant 0 : i32
      %dma_wait3A_265 = arith.constant 0 : i32
      %dma_wait3A_266 = tpu.memref_slice %arg2[%scan3A_160, %dma_wait3A_264, %dma_wait3A_265] : memref<4x10112x128xf32, #tpu.memory_space<hbm>> -> memref<1x10112x128xf32, #tpu.memory_space<hbm>>
      %dma_wait3A_267 = tpu.memref_squeeze %dma_wait3A_266 : memref<1x10112x128xf32, #tpu.memory_space<hbm>> -> memref<10112x128xf32, #tpu.memory_space<hbm>>
      %dma_wait3A_268 = arith.constant 0 : i32
      %dma_wait3A_269 = arith.constant 0 : i32
      %dma_wait3A_270 = tpu.memref_slice %dma_wait3A_267[%dma_wait3A_268, %dma_wait3A_269] : memref<10112x128xf32, #tpu.memory_space<hbm>> -> memref<10112x128xf32, #tpu.memory_space<hbm>>
      tpu.wait_indirect_dma semaphore(%arg15 : memref<!tpu.dma_semaphore, #tpu.memory_space<semaphore_mem>>) src(%dma_wait3A_270 : memref<10112x128xf32, #tpu.memory_space<hbm>>) dst(%arg11 : memref<80x128xf32, #tpu.memory_space<vmem>>)
      "tpu.region"() ({
        %run_scoped3A_289 = tpu.sem_alloc : memref<!tpu.dma_semaphore, #tpu.memory_space<semaphore_mem>>
        %dma_start3A_290 = arith.constant 0 : i32
        %dma_start3A_291 = arith.constant 0 : i32
        %dma_start3A_292 = tpu.memref_slice %arg14[%dma_start3A_290, %dma_start3A_291] : memref<10112x128xf32, #tpu.memory_space<vmem_shared>> -> memref<10112x128xf32, #tpu.memory_space<vmem_shared>>
        tpu.enqueue_indirect_dma source(%arg11 : memref<80x128xf32, #tpu.memory_space<vmem>>) target(%dma_start3A_292 : memref<10112x128xf32, #tpu.memory_space<vmem_shared>>) offsets(%arg10 : memref<80xi32, #tpu.memory_space<vmem>>) semaphore(%run_scoped3A_289 : memref<!tpu.dma_semaphore, #tpu.memory_space<semaphore_mem>>) {add = true}
        %dma_wait3A_293 = arith.constant 0 : i32
        %dma_wait3A_294 = arith.constant 0 : i32
        %dma_wait3A_295 = tpu.memref_slice %arg14[%dma_wait3A_293, %dma_wait3A_294] : memref<10112x128xf32, #tpu.memory_space<vmem_shared>> -> memref<10112x128xf32, #tpu.memory_space<vmem_shared>>
        tpu.wait_indirect_dma semaphore(%run_scoped3A_289 : memref<!tpu.dma_semaphore, #tpu.memory_space<semaphore_mem>>) src(%arg11 : memref<80x128xf32, #tpu.memory_space<vmem>>) dst(%dma_wait3A_295 : memref<10112x128xf32, #tpu.memory_space<vmem_shared>>)
        tpu.yield
      }) : () -> ()
      %add3A_271 = arith.constant 160 : i32
      %add3A_272 = arith.addi %add3A_254, %add3A_271 : i32
      "tpu.region"() ({
        %run_scoped3A_289 = tpu.sem_alloc : memref<!tpu.dma_semaphore, #tpu.memory_space<semaphore_mem>>
        %dma_start3A_290 = tpu.memref_slice %arg3[%add3A_272] : memref<320000xi32, #tpu.memory_space<hbm>> -> memref<80xi32, #tpu.memory_space<hbm>>
        %dma_start3A_291 = tpu.memref_slice %arg3[%add3A_272] : memref<320000xi32, #tpu.memory_space<hbm>> -> memref<80xi32, #tpu.memory_space<hbm>>
        tpu.enqueue_dma source(%dma_start3A_291 : memref<80xi32, #tpu.memory_space<hbm>>) target(%arg8 : memref<80xi32, #tpu.memory_space<vmem>>) target_semaphore(%run_scoped3A_289 : memref<!tpu.dma_semaphore, #tpu.memory_space<semaphore_mem>>)
        %dma_wait3A_292 = tpu.memref_slice %arg3[%add3A_272] : memref<320000xi32, #tpu.memory_space<hbm>> -> memref<80xi32, #tpu.memory_space<hbm>>
        %dma_wait3A_293 = tpu.memref_slice %arg3[%add3A_272] : memref<320000xi32, #tpu.memory_space<hbm>> -> memref<80xi32, #tpu.memory_space<hbm>>
        tpu.wait_dma2 semaphore(%run_scoped3A_289 : memref<!tpu.dma_semaphore, #tpu.memory_space<semaphore_mem>>) src(%dma_wait3A_293 : memref<80xi32, #tpu.memory_space<hbm>>) dst(%arg8 : memref<80xi32, #tpu.memory_space<vmem>>)
        tpu.yield
      }) : () -> ()
      %dma_start3A_273 = arith.constant 0 : i32
      %dma_start3A_274 = arith.constant 0 : i32
      %dma_start3A_275 = tpu.memref_slice %arg2[%scan3A_160, %dma_start3A_273, %dma_start3A_274] : memref<4x10112x128xf32, #tpu.memory_space<hbm>> -> memref<1x10112x128xf32, #tpu.memory_space<hbm>>
      %dma_start3A_276 = tpu.memref_squeeze %dma_start3A_275 : memref<1x10112x128xf32, #tpu.memory_space<hbm>> -> memref<10112x128xf32, #tpu.memory_space<hbm>>
      %dma_start3A_277 = arith.constant 0 : i32
      %dma_start3A_278 = arith.constant 0 : i32
      %dma_start3A_279 = tpu.memref_slice %dma_start3A_276[%dma_start3A_277, %dma_start3A_278] : memref<10112x128xf32, #tpu.memory_space<hbm>> -> memref<10112x128xf32, #tpu.memory_space<hbm>>
      tpu.enqueue_indirect_dma source(%dma_start3A_279 : memref<10112x128xf32, #tpu.memory_space<hbm>>) target(%arg11 : memref<80x128xf32, #tpu.memory_space<vmem>>) offsets(%arg8 : memref<80xi32, #tpu.memory_space<vmem>>) semaphore(%arg15 : memref<!tpu.dma_semaphore, #tpu.memory_space<semaphore_mem>>)
      %add3A_280 = arith.constant 80 : i32
      %add3A_281 = arith.addi %add3A_254, %add3A_280 : i32
      "tpu.region"() ({
        %run_scoped3A_289 = tpu.sem_alloc : memref<!tpu.dma_semaphore, #tpu.memory_space<semaphore_mem>>
        %dma_start3A_290 = tpu.memref_slice %arg4[%add3A_281] : memref<320000xi32, #tpu.memory_space<hbm>> -> memref<80xi32, #tpu.memory_space<hbm>>
        %dma_start3A_291 = tpu.memref_slice %arg4[%add3A_281] : memref<320000xi32, #tpu.memory_space<hbm>> -> memref<80xi32, #tpu.memory_space<hbm>>
        tpu.enqueue_dma source(%dma_start3A_291 : memref<80xi32, #tpu.memory_space<hbm>>) target(%arg10 : memref<80xi32, #tpu.memory_space<vmem>>) target_semaphore(%run_scoped3A_289 : memref<!tpu.dma_semaphore, #tpu.memory_space<semaphore_mem>>)
        %dma_wait3A_292 = tpu.memref_slice %arg4[%add3A_281] : memref<320000xi32, #tpu.memory_space<hbm>> -> memref<80xi32, #tpu.memory_space<hbm>>
        %dma_wait3A_293 = tpu.memref_slice %arg4[%add3A_281] : memref<320000xi32, #tpu.memory_space<hbm>> -> memref<80xi32, #tpu.memory_space<hbm>>
        tpu.wait_dma2 semaphore(%run_scoped3A_289 : memref<!tpu.dma_semaphore, #tpu.memory_space<semaphore_mem>>) src(%dma_wait3A_293 : memref<80xi32, #tpu.memory_space<hbm>>) dst(%arg10 : memref<80xi32, #tpu.memory_space<vmem>>)
        tpu.yield
      }) : () -> ()
      %dma_wait3A_282 = arith.constant 0 : i32
      %dma_wait3A_283 = arith.constant 0 : i32
      %dma_wait3A_284 = tpu.memref_slice %arg2[%scan3A_160, %dma_wait3A_282, %dma_wait3A_283] : memref<4x10112x128xf32, #tpu.memory_space<hbm>> -> memref<1x10112x128xf32, #tpu.memory_space<hbm>>
      %dma_wait3A_285 = tpu.memref_squeeze %dma_wait3A_284 : memref<1x10112x128xf32, #tpu.memory_space<hbm>> -> memref<10112x128xf32, #tpu.memory_space<hbm>>
      %dma_wait3A_286 = arith.constant 0 : i32
      %dma_wait3A_287 = arith.constant 0 : i32
      %dma_wait3A_288 = tpu.memref_slice %dma_wait3A_285[%dma_wait3A_286, %dma_wait3A_287] : memref<10112x128xf32, #tpu.memory_space<hbm>> -> memref<10112x128xf32, #tpu.memory_space<hbm>>
      tpu.wait_indirect_dma semaphore(%arg16 : memref<!tpu.dma_semaphore, #tpu.memory_space<semaphore_mem>>) src(%dma_wait3A_288 : memref<10112x128xf32, #tpu.memory_space<hbm>>) dst(%arg12 : memref<80x128xf32, #tpu.memory_space<vmem>>)
      "tpu.region"() ({
        %run_scoped3A_289 = tpu.sem_alloc : memref<!tpu.dma_semaphore, #tpu.memory_space<semaphore_mem>>
        %dma_start3A_290 = arith.constant 0 : i32
        %dma_start3A_291 = arith.constant 0 : i32
        %dma_start3A_292 = tpu.memref_slice %arg14[%dma_start3A_290, %dma_start3A_291] : memref<10112x128xf32, #tpu.memory_space<vmem_shared>> -> memref<10112x128xf32, #tpu.memory_space<vmem_shared>>
        tpu.enqueue_indirect_dma source(%arg12 : memref<80x128xf32, #tpu.memory_space<vmem>>) target(%dma_start3A_292 : memref<10112x128xf32, #tpu.memory_space<vmem_shared>>) offsets(%arg10 : memref<80xi32, #tpu.memory_space<vmem>>) semaphore(%run_scoped3A_289 : memref<!tpu.dma_semaphore, #tpu.memory_space<semaphore_mem>>) {add = true}
        %dma_wait3A_293 = arith.constant 0 : i32
        %dma_wait3A_294 = arith.constant 0 : i32
        %dma_wait3A_295 = tpu.memref_slice %arg14[%dma_wait3A_293, %dma_wait3A_294] : memref<10112x128xf32, #tpu.memory_space<vmem_shared>> -> memref<10112x128xf32, #tpu.memory_space<vmem_shared>>
        tpu.wait_indirect_dma semaphore(%run_scoped3A_289 : memref<!tpu.dma_semaphore, #tpu.memory_space<semaphore_mem>>) src(%arg12 : memref<80x128xf32, #tpu.memory_space<vmem>>) dst(%dma_wait3A_295 : memref<10112x128xf32, #tpu.memory_space<vmem_shared>>)
        tpu.yield
      }) : () -> ()
    }
    %scan3A_165 = arith.constant 62 : i32
    %add3A_166 = arith.constant 9920 : i32
    %add3A_167 = arith.addi %mul3A_4, %add3A_166 : i32
    "tpu.region"() ({
      %run_scoped3A_249 = tpu.sem_alloc : memref<!tpu.dma_semaphore, #tpu.memory_space<semaphore_mem>>
      %dma_start3A_250 = tpu.memref_slice %arg4[%add3A_167] : memref<320000xi32, #tpu.memory_space<hbm>> -> memref<80xi32, #tpu.memory_space<hbm>>
      %dma_start3A_251 = tpu.memref_slice %arg4[%add3A_167] : memref<320000xi32, #tpu.memory_space<hbm>> -> memref<80xi32, #tpu.memory_space<hbm>>
      tpu.enqueue_dma source(%dma_start3A_251 : memref<80xi32, #tpu.memory_space<hbm>>) target(%arg10 : memref<80xi32, #tpu.memory_space<vmem>>) target_semaphore(%run_scoped3A_249 : memref<!tpu.dma_semaphore, #tpu.memory_space<semaphore_mem>>)
      %dma_wait3A_252 = tpu.memref_slice %arg4[%add3A_167] : memref<320000xi32, #tpu.memory_space<hbm>> -> memref<80xi32, #tpu.memory_space<hbm>>
      %dma_wait3A_253 = tpu.memref_slice %arg4[%add3A_167] : memref<320000xi32, #tpu.memory_space<hbm>> -> memref<80xi32, #tpu.memory_space<hbm>>
      tpu.wait_dma2 semaphore(%run_scoped3A_249 : memref<!tpu.dma_semaphore, #tpu.memory_space<semaphore_mem>>) src(%dma_wait3A_253 : memref<80xi32, #tpu.memory_space<hbm>>) dst(%arg10 : memref<80xi32, #tpu.memory_space<vmem>>)
      tpu.yield
    }) : () -> ()
    %dma_wait3A_168 = arith.constant 3 : i32
    %dma_wait3A_169 = arith.constant 0 : i32
    %dma_wait3A_170 = arith.constant 0 : i32
    %dma_wait3A_171 = tpu.memref_slice %arg2[%dma_wait3A_168, %dma_wait3A_169, %dma_wait3A_170] : memref<4x10112x128xf32, #tpu.memory_space<hbm>> -> memref<1x10112x128xf32, #tpu.memory_space<hbm>>
    %dma_wait3A_172 = tpu.memref_squeeze %dma_wait3A_171 : memref<1x10112x128xf32, #tpu.memory_space<hbm>> -> memref<10112x128xf32, #tpu.memory_space<hbm>>
    %dma_wait3A_173 = arith.constant 0 : i32
    %dma_wait3A_174 = arith.constant 0 : i32
    %dma_wait3A_175 = tpu.memref_slice %dma_wait3A_172[%dma_wait3A_173, %dma_wait3A_174] : memref<10112x128xf32, #tpu.memory_space<hbm>> -> memref<10112x128xf32, #tpu.memory_space<hbm>>
    tpu.wait_indirect_dma semaphore(%arg15 : memref<!tpu.dma_semaphore, #tpu.memory_space<semaphore_mem>>) src(%dma_wait3A_175 : memref<10112x128xf32, #tpu.memory_space<hbm>>) dst(%arg11 : memref<80x128xf32, #tpu.memory_space<vmem>>)
    "tpu.region"() ({
      %run_scoped3A_249 = tpu.sem_alloc : memref<!tpu.dma_semaphore, #tpu.memory_space<semaphore_mem>>
      %dma_start3A_250 = arith.constant 0 : i32
      %dma_start3A_251 = arith.constant 0 : i32
      %dma_start3A_252 = tpu.memref_slice %arg14[%dma_start3A_250, %dma_start3A_251] : memref<10112x128xf32, #tpu.memory_space<vmem_shared>> -> memref<10112x128xf32, #tpu.memory_space<vmem_shared>>
      tpu.enqueue_indirect_dma source(%arg11 : memref<80x128xf32, #tpu.memory_space<vmem>>) target(%dma_start3A_252 : memref<10112x128xf32, #tpu.memory_space<vmem_shared>>) offsets(%arg10 : memref<80xi32, #tpu.memory_space<vmem>>) semaphore(%run_scoped3A_249 : memref<!tpu.dma_semaphore, #tpu.memory_space<semaphore_mem>>) {add = true}
      %dma_wait3A_253 = arith.constant 0 : i32
      %dma_wait3A_254 = arith.constant 0 : i32
      %dma_wait3A_255 = tpu.memref_slice %arg14[%dma_wait3A_253, %dma_wait3A_254] : memref<10112x128xf32, #tpu.memory_space<vmem_shared>> -> memref<10112x128xf32, #tpu.memory_space<vmem_shared>>
      tpu.wait_indirect_dma semaphore(%run_scoped3A_249 : memref<!tpu.dma_semaphore, #tpu.memory_space<semaphore_mem>>) src(%arg11 : memref<80x128xf32, #tpu.memory_space<vmem>>) dst(%dma_wait3A_255 : memref<10112x128xf32, #tpu.memory_space<vmem_shared>>)
      tpu.yield
    }) : () -> ()
    %barrier3A_176 = arith.constant 0 : index
    tpu.barrier barrier_id(%barrier3A_176)
    %add3A_177 = arith.constant 0 : i32
    %add3A_178 = arith.addi %mul3A_0, %add3A_177 : i32
    "tpu.region"() ({
      %run_scoped3A_249 = tpu.sem_alloc : memref<!tpu.dma_semaphore, #tpu.memory_space<semaphore_mem>>
      %dma_start3A_250 = arith.constant 0 : i32
      %dma_start3A_251 = arith.constant 0 : i32
      %dma_start3A_252 = tpu.memref_slice %arg11[%dma_start3A_250, %dma_start3A_251] : memref<80x128xf32, #tpu.memory_space<vmem>> -> memref<80x128xf32, #tpu.memory_space<vmem>>
      %dma_start3A_253 = arith.constant 0 : i32
      %dma_start3A_254 = tpu.memref_slice %arg14[%add3A_178, %dma_start3A_253] : memref<10112x128xf32, #tpu.memory_space<vmem_shared>> -> memref<80x128xf32, #tpu.memory_space<vmem_shared>>
      %dma_start3A_255 = arith.constant 0 : i32
      %dma_start3A_256 = arith.constant 0 : i32
      %dma_start3A_257 = tpu.memref_slice %arg11[%dma_start3A_255, %dma_start3A_256] : memref<80x128xf32, #tpu.memory_space<vmem>> -> memref<80x128xf32, #tpu.memory_space<vmem>>
      %dma_start3A_258 = arith.constant 0 : i32
      %dma_start3A_259 = tpu.memref_slice %arg14[%add3A_178, %dma_start3A_258] : memref<10112x128xf32, #tpu.memory_space<vmem_shared>> -> memref<80x128xf32, #tpu.memory_space<vmem_shared>>
      tpu.enqueue_dma source(%dma_start3A_259 : memref<80x128xf32, #tpu.memory_space<vmem_shared>>) target(%dma_start3A_257 : memref<80x128xf32, #tpu.memory_space<vmem>>) target_semaphore(%run_scoped3A_249 : memref<!tpu.dma_semaphore, #tpu.memory_space<semaphore_mem>>)
      %dma_wait3A_260 = arith.constant 0 : i32
      %dma_wait3A_261 = arith.constant 0 : i32
      %dma_wait3A_262 = tpu.memref_slice %arg11[%dma_wait3A_260, %dma_wait3A_261] : memref<80x128xf32, #tpu.memory_space<vmem>> -> memref<80x128xf32, #tpu.memory_space<vmem>>
      %dma_wait3A_263 = arith.constant 0 : i32
      %dma_wait3A_264 = tpu.memref_slice %arg14[%add3A_178, %dma_wait3A_263] : memref<10112x128xf32, #tpu.memory_space<vmem_shared>> -> memref<80x128xf32, #tpu.memory_space<vmem_shared>>
      %dma_wait3A_265 = arith.constant 0 : i32
      %dma_wait3A_266 = arith.constant 0 : i32
      %dma_wait3A_267 = tpu.memref_slice %arg11[%dma_wait3A_265, %dma_wait3A_266] : memref<80x128xf32, #tpu.memory_space<vmem>> -> memref<80x128xf32, #tpu.memory_space<vmem>>
      %dma_wait3A_268 = arith.constant 0 : i32
      %dma_wait3A_269 = tpu.memref_slice %arg14[%add3A_178, %dma_wait3A_268] : memref<10112x128xf32, #tpu.memory_space<vmem_shared>> -> memref<80x128xf32, #tpu.memory_space<vmem_shared>>
      tpu.wait_dma2 semaphore(%run_scoped3A_249 : memref<!tpu.dma_semaphore, #tpu.memory_space<semaphore_mem>>) src(%dma_wait3A_269 : memref<80x128xf32, #tpu.memory_space<vmem_shared>>) dst(%dma_wait3A_267 : memref<80x128xf32, #tpu.memory_space<vmem>>)
      tpu.yield
    }) : () -> ()
    %run_scoped3A_179 = arith.constant 2 : i32
    "tpu.region"() ({
      %run_scoped3A_249 = tpu.sem_alloc : memref<!tpu.dma_semaphore, #tpu.memory_space<semaphore_mem>>
      %dma_start3A_250 = arith.constant 0 : i32
      %dma_start3A_251 = arith.constant 0 : i32
      %dma_start3A_252 = tpu.memref_slice %arg11[%dma_start3A_250, %dma_start3A_251] : memref<80x128xf32, #tpu.memory_space<vmem>> -> memref<80x128xf32, #tpu.memory_space<vmem>>
      %dma_start3A_253 = arith.constant 0 : i32
      %dma_start3A_254 = tpu.memref_slice %arg7[%run_scoped3A_179, %arg0, %add3A_178, %dma_start3A_253] : memref<4x2x10112x128xf32, #tpu.memory_space<hbm>> -> memref<1x1x80x128xf32, #tpu.memory_space<hbm>>
      %dma_start3A_255 = tpu.memref_squeeze %dma_start3A_254 : memref<1x1x80x128xf32, #tpu.memory_space<hbm>> -> memref<80x128xf32, #tpu.memory_space<hbm>>
      %dma_start3A_256 = arith.constant 0 : i32
      %dma_start3A_257 = tpu.memref_slice %arg7[%run_scoped3A_179, %arg0, %add3A_178, %dma_start3A_256] : memref<4x2x10112x128xf32, #tpu.memory_space<hbm>> -> memref<1x1x80x128xf32, #tpu.memory_space<hbm>>
      %dma_start3A_258 = tpu.memref_squeeze %dma_start3A_257 : memref<1x1x80x128xf32, #tpu.memory_space<hbm>> -> memref<80x128xf32, #tpu.memory_space<hbm>>
      %dma_start3A_259 = arith.constant 0 : i32
      %dma_start3A_260 = arith.constant 0 : i32
      %dma_start3A_261 = tpu.memref_slice %arg11[%dma_start3A_259, %dma_start3A_260] : memref<80x128xf32, #tpu.memory_space<vmem>> -> memref<80x128xf32, #tpu.memory_space<vmem>>
      tpu.enqueue_dma source(%dma_start3A_261 : memref<80x128xf32, #tpu.memory_space<vmem>>) target(%dma_start3A_258 : memref<80x128xf32, #tpu.memory_space<hbm>>) target_semaphore(%run_scoped3A_249 : memref<!tpu.dma_semaphore, #tpu.memory_space<semaphore_mem>>)
      %dma_wait3A_262 = arith.constant 0 : i32
      %dma_wait3A_263 = arith.constant 0 : i32
      %dma_wait3A_264 = tpu.memref_slice %arg11[%dma_wait3A_262, %dma_wait3A_263] : memref<80x128xf32, #tpu.memory_space<vmem>> -> memref<80x128xf32, #tpu.memory_space<vmem>>
      %dma_wait3A_265 = arith.constant 0 : i32
      %dma_wait3A_266 = tpu.memref_slice %arg7[%run_scoped3A_179, %arg0, %add3A_178, %dma_wait3A_265] : memref<4x2x10112x128xf32, #tpu.memory_space<hbm>> -> memref<1x1x80x128xf32, #tpu.memory_space<hbm>>
      %dma_wait3A_267 = tpu.memref_squeeze %dma_wait3A_266 : memref<1x1x80x128xf32, #tpu.memory_space<hbm>> -> memref<80x128xf32, #tpu.memory_space<hbm>>
      %dma_wait3A_268 = arith.constant 0 : i32
      %dma_wait3A_269 = tpu.memref_slice %arg7[%run_scoped3A_179, %arg0, %add3A_178, %dma_wait3A_268] : memref<4x2x10112x128xf32, #tpu.memory_space<hbm>> -> memref<1x1x80x128xf32, #tpu.memory_space<hbm>>
      %dma_wait3A_270 = tpu.memref_squeeze %dma_wait3A_269 : memref<1x1x80x128xf32, #tpu.memory_space<hbm>> -> memref<80x128xf32, #tpu.memory_space<hbm>>
      %dma_wait3A_271 = arith.constant 0 : i32
      %dma_wait3A_272 = arith.constant 0 : i32
      %dma_wait3A_273 = tpu.memref_slice %arg11[%dma_wait3A_271, %dma_wait3A_272] : memref<80x128xf32, #tpu.memory_space<vmem>> -> memref<80x128xf32, #tpu.memory_space<vmem>>
      tpu.wait_dma2 semaphore(%run_scoped3A_249 : memref<!tpu.dma_semaphore, #tpu.memory_space<semaphore_mem>>) src(%dma_wait3A_273 : memref<80x128xf32, #tpu.memory_space<vmem>>) dst(%dma_wait3A_270 : memref<80x128xf32, #tpu.memory_space<hbm>>)
      tpu.yield
    }) : () -> ()
    %add3A_180 = arith.constant 80 : i32
    %add3A_181 = arith.addi %mul3A_0, %add3A_180 : i32
    "tpu.region"() ({
      %run_scoped3A_249 = tpu.sem_alloc : memref<!tpu.dma_semaphore, #tpu.memory_space<semaphore_mem>>
      %dma_start3A_250 = arith.constant 0 : i32
      %dma_start3A_251 = arith.constant 0 : i32
      %dma_start3A_252 = tpu.memref_slice %arg11[%dma_start3A_250, %dma_start3A_251] : memref<80x128xf32, #tpu.memory_space<vmem>> -> memref<80x128xf32, #tpu.memory_space<vmem>>
      %dma_start3A_253 = arith.constant 0 : i32
      %dma_start3A_254 = tpu.memref_slice %arg14[%add3A_181, %dma_start3A_253] : memref<10112x128xf32, #tpu.memory_space<vmem_shared>> -> memref<80x128xf32, #tpu.memory_space<vmem_shared>>
      %dma_start3A_255 = arith.constant 0 : i32
      %dma_start3A_256 = arith.constant 0 : i32
      %dma_start3A_257 = tpu.memref_slice %arg11[%dma_start3A_255, %dma_start3A_256] : memref<80x128xf32, #tpu.memory_space<vmem>> -> memref<80x128xf32, #tpu.memory_space<vmem>>
      %dma_start3A_258 = arith.constant 0 : i32
      %dma_start3A_259 = tpu.memref_slice %arg14[%add3A_181, %dma_start3A_258] : memref<10112x128xf32, #tpu.memory_space<vmem_shared>> -> memref<80x128xf32, #tpu.memory_space<vmem_shared>>
      tpu.enqueue_dma source(%dma_start3A_259 : memref<80x128xf32, #tpu.memory_space<vmem_shared>>) target(%dma_start3A_257 : memref<80x128xf32, #tpu.memory_space<vmem>>) target_semaphore(%run_scoped3A_249 : memref<!tpu.dma_semaphore, #tpu.memory_space<semaphore_mem>>)
      %dma_wait3A_260 = arith.constant 0 : i32
      %dma_wait3A_261 = arith.constant 0 : i32
      %dma_wait3A_262 = tpu.memref_slice %arg11[%dma_wait3A_260, %dma_wait3A_261] : memref<80x128xf32, #tpu.memory_space<vmem>> -> memref<80x128xf32, #tpu.memory_space<vmem>>
      %dma_wait3A_263 = arith.constant 0 : i32
      %dma_wait3A_264 = tpu.memref_slice %arg14[%add3A_181, %dma_wait3A_263] : memref<10112x128xf32, #tpu.memory_space<vmem_shared>> -> memref<80x128xf32, #tpu.memory_space<vmem_shared>>
      %dma_wait3A_265 = arith.constant 0 : i32
      %dma_wait3A_266 = arith.constant 0 : i32
      %dma_wait3A_267 = tpu.memref_slice %arg11[%dma_wait3A_265, %dma_wait3A_266] : memref<80x128xf32, #tpu.memory_space<vmem>> -> memref<80x128xf32, #tpu.memory_space<vmem>>
      %dma_wait3A_268 = arith.constant 0 : i32
      %dma_wait3A_269 = tpu.memref_slice %arg14[%add3A_181, %dma_wait3A_268] : memref<10112x128xf32, #tpu.memory_space<vmem_shared>> -> memref<80x128xf32, #tpu.memory_space<vmem_shared>>
      tpu.wait_dma2 semaphore(%run_scoped3A_249 : memref<!tpu.dma_semaphore, #tpu.memory_space<semaphore_mem>>) src(%dma_wait3A_269 : memref<80x128xf32, #tpu.memory_space<vmem_shared>>) dst(%dma_wait3A_267 : memref<80x128xf32, #tpu.memory_space<vmem>>)
      tpu.yield
    }) : () -> ()
    %run_scoped3A_182 = arith.constant 2 : i32
    "tpu.region"() ({
      %run_scoped3A_249 = tpu.sem_alloc : memref<!tpu.dma_semaphore, #tpu.memory_space<semaphore_mem>>
      %dma_start3A_250 = arith.constant 0 : i32
      %dma_start3A_251 = arith.constant 0 : i32
      %dma_start3A_252 = tpu.memref_slice %arg11[%dma_start3A_250, %dma_start3A_251] : memref<80x128xf32, #tpu.memory_space<vmem>> -> memref<80x128xf32, #tpu.memory_space<vmem>>
      %dma_start3A_253 = arith.constant 0 : i32
      %dma_start3A_254 = tpu.memref_slice %arg7[%run_scoped3A_182, %arg0, %add3A_181, %dma_start3A_253] : memref<4x2x10112x128xf32, #tpu.memory_space<hbm>> -> memref<1x1x80x128xf32, #tpu.memory_space<hbm>>
      %dma_start3A_255 = tpu.memref_squeeze %dma_start3A_254 : memref<1x1x80x128xf32, #tpu.memory_space<hbm>> -> memref<80x128xf32, #tpu.memory_space<hbm>>
      %dma_start3A_256 = arith.constant 0 : i32
      %dma_start3A_257 = tpu.memref_slice %arg7[%run_scoped3A_182, %arg0, %add3A_181, %dma_start3A_256] : memref<4x2x10112x128xf32, #tpu.memory_space<hbm>> -> memref<1x1x80x128xf32, #tpu.memory_space<hbm>>
      %dma_start3A_258 = tpu.memref_squeeze %dma_start3A_257 : memref<1x1x80x128xf32, #tpu.memory_space<hbm>> -> memref<80x128xf32, #tpu.memory_space<hbm>>
      %dma_start3A_259 = arith.constant 0 : i32
      %dma_start3A_260 = arith.constant 0 : i32
      %dma_start3A_261 = tpu.memref_slice %arg11[%dma_start3A_259, %dma_start3A_260] : memref<80x128xf32, #tpu.memory_space<vmem>> -> memref<80x128xf32, #tpu.memory_space<vmem>>
      tpu.enqueue_dma source(%dma_start3A_261 : memref<80x128xf32, #tpu.memory_space<vmem>>) target(%dma_start3A_258 : memref<80x128xf32, #tpu.memory_space<hbm>>) target_semaphore(%run_scoped3A_249 : memref<!tpu.dma_semaphore, #tpu.memory_space<semaphore_mem>>)
      %dma_wait3A_262 = arith.constant 0 : i32
      %dma_wait3A_263 = arith.constant 0 : i32
      %dma_wait3A_264 = tpu.memref_slice %arg11[%dma_wait3A_262, %dma_wait3A_263] : memref<80x128xf32, #tpu.memory_space<vmem>> -> memref<80x128xf32, #tpu.memory_space<vmem>>
      %dma_wait3A_265 = arith.constant 0 : i32
      %dma_wait3A_266 = tpu.memref_slice %arg7[%run_scoped3A_182, %arg0, %add3A_181, %dma_wait3A_265] : memref<4x2x10112x128xf32, #tpu.memory_space<hbm>> -> memref<1x1x80x128xf32, #tpu.memory_space<hbm>>
      %dma_wait3A_267 = tpu.memref_squeeze %dma_wait3A_266 : memref<1x1x80x128xf32, #tpu.memory_space<hbm>> -> memref<80x128xf32, #tpu.memory_space<hbm>>
      %dma_wait3A_268 = arith.constant 0 : i32
      %dma_wait3A_269 = tpu.memref_slice %arg7[%run_scoped3A_182, %arg0, %add3A_181, %dma_wait3A_268] : memref<4x2x10112x128xf32, #tpu.memory_space<hbm>> -> memref<1x1x80x128xf32, #tpu.memory_space<hbm>>
      %dma_wait3A_270 = tpu.memref_squeeze %dma_wait3A_269 : memref<1x1x80x128xf32, #tpu.memory_space<hbm>> -> memref<80x128xf32, #tpu.memory_space<hbm>>
      %dma_wait3A_271 = arith.constant 0 : i32
      %dma_wait3A_272 = arith.constant 0 : i32
      %dma_wait3A_273 = tpu.memref_slice %arg11[%dma_wait3A_271, %dma_wait3A_272] : memref<80x128xf32, #tpu.memory_space<vmem>> -> memref<80x128xf32, #tpu.memory_space<vmem>>
      tpu.wait_dma2 semaphore(%run_scoped3A_249 : memref<!tpu.dma_semaphore, #tpu.memory_space<semaphore_mem>>) src(%dma_wait3A_273 : memref<80x128xf32, #tpu.memory_space<vmem>>) dst(%dma_wait3A_270 : memref<80x128xf32, #tpu.memory_space<hbm>>)
      tpu.yield
    }) : () -> ()
    %add3A_183 = arith.constant 160 : i32
    %add3A_184 = arith.addi %mul3A_0, %add3A_183 : i32
    "tpu.region"() ({
      %run_scoped3A_249 = tpu.sem_alloc : memref<!tpu.dma_semaphore, #tpu.memory_space<semaphore_mem>>
      %dma_start3A_250 = arith.constant 0 : i32
      %dma_start3A_251 = arith.constant 0 : i32
      %dma_start3A_252 = tpu.memref_slice %arg11[%dma_start3A_250, %dma_start3A_251] : memref<80x128xf32, #tpu.memory_space<vmem>> -> memref<80x128xf32, #tpu.memory_space<vmem>>
      %dma_start3A_253 = arith.constant 0 : i32
      %dma_start3A_254 = tpu.memref_slice %arg14[%add3A_184, %dma_start3A_253] : memref<10112x128xf32, #tpu.memory_space<vmem_shared>> -> memref<80x128xf32, #tpu.memory_space<vmem_shared>>
      %dma_start3A_255 = arith.constant 0 : i32
      %dma_start3A_256 = arith.constant 0 : i32
      %dma_start3A_257 = tpu.memref_slice %arg11[%dma_start3A_255, %dma_start3A_256] : memref<80x128xf32, #tpu.memory_space<vmem>> -> memref<80x128xf32, #tpu.memory_space<vmem>>
      %dma_start3A_258 = arith.constant 0 : i32
      %dma_start3A_259 = tpu.memref_slice %arg14[%add3A_184, %dma_start3A_258] : memref<10112x128xf32, #tpu.memory_space<vmem_shared>> -> memref<80x128xf32, #tpu.memory_space<vmem_shared>>
      tpu.enqueue_dma source(%dma_start3A_259 : memref<80x128xf32, #tpu.memory_space<vmem_shared>>) target(%dma_start3A_257 : memref<80x128xf32, #tpu.memory_space<vmem>>) target_semaphore(%run_scoped3A_249 : memref<!tpu.dma_semaphore, #tpu.memory_space<semaphore_mem>>)
      %dma_wait3A_260 = arith.constant 0 : i32
      %dma_wait3A_261 = arith.constant 0 : i32
      %dma_wait3A_262 = tpu.memref_slice %arg11[%dma_wait3A_260, %dma_wait3A_261] : memref<80x128xf32, #tpu.memory_space<vmem>> -> memref<80x128xf32, #tpu.memory_space<vmem>>
      %dma_wait3A_263 = arith.constant 0 : i32
      %dma_wait3A_264 = tpu.memref_slice %arg14[%add3A_184, %dma_wait3A_263] : memref<10112x128xf32, #tpu.memory_space<vmem_shared>> -> memref<80x128xf32, #tpu.memory_space<vmem_shared>>
      %dma_wait3A_265 = arith.constant 0 : i32
      %dma_wait3A_266 = arith.constant 0 : i32
      %dma_wait3A_267 = tpu.memref_slice %arg11[%dma_wait3A_265, %dma_wait3A_266] : memref<80x128xf32, #tpu.memory_space<vmem>> -> memref<80x128xf32, #tpu.memory_space<vmem>>
      %dma_wait3A_268 = arith.constant 0 : i32
      %dma_wait3A_269 = tpu.memref_slice %arg14[%add3A_184, %dma_wait3A_268] : memref<10112x128xf32, #tpu.memory_space<vmem_shared>> -> memref<80x128xf32, #tpu.memory_space<vmem_shared>>
      tpu.wait_dma2 semaphore(%run_scoped3A_249 : memref<!tpu.dma_semaphore, #tpu.memory_space<semaphore_mem>>) src(%dma_wait3A_269 : memref<80x128xf32, #tpu.memory_space<vmem_shared>>) dst(%dma_wait3A_267 : memref<80x128xf32, #tpu.memory_space<vmem>>)
      tpu.yield
    }) : () -> ()
    %run_scoped3A_185 = arith.constant 2 : i32
    "tpu.region"() ({
      %run_scoped3A_249 = tpu.sem_alloc : memref<!tpu.dma_semaphore, #tpu.memory_space<semaphore_mem>>
      %dma_start3A_250 = arith.constant 0 : i32
      %dma_start3A_251 = arith.constant 0 : i32
      %dma_start3A_252 = tpu.memref_slice %arg11[%dma_start3A_250, %dma_start3A_251] : memref<80x128xf32, #tpu.memory_space<vmem>> -> memref<80x128xf32, #tpu.memory_space<vmem>>
      %dma_start3A_253 = arith.constant 0 : i32
      %dma_start3A_254 = tpu.memref_slice %arg7[%run_scoped3A_185, %arg0, %add3A_184, %dma_start3A_253] : memref<4x2x10112x128xf32, #tpu.memory_space<hbm>> -> memref<1x1x80x128xf32, #tpu.memory_space<hbm>>
      %dma_start3A_255 = tpu.memref_squeeze %dma_start3A_254 : memref<1x1x80x128xf32, #tpu.memory_space<hbm>> -> memref<80x128xf32, #tpu.memory_space<hbm>>
      %dma_start3A_256 = arith.constant 0 : i32
      %dma_start3A_257 = tpu.memref_slice %arg7[%run_scoped3A_185, %arg0, %add3A_184, %dma_start3A_256] : memref<4x2x10112x128xf32, #tpu.memory_space<hbm>> -> memref<1x1x80x128xf32, #tpu.memory_space<hbm>>
      %dma_start3A_258 = tpu.memref_squeeze %dma_start3A_257 : memref<1x1x80x128xf32, #tpu.memory_space<hbm>> -> memref<80x128xf32, #tpu.memory_space<hbm>>
      %dma_start3A_259 = arith.constant 0 : i32
      %dma_start3A_260 = arith.constant 0 : i32
      %dma_start3A_261 = tpu.memref_slice %arg11[%dma_start3A_259, %dma_start3A_260] : memref<80x128xf32, #tpu.memory_space<vmem>> -> memref<80x128xf32, #tpu.memory_space<vmem>>
      tpu.enqueue_dma source(%dma_start3A_261 : memref<80x128xf32, #tpu.memory_space<vmem>>) target(%dma_start3A_258 : memref<80x128xf32, #tpu.memory_space<hbm>>) target_semaphore(%run_scoped3A_249 : memref<!tpu.dma_semaphore, #tpu.memory_space<semaphore_mem>>)
      %dma_wait3A_262 = arith.constant 0 : i32
      %dma_wait3A_263 = arith.constant 0 : i32
      %dma_wait3A_264 = tpu.memref_slice %arg11[%dma_wait3A_262, %dma_wait3A_263] : memref<80x128xf32, #tpu.memory_space<vmem>> -> memref<80x128xf32, #tpu.memory_space<vmem>>
      %dma_wait3A_265 = arith.constant 0 : i32
      %dma_wait3A_266 = tpu.memref_slice %arg7[%run_scoped3A_185, %arg0, %add3A_184, %dma_wait3A_265] : memref<4x2x10112x128xf32, #tpu.memory_space<hbm>> -> memref<1x1x80x128xf32, #tpu.memory_space<hbm>>
      %dma_wait3A_267 = tpu.memref_squeeze %dma_wait3A_266 : memref<1x1x80x128xf32, #tpu.memory_space<hbm>> -> memref<80x128xf32, #tpu.memory_space<hbm>>
      %dma_wait3A_268 = arith.constant 0 : i32
      %dma_wait3A_269 = tpu.memref_slice %arg7[%run_scoped3A_185, %arg0, %add3A_184, %dma_wait3A_268] : memref<4x2x10112x128xf32, #tpu.memory_space<hbm>> -> memref<1x1x80x128xf32, #tpu.memory_space<hbm>>
      %dma_wait3A_270 = tpu.memref_squeeze %dma_wait3A_269 : memref<1x1x80x128xf32, #tpu.memory_space<hbm>> -> memref<80x128xf32, #tpu.memory_space<hbm>>
      %dma_wait3A_271 = arith.constant 0 : i32
      %dma_wait3A_272 = arith.constant 0 : i32
      %dma_wait3A_273 = tpu.memref_slice %arg11[%dma_wait3A_271, %dma_wait3A_272] : memref<80x128xf32, #tpu.memory_space<vmem>> -> memref<80x128xf32, #tpu.memory_space<vmem>>
      tpu.wait_dma2 semaphore(%run_scoped3A_249 : memref<!tpu.dma_semaphore, #tpu.memory_space<semaphore_mem>>) src(%dma_wait3A_273 : memref<80x128xf32, #tpu.memory_space<vmem>>) dst(%dma_wait3A_270 : memref<80x128xf32, #tpu.memory_space<hbm>>)
      tpu.yield
    }) : () -> ()
    %add3A_186 = arith.constant 240 : i32
    %add3A_187 = arith.addi %mul3A_0, %add3A_186 : i32
    "tpu.region"() ({
      %run_scoped3A_249 = tpu.sem_alloc : memref<!tpu.dma_semaphore, #tpu.memory_space<semaphore_mem>>
      %dma_start3A_250 = arith.constant 0 : i32
      %dma_start3A_251 = arith.constant 0 : i32
      %dma_start3A_252 = tpu.memref_slice %arg11[%dma_start3A_250, %dma_start3A_251] : memref<80x128xf32, #tpu.memory_space<vmem>> -> memref<80x128xf32, #tpu.memory_space<vmem>>
      %dma_start3A_253 = arith.constant 0 : i32
      %dma_start3A_254 = tpu.memref_slice %arg14[%add3A_187, %dma_start3A_253] : memref<10112x128xf32, #tpu.memory_space<vmem_shared>> -> memref<80x128xf32, #tpu.memory_space<vmem_shared>>
      %dma_start3A_255 = arith.constant 0 : i32
      %dma_start3A_256 = arith.constant 0 : i32
      %dma_start3A_257 = tpu.memref_slice %arg11[%dma_start3A_255, %dma_start3A_256] : memref<80x128xf32, #tpu.memory_space<vmem>> -> memref<80x128xf32, #tpu.memory_space<vmem>>
      %dma_start3A_258 = arith.constant 0 : i32
      %dma_start3A_259 = tpu.memref_slice %arg14[%add3A_187, %dma_start3A_258] : memref<10112x128xf32, #tpu.memory_space<vmem_shared>> -> memref<80x128xf32, #tpu.memory_space<vmem_shared>>
      tpu.enqueue_dma source(%dma_start3A_259 : memref<80x128xf32, #tpu.memory_space<vmem_shared>>) target(%dma_start3A_257 : memref<80x128xf32, #tpu.memory_space<vmem>>) target_semaphore(%run_scoped3A_249 : memref<!tpu.dma_semaphore, #tpu.memory_space<semaphore_mem>>)
      %dma_wait3A_260 = arith.constant 0 : i32
      %dma_wait3A_261 = arith.constant 0 : i32
      %dma_wait3A_262 = tpu.memref_slice %arg11[%dma_wait3A_260, %dma_wait3A_261] : memref<80x128xf32, #tpu.memory_space<vmem>> -> memref<80x128xf32, #tpu.memory_space<vmem>>
      %dma_wait3A_263 = arith.constant 0 : i32
      %dma_wait3A_264 = tpu.memref_slice %arg14[%add3A_187, %dma_wait3A_263] : memref<10112x128xf32, #tpu.memory_space<vmem_shared>> -> memref<80x128xf32, #tpu.memory_space<vmem_shared>>
      %dma_wait3A_265 = arith.constant 0 : i32
      %dma_wait3A_266 = arith.constant 0 : i32
      %dma_wait3A_267 = tpu.memref_slice %arg11[%dma_wait3A_265, %dma_wait3A_266] : memref<80x128xf32, #tpu.memory_space<vmem>> -> memref<80x128xf32, #tpu.memory_space<vmem>>
      %dma_wait3A_268 = arith.constant 0 : i32
      %dma_wait3A_269 = tpu.memref_slice %arg14[%add3A_187, %dma_wait3A_268] : memref<10112x128xf32, #tpu.memory_space<vmem_shared>> -> memref<80x128xf32, #tpu.memory_space<vmem_shared>>
      tpu.wait_dma2 semaphore(%run_scoped3A_249 : memref<!tpu.dma_semaphore, #tpu.memory_space<semaphore_mem>>) src(%dma_wait3A_269 : memref<80x128xf32, #tpu.memory_space<vmem_shared>>) dst(%dma_wait3A_267 : memref<80x128xf32, #tpu.memory_space<vmem>>)
      tpu.yield
    }) : () -> ()
    %run_scoped3A_188 = arith.constant 2 : i32
    "tpu.region"() ({
      %run_scoped3A_249 = tpu.sem_alloc : memref<!tpu.dma_semaphore, #tpu.memory_space<semaphore_mem>>
      %dma_start3A_250 = arith.constant 0 : i32
      %dma_start3A_251 = arith.constant 0 : i32
      %dma_start3A_252 = tpu.memref_slice %arg11[%dma_start3A_250, %dma_start3A_251] : memref<80x128xf32, #tpu.memory_space<vmem>> -> memref<80x128xf32, #tpu.memory_space<vmem>>
      %dma_start3A_253 = arith.constant 0 : i32
      %dma_start3A_254 = tpu.memref_slice %arg7[%run_scoped3A_188, %arg0, %add3A_187, %dma_start3A_253] : memref<4x2x10112x128xf32, #tpu.memory_space<hbm>> -> memref<1x1x80x128xf32, #tpu.memory_space<hbm>>
      %dma_start3A_255 = tpu.memref_squeeze %dma_start3A_254 : memref<1x1x80x128xf32, #tpu.memory_space<hbm>> -> memref<80x128xf32, #tpu.memory_space<hbm>>
      %dma_start3A_256 = arith.constant 0 : i32
      %dma_start3A_257 = tpu.memref_slice %arg7[%run_scoped3A_188, %arg0, %add3A_187, %dma_start3A_256] : memref<4x2x10112x128xf32, #tpu.memory_space<hbm>> -> memref<1x1x80x128xf32, #tpu.memory_space<hbm>>
      %dma_start3A_258 = tpu.memref_squeeze %dma_start3A_257 : memref<1x1x80x128xf32, #tpu.memory_space<hbm>> -> memref<80x128xf32, #tpu.memory_space<hbm>>
      %dma_start3A_259 = arith.constant 0 : i32
      %dma_start3A_260 = arith.constant 0 : i32
      %dma_start3A_261 = tpu.memref_slice %arg11[%dma_start3A_259, %dma_start3A_260] : memref<80x128xf32, #tpu.memory_space<vmem>> -> memref<80x128xf32, #tpu.memory_space<vmem>>
      tpu.enqueue_dma source(%dma_start3A_261 : memref<80x128xf32, #tpu.memory_space<vmem>>) target(%dma_start3A_258 : memref<80x128xf32, #tpu.memory_space<hbm>>) target_semaphore(%run_scoped3A_249 : memref<!tpu.dma_semaphore, #tpu.memory_space<semaphore_mem>>)
      %dma_wait3A_262 = arith.constant 0 : i32
      %dma_wait3A_263 = arith.constant 0 : i32
      %dma_wait3A_264 = tpu.memref_slice %arg11[%dma_wait3A_262, %dma_wait3A_263] : memref<80x128xf32, #tpu.memory_space<vmem>> -> memref<80x128xf32, #tpu.memory_space<vmem>>
      %dma_wait3A_265 = arith.constant 0 : i32
      %dma_wait3A_266 = tpu.memref_slice %arg7[%run_scoped3A_188, %arg0, %add3A_187, %dma_wait3A_265] : memref<4x2x10112x128xf32, #tpu.memory_space<hbm>> -> memref<1x1x80x128xf32, #tpu.memory_space<hbm>>
      %dma_wait3A_267 = tpu.memref_squeeze %dma_wait3A_266 : memref<1x1x80x128xf32, #tpu.memory_space<hbm>> -> memref<80x128xf32, #tpu.memory_space<hbm>>
      %dma_wait3A_268 = arith.constant 0 : i32
      %dma_wait3A_269 = tpu.memref_slice %arg7[%run_scoped3A_188, %arg0, %add3A_187, %dma_wait3A_268] : memref<4x2x10112x128xf32, #tpu.memory_space<hbm>> -> memref<1x1x80x128xf32, #tpu.memory_space<hbm>>
      %dma_wait3A_270 = tpu.memref_squeeze %dma_wait3A_269 : memref<1x1x80x128xf32, #tpu.memory_space<hbm>> -> memref<80x128xf32, #tpu.memory_space<hbm>>
      %dma_wait3A_271 = arith.constant 0 : i32
      %dma_wait3A_272 = arith.constant 0 : i32
      %dma_wait3A_273 = tpu.memref_slice %arg11[%dma_wait3A_271, %dma_wait3A_272] : memref<80x128xf32, #tpu.memory_space<vmem>> -> memref<80x128xf32, #tpu.memory_space<vmem>>
      tpu.wait_dma2 semaphore(%run_scoped3A_249 : memref<!tpu.dma_semaphore, #tpu.memory_space<semaphore_mem>>) src(%dma_wait3A_273 : memref<80x128xf32, #tpu.memory_space<vmem>>) dst(%dma_wait3A_270 : memref<80x128xf32, #tpu.memory_space<hbm>>)
      tpu.yield
    }) : () -> ()
    %add3A_189 = arith.constant 320 : i32
    %add3A_190 = arith.addi %mul3A_0, %add3A_189 : i32
    "tpu.region"() ({
      %run_scoped3A_249 = tpu.sem_alloc : memref<!tpu.dma_semaphore, #tpu.memory_space<semaphore_mem>>
      %dma_start3A_250 = arith.constant 0 : i32
      %dma_start3A_251 = arith.constant 0 : i32
      %dma_start3A_252 = tpu.memref_slice %arg11[%dma_start3A_250, %dma_start3A_251] : memref<80x128xf32, #tpu.memory_space<vmem>> -> memref<80x128xf32, #tpu.memory_space<vmem>>
      %dma_start3A_253 = arith.constant 0 : i32
      %dma_start3A_254 = tpu.memref_slice %arg14[%add3A_190, %dma_start3A_253] : memref<10112x128xf32, #tpu.memory_space<vmem_shared>> -> memref<80x128xf32, #tpu.memory_space<vmem_shared>>
      %dma_start3A_255 = arith.constant 0 : i32
      %dma_start3A_256 = arith.constant 0 : i32
      %dma_start3A_257 = tpu.memref_slice %arg11[%dma_start3A_255, %dma_start3A_256] : memref<80x128xf32, #tpu.memory_space<vmem>> -> memref<80x128xf32, #tpu.memory_space<vmem>>
      %dma_start3A_258 = arith.constant 0 : i32
      %dma_start3A_259 = tpu.memref_slice %arg14[%add3A_190, %dma_start3A_258] : memref<10112x128xf32, #tpu.memory_space<vmem_shared>> -> memref<80x128xf32, #tpu.memory_space<vmem_shared>>
      tpu.enqueue_dma source(%dma_start3A_259 : memref<80x128xf32, #tpu.memory_space<vmem_shared>>) target(%dma_start3A_257 : memref<80x128xf32, #tpu.memory_space<vmem>>) target_semaphore(%run_scoped3A_249 : memref<!tpu.dma_semaphore, #tpu.memory_space<semaphore_mem>>)
      %dma_wait3A_260 = arith.constant 0 : i32
      %dma_wait3A_261 = arith.constant 0 : i32
      %dma_wait3A_262 = tpu.memref_slice %arg11[%dma_wait3A_260, %dma_wait3A_261] : memref<80x128xf32, #tpu.memory_space<vmem>> -> memref<80x128xf32, #tpu.memory_space<vmem>>
      %dma_wait3A_263 = arith.constant 0 : i32
      %dma_wait3A_264 = tpu.memref_slice %arg14[%add3A_190, %dma_wait3A_263] : memref<10112x128xf32, #tpu.memory_space<vmem_shared>> -> memref<80x128xf32, #tpu.memory_space<vmem_shared>>
      %dma_wait3A_265 = arith.constant 0 : i32
      %dma_wait3A_266 = arith.constant 0 : i32
      %dma_wait3A_267 = tpu.memref_slice %arg11[%dma_wait3A_265, %dma_wait3A_266] : memref<80x128xf32, #tpu.memory_space<vmem>> -> memref<80x128xf32, #tpu.memory_space<vmem>>
      %dma_wait3A_268 = arith.constant 0 : i32
      %dma_wait3A_269 = tpu.memref_slice %arg14[%add3A_190, %dma_wait3A_268] : memref<10112x128xf32, #tpu.memory_space<vmem_shared>> -> memref<80x128xf32, #tpu.memory_space<vmem_shared>>
      tpu.wait_dma2 semaphore(%run_scoped3A_249 : memref<!tpu.dma_semaphore, #tpu.memory_space<semaphore_mem>>) src(%dma_wait3A_269 : memref<80x128xf32, #tpu.memory_space<vmem_shared>>) dst(%dma_wait3A_267 : memref<80x128xf32, #tpu.memory_space<vmem>>)
      tpu.yield
    }) : () -> ()
    %run_scoped3A_191 = arith.constant 2 : i32
    "tpu.region"() ({
      %run_scoped3A_249 = tpu.sem_alloc : memref<!tpu.dma_semaphore, #tpu.memory_space<semaphore_mem>>
      %dma_start3A_250 = arith.constant 0 : i32
      %dma_start3A_251 = arith.constant 0 : i32
      %dma_start3A_252 = tpu.memref_slice %arg11[%dma_start3A_250, %dma_start3A_251] : memref<80x128xf32, #tpu.memory_space<vmem>> -> memref<80x128xf32, #tpu.memory_space<vmem>>
      %dma_start3A_253 = arith.constant 0 : i32
      %dma_start3A_254 = tpu.memref_slice %arg7[%run_scoped3A_191, %arg0, %add3A_190, %dma_start3A_253] : memref<4x2x10112x128xf32, #tpu.memory_space<hbm>> -> memref<1x1x80x128xf32, #tpu.memory_space<hbm>>
      %dma_start3A_255 = tpu.memref_squeeze %dma_start3A_254 : memref<1x1x80x128xf32, #tpu.memory_space<hbm>> -> memref<80x128xf32, #tpu.memory_space<hbm>>
      %dma_start3A_256 = arith.constant 0 : i32
      %dma_start3A_257 = tpu.memref_slice %arg7[%run_scoped3A_191, %arg0, %add3A_190, %dma_start3A_256] : memref<4x2x10112x128xf32, #tpu.memory_space<hbm>> -> memref<1x1x80x128xf32, #tpu.memory_space<hbm>>
      %dma_start3A_258 = tpu.memref_squeeze %dma_start3A_257 : memref<1x1x80x128xf32, #tpu.memory_space<hbm>> -> memref<80x128xf32, #tpu.memory_space<hbm>>
      %dma_start3A_259 = arith.constant 0 : i32
      %dma_start3A_260 = arith.constant 0 : i32
      %dma_start3A_261 = tpu.memref_slice %arg11[%dma_start3A_259, %dma_start3A_260] : memref<80x128xf32, #tpu.memory_space<vmem>> -> memref<80x128xf32, #tpu.memory_space<vmem>>
      tpu.enqueue_dma source(%dma_start3A_261 : memref<80x128xf32, #tpu.memory_space<vmem>>) target(%dma_start3A_258 : memref<80x128xf32, #tpu.memory_space<hbm>>) target_semaphore(%run_scoped3A_249 : memref<!tpu.dma_semaphore, #tpu.memory_space<semaphore_mem>>)
      %dma_wait3A_262 = arith.constant 0 : i32
      %dma_wait3A_263 = arith.constant 0 : i32
      %dma_wait3A_264 = tpu.memref_slice %arg11[%dma_wait3A_262, %dma_wait3A_263] : memref<80x128xf32, #tpu.memory_space<vmem>> -> memref<80x128xf32, #tpu.memory_space<vmem>>
      %dma_wait3A_265 = arith.constant 0 : i32
      %dma_wait3A_266 = tpu.memref_slice %arg7[%run_scoped3A_191, %arg0, %add3A_190, %dma_wait3A_265] : memref<4x2x10112x128xf32, #tpu.memory_space<hbm>> -> memref<1x1x80x128xf32, #tpu.memory_space<hbm>>
      %dma_wait3A_267 = tpu.memref_squeeze %dma_wait3A_266 : memref<1x1x80x128xf32, #tpu.memory_space<hbm>> -> memref<80x128xf32, #tpu.memory_space<hbm>>
      %dma_wait3A_268 = arith.constant 0 : i32
      %dma_wait3A_269 = tpu.memref_slice %arg7[%run_scoped3A_191, %arg0, %add3A_190, %dma_wait3A_268] : memref<4x2x10112x128xf32, #tpu.memory_space<hbm>> -> memref<1x1x80x128xf32, #tpu.memory_space<hbm>>
      %dma_wait3A_270 = tpu.memref_squeeze %dma_wait3A_269 : memref<1x1x80x128xf32, #tpu.memory_space<hbm>> -> memref<80x128xf32, #tpu.memory_space<hbm>>
      %dma_wait3A_271 = arith.constant 0 : i32
      %dma_wait3A_272 = arith.constant 0 : i32
      %dma_wait3A_273 = tpu.memref_slice %arg11[%dma_wait3A_271, %dma_wait3A_272] : memref<80x128xf32, #tpu.memory_space<vmem>> -> memref<80x128xf32, #tpu.memory_space<vmem>>
      tpu.wait_dma2 semaphore(%run_scoped3A_249 : memref<!tpu.dma_semaphore, #tpu.memory_space<semaphore_mem>>) src(%dma_wait3A_273 : memref<80x128xf32, #tpu.memory_space<vmem>>) dst(%dma_wait3A_270 : memref<80x128xf32, #tpu.memory_space<hbm>>)
      tpu.yield
    }) : () -> ()
    %add3A_192 = arith.constant 400 : i32
    %add3A_193 = arith.addi %mul3A_0, %add3A_192 : i32
    "tpu.region"() ({
      %run_scoped3A_249 = tpu.sem_alloc : memref<!tpu.dma_semaphore, #tpu.memory_space<semaphore_mem>>
      %dma_start3A_250 = arith.constant 0 : i32
      %dma_start3A_251 = arith.constant 0 : i32
      %dma_start3A_252 = tpu.memref_slice %arg11[%dma_start3A_250, %dma_start3A_251] : memref<80x128xf32, #tpu.memory_space<vmem>> -> memref<80x128xf32, #tpu.memory_space<vmem>>
      %dma_start3A_253 = arith.constant 0 : i32
      %dma_start3A_254 = tpu.memref_slice %arg14[%add3A_193, %dma_start3A_253] : memref<10112x128xf32, #tpu.memory_space<vmem_shared>> -> memref<80x128xf32, #tpu.memory_space<vmem_shared>>
      %dma_start3A_255 = arith.constant 0 : i32
      %dma_start3A_256 = arith.constant 0 : i32
      %dma_start3A_257 = tpu.memref_slice %arg11[%dma_start3A_255, %dma_start3A_256] : memref<80x128xf32, #tpu.memory_space<vmem>> -> memref<80x128xf32, #tpu.memory_space<vmem>>
      %dma_start3A_258 = arith.constant 0 : i32
      %dma_start3A_259 = tpu.memref_slice %arg14[%add3A_193, %dma_start3A_258] : memref<10112x128xf32, #tpu.memory_space<vmem_shared>> -> memref<80x128xf32, #tpu.memory_space<vmem_shared>>
      tpu.enqueue_dma source(%dma_start3A_259 : memref<80x128xf32, #tpu.memory_space<vmem_shared>>) target(%dma_start3A_257 : memref<80x128xf32, #tpu.memory_space<vmem>>) target_semaphore(%run_scoped3A_249 : memref<!tpu.dma_semaphore, #tpu.memory_space<semaphore_mem>>)
      %dma_wait3A_260 = arith.constant 0 : i32
      %dma_wait3A_261 = arith.constant 0 : i32
      %dma_wait3A_262 = tpu.memref_slice %arg11[%dma_wait3A_260, %dma_wait3A_261] : memref<80x128xf32, #tpu.memory_space<vmem>> -> memref<80x128xf32, #tpu.memory_space<vmem>>
      %dma_wait3A_263 = arith.constant 0 : i32
      %dma_wait3A_264 = tpu.memref_slice %arg14[%add3A_193, %dma_wait3A_263] : memref<10112x128xf32, #tpu.memory_space<vmem_shared>> -> memref<80x128xf32, #tpu.memory_space<vmem_shared>>
      %dma_wait3A_265 = arith.constant 0 : i32
      %dma_wait3A_266 = arith.constant 0 : i32
      %dma_wait3A_267 = tpu.memref_slice %arg11[%dma_wait3A_265, %dma_wait3A_266] : memref<80x128xf32, #tpu.memory_space<vmem>> -> memref<80x128xf32, #tpu.memory_space<vmem>>
      %dma_wait3A_268 = arith.constant 0 : i32
      %dma_wait3A_269 = tpu.memref_slice %arg14[%add3A_193, %dma_wait3A_268] : memref<10112x128xf32, #tpu.memory_space<vmem_shared>> -> memref<80x128xf32, #tpu.memory_space<vmem_shared>>
      tpu.wait_dma2 semaphore(%run_scoped3A_249 : memref<!tpu.dma_semaphore, #tpu.memory_space<semaphore_mem>>) src(%dma_wait3A_269 : memref<80x128xf32, #tpu.memory_space<vmem_shared>>) dst(%dma_wait3A_267 : memref<80x128xf32, #tpu.memory_space<vmem>>)
      tpu.yield
    }) : () -> ()
    %run_scoped3A_194 = arith.constant 2 : i32
    "tpu.region"() ({
      %run_scoped3A_249 = tpu.sem_alloc : memref<!tpu.dma_semaphore, #tpu.memory_space<semaphore_mem>>
      %dma_start3A_250 = arith.constant 0 : i32
      %dma_start3A_251 = arith.constant 0 : i32
      %dma_start3A_252 = tpu.memref_slice %arg11[%dma_start3A_250, %dma_start3A_251] : memref<80x128xf32, #tpu.memory_space<vmem>> -> memref<80x128xf32, #tpu.memory_space<vmem>>
      %dma_start3A_253 = arith.constant 0 : i32
      %dma_start3A_254 = tpu.memref_slice %arg7[%run_scoped3A_194, %arg0, %add3A_193, %dma_start3A_253] : memref<4x2x10112x128xf32, #tpu.memory_space<hbm>> -> memref<1x1x80x128xf32, #tpu.memory_space<hbm>>
      %dma_start3A_255 = tpu.memref_squeeze %dma_start3A_254 : memref<1x1x80x128xf32, #tpu.memory_space<hbm>> -> memref<80x128xf32, #tpu.memory_space<hbm>>
      %dma_start3A_256 = arith.constant 0 : i32
      %dma_start3A_257 = tpu.memref_slice %arg7[%run_scoped3A_194, %arg0, %add3A_193, %dma_start3A_256] : memref<4x2x10112x128xf32, #tpu.memory_space<hbm>> -> memref<1x1x80x128xf32, #tpu.memory_space<hbm>>
      %dma_start3A_258 = tpu.memref_squeeze %dma_start3A_257 : memref<1x1x80x128xf32, #tpu.memory_space<hbm>> -> memref<80x128xf32, #tpu.memory_space<hbm>>
      %dma_start3A_259 = arith.constant 0 : i32
      %dma_start3A_260 = arith.constant 0 : i32
      %dma_start3A_261 = tpu.memref_slice %arg11[%dma_start3A_259, %dma_start3A_260] : memref<80x128xf32, #tpu.memory_space<vmem>> -> memref<80x128xf32, #tpu.memory_space<vmem>>
      tpu.enqueue_dma source(%dma_start3A_261 : memref<80x128xf32, #tpu.memory_space<vmem>>) target(%dma_start3A_258 : memref<80x128xf32, #tpu.memory_space<hbm>>) target_semaphore(%run_scoped3A_249 : memref<!tpu.dma_semaphore, #tpu.memory_space<semaphore_mem>>)
      %dma_wait3A_262 = arith.constant 0 : i32
      %dma_wait3A_263 = arith.constant 0 : i32
      %dma_wait3A_264 = tpu.memref_slice %arg11[%dma_wait3A_262, %dma_wait3A_263] : memref<80x128xf32, #tpu.memory_space<vmem>> -> memref<80x128xf32, #tpu.memory_space<vmem>>
      %dma_wait3A_265 = arith.constant 0 : i32
      %dma_wait3A_266 = tpu.memref_slice %arg7[%run_scoped3A_194, %arg0, %add3A_193, %dma_wait3A_265] : memref<4x2x10112x128xf32, #tpu.memory_space<hbm>> -> memref<1x1x80x128xf32, #tpu.memory_space<hbm>>
      %dma_wait3A_267 = tpu.memref_squeeze %dma_wait3A_266 : memref<1x1x80x128xf32, #tpu.memory_space<hbm>> -> memref<80x128xf32, #tpu.memory_space<hbm>>
      %dma_wait3A_268 = arith.constant 0 : i32
      %dma_wait3A_269 = tpu.memref_slice %arg7[%run_scoped3A_194, %arg0, %add3A_193, %dma_wait3A_268] : memref<4x2x10112x128xf32, #tpu.memory_space<hbm>> -> memref<1x1x80x128xf32, #tpu.memory_space<hbm>>
      %dma_wait3A_270 = tpu.memref_squeeze %dma_wait3A_269 : memref<1x1x80x128xf32, #tpu.memory_space<hbm>> -> memref<80x128xf32, #tpu.memory_space<hbm>>
      %dma_wait3A_271 = arith.constant 0 : i32
      %dma_wait3A_272 = arith.constant 0 : i32
      %dma_wait3A_273 = tpu.memref_slice %arg11[%dma_wait3A_271, %dma_wait3A_272] : memref<80x128xf32, #tpu.memory_space<vmem>> -> memref<80x128xf32, #tpu.memory_space<vmem>>
      tpu.wait_dma2 semaphore(%run_scoped3A_249 : memref<!tpu.dma_semaphore, #tpu.memory_space<semaphore_mem>>) src(%dma_wait3A_273 : memref<80x128xf32, #tpu.memory_space<vmem>>) dst(%dma_wait3A_270 : memref<80x128xf32, #tpu.memory_space<hbm>>)
      tpu.yield
    }) : () -> ()
    %add3A_195 = arith.constant 480 : i32
    %add3A_196 = arith.addi %mul3A_0, %add3A_195 : i32
    "tpu.region"() ({
      %run_scoped3A_249 = tpu.sem_alloc : memref<!tpu.dma_semaphore, #tpu.memory_space<semaphore_mem>>
      %dma_start3A_250 = arith.constant 0 : i32
      %dma_start3A_251 = arith.constant 0 : i32
      %dma_start3A_252 = tpu.memref_slice %arg11[%dma_start3A_250, %dma_start3A_251] : memref<80x128xf32, #tpu.memory_space<vmem>> -> memref<80x128xf32, #tpu.memory_space<vmem>>
      %dma_start3A_253 = arith.constant 0 : i32
      %dma_start3A_254 = tpu.memref_slice %arg14[%add3A_196, %dma_start3A_253] : memref<10112x128xf32, #tpu.memory_space<vmem_shared>> -> memref<80x128xf32, #tpu.memory_space<vmem_shared>>
      %dma_start3A_255 = arith.constant 0 : i32
      %dma_start3A_256 = arith.constant 0 : i32
      %dma_start3A_257 = tpu.memref_slice %arg11[%dma_start3A_255, %dma_start3A_256] : memref<80x128xf32, #tpu.memory_space<vmem>> -> memref<80x128xf32, #tpu.memory_space<vmem>>
      %dma_start3A_258 = arith.constant 0 : i32
      %dma_start3A_259 = tpu.memref_slice %arg14[%add3A_196, %dma_start3A_258] : memref<10112x128xf32, #tpu.memory_space<vmem_shared>> -> memref<80x128xf32, #tpu.memory_space<vmem_shared>>
      tpu.enqueue_dma source(%dma_start3A_259 : memref<80x128xf32, #tpu.memory_space<vmem_shared>>) target(%dma_start3A_257 : memref<80x128xf32, #tpu.memory_space<vmem>>) target_semaphore(%run_scoped3A_249 : memref<!tpu.dma_semaphore, #tpu.memory_space<semaphore_mem>>)
      %dma_wait3A_260 = arith.constant 0 : i32
      %dma_wait3A_261 = arith.constant 0 : i32
      %dma_wait3A_262 = tpu.memref_slice %arg11[%dma_wait3A_260, %dma_wait3A_261] : memref<80x128xf32, #tpu.memory_space<vmem>> -> memref<80x128xf32, #tpu.memory_space<vmem>>
      %dma_wait3A_263 = arith.constant 0 : i32
      %dma_wait3A_264 = tpu.memref_slice %arg14[%add3A_196, %dma_wait3A_263] : memref<10112x128xf32, #tpu.memory_space<vmem_shared>> -> memref<80x128xf32, #tpu.memory_space<vmem_shared>>
      %dma_wait3A_265 = arith.constant 0 : i32
      %dma_wait3A_266 = arith.constant 0 : i32
      %dma_wait3A_267 = tpu.memref_slice %arg11[%dma_wait3A_265, %dma_wait3A_266] : memref<80x128xf32, #tpu.memory_space<vmem>> -> memref<80x128xf32, #tpu.memory_space<vmem>>
      %dma_wait3A_268 = arith.constant 0 : i32
      %dma_wait3A_269 = tpu.memref_slice %arg14[%add3A_196, %dma_wait3A_268] : memref<10112x128xf32, #tpu.memory_space<vmem_shared>> -> memref<80x128xf32, #tpu.memory_space<vmem_shared>>
      tpu.wait_dma2 semaphore(%run_scoped3A_249 : memref<!tpu.dma_semaphore, #tpu.memory_space<semaphore_mem>>) src(%dma_wait3A_269 : memref<80x128xf32, #tpu.memory_space<vmem_shared>>) dst(%dma_wait3A_267 : memref<80x128xf32, #tpu.memory_space<vmem>>)
      tpu.yield
    }) : () -> ()
    %run_scoped3A_197 = arith.constant 2 : i32
    "tpu.region"() ({
      %run_scoped3A_249 = tpu.sem_alloc : memref<!tpu.dma_semaphore, #tpu.memory_space<semaphore_mem>>
      %dma_start3A_250 = arith.constant 0 : i32
      %dma_start3A_251 = arith.constant 0 : i32
      %dma_start3A_252 = tpu.memref_slice %arg11[%dma_start3A_250, %dma_start3A_251] : memref<80x128xf32, #tpu.memory_space<vmem>> -> memref<80x128xf32, #tpu.memory_space<vmem>>
      %dma_start3A_253 = arith.constant 0 : i32
      %dma_start3A_254 = tpu.memref_slice %arg7[%run_scoped3A_197, %arg0, %add3A_196, %dma_start3A_253] : memref<4x2x10112x128xf32, #tpu.memory_space<hbm>> -> memref<1x1x80x128xf32, #tpu.memory_space<hbm>>
      %dma_start3A_255 = tpu.memref_squeeze %dma_start3A_254 : memref<1x1x80x128xf32, #tpu.memory_space<hbm>> -> memref<80x128xf32, #tpu.memory_space<hbm>>
      %dma_start3A_256 = arith.constant 0 : i32
      %dma_start3A_257 = tpu.memref_slice %arg7[%run_scoped3A_197, %arg0, %add3A_196, %dma_start3A_256] : memref<4x2x10112x128xf32, #tpu.memory_space<hbm>> -> memref<1x1x80x128xf32, #tpu.memory_space<hbm>>
      %dma_start3A_258 = tpu.memref_squeeze %dma_start3A_257 : memref<1x1x80x128xf32, #tpu.memory_space<hbm>> -> memref<80x128xf32, #tpu.memory_space<hbm>>
      %dma_start3A_259 = arith.constant 0 : i32
      %dma_start3A_260 = arith.constant 0 : i32
      %dma_start3A_261 = tpu.memref_slice %arg11[%dma_start3A_259, %dma_start3A_260] : memref<80x128xf32, #tpu.memory_space<vmem>> -> memref<80x128xf32, #tpu.memory_space<vmem>>
      tpu.enqueue_dma source(%dma_start3A_261 : memref<80x128xf32, #tpu.memory_space<vmem>>) target(%dma_start3A_258 : memref<80x128xf32, #tpu.memory_space<hbm>>) target_semaphore(%run_scoped3A_249 : memref<!tpu.dma_semaphore, #tpu.memory_space<semaphore_mem>>)
      %dma_wait3A_262 = arith.constant 0 : i32
      %dma_wait3A_263 = arith.constant 0 : i32
      %dma_wait3A_264 = tpu.memref_slice %arg11[%dma_wait3A_262, %dma_wait3A_263] : memref<80x128xf32, #tpu.memory_space<vmem>> -> memref<80x128xf32, #tpu.memory_space<vmem>>
      %dma_wait3A_265 = arith.constant 0 : i32
      %dma_wait3A_266 = tpu.memref_slice %arg7[%run_scoped3A_197, %arg0, %add3A_196, %dma_wait3A_265] : memref<4x2x10112x128xf32, #tpu.memory_space<hbm>> -> memref<1x1x80x128xf32, #tpu.memory_space<hbm>>
      %dma_wait3A_267 = tpu.memref_squeeze %dma_wait3A_266 : memref<1x1x80x128xf32, #tpu.memory_space<hbm>> -> memref<80x128xf32, #tpu.memory_space<hbm>>
      %dma_wait3A_268 = arith.constant 0 : i32
      %dma_wait3A_269 = tpu.memref_slice %arg7[%run_scoped3A_197, %arg0, %add3A_196, %dma_wait3A_268] : memref<4x2x10112x128xf32, #tpu.memory_space<hbm>> -> memref<1x1x80x128xf32, #tpu.memory_space<hbm>>
      %dma_wait3A_270 = tpu.memref_squeeze %dma_wait3A_269 : memref<1x1x80x128xf32, #tpu.memory_space<hbm>> -> memref<80x128xf32, #tpu.memory_space<hbm>>
      %dma_wait3A_271 = arith.constant 0 : i32
      %dma_wait3A_272 = arith.constant 0 : i32
      %dma_wait3A_273 = tpu.memref_slice %arg11[%dma_wait3A_271, %dma_wait3A_272] : memref<80x128xf32, #tpu.memory_space<vmem>> -> memref<80x128xf32, #tpu.memory_space<vmem>>
      tpu.wait_dma2 semaphore(%run_scoped3A_249 : memref<!tpu.dma_semaphore, #tpu.memory_space<semaphore_mem>>) src(%dma_wait3A_273 : memref<80x128xf32, #tpu.memory_space<vmem>>) dst(%dma_wait3A_270 : memref<80x128xf32, #tpu.memory_space<hbm>>)
      tpu.yield
    }) : () -> ()
    %add3A_198 = arith.constant 560 : i32
    %add3A_199 = arith.addi %mul3A_0, %add3A_198 : i32
    "tpu.region"() ({
      %run_scoped3A_249 = tpu.sem_alloc : memref<!tpu.dma_semaphore, #tpu.memory_space<semaphore_mem>>
      %dma_start3A_250 = arith.constant 0 : i32
      %dma_start3A_251 = arith.constant 0 : i32
      %dma_start3A_252 = tpu.memref_slice %arg11[%dma_start3A_250, %dma_start3A_251] : memref<80x128xf32, #tpu.memory_space<vmem>> -> memref<72x128xf32, #tpu.memory_space<vmem>>
      %dma_start3A_253 = arith.constant 0 : i32
      %dma_start3A_254 = tpu.memref_slice %arg14[%add3A_199, %dma_start3A_253] : memref<10112x128xf32, #tpu.memory_space<vmem_shared>> -> memref<72x128xf32, #tpu.memory_space<vmem_shared>>
      %dma_start3A_255 = arith.constant 0 : i32
      %dma_start3A_256 = arith.constant 0 : i32
      %dma_start3A_257 = tpu.memref_slice %arg11[%dma_start3A_255, %dma_start3A_256] : memref<80x128xf32, #tpu.memory_space<vmem>> -> memref<72x128xf32, #tpu.memory_space<vmem>>
      %dma_start3A_258 = arith.constant 0 : i32
      %dma_start3A_259 = tpu.memref_slice %arg14[%add3A_199, %dma_start3A_258] : memref<10112x128xf32, #tpu.memory_space<vmem_shared>> -> memref<72x128xf32, #tpu.memory_space<vmem_shared>>
      tpu.enqueue_dma source(%dma_start3A_259 : memref<72x128xf32, #tpu.memory_space<vmem_shared>>) target(%dma_start3A_257 : memref<72x128xf32, #tpu.memory_space<vmem>>) target_semaphore(%run_scoped3A_249 : memref<!tpu.dma_semaphore, #tpu.memory_space<semaphore_mem>>)
      %dma_wait3A_260 = arith.constant 0 : i32
      %dma_wait3A_261 = arith.constant 0 : i32
      %dma_wait3A_262 = tpu.memref_slice %arg11[%dma_wait3A_260, %dma_wait3A_261] : memref<80x128xf32, #tpu.memory_space<vmem>> -> memref<72x128xf32, #tpu.memory_space<vmem>>
      %dma_wait3A_263 = arith.constant 0 : i32
      %dma_wait3A_264 = tpu.memref_slice %arg14[%add3A_199, %dma_wait3A_263] : memref<10112x128xf32, #tpu.memory_space<vmem_shared>> -> memref<72x128xf32, #tpu.memory_space<vmem_shared>>
      %dma_wait3A_265 = arith.constant 0 : i32
      %dma_wait3A_266 = arith.constant 0 : i32
      %dma_wait3A_267 = tpu.memref_slice %arg11[%dma_wait3A_265, %dma_wait3A_266] : memref<80x128xf32, #tpu.memory_space<vmem>> -> memref<72x128xf32, #tpu.memory_space<vmem>>
      %dma_wait3A_268 = arith.constant 0 : i32
      %dma_wait3A_269 = tpu.memref_slice %arg14[%add3A_199, %dma_wait3A_268] : memref<10112x128xf32, #tpu.memory_space<vmem_shared>> -> memref<72x128xf32, #tpu.memory_space<vmem_shared>>
      tpu.wait_dma2 semaphore(%run_scoped3A_249 : memref<!tpu.dma_semaphore, #tpu.memory_space<semaphore_mem>>) src(%dma_wait3A_269 : memref<72x128xf32, #tpu.memory_space<vmem_shared>>) dst(%dma_wait3A_267 : memref<72x128xf32, #tpu.memory_space<vmem>>)
      tpu.yield
    }) : () -> ()
    %run_scoped3A_200 = arith.constant 2 : i32
    "tpu.region"() ({
      %run_scoped3A_249 = tpu.sem_alloc : memref<!tpu.dma_semaphore, #tpu.memory_space<semaphore_mem>>
      %dma_start3A_250 = arith.constant 0 : i32
      %dma_start3A_251 = arith.constant 0 : i32
      %dma_start3A_252 = tpu.memref_slice %arg11[%dma_start3A_250, %dma_start3A_251] : memref<80x128xf32, #tpu.memory_space<vmem>> -> memref<72x128xf32, #tpu.memory_space<vmem>>
      %dma_start3A_253 = arith.constant 0 : i32
      %dma_start3A_254 = tpu.memref_slice %arg7[%run_scoped3A_200, %arg0, %add3A_199, %dma_start3A_253] : memref<4x2x10112x128xf32, #tpu.memory_space<hbm>> -> memref<1x1x72x128xf32, #tpu.memory_space<hbm>>
      %dma_start3A_255 = tpu.memref_squeeze %dma_start3A_254 : memref<1x1x72x128xf32, #tpu.memory_space<hbm>> -> memref<72x128xf32, #tpu.memory_space<hbm>>
      %dma_start3A_256 = arith.constant 0 : i32
      %dma_start3A_257 = tpu.memref_slice %arg7[%run_scoped3A_200, %arg0, %add3A_199, %dma_start3A_256] : memref<4x2x10112x128xf32, #tpu.memory_space<hbm>> -> memref<1x1x72x128xf32, #tpu.memory_space<hbm>>
      %dma_start3A_258 = tpu.memref_squeeze %dma_start3A_257 : memref<1x1x72x128xf32, #tpu.memory_space<hbm>> -> memref<72x128xf32, #tpu.memory_space<hbm>>
      %dma_start3A_259 = arith.constant 0 : i32
      %dma_start3A_260 = arith.constant 0 : i32
      %dma_start3A_261 = tpu.memref_slice %arg11[%dma_start3A_259, %dma_start3A_260] : memref<80x128xf32, #tpu.memory_space<vmem>> -> memref<72x128xf32, #tpu.memory_space<vmem>>
      tpu.enqueue_dma source(%dma_start3A_261 : memref<72x128xf32, #tpu.memory_space<vmem>>) target(%dma_start3A_258 : memref<72x128xf32, #tpu.memory_space<hbm>>) target_semaphore(%run_scoped3A_249 : memref<!tpu.dma_semaphore, #tpu.memory_space<semaphore_mem>>)
      %dma_wait3A_262 = arith.constant 0 : i32
      %dma_wait3A_263 = arith.constant 0 : i32
      %dma_wait3A_264 = tpu.memref_slice %arg11[%dma_wait3A_262, %dma_wait3A_263] : memref<80x128xf32, #tpu.memory_space<vmem>> -> memref<72x128xf32, #tpu.memory_space<vmem>>
      %dma_wait3A_265 = arith.constant 0 : i32
      %dma_wait3A_266 = tpu.memref_slice %arg7[%run_scoped3A_200, %arg0, %add3A_199, %dma_wait3A_265] : memref<4x2x10112x128xf32, #tpu.memory_space<hbm>> -> memref<1x1x72x128xf32, #tpu.memory_space<hbm>>
      %dma_wait3A_267 = tpu.memref_squeeze %dma_wait3A_266 : memref<1x1x72x128xf32, #tpu.memory_space<hbm>> -> memref<72x128xf32, #tpu.memory_space<hbm>>
      %dma_wait3A_268 = arith.constant 0 : i32
      %dma_wait3A_269 = tpu.memref_slice %arg7[%run_scoped3A_200, %arg0, %add3A_199, %dma_wait3A_268] : memref<4x2x10112x128xf32, #tpu.memory_space<hbm>> -> memref<1x1x72x128xf32, #tpu.memory_space<hbm>>
      %dma_wait3A_270 = tpu.memref_squeeze %dma_wait3A_269 : memref<1x1x72x128xf32, #tpu.memory_space<hbm>> -> memref<72x128xf32, #tpu.memory_space<hbm>>
      %dma_wait3A_271 = arith.constant 0 : i32
      %dma_wait3A_272 = arith.constant 0 : i32
      %dma_wait3A_273 = tpu.memref_slice %arg11[%dma_wait3A_271, %dma_wait3A_272] : memref<80x128xf32, #tpu.memory_space<vmem>> -> memref<72x128xf32, #tpu.memory_space<vmem>>
      tpu.wait_dma2 semaphore(%run_scoped3A_249 : memref<!tpu.dma_semaphore, #tpu.memory_space<semaphore_mem>>) src(%dma_wait3A_273 : memref<72x128xf32, #tpu.memory_space<vmem>>) dst(%dma_wait3A_270 : memref<72x128xf32, #tpu.memory_space<hbm>>)
      tpu.yield
    }) : () -> ()
    "tpu.region"() ({
      %run_scoped3A_249 = tpu.sem_alloc : memref<!tpu.dma_semaphore, #tpu.memory_space<semaphore_mem>>
      tpu.enqueue_dma source(%arg5 : memref<80x128xf32, #tpu.memory_space<hbm>>) target(%arg11 : memref<80x128xf32, #tpu.memory_space<vmem>>) target_semaphore(%run_scoped3A_249 : memref<!tpu.dma_semaphore, #tpu.memory_space<semaphore_mem>>)
      tpu.wait_dma2 semaphore(%run_scoped3A_249 : memref<!tpu.dma_semaphore, #tpu.memory_space<semaphore_mem>>) src(%arg5 : memref<80x128xf32, #tpu.memory_space<hbm>>) dst(%arg11 : memref<80x128xf32, #tpu.memory_space<vmem>>)
      tpu.yield
    }) : () -> ()
    %add3A_201 = arith.constant 0 : i32
    %add3A_202 = arith.addi %mul3A_0, %add3A_201 : i32
    "tpu.region"() ({
      %run_scoped3A_249 = tpu.sem_alloc : memref<!tpu.dma_semaphore, #tpu.memory_space<semaphore_mem>>
      %dma_start3A_250 = arith.constant 0 : i32
      %dma_start3A_251 = arith.constant 0 : i32
      %dma_start3A_252 = tpu.memref_slice %arg11[%dma_start3A_250, %dma_start3A_251] : memref<80x128xf32, #tpu.memory_space<vmem>> -> memref<80x128xf32, #tpu.memory_space<vmem>>
      %dma_start3A_253 = arith.constant 0 : i32
      %dma_start3A_254 = tpu.memref_slice %arg14[%add3A_202, %dma_start3A_253] : memref<10112x128xf32, #tpu.memory_space<vmem_shared>> -> memref<80x128xf32, #tpu.memory_space<vmem_shared>>
      %dma_start3A_255 = arith.constant 0 : i32
      %dma_start3A_256 = tpu.memref_slice %arg14[%add3A_202, %dma_start3A_255] : memref<10112x128xf32, #tpu.memory_space<vmem_shared>> -> memref<80x128xf32, #tpu.memory_space<vmem_shared>>
      %dma_start3A_257 = arith.constant 0 : i32
      %dma_start3A_258 = arith.constant 0 : i32
      %dma_start3A_259 = tpu.memref_slice %arg11[%dma_start3A_257, %dma_start3A_258] : memref<80x128xf32, #tpu.memory_space<vmem>> -> memref<80x128xf32, #tpu.memory_space<vmem>>
      tpu.enqueue_dma source(%dma_start3A_259 : memref<80x128xf32, #tpu.memory_space<vmem>>) target(%dma_start3A_256 : memref<80x128xf32, #tpu.memory_space<vmem_shared>>) target_semaphore(%run_scoped3A_249 : memref<!tpu.dma_semaphore, #tpu.memory_space<semaphore_mem>>)
      %dma_wait3A_260 = arith.constant 0 : i32
      %dma_wait3A_261 = arith.constant 0 : i32
      %dma_wait3A_262 = tpu.memref_slice %arg11[%dma_wait3A_260, %dma_wait3A_261] : memref<80x128xf32, #tpu.memory_space<vmem>> -> memref<80x128xf32, #tpu.memory_space<vmem>>
      %dma_wait3A_263 = arith.constant 0 : i32
      %dma_wait3A_264 = tpu.memref_slice %arg14[%add3A_202, %dma_wait3A_263] : memref<10112x128xf32, #tpu.memory_space<vmem_shared>> -> memref<80x128xf32, #tpu.memory_space<vmem_shared>>
      %dma_wait3A_265 = arith.constant 0 : i32
      %dma_wait3A_266 = tpu.memref_slice %arg14[%add3A_202, %dma_wait3A_265] : memref<10112x128xf32, #tpu.memory_space<vmem_shared>> -> memref<80x128xf32, #tpu.memory_space<vmem_shared>>
      %dma_wait3A_267 = arith.constant 0 : i32
      %dma_wait3A_268 = arith.constant 0 : i32
      %dma_wait3A_269 = tpu.memref_slice %arg11[%dma_wait3A_267, %dma_wait3A_268] : memref<80x128xf32, #tpu.memory_space<vmem>> -> memref<80x128xf32, #tpu.memory_space<vmem>>
      tpu.wait_dma2 semaphore(%run_scoped3A_249 : memref<!tpu.dma_semaphore, #tpu.memory_space<semaphore_mem>>) src(%dma_wait3A_269 : memref<80x128xf32, #tpu.memory_space<vmem>>) dst(%dma_wait3A_266 : memref<80x128xf32, #tpu.memory_space<vmem_shared>>)
      tpu.yield
    }) : () -> ()
    %add3A_203 = arith.constant 80 : i32
    %add3A_204 = arith.addi %mul3A_0, %add3A_203 : i32
    "tpu.region"() ({
      %run_scoped3A_249 = tpu.sem_alloc : memref<!tpu.dma_semaphore, #tpu.memory_space<semaphore_mem>>
      %dma_start3A_250 = arith.constant 0 : i32
      %dma_start3A_251 = arith.constant 0 : i32
      %dma_start3A_252 = tpu.memref_slice %arg11[%dma_start3A_250, %dma_start3A_251] : memref<80x128xf32, #tpu.memory_space<vmem>> -> memref<80x128xf32, #tpu.memory_space<vmem>>
      %dma_start3A_253 = arith.constant 0 : i32
      %dma_start3A_254 = tpu.memref_slice %arg14[%add3A_204, %dma_start3A_253] : memref<10112x128xf32, #tpu.memory_space<vmem_shared>> -> memref<80x128xf32, #tpu.memory_space<vmem_shared>>
      %dma_start3A_255 = arith.constant 0 : i32
      %dma_start3A_256 = tpu.memref_slice %arg14[%add3A_204, %dma_start3A_255] : memref<10112x128xf32, #tpu.memory_space<vmem_shared>> -> memref<80x128xf32, #tpu.memory_space<vmem_shared>>
      %dma_start3A_257 = arith.constant 0 : i32
      %dma_start3A_258 = arith.constant 0 : i32
      %dma_start3A_259 = tpu.memref_slice %arg11[%dma_start3A_257, %dma_start3A_258] : memref<80x128xf32, #tpu.memory_space<vmem>> -> memref<80x128xf32, #tpu.memory_space<vmem>>
      tpu.enqueue_dma source(%dma_start3A_259 : memref<80x128xf32, #tpu.memory_space<vmem>>) target(%dma_start3A_256 : memref<80x128xf32, #tpu.memory_space<vmem_shared>>) target_semaphore(%run_scoped3A_249 : memref<!tpu.dma_semaphore, #tpu.memory_space<semaphore_mem>>)
      %dma_wait3A_260 = arith.constant 0 : i32
      %dma_wait3A_261 = arith.constant 0 : i32
      %dma_wait3A_262 = tpu.memref_slice %arg11[%dma_wait3A_260, %dma_wait3A_261] : memref<80x128xf32, #tpu.memory_space<vmem>> -> memref<80x128xf32, #tpu.memory_space<vmem>>
      %dma_wait3A_263 = arith.constant 0 : i32
      %dma_wait3A_264 = tpu.memref_slice %arg14[%add3A_204, %dma_wait3A_263] : memref<10112x128xf32, #tpu.memory_space<vmem_shared>> -> memref<80x128xf32, #tpu.memory_space<vmem_shared>>
      %dma_wait3A_265 = arith.constant 0 : i32
      %dma_wait3A_266 = tpu.memref_slice %arg14[%add3A_204, %dma_wait3A_265] : memref<10112x128xf32, #tpu.memory_space<vmem_shared>> -> memref<80x128xf32, #tpu.memory_space<vmem_shared>>
      %dma_wait3A_267 = arith.constant 0 : i32
      %dma_wait3A_268 = arith.constant 0 : i32
      %dma_wait3A_269 = tpu.memref_slice %arg11[%dma_wait3A_267, %dma_wait3A_268] : memref<80x128xf32, #tpu.memory_space<vmem>> -> memref<80x128xf32, #tpu.memory_space<vmem>>
      tpu.wait_dma2 semaphore(%run_scoped3A_249 : memref<!tpu.dma_semaphore, #tpu.memory_space<semaphore_mem>>) src(%dma_wait3A_269 : memref<80x128xf32, #tpu.memory_space<vmem>>) dst(%dma_wait3A_266 : memref<80x128xf32, #tpu.memory_space<vmem_shared>>)
      tpu.yield
    }) : () -> ()
    %add3A_205 = arith.constant 160 : i32
    %add3A_206 = arith.addi %mul3A_0, %add3A_205 : i32
    "tpu.region"() ({
      %run_scoped3A_249 = tpu.sem_alloc : memref<!tpu.dma_semaphore, #tpu.memory_space<semaphore_mem>>
      %dma_start3A_250 = arith.constant 0 : i32
      %dma_start3A_251 = arith.constant 0 : i32
      %dma_start3A_252 = tpu.memref_slice %arg11[%dma_start3A_250, %dma_start3A_251] : memref<80x128xf32, #tpu.memory_space<vmem>> -> memref<80x128xf32, #tpu.memory_space<vmem>>
      %dma_start3A_253 = arith.constant 0 : i32
      %dma_start3A_254 = tpu.memref_slice %arg14[%add3A_206, %dma_start3A_253] : memref<10112x128xf32, #tpu.memory_space<vmem_shared>> -> memref<80x128xf32, #tpu.memory_space<vmem_shared>>
      %dma_start3A_255 = arith.constant 0 : i32
      %dma_start3A_256 = tpu.memref_slice %arg14[%add3A_206, %dma_start3A_255] : memref<10112x128xf32, #tpu.memory_space<vmem_shared>> -> memref<80x128xf32, #tpu.memory_space<vmem_shared>>
      %dma_start3A_257 = arith.constant 0 : i32
      %dma_start3A_258 = arith.constant 0 : i32
      %dma_start3A_259 = tpu.memref_slice %arg11[%dma_start3A_257, %dma_start3A_258] : memref<80x128xf32, #tpu.memory_space<vmem>> -> memref<80x128xf32, #tpu.memory_space<vmem>>
      tpu.enqueue_dma source(%dma_start3A_259 : memref<80x128xf32, #tpu.memory_space<vmem>>) target(%dma_start3A_256 : memref<80x128xf32, #tpu.memory_space<vmem_shared>>) target_semaphore(%run_scoped3A_249 : memref<!tpu.dma_semaphore, #tpu.memory_space<semaphore_mem>>)
      %dma_wait3A_260 = arith.constant 0 : i32
      %dma_wait3A_261 = arith.constant 0 : i32
      %dma_wait3A_262 = tpu.memref_slice %arg11[%dma_wait3A_260, %dma_wait3A_261] : memref<80x128xf32, #tpu.memory_space<vmem>> -> memref<80x128xf32, #tpu.memory_space<vmem>>
      %dma_wait3A_263 = arith.constant 0 : i32
      %dma_wait3A_264 = tpu.memref_slice %arg14[%add3A_206, %dma_wait3A_263] : memref<10112x128xf32, #tpu.memory_space<vmem_shared>> -> memref<80x128xf32, #tpu.memory_space<vmem_shared>>
      %dma_wait3A_265 = arith.constant 0 : i32
      %dma_wait3A_266 = tpu.memref_slice %arg14[%add3A_206, %dma_wait3A_265] : memref<10112x128xf32, #tpu.memory_space<vmem_shared>> -> memref<80x128xf32, #tpu.memory_space<vmem_shared>>
      %dma_wait3A_267 = arith.constant 0 : i32
      %dma_wait3A_268 = arith.constant 0 : i32
      %dma_wait3A_269 = tpu.memref_slice %arg11[%dma_wait3A_267, %dma_wait3A_268] : memref<80x128xf32, #tpu.memory_space<vmem>> -> memref<80x128xf32, #tpu.memory_space<vmem>>
      tpu.wait_dma2 semaphore(%run_scoped3A_249 : memref<!tpu.dma_semaphore, #tpu.memory_space<semaphore_mem>>) src(%dma_wait3A_269 : memref<80x128xf32, #tpu.memory_space<vmem>>) dst(%dma_wait3A_266 : memref<80x128xf32, #tpu.memory_space<vmem_shared>>)
      tpu.yield
    }) : () -> ()
    %add3A_207 = arith.constant 240 : i32
    %add3A_208 = arith.addi %mul3A_0, %add3A_207 : i32
    "tpu.region"() ({
      %run_scoped3A_249 = tpu.sem_alloc : memref<!tpu.dma_semaphore, #tpu.memory_space<semaphore_mem>>
      %dma_start3A_250 = arith.constant 0 : i32
      %dma_start3A_251 = arith.constant 0 : i32
      %dma_start3A_252 = tpu.memref_slice %arg11[%dma_start3A_250, %dma_start3A_251] : memref<80x128xf32, #tpu.memory_space<vmem>> -> memref<80x128xf32, #tpu.memory_space<vmem>>
      %dma_start3A_253 = arith.constant 0 : i32
      %dma_start3A_254 = tpu.memref_slice %arg14[%add3A_208, %dma_start3A_253] : memref<10112x128xf32, #tpu.memory_space<vmem_shared>> -> memref<80x128xf32, #tpu.memory_space<vmem_shared>>
      %dma_start3A_255 = arith.constant 0 : i32
      %dma_start3A_256 = tpu.memref_slice %arg14[%add3A_208, %dma_start3A_255] : memref<10112x128xf32, #tpu.memory_space<vmem_shared>> -> memref<80x128xf32, #tpu.memory_space<vmem_shared>>
      %dma_start3A_257 = arith.constant 0 : i32
      %dma_start3A_258 = arith.constant 0 : i32
      %dma_start3A_259 = tpu.memref_slice %arg11[%dma_start3A_257, %dma_start3A_258] : memref<80x128xf32, #tpu.memory_space<vmem>> -> memref<80x128xf32, #tpu.memory_space<vmem>>
      tpu.enqueue_dma source(%dma_start3A_259 : memref<80x128xf32, #tpu.memory_space<vmem>>) target(%dma_start3A_256 : memref<80x128xf32, #tpu.memory_space<vmem_shared>>) target_semaphore(%run_scoped3A_249 : memref<!tpu.dma_semaphore, #tpu.memory_space<semaphore_mem>>)
      %dma_wait3A_260 = arith.constant 0 : i32
      %dma_wait3A_261 = arith.constant 0 : i32
      %dma_wait3A_262 = tpu.memref_slice %arg11[%dma_wait3A_260, %dma_wait3A_261] : memref<80x128xf32, #tpu.memory_space<vmem>> -> memref<80x128xf32, #tpu.memory_space<vmem>>
      %dma_wait3A_263 = arith.constant 0 : i32
      %dma_wait3A_264 = tpu.memref_slice %arg14[%add3A_208, %dma_wait3A_263] : memref<10112x128xf32, #tpu.memory_space<vmem_shared>> -> memref<80x128xf32, #tpu.memory_space<vmem_shared>>
      %dma_wait3A_265 = arith.constant 0 : i32
      %dma_wait3A_266 = tpu.memref_slice %arg14[%add3A_208, %dma_wait3A_265] : memref<10112x128xf32, #tpu.memory_space<vmem_shared>> -> memref<80x128xf32, #tpu.memory_space<vmem_shared>>
      %dma_wait3A_267 = arith.constant 0 : i32
      %dma_wait3A_268 = arith.constant 0 : i32
      %dma_wait3A_269 = tpu.memref_slice %arg11[%dma_wait3A_267, %dma_wait3A_268] : memref<80x128xf32, #tpu.memory_space<vmem>> -> memref<80x128xf32, #tpu.memory_space<vmem>>
      tpu.wait_dma2 semaphore(%run_scoped3A_249 : memref<!tpu.dma_semaphore, #tpu.memory_space<semaphore_mem>>) src(%dma_wait3A_269 : memref<80x128xf32, #tpu.memory_space<vmem>>) dst(%dma_wait3A_266 : memref<80x128xf32, #tpu.memory_space<vmem_shared>>)
      tpu.yield
    }) : () -> ()
    %add3A_209 = arith.constant 320 : i32
    %add3A_210 = arith.addi %mul3A_0, %add3A_209 : i32
    "tpu.region"() ({
      %run_scoped3A_249 = tpu.sem_alloc : memref<!tpu.dma_semaphore, #tpu.memory_space<semaphore_mem>>
      %dma_start3A_250 = arith.constant 0 : i32
      %dma_start3A_251 = arith.constant 0 : i32
      %dma_start3A_252 = tpu.memref_slice %arg11[%dma_start3A_250, %dma_start3A_251] : memref<80x128xf32, #tpu.memory_space<vmem>> -> memref<80x128xf32, #tpu.memory_space<vmem>>
      %dma_start3A_253 = arith.constant 0 : i32
      %dma_start3A_254 = tpu.memref_slice %arg14[%add3A_210, %dma_start3A_253] : memref<10112x128xf32, #tpu.memory_space<vmem_shared>> -> memref<80x128xf32, #tpu.memory_space<vmem_shared>>
      %dma_start3A_255 = arith.constant 0 : i32
      %dma_start3A_256 = tpu.memref_slice %arg14[%add3A_210, %dma_start3A_255] : memref<10112x128xf32, #tpu.memory_space<vmem_shared>> -> memref<80x128xf32, #tpu.memory_space<vmem_shared>>
      %dma_start3A_257 = arith.constant 0 : i32
      %dma_start3A_258 = arith.constant 0 : i32
      %dma_start3A_259 = tpu.memref_slice %arg11[%dma_start3A_257, %dma_start3A_258] : memref<80x128xf32, #tpu.memory_space<vmem>> -> memref<80x128xf32, #tpu.memory_space<vmem>>
      tpu.enqueue_dma source(%dma_start3A_259 : memref<80x128xf32, #tpu.memory_space<vmem>>) target(%dma_start3A_256 : memref<80x128xf32, #tpu.memory_space<vmem_shared>>) target_semaphore(%run_scoped3A_249 : memref<!tpu.dma_semaphore, #tpu.memory_space<semaphore_mem>>)
      %dma_wait3A_260 = arith.constant 0 : i32
      %dma_wait3A_261 = arith.constant 0 : i32
      %dma_wait3A_262 = tpu.memref_slice %arg11[%dma_wait3A_260, %dma_wait3A_261] : memref<80x128xf32, #tpu.memory_space<vmem>> -> memref<80x128xf32, #tpu.memory_space<vmem>>
      %dma_wait3A_263 = arith.constant 0 : i32
      %dma_wait3A_264 = tpu.memref_slice %arg14[%add3A_210, %dma_wait3A_263] : memref<10112x128xf32, #tpu.memory_space<vmem_shared>> -> memref<80x128xf32, #tpu.memory_space<vmem_shared>>
      %dma_wait3A_265 = arith.constant 0 : i32
      %dma_wait3A_266 = tpu.memref_slice %arg14[%add3A_210, %dma_wait3A_265] : memref<10112x128xf32, #tpu.memory_space<vmem_shared>> -> memref<80x128xf32, #tpu.memory_space<vmem_shared>>
      %dma_wait3A_267 = arith.constant 0 : i32
      %dma_wait3A_268 = arith.constant 0 : i32
      %dma_wait3A_269 = tpu.memref_slice %arg11[%dma_wait3A_267, %dma_wait3A_268] : memref<80x128xf32, #tpu.memory_space<vmem>> -> memref<80x128xf32, #tpu.memory_space<vmem>>
      tpu.wait_dma2 semaphore(%run_scoped3A_249 : memref<!tpu.dma_semaphore, #tpu.memory_space<semaphore_mem>>) src(%dma_wait3A_269 : memref<80x128xf32, #tpu.memory_space<vmem>>) dst(%dma_wait3A_266 : memref<80x128xf32, #tpu.memory_space<vmem_shared>>)
      tpu.yield
    }) : () -> ()
    %add3A_211 = arith.constant 400 : i32
    %add3A_212 = arith.addi %mul3A_0, %add3A_211 : i32
    "tpu.region"() ({
      %run_scoped3A_249 = tpu.sem_alloc : memref<!tpu.dma_semaphore, #tpu.memory_space<semaphore_mem>>
      %dma_start3A_250 = arith.constant 0 : i32
      %dma_start3A_251 = arith.constant 0 : i32
      %dma_start3A_252 = tpu.memref_slice %arg11[%dma_start3A_250, %dma_start3A_251] : memref<80x128xf32, #tpu.memory_space<vmem>> -> memref<80x128xf32, #tpu.memory_space<vmem>>
      %dma_start3A_253 = arith.constant 0 : i32
      %dma_start3A_254 = tpu.memref_slice %arg14[%add3A_212, %dma_start3A_253] : memref<10112x128xf32, #tpu.memory_space<vmem_shared>> -> memref<80x128xf32, #tpu.memory_space<vmem_shared>>
      %dma_start3A_255 = arith.constant 0 : i32
      %dma_start3A_256 = tpu.memref_slice %arg14[%add3A_212, %dma_start3A_255] : memref<10112x128xf32, #tpu.memory_space<vmem_shared>> -> memref<80x128xf32, #tpu.memory_space<vmem_shared>>
      %dma_start3A_257 = arith.constant 0 : i32
      %dma_start3A_258 = arith.constant 0 : i32
      %dma_start3A_259 = tpu.memref_slice %arg11[%dma_start3A_257, %dma_start3A_258] : memref<80x128xf32, #tpu.memory_space<vmem>> -> memref<80x128xf32, #tpu.memory_space<vmem>>
      tpu.enqueue_dma source(%dma_start3A_259 : memref<80x128xf32, #tpu.memory_space<vmem>>) target(%dma_start3A_256 : memref<80x128xf32, #tpu.memory_space<vmem_shared>>) target_semaphore(%run_scoped3A_249 : memref<!tpu.dma_semaphore, #tpu.memory_space<semaphore_mem>>)
      %dma_wait3A_260 = arith.constant 0 : i32
      %dma_wait3A_261 = arith.constant 0 : i32
      %dma_wait3A_262 = tpu.memref_slice %arg11[%dma_wait3A_260, %dma_wait3A_261] : memref<80x128xf32, #tpu.memory_space<vmem>> -> memref<80x128xf32, #tpu.memory_space<vmem>>
      %dma_wait3A_263 = arith.constant 0 : i32
      %dma_wait3A_264 = tpu.memref_slice %arg14[%add3A_212, %dma_wait3A_263] : memref<10112x128xf32, #tpu.memory_space<vmem_shared>> -> memref<80x128xf32, #tpu.memory_space<vmem_shared>>
      %dma_wait3A_265 = arith.constant 0 : i32
      %dma_wait3A_266 = tpu.memref_slice %arg14[%add3A_212, %dma_wait3A_265] : memref<10112x128xf32, #tpu.memory_space<vmem_shared>> -> memref<80x128xf32, #tpu.memory_space<vmem_shared>>
      %dma_wait3A_267 = arith.constant 0 : i32
      %dma_wait3A_268 = arith.constant 0 : i32
      %dma_wait3A_269 = tpu.memref_slice %arg11[%dma_wait3A_267, %dma_wait3A_268] : memref<80x128xf32, #tpu.memory_space<vmem>> -> memref<80x128xf32, #tpu.memory_space<vmem>>
      tpu.wait_dma2 semaphore(%run_scoped3A_249 : memref<!tpu.dma_semaphore, #tpu.memory_space<semaphore_mem>>) src(%dma_wait3A_269 : memref<80x128xf32, #tpu.memory_space<vmem>>) dst(%dma_wait3A_266 : memref<80x128xf32, #tpu.memory_space<vmem_shared>>)
      tpu.yield
    }) : () -> ()
    %add3A_213 = arith.constant 480 : i32
    %add3A_214 = arith.addi %mul3A_0, %add3A_213 : i32
    "tpu.region"() ({
      %run_scoped3A_249 = tpu.sem_alloc : memref<!tpu.dma_semaphore, #tpu.memory_space<semaphore_mem>>
      %dma_start3A_250 = arith.constant 0 : i32
      %dma_start3A_251 = arith.constant 0 : i32
      %dma_start3A_252 = tpu.memref_slice %arg11[%dma_start3A_250, %dma_start3A_251] : memref<80x128xf32, #tpu.memory_space<vmem>> -> memref<80x128xf32, #tpu.memory_space<vmem>>
      %dma_start3A_253 = arith.constant 0 : i32
      %dma_start3A_254 = tpu.memref_slice %arg14[%add3A_214, %dma_start3A_253] : memref<10112x128xf32, #tpu.memory_space<vmem_shared>> -> memref<80x128xf32, #tpu.memory_space<vmem_shared>>
      %dma_start3A_255 = arith.constant 0 : i32
      %dma_start3A_256 = tpu.memref_slice %arg14[%add3A_214, %dma_start3A_255] : memref<10112x128xf32, #tpu.memory_space<vmem_shared>> -> memref<80x128xf32, #tpu.memory_space<vmem_shared>>
      %dma_start3A_257 = arith.constant 0 : i32
      %dma_start3A_258 = arith.constant 0 : i32
      %dma_start3A_259 = tpu.memref_slice %arg11[%dma_start3A_257, %dma_start3A_258] : memref<80x128xf32, #tpu.memory_space<vmem>> -> memref<80x128xf32, #tpu.memory_space<vmem>>
      tpu.enqueue_dma source(%dma_start3A_259 : memref<80x128xf32, #tpu.memory_space<vmem>>) target(%dma_start3A_256 : memref<80x128xf32, #tpu.memory_space<vmem_shared>>) target_semaphore(%run_scoped3A_249 : memref<!tpu.dma_semaphore, #tpu.memory_space<semaphore_mem>>)
      %dma_wait3A_260 = arith.constant 0 : i32
      %dma_wait3A_261 = arith.constant 0 : i32
      %dma_wait3A_262 = tpu.memref_slice %arg11[%dma_wait3A_260, %dma_wait3A_261] : memref<80x128xf32, #tpu.memory_space<vmem>> -> memref<80x128xf32, #tpu.memory_space<vmem>>
      %dma_wait3A_263 = arith.constant 0 : i32
      %dma_wait3A_264 = tpu.memref_slice %arg14[%add3A_214, %dma_wait3A_263] : memref<10112x128xf32, #tpu.memory_space<vmem_shared>> -> memref<80x128xf32, #tpu.memory_space<vmem_shared>>
      %dma_wait3A_265 = arith.constant 0 : i32
      %dma_wait3A_266 = tpu.memref_slice %arg14[%add3A_214, %dma_wait3A_265] : memref<10112x128xf32, #tpu.memory_space<vmem_shared>> -> memref<80x128xf32, #tpu.memory_space<vmem_shared>>
      %dma_wait3A_267 = arith.constant 0 : i32
      %dma_wait3A_268 = arith.constant 0 : i32
      %dma_wait3A_269 = tpu.memref_slice %arg11[%dma_wait3A_267, %dma_wait3A_268] : memref<80x128xf32, #tpu.memory_space<vmem>> -> memref<80x128xf32, #tpu.memory_space<vmem>>
      tpu.wait_dma2 semaphore(%run_scoped3A_249 : memref<!tpu.dma_semaphore, #tpu.memory_space<semaphore_mem>>) src(%dma_wait3A_269 : memref<80x128xf32, #tpu.memory_space<vmem>>) dst(%dma_wait3A_266 : memref<80x128xf32, #tpu.memory_space<vmem_shared>>)
      tpu.yield
    }) : () -> ()
    %add3A_215 = arith.constant 560 : i32
    %add3A_216 = arith.addi %mul3A_0, %add3A_215 : i32
    "tpu.region"() ({
      %run_scoped3A_249 = tpu.sem_alloc : memref<!tpu.dma_semaphore, #tpu.memory_space<semaphore_mem>>
      %dma_start3A_250 = arith.constant 0 : i32
      %dma_start3A_251 = arith.constant 0 : i32
      %dma_start3A_252 = tpu.memref_slice %arg11[%dma_start3A_250, %dma_start3A_251] : memref<80x128xf32, #tpu.memory_space<vmem>> -> memref<72x128xf32, #tpu.memory_space<vmem>>
      %dma_start3A_253 = arith.constant 0 : i32
      %dma_start3A_254 = tpu.memref_slice %arg14[%add3A_216, %dma_start3A_253] : memref<10112x128xf32, #tpu.memory_space<vmem_shared>> -> memref<72x128xf32, #tpu.memory_space<vmem_shared>>
      %dma_start3A_255 = arith.constant 0 : i32
      %dma_start3A_256 = tpu.memref_slice %arg14[%add3A_216, %dma_start3A_255] : memref<10112x128xf32, #tpu.memory_space<vmem_shared>> -> memref<72x128xf32, #tpu.memory_space<vmem_shared>>
      %dma_start3A_257 = arith.constant 0 : i32
      %dma_start3A_258 = arith.constant 0 : i32
      %dma_start3A_259 = tpu.memref_slice %arg11[%dma_start3A_257, %dma_start3A_258] : memref<80x128xf32, #tpu.memory_space<vmem>> -> memref<72x128xf32, #tpu.memory_space<vmem>>
      tpu.enqueue_dma source(%dma_start3A_259 : memref<72x128xf32, #tpu.memory_space<vmem>>) target(%dma_start3A_256 : memref<72x128xf32, #tpu.memory_space<vmem_shared>>) target_semaphore(%run_scoped3A_249 : memref<!tpu.dma_semaphore, #tpu.memory_space<semaphore_mem>>)
      %dma_wait3A_260 = arith.constant 0 : i32
      %dma_wait3A_261 = arith.constant 0 : i32
      %dma_wait3A_262 = tpu.memref_slice %arg11[%dma_wait3A_260, %dma_wait3A_261] : memref<80x128xf32, #tpu.memory_space<vmem>> -> memref<72x128xf32, #tpu.memory_space<vmem>>
      %dma_wait3A_263 = arith.constant 0 : i32
      %dma_wait3A_264 = tpu.memref_slice %arg14[%add3A_216, %dma_wait3A_263] : memref<10112x128xf32, #tpu.memory_space<vmem_shared>> -> memref<72x128xf32, #tpu.memory_space<vmem_shared>>
      %dma_wait3A_265 = arith.constant 0 : i32
      %dma_wait3A_266 = tpu.memref_slice %arg14[%add3A_216, %dma_wait3A_265] : memref<10112x128xf32, #tpu.memory_space<vmem_shared>> -> memref<72x128xf32, #tpu.memory_space<vmem_shared>>
      %dma_wait3A_267 = arith.constant 0 : i32
      %dma_wait3A_268 = arith.constant 0 : i32
      %dma_wait3A_269 = tpu.memref_slice %arg11[%dma_wait3A_267, %dma_wait3A_268] : memref<80x128xf32, #tpu.memory_space<vmem>> -> memref<72x128xf32, #tpu.memory_space<vmem>>
      tpu.wait_dma2 semaphore(%run_scoped3A_249 : memref<!tpu.dma_semaphore, #tpu.memory_space<semaphore_mem>>) src(%dma_wait3A_269 : memref<72x128xf32, #tpu.memory_space<vmem>>) dst(%dma_wait3A_266 : memref<72x128xf32, #tpu.memory_space<vmem_shared>>)
      tpu.yield
    }) : () -> ()
    %barrier3A_217 = arith.constant 0 : index
    tpu.barrier barrier_id(%barrier3A_217)
    %scan3A_218 = arith.constant 0 : i32
    %scan3A_219 = arith.constant 0 : i32
    %scan3A_220 = arith.constant 125 : i32
    %scan3A_221 = arith.addi %scan3A_219, %scan3A_220 : i32
    %scan3A_222 = arith.constant 1 : i32
    scf.for %scan3A_249 = %scan3A_219 to %scan3A_221 step %scan3A_222  : i32 {
      %mul3A_250 = arith.constant 80 : i32
      %mul3A_251 = arith.muli %scan3A_249, %mul3A_250 : i32
      %add3A_252 = arith.addi %mul3A_4, %mul3A_251 : i32
      "tpu.region"() ({
        %run_scoped3A_253 = tpu.sem_alloc : memref<!tpu.dma_semaphore, #tpu.memory_space<semaphore_mem>>
        %dma_start3A_254 = tpu.memref_slice %arg4[%add3A_252] : memref<320000xi32, #tpu.memory_space<hbm>> -> memref<80xi32, #tpu.memory_space<hbm>>
        %dma_start3A_255 = tpu.memref_slice %arg4[%add3A_252] : memref<320000xi32, #tpu.memory_space<hbm>> -> memref<80xi32, #tpu.memory_space<hbm>>
        tpu.enqueue_dma source(%dma_start3A_255 : memref<80xi32, #tpu.memory_space<hbm>>) target(%arg10 : memref<80xi32, #tpu.memory_space<vmem>>) target_semaphore(%run_scoped3A_253 : memref<!tpu.dma_semaphore, #tpu.memory_space<semaphore_mem>>)
        %dma_wait3A_256 = tpu.memref_slice %arg4[%add3A_252] : memref<320000xi32, #tpu.memory_space<hbm>> -> memref<80xi32, #tpu.memory_space<hbm>>
        %dma_wait3A_257 = tpu.memref_slice %arg4[%add3A_252] : memref<320000xi32, #tpu.memory_space<hbm>> -> memref<80xi32, #tpu.memory_space<hbm>>
        tpu.wait_dma2 semaphore(%run_scoped3A_253 : memref<!tpu.dma_semaphore, #tpu.memory_space<semaphore_mem>>) src(%dma_wait3A_257 : memref<80xi32, #tpu.memory_space<hbm>>) dst(%arg10 : memref<80xi32, #tpu.memory_space<vmem>>)
        tpu.yield
      }) : () -> ()
      "tpu.region"() ({
        %run_scoped3A_253 = tpu.sem_alloc : memref<!tpu.dma_semaphore, #tpu.memory_space<semaphore_mem>>
        %dma_start3A_254 = arith.constant 0 : i32
        %dma_start3A_255 = arith.constant 0 : i32
        %dma_start3A_256 = tpu.memref_slice %arg14[%dma_start3A_254, %dma_start3A_255] : memref<10112x128xf32, #tpu.memory_space<vmem_shared>> -> memref<10112x128xf32, #tpu.memory_space<vmem_shared>>
        tpu.enqueue_indirect_dma source(%arg13 : memref<80x128xf32, #tpu.memory_space<vmem>>) target(%dma_start3A_256 : memref<10112x128xf32, #tpu.memory_space<vmem_shared>>) offsets(%arg10 : memref<80xi32, #tpu.memory_space<vmem>>) semaphore(%run_scoped3A_253 : memref<!tpu.dma_semaphore, #tpu.memory_space<semaphore_mem>>) {add = true}
        %dma_wait3A_257 = arith.constant 0 : i32
        %dma_wait3A_258 = arith.constant 0 : i32
        %dma_wait3A_259 = tpu.memref_slice %arg14[%dma_wait3A_257, %dma_wait3A_258] : memref<10112x128xf32, #tpu.memory_space<vmem_shared>> -> memref<10112x128xf32, #tpu.memory_space<vmem_shared>>
        tpu.wait_indirect_dma semaphore(%run_scoped3A_253 : memref<!tpu.dma_semaphore, #tpu.memory_space<semaphore_mem>>) src(%arg13 : memref<80x128xf32, #tpu.memory_space<vmem>>) dst(%dma_wait3A_259 : memref<10112x128xf32, #tpu.memory_space<vmem_shared>>)
        tpu.yield
      }) : () -> ()
    }
    %scan3A_223 = arith.constant 125 : i32
    %barrier3A_224 = arith.constant 0 : index
    tpu.barrier barrier_id(%barrier3A_224)
    %add3A_225 = arith.constant 0 : i32
    %add3A_226 = arith.addi %mul3A_0, %add3A_225 : i32
    "tpu.region"() ({
      %run_scoped3A_249 = tpu.sem_alloc : memref<!tpu.dma_semaphore, #tpu.memory_space<semaphore_mem>>
      %dma_start3A_250 = arith.constant 0 : i32
      %dma_start3A_251 = arith.constant 0 : i32
      %dma_start3A_252 = tpu.memref_slice %arg11[%dma_start3A_250, %dma_start3A_251] : memref<80x128xf32, #tpu.memory_space<vmem>> -> memref<80x128xf32, #tpu.memory_space<vmem>>
      %dma_start3A_253 = arith.constant 0 : i32
      %dma_start3A_254 = tpu.memref_slice %arg14[%add3A_226, %dma_start3A_253] : memref<10112x128xf32, #tpu.memory_space<vmem_shared>> -> memref<80x128xf32, #tpu.memory_space<vmem_shared>>
      %dma_start3A_255 = arith.constant 0 : i32
      %dma_start3A_256 = arith.constant 0 : i32
      %dma_start3A_257 = tpu.memref_slice %arg11[%dma_start3A_255, %dma_start3A_256] : memref<80x128xf32, #tpu.memory_space<vmem>> -> memref<80x128xf32, #tpu.memory_space<vmem>>
      %dma_start3A_258 = arith.constant 0 : i32
      %dma_start3A_259 = tpu.memref_slice %arg14[%add3A_226, %dma_start3A_258] : memref<10112x128xf32, #tpu.memory_space<vmem_shared>> -> memref<80x128xf32, #tpu.memory_space<vmem_shared>>
      tpu.enqueue_dma source(%dma_start3A_259 : memref<80x128xf32, #tpu.memory_space<vmem_shared>>) target(%dma_start3A_257 : memref<80x128xf32, #tpu.memory_space<vmem>>) target_semaphore(%run_scoped3A_249 : memref<!tpu.dma_semaphore, #tpu.memory_space<semaphore_mem>>)
      %dma_wait3A_260 = arith.constant 0 : i32
      %dma_wait3A_261 = arith.constant 0 : i32
      %dma_wait3A_262 = tpu.memref_slice %arg11[%dma_wait3A_260, %dma_wait3A_261] : memref<80x128xf32, #tpu.memory_space<vmem>> -> memref<80x128xf32, #tpu.memory_space<vmem>>
      %dma_wait3A_263 = arith.constant 0 : i32
      %dma_wait3A_264 = tpu.memref_slice %arg14[%add3A_226, %dma_wait3A_263] : memref<10112x128xf32, #tpu.memory_space<vmem_shared>> -> memref<80x128xf32, #tpu.memory_space<vmem_shared>>
      %dma_wait3A_265 = arith.constant 0 : i32
      %dma_wait3A_266 = arith.constant 0 : i32
      %dma_wait3A_267 = tpu.memref_slice %arg11[%dma_wait3A_265, %dma_wait3A_266] : memref<80x128xf32, #tpu.memory_space<vmem>> -> memref<80x128xf32, #tpu.memory_space<vmem>>
      %dma_wait3A_268 = arith.constant 0 : i32
      %dma_wait3A_269 = tpu.memref_slice %arg14[%add3A_226, %dma_wait3A_268] : memref<10112x128xf32, #tpu.memory_space<vmem_shared>> -> memref<80x128xf32, #tpu.memory_space<vmem_shared>>
      tpu.wait_dma2 semaphore(%run_scoped3A_249 : memref<!tpu.dma_semaphore, #tpu.memory_space<semaphore_mem>>) src(%dma_wait3A_269 : memref<80x128xf32, #tpu.memory_space<vmem_shared>>) dst(%dma_wait3A_267 : memref<80x128xf32, #tpu.memory_space<vmem>>)
      tpu.yield
    }) : () -> ()
    %run_scoped3A_227 = arith.constant 3 : i32
    "tpu.region"() ({
      %run_scoped3A_249 = tpu.sem_alloc : memref<!tpu.dma_semaphore, #tpu.memory_space<semaphore_mem>>
      %dma_start3A_250 = arith.constant 0 : i32
      %dma_start3A_251 = arith.constant 0 : i32
      %dma_start3A_252 = tpu.memref_slice %arg11[%dma_start3A_250, %dma_start3A_251] : memref<80x128xf32, #tpu.memory_space<vmem>> -> memref<80x128xf32, #tpu.memory_space<vmem>>
      %dma_start3A_253 = arith.constant 0 : i32
      %dma_start3A_254 = tpu.memref_slice %arg7[%run_scoped3A_227, %arg0, %add3A_226, %dma_start3A_253] : memref<4x2x10112x128xf32, #tpu.memory_space<hbm>> -> memref<1x1x80x128xf32, #tpu.memory_space<hbm>>
      %dma_start3A_255 = tpu.memref_squeeze %dma_start3A_254 : memref<1x1x80x128xf32, #tpu.memory_space<hbm>> -> memref<80x128xf32, #tpu.memory_space<hbm>>
      %dma_start3A_256 = arith.constant 0 : i32
      %dma_start3A_257 = tpu.memref_slice %arg7[%run_scoped3A_227, %arg0, %add3A_226, %dma_start3A_256] : memref<4x2x10112x128xf32, #tpu.memory_space<hbm>> -> memref<1x1x80x128xf32, #tpu.memory_space<hbm>>
      %dma_start3A_258 = tpu.memref_squeeze %dma_start3A_257 : memref<1x1x80x128xf32, #tpu.memory_space<hbm>> -> memref<80x128xf32, #tpu.memory_space<hbm>>
      %dma_start3A_259 = arith.constant 0 : i32
      %dma_start3A_260 = arith.constant 0 : i32
      %dma_start3A_261 = tpu.memref_slice %arg11[%dma_start3A_259, %dma_start3A_260] : memref<80x128xf32, #tpu.memory_space<vmem>> -> memref<80x128xf32, #tpu.memory_space<vmem>>
      tpu.enqueue_dma source(%dma_start3A_261 : memref<80x128xf32, #tpu.memory_space<vmem>>) target(%dma_start3A_258 : memref<80x128xf32, #tpu.memory_space<hbm>>) target_semaphore(%run_scoped3A_249 : memref<!tpu.dma_semaphore, #tpu.memory_space<semaphore_mem>>)
      %dma_wait3A_262 = arith.constant 0 : i32
      %dma_wait3A_263 = arith.constant 0 : i32
      %dma_wait3A_264 = tpu.memref_slice %arg11[%dma_wait3A_262, %dma_wait3A_263] : memref<80x128xf32, #tpu.memory_space<vmem>> -> memref<80x128xf32, #tpu.memory_space<vmem>>
      %dma_wait3A_265 = arith.constant 0 : i32
      %dma_wait3A_266 = tpu.memref_slice %arg7[%run_scoped3A_227, %arg0, %add3A_226, %dma_wait3A_265] : memref<4x2x10112x128xf32, #tpu.memory_space<hbm>> -> memref<1x1x80x128xf32, #tpu.memory_space<hbm>>
      %dma_wait3A_267 = tpu.memref_squeeze %dma_wait3A_266 : memref<1x1x80x128xf32, #tpu.memory_space<hbm>> -> memref<80x128xf32, #tpu.memory_space<hbm>>
      %dma_wait3A_268 = arith.constant 0 : i32
      %dma_wait3A_269 = tpu.memref_slice %arg7[%run_scoped3A_227, %arg0, %add3A_226, %dma_wait3A_268] : memref<4x2x10112x128xf32, #tpu.memory_space<hbm>> -> memref<1x1x80x128xf32, #tpu.memory_space<hbm>>
      %dma_wait3A_270 = tpu.memref_squeeze %dma_wait3A_269 : memref<1x1x80x128xf32, #tpu.memory_space<hbm>> -> memref<80x128xf32, #tpu.memory_space<hbm>>
      %dma_wait3A_271 = arith.constant 0 : i32
      %dma_wait3A_272 = arith.constant 0 : i32
      %dma_wait3A_273 = tpu.memref_slice %arg11[%dma_wait3A_271, %dma_wait3A_272] : memref<80x128xf32, #tpu.memory_space<vmem>> -> memref<80x128xf32, #tpu.memory_space<vmem>>
      tpu.wait_dma2 semaphore(%run_scoped3A_249 : memref<!tpu.dma_semaphore, #tpu.memory_space<semaphore_mem>>) src(%dma_wait3A_273 : memref<80x128xf32, #tpu.memory_space<vmem>>) dst(%dma_wait3A_270 : memref<80x128xf32, #tpu.memory_space<hbm>>)
      tpu.yield
    }) : () -> ()
    %add3A_228 = arith.constant 80 : i32
    %add3A_229 = arith.addi %mul3A_0, %add3A_228 : i32
    "tpu.region"() ({
      %run_scoped3A_249 = tpu.sem_alloc : memref<!tpu.dma_semaphore, #tpu.memory_space<semaphore_mem>>
      %dma_start3A_250 = arith.constant 0 : i32
      %dma_start3A_251 = arith.constant 0 : i32
      %dma_start3A_252 = tpu.memref_slice %arg11[%dma_start3A_250, %dma_start3A_251] : memref<80x128xf32, #tpu.memory_space<vmem>> -> memref<80x128xf32, #tpu.memory_space<vmem>>
      %dma_start3A_253 = arith.constant 0 : i32
      %dma_start3A_254 = tpu.memref_slice %arg14[%add3A_229, %dma_start3A_253] : memref<10112x128xf32, #tpu.memory_space<vmem_shared>> -> memref<80x128xf32, #tpu.memory_space<vmem_shared>>
      %dma_start3A_255 = arith.constant 0 : i32
      %dma_start3A_256 = arith.constant 0 : i32
      %dma_start3A_257 = tpu.memref_slice %arg11[%dma_start3A_255, %dma_start3A_256] : memref<80x128xf32, #tpu.memory_space<vmem>> -> memref<80x128xf32, #tpu.memory_space<vmem>>
      %dma_start3A_258 = arith.constant 0 : i32
      %dma_start3A_259 = tpu.memref_slice %arg14[%add3A_229, %dma_start3A_258] : memref<10112x128xf32, #tpu.memory_space<vmem_shared>> -> memref<80x128xf32, #tpu.memory_space<vmem_shared>>
      tpu.enqueue_dma source(%dma_start3A_259 : memref<80x128xf32, #tpu.memory_space<vmem_shared>>) target(%dma_start3A_257 : memref<80x128xf32, #tpu.memory_space<vmem>>) target_semaphore(%run_scoped3A_249 : memref<!tpu.dma_semaphore, #tpu.memory_space<semaphore_mem>>)
      %dma_wait3A_260 = arith.constant 0 : i32
      %dma_wait3A_261 = arith.constant 0 : i32
      %dma_wait3A_262 = tpu.memref_slice %arg11[%dma_wait3A_260, %dma_wait3A_261] : memref<80x128xf32, #tpu.memory_space<vmem>> -> memref<80x128xf32, #tpu.memory_space<vmem>>
      %dma_wait3A_263 = arith.constant 0 : i32
      %dma_wait3A_264 = tpu.memref_slice %arg14[%add3A_229, %dma_wait3A_263] : memref<10112x128xf32, #tpu.memory_space<vmem_shared>> -> memref<80x128xf32, #tpu.memory_space<vmem_shared>>
      %dma_wait3A_265 = arith.constant 0 : i32
      %dma_wait3A_266 = arith.constant 0 : i32
      %dma_wait3A_267 = tpu.memref_slice %arg11[%dma_wait3A_265, %dma_wait3A_266] : memref<80x128xf32, #tpu.memory_space<vmem>> -> memref<80x128xf32, #tpu.memory_space<vmem>>
      %dma_wait3A_268 = arith.constant 0 : i32
      %dma_wait3A_269 = tpu.memref_slice %arg14[%add3A_229, %dma_wait3A_268] : memref<10112x128xf32, #tpu.memory_space<vmem_shared>> -> memref<80x128xf32, #tpu.memory_space<vmem_shared>>
      tpu.wait_dma2 semaphore(%run_scoped3A_249 : memref<!tpu.dma_semaphore, #tpu.memory_space<semaphore_mem>>) src(%dma_wait3A_269 : memref<80x128xf32, #tpu.memory_space<vmem_shared>>) dst(%dma_wait3A_267 : memref<80x128xf32, #tpu.memory_space<vmem>>)
      tpu.yield
    }) : () -> ()
    %run_scoped3A_230 = arith.constant 3 : i32
    "tpu.region"() ({
      %run_scoped3A_249 = tpu.sem_alloc : memref<!tpu.dma_semaphore, #tpu.memory_space<semaphore_mem>>
      %dma_start3A_250 = arith.constant 0 : i32
      %dma_start3A_251 = arith.constant 0 : i32
      %dma_start3A_252 = tpu.memref_slice %arg11[%dma_start3A_250, %dma_start3A_251] : memref<80x128xf32, #tpu.memory_space<vmem>> -> memref<80x128xf32, #tpu.memory_space<vmem>>
      %dma_start3A_253 = arith.constant 0 : i32
      %dma_start3A_254 = tpu.memref_slice %arg7[%run_scoped3A_230, %arg0, %add3A_229, %dma_start3A_253] : memref<4x2x10112x128xf32, #tpu.memory_space<hbm>> -> memref<1x1x80x128xf32, #tpu.memory_space<hbm>>
      %dma_start3A_255 = tpu.memref_squeeze %dma_start3A_254 : memref<1x1x80x128xf32, #tpu.memory_space<hbm>> -> memref<80x128xf32, #tpu.memory_space<hbm>>
      %dma_start3A_256 = arith.constant 0 : i32
      %dma_start3A_257 = tpu.memref_slice %arg7[%run_scoped3A_230, %arg0, %add3A_229, %dma_start3A_256] : memref<4x2x10112x128xf32, #tpu.memory_space<hbm>> -> memref<1x1x80x128xf32, #tpu.memory_space<hbm>>
      %dma_start3A_258 = tpu.memref_squeeze %dma_start3A_257 : memref<1x1x80x128xf32, #tpu.memory_space<hbm>> -> memref<80x128xf32, #tpu.memory_space<hbm>>
      %dma_start3A_259 = arith.constant 0 : i32
      %dma_start3A_260 = arith.constant 0 : i32
      %dma_start3A_261 = tpu.memref_slice %arg11[%dma_start3A_259, %dma_start3A_260] : memref<80x128xf32, #tpu.memory_space<vmem>> -> memref<80x128xf32, #tpu.memory_space<vmem>>
      tpu.enqueue_dma source(%dma_start3A_261 : memref<80x128xf32, #tpu.memory_space<vmem>>) target(%dma_start3A_258 : memref<80x128xf32, #tpu.memory_space<hbm>>) target_semaphore(%run_scoped3A_249 : memref<!tpu.dma_semaphore, #tpu.memory_space<semaphore_mem>>)
      %dma_wait3A_262 = arith.constant 0 : i32
      %dma_wait3A_263 = arith.constant 0 : i32
      %dma_wait3A_264 = tpu.memref_slice %arg11[%dma_wait3A_262, %dma_wait3A_263] : memref<80x128xf32, #tpu.memory_space<vmem>> -> memref<80x128xf32, #tpu.memory_space<vmem>>
      %dma_wait3A_265 = arith.constant 0 : i32
      %dma_wait3A_266 = tpu.memref_slice %arg7[%run_scoped3A_230, %arg0, %add3A_229, %dma_wait3A_265] : memref<4x2x10112x128xf32, #tpu.memory_space<hbm>> -> memref<1x1x80x128xf32, #tpu.memory_space<hbm>>
      %dma_wait3A_267 = tpu.memref_squeeze %dma_wait3A_266 : memref<1x1x80x128xf32, #tpu.memory_space<hbm>> -> memref<80x128xf32, #tpu.memory_space<hbm>>
      %dma_wait3A_268 = arith.constant 0 : i32
      %dma_wait3A_269 = tpu.memref_slice %arg7[%run_scoped3A_230, %arg0, %add3A_229, %dma_wait3A_268] : memref<4x2x10112x128xf32, #tpu.memory_space<hbm>> -> memref<1x1x80x128xf32, #tpu.memory_space<hbm>>
      %dma_wait3A_270 = tpu.memref_squeeze %dma_wait3A_269 : memref<1x1x80x128xf32, #tpu.memory_space<hbm>> -> memref<80x128xf32, #tpu.memory_space<hbm>>
      %dma_wait3A_271 = arith.constant 0 : i32
      %dma_wait3A_272 = arith.constant 0 : i32
      %dma_wait3A_273 = tpu.memref_slice %arg11[%dma_wait3A_271, %dma_wait3A_272] : memref<80x128xf32, #tpu.memory_space<vmem>> -> memref<80x128xf32, #tpu.memory_space<vmem>>
      tpu.wait_dma2 semaphore(%run_scoped3A_249 : memref<!tpu.dma_semaphore, #tpu.memory_space<semaphore_mem>>) src(%dma_wait3A_273 : memref<80x128xf32, #tpu.memory_space<vmem>>) dst(%dma_wait3A_270 : memref<80x128xf32, #tpu.memory_space<hbm>>)
      tpu.yield
    }) : () -> ()
    %add3A_231 = arith.constant 160 : i32
    %add3A_232 = arith.addi %mul3A_0, %add3A_231 : i32
    "tpu.region"() ({
      %run_scoped3A_249 = tpu.sem_alloc : memref<!tpu.dma_semaphore, #tpu.memory_space<semaphore_mem>>
      %dma_start3A_250 = arith.constant 0 : i32
      %dma_start3A_251 = arith.constant 0 : i32
      %dma_start3A_252 = tpu.memref_slice %arg11[%dma_start3A_250, %dma_start3A_251] : memref<80x128xf32, #tpu.memory_space<vmem>> -> memref<80x128xf32, #tpu.memory_space<vmem>>
      %dma_start3A_253 = arith.constant 0 : i32
      %dma_start3A_254 = tpu.memref_slice %arg14[%add3A_232, %dma_start3A_253] : memref<10112x128xf32, #tpu.memory_space<vmem_shared>> -> memref<80x128xf32, #tpu.memory_space<vmem_shared>>
      %dma_start3A_255 = arith.constant 0 : i32
      %dma_start3A_256 = arith.constant 0 : i32
      %dma_start3A_257 = tpu.memref_slice %arg11[%dma_start3A_255, %dma_start3A_256] : memref<80x128xf32, #tpu.memory_space<vmem>> -> memref<80x128xf32, #tpu.memory_space<vmem>>
      %dma_start3A_258 = arith.constant 0 : i32
      %dma_start3A_259 = tpu.memref_slice %arg14[%add3A_232, %dma_start3A_258] : memref<10112x128xf32, #tpu.memory_space<vmem_shared>> -> memref<80x128xf32, #tpu.memory_space<vmem_shared>>
      tpu.enqueue_dma source(%dma_start3A_259 : memref<80x128xf32, #tpu.memory_space<vmem_shared>>) target(%dma_start3A_257 : memref<80x128xf32, #tpu.memory_space<vmem>>) target_semaphore(%run_scoped3A_249 : memref<!tpu.dma_semaphore, #tpu.memory_space<semaphore_mem>>)
      %dma_wait3A_260 = arith.constant 0 : i32
      %dma_wait3A_261 = arith.constant 0 : i32
      %dma_wait3A_262 = tpu.memref_slice %arg11[%dma_wait3A_260, %dma_wait3A_261] : memref<80x128xf32, #tpu.memory_space<vmem>> -> memref<80x128xf32, #tpu.memory_space<vmem>>
      %dma_wait3A_263 = arith.constant 0 : i32
      %dma_wait3A_264 = tpu.memref_slice %arg14[%add3A_232, %dma_wait3A_263] : memref<10112x128xf32, #tpu.memory_space<vmem_shared>> -> memref<80x128xf32, #tpu.memory_space<vmem_shared>>
      %dma_wait3A_265 = arith.constant 0 : i32
      %dma_wait3A_266 = arith.constant 0 : i32
      %dma_wait3A_267 = tpu.memref_slice %arg11[%dma_wait3A_265, %dma_wait3A_266] : memref<80x128xf32, #tpu.memory_space<vmem>> -> memref<80x128xf32, #tpu.memory_space<vmem>>
      %dma_wait3A_268 = arith.constant 0 : i32
      %dma_wait3A_269 = tpu.memref_slice %arg14[%add3A_232, %dma_wait3A_268] : memref<10112x128xf32, #tpu.memory_space<vmem_shared>> -> memref<80x128xf32, #tpu.memory_space<vmem_shared>>
      tpu.wait_dma2 semaphore(%run_scoped3A_249 : memref<!tpu.dma_semaphore, #tpu.memory_space<semaphore_mem>>) src(%dma_wait3A_269 : memref<80x128xf32, #tpu.memory_space<vmem_shared>>) dst(%dma_wait3A_267 : memref<80x128xf32, #tpu.memory_space<vmem>>)
      tpu.yield
    }) : () -> ()
    %run_scoped3A_233 = arith.constant 3 : i32
    "tpu.region"() ({
      %run_scoped3A_249 = tpu.sem_alloc : memref<!tpu.dma_semaphore, #tpu.memory_space<semaphore_mem>>
      %dma_start3A_250 = arith.constant 0 : i32
      %dma_start3A_251 = arith.constant 0 : i32
      %dma_start3A_252 = tpu.memref_slice %arg11[%dma_start3A_250, %dma_start3A_251] : memref<80x128xf32, #tpu.memory_space<vmem>> -> memref<80x128xf32, #tpu.memory_space<vmem>>
      %dma_start3A_253 = arith.constant 0 : i32
      %dma_start3A_254 = tpu.memref_slice %arg7[%run_scoped3A_233, %arg0, %add3A_232, %dma_start3A_253] : memref<4x2x10112x128xf32, #tpu.memory_space<hbm>> -> memref<1x1x80x128xf32, #tpu.memory_space<hbm>>
      %dma_start3A_255 = tpu.memref_squeeze %dma_start3A_254 : memref<1x1x80x128xf32, #tpu.memory_space<hbm>> -> memref<80x128xf32, #tpu.memory_space<hbm>>
      %dma_start3A_256 = arith.constant 0 : i32
      %dma_start3A_257 = tpu.memref_slice %arg7[%run_scoped3A_233, %arg0, %add3A_232, %dma_start3A_256] : memref<4x2x10112x128xf32, #tpu.memory_space<hbm>> -> memref<1x1x80x128xf32, #tpu.memory_space<hbm>>
      %dma_start3A_258 = tpu.memref_squeeze %dma_start3A_257 : memref<1x1x80x128xf32, #tpu.memory_space<hbm>> -> memref<80x128xf32, #tpu.memory_space<hbm>>
      %dma_start3A_259 = arith.constant 0 : i32
      %dma_start3A_260 = arith.constant 0 : i32
      %dma_start3A_261 = tpu.memref_slice %arg11[%dma_start3A_259, %dma_start3A_260] : memref<80x128xf32, #tpu.memory_space<vmem>> -> memref<80x128xf32, #tpu.memory_space<vmem>>
      tpu.enqueue_dma source(%dma_start3A_261 : memref<80x128xf32, #tpu.memory_space<vmem>>) target(%dma_start3A_258 : memref<80x128xf32, #tpu.memory_space<hbm>>) target_semaphore(%run_scoped3A_249 : memref<!tpu.dma_semaphore, #tpu.memory_space<semaphore_mem>>)
      %dma_wait3A_262 = arith.constant 0 : i32
      %dma_wait3A_263 = arith.constant 0 : i32
      %dma_wait3A_264 = tpu.memref_slice %arg11[%dma_wait3A_262, %dma_wait3A_263] : memref<80x128xf32, #tpu.memory_space<vmem>> -> memref<80x128xf32, #tpu.memory_space<vmem>>
      %dma_wait3A_265 = arith.constant 0 : i32
      %dma_wait3A_266 = tpu.memref_slice %arg7[%run_scoped3A_233, %arg0, %add3A_232, %dma_wait3A_265] : memref<4x2x10112x128xf32, #tpu.memory_space<hbm>> -> memref<1x1x80x128xf32, #tpu.memory_space<hbm>>
      %dma_wait3A_267 = tpu.memref_squeeze %dma_wait3A_266 : memref<1x1x80x128xf32, #tpu.memory_space<hbm>> -> memref<80x128xf32, #tpu.memory_space<hbm>>
      %dma_wait3A_268 = arith.constant 0 : i32
      %dma_wait3A_269 = tpu.memref_slice %arg7[%run_scoped3A_233, %arg0, %add3A_232, %dma_wait3A_268] : memref<4x2x10112x128xf32, #tpu.memory_space<hbm>> -> memref<1x1x80x128xf32, #tpu.memory_space<hbm>>
      %dma_wait3A_270 = tpu.memref_squeeze %dma_wait3A_269 : memref<1x1x80x128xf32, #tpu.memory_space<hbm>> -> memref<80x128xf32, #tpu.memory_space<hbm>>
      %dma_wait3A_271 = arith.constant 0 : i32
      %dma_wait3A_272 = arith.constant 0 : i32
      %dma_wait3A_273 = tpu.memref_slice %arg11[%dma_wait3A_271, %dma_wait3A_272] : memref<80x128xf32, #tpu.memory_space<vmem>> -> memref<80x128xf32, #tpu.memory_space<vmem>>
      tpu.wait_dma2 semaphore(%run_scoped3A_249 : memref<!tpu.dma_semaphore, #tpu.memory_space<semaphore_mem>>) src(%dma_wait3A_273 : memref<80x128xf32, #tpu.memory_space<vmem>>) dst(%dma_wait3A_270 : memref<80x128xf32, #tpu.memory_space<hbm>>)
      tpu.yield
    }) : () -> ()
    %add3A_234 = arith.constant 240 : i32
    %add3A_235 = arith.addi %mul3A_0, %add3A_234 : i32
    "tpu.region"() ({
      %run_scoped3A_249 = tpu.sem_alloc : memref<!tpu.dma_semaphore, #tpu.memory_space<semaphore_mem>>
      %dma_start3A_250 = arith.constant 0 : i32
      %dma_start3A_251 = arith.constant 0 : i32
      %dma_start3A_252 = tpu.memref_slice %arg11[%dma_start3A_250, %dma_start3A_251] : memref<80x128xf32, #tpu.memory_space<vmem>> -> memref<80x128xf32, #tpu.memory_space<vmem>>
      %dma_start3A_253 = arith.constant 0 : i32
      %dma_start3A_254 = tpu.memref_slice %arg14[%add3A_235, %dma_start3A_253] : memref<10112x128xf32, #tpu.memory_space<vmem_shared>> -> memref<80x128xf32, #tpu.memory_space<vmem_shared>>
      %dma_start3A_255 = arith.constant 0 : i32
      %dma_start3A_256 = arith.constant 0 : i32
      %dma_start3A_257 = tpu.memref_slice %arg11[%dma_start3A_255, %dma_start3A_256] : memref<80x128xf32, #tpu.memory_space<vmem>> -> memref<80x128xf32, #tpu.memory_space<vmem>>
      %dma_start3A_258 = arith.constant 0 : i32
      %dma_start3A_259 = tpu.memref_slice %arg14[%add3A_235, %dma_start3A_258] : memref<10112x128xf32, #tpu.memory_space<vmem_shared>> -> memref<80x128xf32, #tpu.memory_space<vmem_shared>>
      tpu.enqueue_dma source(%dma_start3A_259 : memref<80x128xf32, #tpu.memory_space<vmem_shared>>) target(%dma_start3A_257 : memref<80x128xf32, #tpu.memory_space<vmem>>) target_semaphore(%run_scoped3A_249 : memref<!tpu.dma_semaphore, #tpu.memory_space<semaphore_mem>>)
      %dma_wait3A_260 = arith.constant 0 : i32
      %dma_wait3A_261 = arith.constant 0 : i32
      %dma_wait3A_262 = tpu.memref_slice %arg11[%dma_wait3A_260, %dma_wait3A_261] : memref<80x128xf32, #tpu.memory_space<vmem>> -> memref<80x128xf32, #tpu.memory_space<vmem>>
      %dma_wait3A_263 = arith.constant 0 : i32
      %dma_wait3A_264 = tpu.memref_slice %arg14[%add3A_235, %dma_wait3A_263] : memref<10112x128xf32, #tpu.memory_space<vmem_shared>> -> memref<80x128xf32, #tpu.memory_space<vmem_shared>>
      %dma_wait3A_265 = arith.constant 0 : i32
      %dma_wait3A_266 = arith.constant 0 : i32
      %dma_wait3A_267 = tpu.memref_slice %arg11[%dma_wait3A_265, %dma_wait3A_266] : memref<80x128xf32, #tpu.memory_space<vmem>> -> memref<80x128xf32, #tpu.memory_space<vmem>>
      %dma_wait3A_268 = arith.constant 0 : i32
      %dma_wait3A_269 = tpu.memref_slice %arg14[%add3A_235, %dma_wait3A_268] : memref<10112x128xf32, #tpu.memory_space<vmem_shared>> -> memref<80x128xf32, #tpu.memory_space<vmem_shared>>
      tpu.wait_dma2 semaphore(%run_scoped3A_249 : memref<!tpu.dma_semaphore, #tpu.memory_space<semaphore_mem>>) src(%dma_wait3A_269 : memref<80x128xf32, #tpu.memory_space<vmem_shared>>) dst(%dma_wait3A_267 : memref<80x128xf32, #tpu.memory_space<vmem>>)
      tpu.yield
    }) : () -> ()
    %run_scoped3A_236 = arith.constant 3 : i32
    "tpu.region"() ({
      %run_scoped3A_249 = tpu.sem_alloc : memref<!tpu.dma_semaphore, #tpu.memory_space<semaphore_mem>>
      %dma_start3A_250 = arith.constant 0 : i32
      %dma_start3A_251 = arith.constant 0 : i32
      %dma_start3A_252 = tpu.memref_slice %arg11[%dma_start3A_250, %dma_start3A_251] : memref<80x128xf32, #tpu.memory_space<vmem>> -> memref<80x128xf32, #tpu.memory_space<vmem>>
      %dma_start3A_253 = arith.constant 0 : i32
      %dma_start3A_254 = tpu.memref_slice %arg7[%run_scoped3A_236, %arg0, %add3A_235, %dma_start3A_253] : memref<4x2x10112x128xf32, #tpu.memory_space<hbm>> -> memref<1x1x80x128xf32, #tpu.memory_space<hbm>>
      %dma_start3A_255 = tpu.memref_squeeze %dma_start3A_254 : memref<1x1x80x128xf32, #tpu.memory_space<hbm>> -> memref<80x128xf32, #tpu.memory_space<hbm>>
      %dma_start3A_256 = arith.constant 0 : i32
      %dma_start3A_257 = tpu.memref_slice %arg7[%run_scoped3A_236, %arg0, %add3A_235, %dma_start3A_256] : memref<4x2x10112x128xf32, #tpu.memory_space<hbm>> -> memref<1x1x80x128xf32, #tpu.memory_space<hbm>>
      %dma_start3A_258 = tpu.memref_squeeze %dma_start3A_257 : memref<1x1x80x128xf32, #tpu.memory_space<hbm>> -> memref<80x128xf32, #tpu.memory_space<hbm>>
      %dma_start3A_259 = arith.constant 0 : i32
      %dma_start3A_260 = arith.constant 0 : i32
      %dma_start3A_261 = tpu.memref_slice %arg11[%dma_start3A_259, %dma_start3A_260] : memref<80x128xf32, #tpu.memory_space<vmem>> -> memref<80x128xf32, #tpu.memory_space<vmem>>
      tpu.enqueue_dma source(%dma_start3A_261 : memref<80x128xf32, #tpu.memory_space<vmem>>) target(%dma_start3A_258 : memref<80x128xf32, #tpu.memory_space<hbm>>) target_semaphore(%run_scoped3A_249 : memref<!tpu.dma_semaphore, #tpu.memory_space<semaphore_mem>>)
      %dma_wait3A_262 = arith.constant 0 : i32
      %dma_wait3A_263 = arith.constant 0 : i32
      %dma_wait3A_264 = tpu.memref_slice %arg11[%dma_wait3A_262, %dma_wait3A_263] : memref<80x128xf32, #tpu.memory_space<vmem>> -> memref<80x128xf32, #tpu.memory_space<vmem>>
      %dma_wait3A_265 = arith.constant 0 : i32
      %dma_wait3A_266 = tpu.memref_slice %arg7[%run_scoped3A_236, %arg0, %add3A_235, %dma_wait3A_265] : memref<4x2x10112x128xf32, #tpu.memory_space<hbm>> -> memref<1x1x80x128xf32, #tpu.memory_space<hbm>>
      %dma_wait3A_267 = tpu.memref_squeeze %dma_wait3A_266 : memref<1x1x80x128xf32, #tpu.memory_space<hbm>> -> memref<80x128xf32, #tpu.memory_space<hbm>>
      %dma_wait3A_268 = arith.constant 0 : i32
      %dma_wait3A_269 = tpu.memref_slice %arg7[%run_scoped3A_236, %arg0, %add3A_235, %dma_wait3A_268] : memref<4x2x10112x128xf32, #tpu.memory_space<hbm>> -> memref<1x1x80x128xf32, #tpu.memory_space<hbm>>
      %dma_wait3A_270 = tpu.memref_squeeze %dma_wait3A_269 : memref<1x1x80x128xf32, #tpu.memory_space<hbm>> -> memref<80x128xf32, #tpu.memory_space<hbm>>
      %dma_wait3A_271 = arith.constant 0 : i32
      %dma_wait3A_272 = arith.constant 0 : i32
      %dma_wait3A_273 = tpu.memref_slice %arg11[%dma_wait3A_271, %dma_wait3A_272] : memref<80x128xf32, #tpu.memory_space<vmem>> -> memref<80x128xf32, #tpu.memory_space<vmem>>
      tpu.wait_dma2 semaphore(%run_scoped3A_249 : memref<!tpu.dma_semaphore, #tpu.memory_space<semaphore_mem>>) src(%dma_wait3A_273 : memref<80x128xf32, #tpu.memory_space<vmem>>) dst(%dma_wait3A_270 : memref<80x128xf32, #tpu.memory_space<hbm>>)
      tpu.yield
    }) : () -> ()
    %add3A_237 = arith.constant 320 : i32
    %add3A_238 = arith.addi %mul3A_0, %add3A_237 : i32
    "tpu.region"() ({
      %run_scoped3A_249 = tpu.sem_alloc : memref<!tpu.dma_semaphore, #tpu.memory_space<semaphore_mem>>
      %dma_start3A_250 = arith.constant 0 : i32
      %dma_start3A_251 = arith.constant 0 : i32
      %dma_start3A_252 = tpu.memref_slice %arg11[%dma_start3A_250, %dma_start3A_251] : memref<80x128xf32, #tpu.memory_space<vmem>> -> memref<80x128xf32, #tpu.memory_space<vmem>>
      %dma_start3A_253 = arith.constant 0 : i32
      %dma_start3A_254 = tpu.memref_slice %arg14[%add3A_238, %dma_start3A_253] : memref<10112x128xf32, #tpu.memory_space<vmem_shared>> -> memref<80x128xf32, #tpu.memory_space<vmem_shared>>
      %dma_start3A_255 = arith.constant 0 : i32
      %dma_start3A_256 = arith.constant 0 : i32
      %dma_start3A_257 = tpu.memref_slice %arg11[%dma_start3A_255, %dma_start3A_256] : memref<80x128xf32, #tpu.memory_space<vmem>> -> memref<80x128xf32, #tpu.memory_space<vmem>>
      %dma_start3A_258 = arith.constant 0 : i32
      %dma_start3A_259 = tpu.memref_slice %arg14[%add3A_238, %dma_start3A_258] : memref<10112x128xf32, #tpu.memory_space<vmem_shared>> -> memref<80x128xf32, #tpu.memory_space<vmem_shared>>
      tpu.enqueue_dma source(%dma_start3A_259 : memref<80x128xf32, #tpu.memory_space<vmem_shared>>) target(%dma_start3A_257 : memref<80x128xf32, #tpu.memory_space<vmem>>) target_semaphore(%run_scoped3A_249 : memref<!tpu.dma_semaphore, #tpu.memory_space<semaphore_mem>>)
      %dma_wait3A_260 = arith.constant 0 : i32
      %dma_wait3A_261 = arith.constant 0 : i32
      %dma_wait3A_262 = tpu.memref_slice %arg11[%dma_wait3A_260, %dma_wait3A_261] : memref<80x128xf32, #tpu.memory_space<vmem>> -> memref<80x128xf32, #tpu.memory_space<vmem>>
      %dma_wait3A_263 = arith.constant 0 : i32
      %dma_wait3A_264 = tpu.memref_slice %arg14[%add3A_238, %dma_wait3A_263] : memref<10112x128xf32, #tpu.memory_space<vmem_shared>> -> memref<80x128xf32, #tpu.memory_space<vmem_shared>>
      %dma_wait3A_265 = arith.constant 0 : i32
      %dma_wait3A_266 = arith.constant 0 : i32
      %dma_wait3A_267 = tpu.memref_slice %arg11[%dma_wait3A_265, %dma_wait3A_266] : memref<80x128xf32, #tpu.memory_space<vmem>> -> memref<80x128xf32, #tpu.memory_space<vmem>>
      %dma_wait3A_268 = arith.constant 0 : i32
      %dma_wait3A_269 = tpu.memref_slice %arg14[%add3A_238, %dma_wait3A_268] : memref<10112x128xf32, #tpu.memory_space<vmem_shared>> -> memref<80x128xf32, #tpu.memory_space<vmem_shared>>
      tpu.wait_dma2 semaphore(%run_scoped3A_249 : memref<!tpu.dma_semaphore, #tpu.memory_space<semaphore_mem>>) src(%dma_wait3A_269 : memref<80x128xf32, #tpu.memory_space<vmem_shared>>) dst(%dma_wait3A_267 : memref<80x128xf32, #tpu.memory_space<vmem>>)
      tpu.yield
    }) : () -> ()
    %run_scoped3A_239 = arith.constant 3 : i32
    "tpu.region"() ({
      %run_scoped3A_249 = tpu.sem_alloc : memref<!tpu.dma_semaphore, #tpu.memory_space<semaphore_mem>>
      %dma_start3A_250 = arith.constant 0 : i32
      %dma_start3A_251 = arith.constant 0 : i32
      %dma_start3A_252 = tpu.memref_slice %arg11[%dma_start3A_250, %dma_start3A_251] : memref<80x128xf32, #tpu.memory_space<vmem>> -> memref<80x128xf32, #tpu.memory_space<vmem>>
      %dma_start3A_253 = arith.constant 0 : i32
      %dma_start3A_254 = tpu.memref_slice %arg7[%run_scoped3A_239, %arg0, %add3A_238, %dma_start3A_253] : memref<4x2x10112x128xf32, #tpu.memory_space<hbm>> -> memref<1x1x80x128xf32, #tpu.memory_space<hbm>>
      %dma_start3A_255 = tpu.memref_squeeze %dma_start3A_254 : memref<1x1x80x128xf32, #tpu.memory_space<hbm>> -> memref<80x128xf32, #tpu.memory_space<hbm>>
      %dma_start3A_256 = arith.constant 0 : i32
      %dma_start3A_257 = tpu.memref_slice %arg7[%run_scoped3A_239, %arg0, %add3A_238, %dma_start3A_256] : memref<4x2x10112x128xf32, #tpu.memory_space<hbm>> -> memref<1x1x80x128xf32, #tpu.memory_space<hbm>>
      %dma_start3A_258 = tpu.memref_squeeze %dma_start3A_257 : memref<1x1x80x128xf32, #tpu.memory_space<hbm>> -> memref<80x128xf32, #tpu.memory_space<hbm>>
      %dma_start3A_259 = arith.constant 0 : i32
      %dma_start3A_260 = arith.constant 0 : i32
      %dma_start3A_261 = tpu.memref_slice %arg11[%dma_start3A_259, %dma_start3A_260] : memref<80x128xf32, #tpu.memory_space<vmem>> -> memref<80x128xf32, #tpu.memory_space<vmem>>
      tpu.enqueue_dma source(%dma_start3A_261 : memref<80x128xf32, #tpu.memory_space<vmem>>) target(%dma_start3A_258 : memref<80x128xf32, #tpu.memory_space<hbm>>) target_semaphore(%run_scoped3A_249 : memref<!tpu.dma_semaphore, #tpu.memory_space<semaphore_mem>>)
      %dma_wait3A_262 = arith.constant 0 : i32
      %dma_wait3A_263 = arith.constant 0 : i32
      %dma_wait3A_264 = tpu.memref_slice %arg11[%dma_wait3A_262, %dma_wait3A_263] : memref<80x128xf32, #tpu.memory_space<vmem>> -> memref<80x128xf32, #tpu.memory_space<vmem>>
      %dma_wait3A_265 = arith.constant 0 : i32
      %dma_wait3A_266 = tpu.memref_slice %arg7[%run_scoped3A_239, %arg0, %add3A_238, %dma_wait3A_265] : memref<4x2x10112x128xf32, #tpu.memory_space<hbm>> -> memref<1x1x80x128xf32, #tpu.memory_space<hbm>>
      %dma_wait3A_267 = tpu.memref_squeeze %dma_wait3A_266 : memref<1x1x80x128xf32, #tpu.memory_space<hbm>> -> memref<80x128xf32, #tpu.memory_space<hbm>>
      %dma_wait3A_268 = arith.constant 0 : i32
      %dma_wait3A_269 = tpu.memref_slice %arg7[%run_scoped3A_239, %arg0, %add3A_238, %dma_wait3A_268] : memref<4x2x10112x128xf32, #tpu.memory_space<hbm>> -> memref<1x1x80x128xf32, #tpu.memory_space<hbm>>
      %dma_wait3A_270 = tpu.memref_squeeze %dma_wait3A_269 : memref<1x1x80x128xf32, #tpu.memory_space<hbm>> -> memref<80x128xf32, #tpu.memory_space<hbm>>
      %dma_wait3A_271 = arith.constant 0 : i32
      %dma_wait3A_272 = arith.constant 0 : i32
      %dma_wait3A_273 = tpu.memref_slice %arg11[%dma_wait3A_271, %dma_wait3A_272] : memref<80x128xf32, #tpu.memory_space<vmem>> -> memref<80x128xf32, #tpu.memory_space<vmem>>
      tpu.wait_dma2 semaphore(%run_scoped3A_249 : memref<!tpu.dma_semaphore, #tpu.memory_space<semaphore_mem>>) src(%dma_wait3A_273 : memref<80x128xf32, #tpu.memory_space<vmem>>) dst(%dma_wait3A_270 : memref<80x128xf32, #tpu.memory_space<hbm>>)
      tpu.yield
    }) : () -> ()
    %add3A_240 = arith.constant 400 : i32
    %add3A_241 = arith.addi %mul3A_0, %add3A_240 : i32
    "tpu.region"() ({
      %run_scoped3A_249 = tpu.sem_alloc : memref<!tpu.dma_semaphore, #tpu.memory_space<semaphore_mem>>
      %dma_start3A_250 = arith.constant 0 : i32
      %dma_start3A_251 = arith.constant 0 : i32
      %dma_start3A_252 = tpu.memref_slice %arg11[%dma_start3A_250, %dma_start3A_251] : memref<80x128xf32, #tpu.memory_space<vmem>> -> memref<80x128xf32, #tpu.memory_space<vmem>>
      %dma_start3A_253 = arith.constant 0 : i32
      %dma_start3A_254 = tpu.memref_slice %arg14[%add3A_241, %dma_start3A_253] : memref<10112x128xf32, #tpu.memory_space<vmem_shared>> -> memref<80x128xf32, #tpu.memory_space<vmem_shared>>
      %dma_start3A_255 = arith.constant 0 : i32
      %dma_start3A_256 = arith.constant 0 : i32
      %dma_start3A_257 = tpu.memref_slice %arg11[%dma_start3A_255, %dma_start3A_256] : memref<80x128xf32, #tpu.memory_space<vmem>> -> memref<80x128xf32, #tpu.memory_space<vmem>>
      %dma_start3A_258 = arith.constant 0 : i32
      %dma_start3A_259 = tpu.memref_slice %arg14[%add3A_241, %dma_start3A_258] : memref<10112x128xf32, #tpu.memory_space<vmem_shared>> -> memref<80x128xf32, #tpu.memory_space<vmem_shared>>
      tpu.enqueue_dma source(%dma_start3A_259 : memref<80x128xf32, #tpu.memory_space<vmem_shared>>) target(%dma_start3A_257 : memref<80x128xf32, #tpu.memory_space<vmem>>) target_semaphore(%run_scoped3A_249 : memref<!tpu.dma_semaphore, #tpu.memory_space<semaphore_mem>>)
      %dma_wait3A_260 = arith.constant 0 : i32
      %dma_wait3A_261 = arith.constant 0 : i32
      %dma_wait3A_262 = tpu.memref_slice %arg11[%dma_wait3A_260, %dma_wait3A_261] : memref<80x128xf32, #tpu.memory_space<vmem>> -> memref<80x128xf32, #tpu.memory_space<vmem>>
      %dma_wait3A_263 = arith.constant 0 : i32
      %dma_wait3A_264 = tpu.memref_slice %arg14[%add3A_241, %dma_wait3A_263] : memref<10112x128xf32, #tpu.memory_space<vmem_shared>> -> memref<80x128xf32, #tpu.memory_space<vmem_shared>>
      %dma_wait3A_265 = arith.constant 0 : i32
      %dma_wait3A_266 = arith.constant 0 : i32
      %dma_wait3A_267 = tpu.memref_slice %arg11[%dma_wait3A_265, %dma_wait3A_266] : memref<80x128xf32, #tpu.memory_space<vmem>> -> memref<80x128xf32, #tpu.memory_space<vmem>>
      %dma_wait3A_268 = arith.constant 0 : i32
      %dma_wait3A_269 = tpu.memref_slice %arg14[%add3A_241, %dma_wait3A_268] : memref<10112x128xf32, #tpu.memory_space<vmem_shared>> -> memref<80x128xf32, #tpu.memory_space<vmem_shared>>
      tpu.wait_dma2 semaphore(%run_scoped3A_249 : memref<!tpu.dma_semaphore, #tpu.memory_space<semaphore_mem>>) src(%dma_wait3A_269 : memref<80x128xf32, #tpu.memory_space<vmem_shared>>) dst(%dma_wait3A_267 : memref<80x128xf32, #tpu.memory_space<vmem>>)
      tpu.yield
    }) : () -> ()
    %run_scoped3A_242 = arith.constant 3 : i32
    "tpu.region"() ({
      %run_scoped3A_249 = tpu.sem_alloc : memref<!tpu.dma_semaphore, #tpu.memory_space<semaphore_mem>>
      %dma_start3A_250 = arith.constant 0 : i32
      %dma_start3A_251 = arith.constant 0 : i32
      %dma_start3A_252 = tpu.memref_slice %arg11[%dma_start3A_250, %dma_start3A_251] : memref<80x128xf32, #tpu.memory_space<vmem>> -> memref<80x128xf32, #tpu.memory_space<vmem>>
      %dma_start3A_253 = arith.constant 0 : i32
      %dma_start3A_254 = tpu.memref_slice %arg7[%run_scoped3A_242, %arg0, %add3A_241, %dma_start3A_253] : memref<4x2x10112x128xf32, #tpu.memory_space<hbm>> -> memref<1x1x80x128xf32, #tpu.memory_space<hbm>>
      %dma_start3A_255 = tpu.memref_squeeze %dma_start3A_254 : memref<1x1x80x128xf32, #tpu.memory_space<hbm>> -> memref<80x128xf32, #tpu.memory_space<hbm>>
      %dma_start3A_256 = arith.constant 0 : i32
      %dma_start3A_257 = tpu.memref_slice %arg7[%run_scoped3A_242, %arg0, %add3A_241, %dma_start3A_256] : memref<4x2x10112x128xf32, #tpu.memory_space<hbm>> -> memref<1x1x80x128xf32, #tpu.memory_space<hbm>>
      %dma_start3A_258 = tpu.memref_squeeze %dma_start3A_257 : memref<1x1x80x128xf32, #tpu.memory_space<hbm>> -> memref<80x128xf32, #tpu.memory_space<hbm>>
      %dma_start3A_259 = arith.constant 0 : i32
      %dma_start3A_260 = arith.constant 0 : i32
      %dma_start3A_261 = tpu.memref_slice %arg11[%dma_start3A_259, %dma_start3A_260] : memref<80x128xf32, #tpu.memory_space<vmem>> -> memref<80x128xf32, #tpu.memory_space<vmem>>
      tpu.enqueue_dma source(%dma_start3A_261 : memref<80x128xf32, #tpu.memory_space<vmem>>) target(%dma_start3A_258 : memref<80x128xf32, #tpu.memory_space<hbm>>) target_semaphore(%run_scoped3A_249 : memref<!tpu.dma_semaphore, #tpu.memory_space<semaphore_mem>>)
      %dma_wait3A_262 = arith.constant 0 : i32
      %dma_wait3A_263 = arith.constant 0 : i32
      %dma_wait3A_264 = tpu.memref_slice %arg11[%dma_wait3A_262, %dma_wait3A_263] : memref<80x128xf32, #tpu.memory_space<vmem>> -> memref<80x128xf32, #tpu.memory_space<vmem>>
      %dma_wait3A_265 = arith.constant 0 : i32
      %dma_wait3A_266 = tpu.memref_slice %arg7[%run_scoped3A_242, %arg0, %add3A_241, %dma_wait3A_265] : memref<4x2x10112x128xf32, #tpu.memory_space<hbm>> -> memref<1x1x80x128xf32, #tpu.memory_space<hbm>>
      %dma_wait3A_267 = tpu.memref_squeeze %dma_wait3A_266 : memref<1x1x80x128xf32, #tpu.memory_space<hbm>> -> memref<80x128xf32, #tpu.memory_space<hbm>>
      %dma_wait3A_268 = arith.constant 0 : i32
      %dma_wait3A_269 = tpu.memref_slice %arg7[%run_scoped3A_242, %arg0, %add3A_241, %dma_wait3A_268] : memref<4x2x10112x128xf32, #tpu.memory_space<hbm>> -> memref<1x1x80x128xf32, #tpu.memory_space<hbm>>
      %dma_wait3A_270 = tpu.memref_squeeze %dma_wait3A_269 : memref<1x1x80x128xf32, #tpu.memory_space<hbm>> -> memref<80x128xf32, #tpu.memory_space<hbm>>
      %dma_wait3A_271 = arith.constant 0 : i32
      %dma_wait3A_272 = arith.constant 0 : i32
      %dma_wait3A_273 = tpu.memref_slice %arg11[%dma_wait3A_271, %dma_wait3A_272] : memref<80x128xf32, #tpu.memory_space<vmem>> -> memref<80x128xf32, #tpu.memory_space<vmem>>
      tpu.wait_dma2 semaphore(%run_scoped3A_249 : memref<!tpu.dma_semaphore, #tpu.memory_space<semaphore_mem>>) src(%dma_wait3A_273 : memref<80x128xf32, #tpu.memory_space<vmem>>) dst(%dma_wait3A_270 : memref<80x128xf32, #tpu.memory_space<hbm>>)
      tpu.yield
    }) : () -> ()
    %add3A_243 = arith.constant 480 : i32
    %add3A_244 = arith.addi %mul3A_0, %add3A_243 : i32
    "tpu.region"() ({
      %run_scoped3A_249 = tpu.sem_alloc : memref<!tpu.dma_semaphore, #tpu.memory_space<semaphore_mem>>
      %dma_start3A_250 = arith.constant 0 : i32
      %dma_start3A_251 = arith.constant 0 : i32
      %dma_start3A_252 = tpu.memref_slice %arg11[%dma_start3A_250, %dma_start3A_251] : memref<80x128xf32, #tpu.memory_space<vmem>> -> memref<80x128xf32, #tpu.memory_space<vmem>>
      %dma_start3A_253 = arith.constant 0 : i32
      %dma_start3A_254 = tpu.memref_slice %arg14[%add3A_244, %dma_start3A_253] : memref<10112x128xf32, #tpu.memory_space<vmem_shared>> -> memref<80x128xf32, #tpu.memory_space<vmem_shared>>
      %dma_start3A_255 = arith.constant 0 : i32
      %dma_start3A_256 = arith.constant 0 : i32
      %dma_start3A_257 = tpu.memref_slice %arg11[%dma_start3A_255, %dma_start3A_256] : memref<80x128xf32, #tpu.memory_space<vmem>> -> memref<80x128xf32, #tpu.memory_space<vmem>>
      %dma_start3A_258 = arith.constant 0 : i32
      %dma_start3A_259 = tpu.memref_slice %arg14[%add3A_244, %dma_start3A_258] : memref<10112x128xf32, #tpu.memory_space<vmem_shared>> -> memref<80x128xf32, #tpu.memory_space<vmem_shared>>
      tpu.enqueue_dma source(%dma_start3A_259 : memref<80x128xf32, #tpu.memory_space<vmem_shared>>) target(%dma_start3A_257 : memref<80x128xf32, #tpu.memory_space<vmem>>) target_semaphore(%run_scoped3A_249 : memref<!tpu.dma_semaphore, #tpu.memory_space<semaphore_mem>>)
      %dma_wait3A_260 = arith.constant 0 : i32
      %dma_wait3A_261 = arith.constant 0 : i32
      %dma_wait3A_262 = tpu.memref_slice %arg11[%dma_wait3A_260, %dma_wait3A_261] : memref<80x128xf32, #tpu.memory_space<vmem>> -> memref<80x128xf32, #tpu.memory_space<vmem>>
      %dma_wait3A_263 = arith.constant 0 : i32
      %dma_wait3A_264 = tpu.memref_slice %arg14[%add3A_244, %dma_wait3A_263] : memref<10112x128xf32, #tpu.memory_space<vmem_shared>> -> memref<80x128xf32, #tpu.memory_space<vmem_shared>>
      %dma_wait3A_265 = arith.constant 0 : i32
      %dma_wait3A_266 = arith.constant 0 : i32
      %dma_wait3A_267 = tpu.memref_slice %arg11[%dma_wait3A_265, %dma_wait3A_266] : memref<80x128xf32, #tpu.memory_space<vmem>> -> memref<80x128xf32, #tpu.memory_space<vmem>>
      %dma_wait3A_268 = arith.constant 0 : i32
      %dma_wait3A_269 = tpu.memref_slice %arg14[%add3A_244, %dma_wait3A_268] : memref<10112x128xf32, #tpu.memory_space<vmem_shared>> -> memref<80x128xf32, #tpu.memory_space<vmem_shared>>
      tpu.wait_dma2 semaphore(%run_scoped3A_249 : memref<!tpu.dma_semaphore, #tpu.memory_space<semaphore_mem>>) src(%dma_wait3A_269 : memref<80x128xf32, #tpu.memory_space<vmem_shared>>) dst(%dma_wait3A_267 : memref<80x128xf32, #tpu.memory_space<vmem>>)
      tpu.yield
    }) : () -> ()
    %run_scoped3A_245 = arith.constant 3 : i32
    "tpu.region"() ({
      %run_scoped3A_249 = tpu.sem_alloc : memref<!tpu.dma_semaphore, #tpu.memory_space<semaphore_mem>>
      %dma_start3A_250 = arith.constant 0 : i32
      %dma_start3A_251 = arith.constant 0 : i32
      %dma_start3A_252 = tpu.memref_slice %arg11[%dma_start3A_250, %dma_start3A_251] : memref<80x128xf32, #tpu.memory_space<vmem>> -> memref<80x128xf32, #tpu.memory_space<vmem>>
      %dma_start3A_253 = arith.constant 0 : i32
      %dma_start3A_254 = tpu.memref_slice %arg7[%run_scoped3A_245, %arg0, %add3A_244, %dma_start3A_253] : memref<4x2x10112x128xf32, #tpu.memory_space<hbm>> -> memref<1x1x80x128xf32, #tpu.memory_space<hbm>>
      %dma_start3A_255 = tpu.memref_squeeze %dma_start3A_254 : memref<1x1x80x128xf32, #tpu.memory_space<hbm>> -> memref<80x128xf32, #tpu.memory_space<hbm>>
      %dma_start3A_256 = arith.constant 0 : i32
      %dma_start3A_257 = tpu.memref_slice %arg7[%run_scoped3A_245, %arg0, %add3A_244, %dma_start3A_256] : memref<4x2x10112x128xf32, #tpu.memory_space<hbm>> -> memref<1x1x80x128xf32, #tpu.memory_space<hbm>>
      %dma_start3A_258 = tpu.memref_squeeze %dma_start3A_257 : memref<1x1x80x128xf32, #tpu.memory_space<hbm>> -> memref<80x128xf32, #tpu.memory_space<hbm>>
      %dma_start3A_259 = arith.constant 0 : i32
      %dma_start3A_260 = arith.constant 0 : i32
      %dma_start3A_261 = tpu.memref_slice %arg11[%dma_start3A_259, %dma_start3A_260] : memref<80x128xf32, #tpu.memory_space<vmem>> -> memref<80x128xf32, #tpu.memory_space<vmem>>
      tpu.enqueue_dma source(%dma_start3A_261 : memref<80x128xf32, #tpu.memory_space<vmem>>) target(%dma_start3A_258 : memref<80x128xf32, #tpu.memory_space<hbm>>) target_semaphore(%run_scoped3A_249 : memref<!tpu.dma_semaphore, #tpu.memory_space<semaphore_mem>>)
      %dma_wait3A_262 = arith.constant 0 : i32
      %dma_wait3A_263 = arith.constant 0 : i32
      %dma_wait3A_264 = tpu.memref_slice %arg11[%dma_wait3A_262, %dma_wait3A_263] : memref<80x128xf32, #tpu.memory_space<vmem>> -> memref<80x128xf32, #tpu.memory_space<vmem>>
      %dma_wait3A_265 = arith.constant 0 : i32
      %dma_wait3A_266 = tpu.memref_slice %arg7[%run_scoped3A_245, %arg0, %add3A_244, %dma_wait3A_265] : memref<4x2x10112x128xf32, #tpu.memory_space<hbm>> -> memref<1x1x80x128xf32, #tpu.memory_space<hbm>>
      %dma_wait3A_267 = tpu.memref_squeeze %dma_wait3A_266 : memref<1x1x80x128xf32, #tpu.memory_space<hbm>> -> memref<80x128xf32, #tpu.memory_space<hbm>>
      %dma_wait3A_268 = arith.constant 0 : i32
      %dma_wait3A_269 = tpu.memref_slice %arg7[%run_scoped3A_245, %arg0, %add3A_244, %dma_wait3A_268] : memref<4x2x10112x128xf32, #tpu.memory_space<hbm>> -> memref<1x1x80x128xf32, #tpu.memory_space<hbm>>
      %dma_wait3A_270 = tpu.memref_squeeze %dma_wait3A_269 : memref<1x1x80x128xf32, #tpu.memory_space<hbm>> -> memref<80x128xf32, #tpu.memory_space<hbm>>
      %dma_wait3A_271 = arith.constant 0 : i32
      %dma_wait3A_272 = arith.constant 0 : i32
      %dma_wait3A_273 = tpu.memref_slice %arg11[%dma_wait3A_271, %dma_wait3A_272] : memref<80x128xf32, #tpu.memory_space<vmem>> -> memref<80x128xf32, #tpu.memory_space<vmem>>
      tpu.wait_dma2 semaphore(%run_scoped3A_249 : memref<!tpu.dma_semaphore, #tpu.memory_space<semaphore_mem>>) src(%dma_wait3A_273 : memref<80x128xf32, #tpu.memory_space<vmem>>) dst(%dma_wait3A_270 : memref<80x128xf32, #tpu.memory_space<hbm>>)
      tpu.yield
    }) : () -> ()
    %add3A_246 = arith.constant 560 : i32
    %add3A_247 = arith.addi %mul3A_0, %add3A_246 : i32
    "tpu.region"() ({
      %run_scoped3A_249 = tpu.sem_alloc : memref<!tpu.dma_semaphore, #tpu.memory_space<semaphore_mem>>
      %dma_start3A_250 = arith.constant 0 : i32
      %dma_start3A_251 = arith.constant 0 : i32
      %dma_start3A_252 = tpu.memref_slice %arg11[%dma_start3A_250, %dma_start3A_251] : memref<80x128xf32, #tpu.memory_space<vmem>> -> memref<72x128xf32, #tpu.memory_space<vmem>>
      %dma_start3A_253 = arith.constant 0 : i32
      %dma_start3A_254 = tpu.memref_slice %arg14[%add3A_247, %dma_start3A_253] : memref<10112x128xf32, #tpu.memory_space<vmem_shared>> -> memref<72x128xf32, #tpu.memory_space<vmem_shared>>
      %dma_start3A_255 = arith.constant 0 : i32
      %dma_start3A_256 = arith.constant 0 : i32
      %dma_start3A_257 = tpu.memref_slice %arg11[%dma_start3A_255, %dma_start3A_256] : memref<80x128xf32, #tpu.memory_space<vmem>> -> memref<72x128xf32, #tpu.memory_space<vmem>>
      %dma_start3A_258 = arith.constant 0 : i32
      %dma_start3A_259 = tpu.memref_slice %arg14[%add3A_247, %dma_start3A_258] : memref<10112x128xf32, #tpu.memory_space<vmem_shared>> -> memref<72x128xf32, #tpu.memory_space<vmem_shared>>
      tpu.enqueue_dma source(%dma_start3A_259 : memref<72x128xf32, #tpu.memory_space<vmem_shared>>) target(%dma_start3A_257 : memref<72x128xf32, #tpu.memory_space<vmem>>) target_semaphore(%run_scoped3A_249 : memref<!tpu.dma_semaphore, #tpu.memory_space<semaphore_mem>>)
      %dma_wait3A_260 = arith.constant 0 : i32
      %dma_wait3A_261 = arith.constant 0 : i32
      %dma_wait3A_262 = tpu.memref_slice %arg11[%dma_wait3A_260, %dma_wait3A_261] : memref<80x128xf32, #tpu.memory_space<vmem>> -> memref<72x128xf32, #tpu.memory_space<vmem>>
      %dma_wait3A_263 = arith.constant 0 : i32
      %dma_wait3A_264 = tpu.memref_slice %arg14[%add3A_247, %dma_wait3A_263] : memref<10112x128xf32, #tpu.memory_space<vmem_shared>> -> memref<72x128xf32, #tpu.memory_space<vmem_shared>>
      %dma_wait3A_265 = arith.constant 0 : i32
      %dma_wait3A_266 = arith.constant 0 : i32
      %dma_wait3A_267 = tpu.memref_slice %arg11[%dma_wait3A_265, %dma_wait3A_266] : memref<80x128xf32, #tpu.memory_space<vmem>> -> memref<72x128xf32, #tpu.memory_space<vmem>>
      %dma_wait3A_268 = arith.constant 0 : i32
      %dma_wait3A_269 = tpu.memref_slice %arg14[%add3A_247, %dma_wait3A_268] : memref<10112x128xf32, #tpu.memory_space<vmem_shared>> -> memref<72x128xf32, #tpu.memory_space<vmem_shared>>
      tpu.wait_dma2 semaphore(%run_scoped3A_249 : memref<!tpu.dma_semaphore, #tpu.memory_space<semaphore_mem>>) src(%dma_wait3A_269 : memref<72x128xf32, #tpu.memory_space<vmem_shared>>) dst(%dma_wait3A_267 : memref<72x128xf32, #tpu.memory_space<vmem>>)
      tpu.yield
    }) : () -> ()
    %run_scoped3A_248 = arith.constant 3 : i32
    "tpu.region"() ({
      %run_scoped3A_249 = tpu.sem_alloc : memref<!tpu.dma_semaphore, #tpu.memory_space<semaphore_mem>>
      %dma_start3A_250 = arith.constant 0 : i32
      %dma_start3A_251 = arith.constant 0 : i32
      %dma_start3A_252 = tpu.memref_slice %arg11[%dma_start3A_250, %dma_start3A_251] : memref<80x128xf32, #tpu.memory_space<vmem>> -> memref<72x128xf32, #tpu.memory_space<vmem>>
      %dma_start3A_253 = arith.constant 0 : i32
      %dma_start3A_254 = tpu.memref_slice %arg7[%run_scoped3A_248, %arg0, %add3A_247, %dma_start3A_253] : memref<4x2x10112x128xf32, #tpu.memory_space<hbm>> -> memref<1x1x72x128xf32, #tpu.memory_space<hbm>>
      %dma_start3A_255 = tpu.memref_squeeze %dma_start3A_254 : memref<1x1x72x128xf32, #tpu.memory_space<hbm>> -> memref<72x128xf32, #tpu.memory_space<hbm>>
      %dma_start3A_256 = arith.constant 0 : i32
      %dma_start3A_257 = tpu.memref_slice %arg7[%run_scoped3A_248, %arg0, %add3A_247, %dma_start3A_256] : memref<4x2x10112x128xf32, #tpu.memory_space<hbm>> -> memref<1x1x72x128xf32, #tpu.memory_space<hbm>>
      %dma_start3A_258 = tpu.memref_squeeze %dma_start3A_257 : memref<1x1x72x128xf32, #tpu.memory_space<hbm>> -> memref<72x128xf32, #tpu.memory_space<hbm>>
      %dma_start3A_259 = arith.constant 0 : i32
      %dma_start3A_260 = arith.constant 0 : i32
      %dma_start3A_261 = tpu.memref_slice %arg11[%dma_start3A_259, %dma_start3A_260] : memref<80x128xf32, #tpu.memory_space<vmem>> -> memref<72x128xf32, #tpu.memory_space<vmem>>
      tpu.enqueue_dma source(%dma_start3A_261 : memref<72x128xf32, #tpu.memory_space<vmem>>) target(%dma_start3A_258 : memref<72x128xf32, #tpu.memory_space<hbm>>) target_semaphore(%run_scoped3A_249 : memref<!tpu.dma_semaphore, #tpu.memory_space<semaphore_mem>>)
      %dma_wait3A_262 = arith.constant 0 : i32
      %dma_wait3A_263 = arith.constant 0 : i32
      %dma_wait3A_264 = tpu.memref_slice %arg11[%dma_wait3A_262, %dma_wait3A_263] : memref<80x128xf32, #tpu.memory_space<vmem>> -> memref<72x128xf32, #tpu.memory_space<vmem>>
      %dma_wait3A_265 = arith.constant 0 : i32
      %dma_wait3A_266 = tpu.memref_slice %arg7[%run_scoped3A_248, %arg0, %add3A_247, %dma_wait3A_265] : memref<4x2x10112x128xf32, #tpu.memory_space<hbm>> -> memref<1x1x72x128xf32, #tpu.memory_space<hbm>>
      %dma_wait3A_267 = tpu.memref_squeeze %dma_wait3A_266 : memref<1x1x72x128xf32, #tpu.memory_space<hbm>> -> memref<72x128xf32, #tpu.memory_space<hbm>>
      %dma_wait3A_268 = arith.constant 0 : i32
      %dma_wait3A_269 = tpu.memref_slice %arg7[%run_scoped3A_248, %arg0, %add3A_247, %dma_wait3A_268] : memref<4x2x10112x128xf32, #tpu.memory_space<hbm>> -> memref<1x1x72x128xf32, #tpu.memory_space<hbm>>
      %dma_wait3A_270 = tpu.memref_squeeze %dma_wait3A_269 : memref<1x1x72x128xf32, #tpu.memory_space<hbm>> -> memref<72x128xf32, #tpu.memory_space<hbm>>
      %dma_wait3A_271 = arith.constant 0 : i32
      %dma_wait3A_272 = arith.constant 0 : i32
      %dma_wait3A_273 = tpu.memref_slice %arg11[%dma_wait3A_271, %dma_wait3A_272] : memref<80x128xf32, #tpu.memory_space<vmem>> -> memref<72x128xf32, #tpu.memory_space<vmem>>
      tpu.wait_dma2 semaphore(%run_scoped3A_249 : memref<!tpu.dma_semaphore, #tpu.memory_space<semaphore_mem>>) src(%dma_wait3A_273 : memref<72x128xf32, #tpu.memory_space<vmem>>) dst(%dma_wait3A_270 : memref<72x128xf32, #tpu.memory_space<hbm>>)
      tpu.yield
    }) : () -> ()
    return
  }
}

module attributes {stable_mosaic.version = 14 : i64} {
  func.func @_prep_body(%arg0: i32, %arg1: memref<1264x128xf32, #tpu.memory_space<vmem>>, %arg2: memref<128x128xf32, #tpu.memory_space<vmem>>, %arg3: memref<1x128xf32, #tpu.memory_space<vmem>>, %arg4: memref<4x1264x128xf32, #tpu.memory_space<vmem>>) attributes {dimension_semantics = [#tpu.dimension_semantics<arbitrary>], iteration_bounds = array<i64: 8>, scalar_prefetch = 0 : i64, scratch_operands = 0 : i64, tpu.core_type = #tpu.core_type<tc>, window_params = [{transform_indices = @transform_0, window_bounds = array<i64: 1264, 128>}, {pipeline_mode = #tpu.pipeline_mode<synchronous>, transform_indices = @transform_1, window_bounds = array<i64: 128, 128>}, {pipeline_mode = #tpu.pipeline_mode<synchronous>, transform_indices = @transform_2, window_bounds = array<i64: 1, 128>}, {transform_indices = @transform_3, window_bounds = array<i64: 4, 1264, 128>}]} {
    %get3A = arith.constant 0 : index
    %get3A_0 = arith.constant 0 : index
    %get3A_1 = vector.load %arg1[%get3A, %get3A_0] : memref<1264x128xf32, #tpu.memory_space<vmem>>, vector<1264x128xf32>
    %get3A_2 = arith.constant 0 : index
    %get3A_3 = arith.constant 0 : index
    %get3A_4 = vector.load %arg2[%get3A_2, %get3A_3] : memref<128x128xf32, #tpu.memory_space<vmem>>, vector<128x128xf32>
    %dot_general3A = arith.constant dense<0.000000e+00> : vector<1264x128xf32>
    %dot_general3A_5 = tpu.matmul %get3A_1, %get3A_4, %dot_general3A {dimension_numbers = #tpu.dot_dimension_numbers<[1], [0], [0], [1], [0, 0, 1, 1], [], []>, transpose_lhs_hint = false} : vector<1264x128xf32>, vector<128x128xf32>, vector<1264x128xf32> -> vector<1264x128xf32>
    %get3A_6 = arith.constant 0 : index
    %get3A_7 = arith.constant 0 : index
    %get3A_8 = vector.load %arg3[%get3A_6, %get3A_7] : memref<1x128xf32, #tpu.memory_space<vmem>>, vector<1x128xf32>
    %add3A = vector.broadcast %get3A_8 : vector<1x128xf32> to vector<1264x128xf32>
    %add3A_9 = arith.addf %dot_general3A_5, %add3A : vector<1264x128xf32>
    %reduce_max3A = arith.constant dense<0xFF800000> : vector<1264xf32>
    %reduce_max3A_10 = vector.multi_reduction <maximumf>, %add3A_9, %reduce_max3A [1] : vector<1264x128xf32> to vector<1264xf32>
    %broadcast_in_dim3A = vector.shape_cast %reduce_max3A_10 : vector<1264xf32> to vector<1264x1xf32>
    %sub3A = vector.broadcast %broadcast_in_dim3A : vector<1264x1xf32> to vector<1264x128xf32>
    %sub3A_11 = arith.subf %add3A_9, %sub3A : vector<1264x128xf32>
    %exp3A = math.exp %sub3A_11 : vector<1264x128xf32>
    %reduce_sum3A = arith.constant dense<0.000000e+00> : vector<1264xf32>
    %reduce_sum3A_12 = vector.multi_reduction <add>, %exp3A, %reduce_sum3A [1] : vector<1264x128xf32> to vector<1264xf32>
    %broadcast_in_dim3A_13 = vector.shape_cast %reduce_sum3A_12 : vector<1264xf32> to vector<1264x1xf32>
    %div3A = vector.broadcast %broadcast_in_dim3A_13 : vector<1264x1xf32> to vector<1264x128xf32>
    %div3A_14 = arith.divf %exp3A, %div3A : vector<1264x128xf32>
    %swap3A = arith.constant 0 : index
    %swap3A_15 = arith.constant 0 : index
    %swap3A_16 = arith.constant 0 : index
    %swap3A_17 = vector.load %arg4[%swap3A, %swap3A_15, %swap3A_16] : memref<4x1264x128xf32, #tpu.memory_space<vmem>>, vector<1x1264x128xf32>
    %swap3A_18 = vector.shape_cast %swap3A_17 : vector<1x1264x128xf32> to vector<1264x128xf32>
    %swap3A_19 = vector.shape_cast %div3A_14 : vector<1264x128xf32> to vector<1x1264x128xf32>
    tpu.vector_store %arg4[%swap3A, %swap3A_15, %swap3A_16], %swap3A_19 {strides = array<i32>} : memref<4x1264x128xf32, #tpu.memory_space<vmem>>, vector<1x1264x128xf32>,
    %slice3A = vector.extract_strided_slice %div3A_14 {offsets = [0, 0], sizes = [1264, 1], strides = [1, 1]} : vector<1264x128xf32> to vector<1264x1xf32>
    %mul3A = vector.broadcast %slice3A : vector<1264x1xf32> to vector<1264x128xf32>
    %mul3A_20 = arith.mulf %get3A_1, %mul3A : vector<1264x128xf32>
    %swap3A_21 = arith.constant 1 : index
    %swap3A_22 = arith.constant 0 : index
    %swap3A_23 = arith.constant 0 : index
    %swap3A_24 = vector.load %arg4[%swap3A_21, %swap3A_22, %swap3A_23] : memref<4x1264x128xf32, #tpu.memory_space<vmem>>, vector<1x1264x128xf32>
    %swap3A_25 = vector.shape_cast %swap3A_24 : vector<1x1264x128xf32> to vector<1264x128xf32>
    %swap3A_26 = vector.shape_cast %mul3A_20 : vector<1264x128xf32> to vector<1x1264x128xf32>
    tpu.vector_store %arg4[%swap3A_21, %swap3A_22, %swap3A_23], %swap3A_26 {strides = array<i32>} : memref<4x1264x128xf32, #tpu.memory_space<vmem>>, vector<1x1264x128xf32>,
    %slice3A_27 = vector.extract_strided_slice %div3A_14 {offsets = [0, 1], sizes = [1264, 1], strides = [1, 1]} : vector<1264x128xf32> to vector<1264x1xf32>
    %mul3A_28 = vector.broadcast %slice3A_27 : vector<1264x1xf32> to vector<1264x128xf32>
    %mul3A_29 = arith.mulf %get3A_1, %mul3A_28 : vector<1264x128xf32>
    %swap3A_30 = arith.constant 2 : index
    %swap3A_31 = arith.constant 0 : index
    %swap3A_32 = arith.constant 0 : index
    %swap3A_33 = vector.load %arg4[%swap3A_30, %swap3A_31, %swap3A_32] : memref<4x1264x128xf32, #tpu.memory_space<vmem>>, vector<1x1264x128xf32>
    %swap3A_34 = vector.shape_cast %swap3A_33 : vector<1x1264x128xf32> to vector<1264x128xf32>
    %swap3A_35 = vector.shape_cast %mul3A_29 : vector<1264x128xf32> to vector<1x1264x128xf32>
    tpu.vector_store %arg4[%swap3A_30, %swap3A_31, %swap3A_32], %swap3A_35 {strides = array<i32>} : memref<4x1264x128xf32, #tpu.memory_space<vmem>>, vector<1x1264x128xf32>,
    %slice3A_36 = vector.extract_strided_slice %div3A_14 {offsets = [0, 2], sizes = [1264, 1], strides = [1, 1]} : vector<1264x128xf32> to vector<1264x1xf32>
    %mul3A_37 = vector.broadcast %slice3A_36 : vector<1264x1xf32> to vector<1264x128xf32>
    %mul3A_38 = arith.mulf %get3A_1, %mul3A_37 : vector<1264x128xf32>
    %swap3A_39 = arith.constant 3 : index
    %swap3A_40 = arith.constant 0 : index
    %swap3A_41 = arith.constant 0 : index
    %swap3A_42 = vector.load %arg4[%swap3A_39, %swap3A_40, %swap3A_41] : memref<4x1264x128xf32, #tpu.memory_space<vmem>>, vector<1x1264x128xf32>
    %swap3A_43 = vector.shape_cast %swap3A_42 : vector<1x1264x128xf32> to vector<1264x128xf32>
    %swap3A_44 = vector.shape_cast %mul3A_38 : vector<1264x128xf32> to vector<1x1264x128xf32>
    tpu.vector_store %arg4[%swap3A_39, %swap3A_40, %swap3A_41], %swap3A_44 {strides = array<i32>} : memref<4x1264x128xf32, #tpu.memory_space<vmem>>, vector<1x1264x128xf32>,
    return
  }
  func.func @transform_0(%arg0: i32) -> (i32, i32) {
    %c0_i32 = arith.constant 0 : i32
    %c0_i32_0 = arith.constant 0 : i32
    return %arg0, %c0_i32 : i32, i32
  }
  func.func @transform_1(%arg0: i32) -> (i32, i32) {
    %c0_i32 = arith.constant 0 : i32
    %c0_i32_0 = arith.constant 0 : i32
    %c0_i32_1 = arith.constant 0 : i32
    return %c0_i32, %c0_i32_0 : i32, i32
  }
  func.func @transform_2(%arg0: i32) -> (i32, i32) {
    %c0_i32 = arith.constant 0 : i32
    %c0_i32_0 = arith.constant 0 : i32
    %c0_i32_1 = arith.constant 0 : i32
    return %c0_i32, %c0_i32_0 : i32, i32
  }
  func.func @transform_3(%arg0: i32) -> (i32, i32, i32) {
    %c0_i32 = arith.constant 0 : i32
    %c0_i32_0 = arith.constant 0 : i32
    %c0_i32_1 = arith.constant 0 : i32
    return %c0_i32, %arg0, %c0_i32_0 : i32, i32, i32
  }
}

module attributes {stable_mosaic.version = 14 : i64} {
  func.func @_combine_body(%arg0: i32, %arg1: memref<4x2x1000x128xf32, #tpu.memory_space<vmem>>, %arg2: memref<1000x128xf32, #tpu.memory_space<vmem>>, %arg3: memref<1000x128xf32, #tpu.memory_space<vmem>>) attributes {dimension_semantics = [#tpu.dimension_semantics<arbitrary>], iteration_bounds = array<i64: 10>, scalar_prefetch = 0 : i64, scratch_operands = 0 : i64, tpu.core_type = #tpu.core_type<tc>, window_params = [{transform_indices = @transform_0, window_bounds = array<i64: 4, 2, 1000, 128>}, {transform_indices = @transform_1, window_bounds = array<i64: 1000, 128>}, {transform_indices = @transform_2, window_bounds = array<i64: 1000, 128>}]} {
    %get3A = arith.constant 3 : index
    %get3A_0 = arith.constant 0 : index
    %get3A_1 = arith.constant 0 : index
    %get3A_2 = arith.constant 0 : index
    %get3A_3 = vector.load %arg1[%get3A, %get3A_0, %get3A_1, %get3A_2] : memref<4x2x1000x128xf32, #tpu.memory_space<vmem>>, vector<1x1x1000x1xf32>
    %get3A_4 = vector.shape_cast %get3A_3 : vector<1x1x1000x1xf32> to vector<1000x1xf32>
    %get3A_5 = arith.constant 3 : index
    %get3A_6 = arith.constant 1 : index
    %get3A_7 = arith.constant 0 : index
    %get3A_8 = arith.constant 0 : index
    %get3A_9 = vector.load %arg1[%get3A_5, %get3A_6, %get3A_7, %get3A_8] : memref<4x2x1000x128xf32, #tpu.memory_space<vmem>>, vector<1x1x1000x1xf32>
    %get3A_10 = vector.shape_cast %get3A_9 : vector<1x1x1000x1xf32> to vector<1000x1xf32>
    %add3A = arith.addf %get3A_4, %get3A_10 : vector<1000x1xf32>
    %broadcast_in_dim3A = arith.constant 0.000000e+00 : f32
    %broadcast_in_dim3A_11 = vector.broadcast %broadcast_in_dim3A : f32 to vector<1000x128xf32>
    %get3A_12 = arith.constant 0 : index
    %get3A_13 = arith.constant 0 : index
    %get3A_14 = arith.constant 0 : index
    %get3A_15 = arith.constant 0 : index
    %get3A_16 = vector.load %arg1[%get3A_12, %get3A_13, %get3A_14, %get3A_15] : memref<4x2x1000x128xf32, #tpu.memory_space<vmem>>, vector<1x1x1000x128xf32>
    %get3A_17 = vector.shape_cast %get3A_16 : vector<1x1x1000x128xf32> to vector<1000x128xf32>
    %get3A_18 = arith.constant 0 : index
    %get3A_19 = arith.constant 1 : index
    %get3A_20 = arith.constant 0 : index
    %get3A_21 = arith.constant 0 : index
    %get3A_22 = vector.load %arg1[%get3A_18, %get3A_19, %get3A_20, %get3A_21] : memref<4x2x1000x128xf32, #tpu.memory_space<vmem>>, vector<1x1x1000x128xf32>
    %get3A_23 = vector.shape_cast %get3A_22 : vector<1x1x1000x128xf32> to vector<1000x128xf32>
    %add3A_24 = arith.addf %get3A_17, %get3A_23 : vector<1000x128xf32>
    %get3A_25 = arith.constant 0 : index
    %get3A_26 = arith.constant 0 : index
    %get3A_27 = vector.load %arg2[%get3A_25, %get3A_26] : memref<1000x128xf32, #tpu.memory_space<vmem>>, vector<1000x1xf32>
    %mul3A = vector.broadcast %get3A_27 : vector<1000x1xf32> to vector<1000x128xf32>
    %mul3A_28 = arith.mulf %add3A_24, %mul3A : vector<1000x128xf32>
    %add3A_29 = arith.addf %broadcast_in_dim3A_11, %mul3A_28 : vector<1000x128xf32>
    %get3A_30 = arith.constant 1 : index
    %get3A_31 = arith.constant 0 : index
    %get3A_32 = arith.constant 0 : index
    %get3A_33 = arith.constant 0 : index
    %get3A_34 = vector.load %arg1[%get3A_30, %get3A_31, %get3A_32, %get3A_33] : memref<4x2x1000x128xf32, #tpu.memory_space<vmem>>, vector<1x1x1000x128xf32>
    %get3A_35 = vector.shape_cast %get3A_34 : vector<1x1x1000x128xf32> to vector<1000x128xf32>
    %get3A_36 = arith.constant 1 : index
    %get3A_37 = arith.constant 1 : index
    %get3A_38 = arith.constant 0 : index
    %get3A_39 = arith.constant 0 : index
    %get3A_40 = vector.load %arg1[%get3A_36, %get3A_37, %get3A_38, %get3A_39] : memref<4x2x1000x128xf32, #tpu.memory_space<vmem>>, vector<1x1x1000x128xf32>
    %get3A_41 = vector.shape_cast %get3A_40 : vector<1x1x1000x128xf32> to vector<1000x128xf32>
    %add3A_42 = arith.addf %get3A_35, %get3A_41 : vector<1000x128xf32>
    %get3A_43 = arith.constant 0 : index
    %get3A_44 = arith.constant 1 : index
    %get3A_45 = vector.load %arg2[%get3A_43, %get3A_44] : memref<1000x128xf32, #tpu.memory_space<vmem>>, vector<1000x1xf32>
    %mul3A_46 = vector.broadcast %get3A_45 : vector<1000x1xf32> to vector<1000x128xf32>
    %mul3A_47 = arith.mulf %add3A_42, %mul3A_46 : vector<1000x128xf32>
    %add3A_48 = arith.addf %add3A_29, %mul3A_47 : vector<1000x128xf32>
    %get3A_49 = arith.constant 2 : index
    %get3A_50 = arith.constant 0 : index
    %get3A_51 = arith.constant 0 : index
    %get3A_52 = arith.constant 0 : index
    %get3A_53 = vector.load %arg1[%get3A_49, %get3A_50, %get3A_51, %get3A_52] : memref<4x2x1000x128xf32, #tpu.memory_space<vmem>>, vector<1x1x1000x128xf32>
    %get3A_54 = vector.shape_cast %get3A_53 : vector<1x1x1000x128xf32> to vector<1000x128xf32>
    %get3A_55 = arith.constant 2 : index
    %get3A_56 = arith.constant 1 : index
    %get3A_57 = arith.constant 0 : index
    %get3A_58 = arith.constant 0 : index
    %get3A_59 = vector.load %arg1[%get3A_55, %get3A_56, %get3A_57, %get3A_58] : memref<4x2x1000x128xf32, #tpu.memory_space<vmem>>, vector<1x1x1000x128xf32>
    %get3A_60 = vector.shape_cast %get3A_59 : vector<1x1x1000x128xf32> to vector<1000x128xf32>
    %add3A_61 = arith.addf %get3A_54, %get3A_60 : vector<1000x128xf32>
    %get3A_62 = arith.constant 0 : index
    %get3A_63 = arith.constant 2 : index
    %get3A_64 = vector.load %arg2[%get3A_62, %get3A_63] : memref<1000x128xf32, #tpu.memory_space<vmem>>, vector<1000x1xf32>
    %mul3A_65 = vector.broadcast %get3A_64 : vector<1000x1xf32> to vector<1000x128xf32>
    %mul3A_66 = arith.mulf %add3A_61, %mul3A_65 : vector<1000x128xf32>
    %add3A_67 = arith.addf %add3A_48, %mul3A_66 : vector<1000x128xf32>
    %max3A = arith.constant 1.000000e+00 : f32
    %max3A_68 = vector.broadcast %max3A : f32 to vector<1000x1xf32>
    %max3A_69 = arith.maximumf %add3A, %max3A_68 : vector<1000x1xf32>
    %div3A = arith.constant 1.000000e+00 : f32
    %div3A_70 = vector.broadcast %div3A : f32 to vector<1000x1xf32>
    %div3A_71 = arith.divf %div3A_70, %max3A_69 : vector<1000x1xf32>
    %mul3A_72 = vector.broadcast %div3A_71 : vector<1000x1xf32> to vector<1000x128xf32>
    %mul3A_73 = arith.mulf %add3A_67, %mul3A_72 : vector<1000x128xf32>
    %swap3A = arith.constant 0 : index
    %swap3A_74 = arith.constant 0 : index
    %swap3A_75 = vector.load %arg3[%swap3A, %swap3A_74] : memref<1000x128xf32, #tpu.memory_space<vmem>>, vector<1000x128xf32>
    tpu.vector_store %arg3[%swap3A, %swap3A_74], %mul3A_73 {strides = array<i32>} : memref<1000x128xf32, #tpu.memory_space<vmem>>, vector<1000x128xf32>,
    return
  }
  func.func @transform_0(%arg0: i32) -> (i32, i32, i32, i32) {
    %c0_i32 = arith.constant 0 : i32
    %c0_i32_0 = arith.constant 0 : i32
    %c0_i32_1 = arith.constant 0 : i32
    %c0_i32_2 = arith.constant 0 : i32
    return %c0_i32, %c0_i32_0, %arg0, %c0_i32_1 : i32, i32, i32, i32
  }
  func.func @transform_1(%arg0: i32) -> (i32, i32) {
    %c0_i32 = arith.constant 0 : i32
    %c0_i32_0 = arith.constant 0 : i32
    return %arg0, %c0_i32 : i32, i32
  }
  func.func @transform_2(%arg0: i32) -> (i32, i32) {
    %c0_i32 = arith.constant 0 : i32
    %c0_i32_0 = arith.constant 0 : i32
    return %arg0, %c0_i32 : i32, i32
  }
}

</mosaic_0001>

<sc_bundles>
// kernel: kernel.5.cloned.1.call-start
scs
__scs_entry_jumppad:
0x0: {  	(pc) =	sbr.rel $0x88, $3  }
0x1: {  	(tag) =	ssettag $0x0;
	lr =	simm.s32 $0x1  }
0x2: {  	[smem:$0x3F9D] =	sst lr;
	_ =	strace $0xD0000000  }
0x3: {  	_ = 	snop  }
0x4: {  	_ = 	snop  }
0x5: {  	_ = 	snop  }
0x6: {  	_ = 	snop  }
0x7: {  	_ = 	snop  }
__scs_overlays_trampoline_lowered:
0x8: {  	[smem:$0x3FAC] =	sst s0  }
0x9: {  	[smem:$0x3FAD] =	sst s1  }
0xa: {  	[smem:$0x3FAE] =	sst s2  }
0xb: {  	[smem:$0x3FAF] =	sst s3  }
0xc: {  	[smem:$0x3FB0] =	sst s4  }
0xd: {  	[smem:$0x3FB1] =	sst s5  }
0xe: {  	[smem:$0x3FB2] =	sst s6  }
0xf: {  	[smem:$0x3FB3] =	sst s7  }
0x10: {  	[smem:$0x3FB4] =	sst s8  }
0x11: {  	[smem:$0x3FB5] =	sst s9;
	s0 =	simm.s32 @!p0 $0x0  }
0x12: {  	s1 =	sld [smem:$0x3F9B];
	s0 =	simm.s32 @p0 $0x1  }
0x13: {  	[smem:$0x3FB6] =	sst s0;
	s0 =	simm.s32 @!p1 $0x0  }
0x14: {  	s2 =	sld [smem:$0x3F9A];
	s0 =	simm.s32 @p1 $0x1  }
0x15: {  	[smem:$0x3FB7] =	sst s0;
	s0 =	simm.s32 @!p2 $0x0  }
0x16: {  	s3 =	sld [smem:$0x3FDB];
	s0 =	simm.s32 @p2 $0x1  }
0x17: {  	s4 =	simm.s32 $0x1BF5;
	[smem:$0x3FB9] =	sst s0  }
0x18: {  	s0 =	sld [smem:$0x3F9C];
	_ =	swait.ge [sflag:s4], $0x0  }
0x19: {  	s7 =	sld [smem:$0x3F9D]  }
0x1a: {  	s8 =	sadd.s32 $0xFFFFE003, lr  }
0x1b: {  	s9 =	sadd.s32 $0xFFFFFEF7, lr;
	s5 =	simm.s32 $0xFFFFFFFF;
	p2 =	slt.u32 s8, $0xFFFFF086  }
0x1c: {  	p1 =	slt.u32 s9, $0xF7A;
	s5 =	simm.s32 @!p2 $0x0  }
0x1d: {  	s5 =	simm.s32 @p1 $0x1;
	p0 =	seq.s32 s7, s2  }
0x1e: {  	s7 =	smul.u32 @!p0 $0xF7A, s2;
	p2 =	seq.s32 @!p0 s5, $0x0  }
0x1f: {  	s9 =	smul.u32 $0xF7A, s1;
	s8 =	simm.s32 @!p0 $0x1BF5;
	p2 =	por !p2, p0  }
0x20: {  	[sflag:s8] =	ssyncset.s32 @!p0 $0xFFFFF086;
	s6 =	sadd.s32 @!p0 s3, s7;
	s7 =	simm.s32 @!p0 $0x108  }
0x21: {  	s3 =	sadd.s32 s3, s9;
	s6 =	sadd.s32 @!p0 $0x88, s6;
	s7 =	simm.s32 @p2 $0x1082  }
0x22: {  	[simem:s7], [sflag:s8] =	dma.local @!p0 [hbm:s6], $0xF7A  }
0x23: {  	s9 =	sor.u32 $0xD0000000, s2;
	s6 =	simm.s32 $0x108;
	_ =	swait.ge @!p0 [sflag:s8], $0x0  }
0x24: {  	s3 =	sadd.s32 $0x88, s3;
	s6 =	simm.s32 @!p1 $0x1082;
	[sflag:s4] =	ssyncset.s32 $0xFFFFF086  }
0x25: {  	[simem:s6], [sflag:s4] =	dma.local [hbm:s3], $0xF7A  }
0x26: {  	[smem:$0x3F9D] =	sst s1;
	(tag) =	ssettag s2;
	_ =	strace s9  }
0x27: {  	s1 =	sld [smem:$0x3FAD]  }
0x28: {  	s2 =	sld [smem:$0x3FAE]  }
0x29: {  	s4 =	sld [smem:$0x3FB0]  }
0x2a: {  	p0 =	seq.s32 s5, $0x0;
	s5 =	sld [smem:$0x3FB1]  }
0x2b: {  	s6 =	sld [smem:$0x3FB2]  }
0x2c: {  	s7 =	sld [smem:$0x3FB3]  }
0x2d: {  	s3 =	simm.s32 $0x108;
	s8 =	sld [smem:$0x3FB4]  }
0x2e: {  	s3 =	simm.s32 @!p0 $0x1082;
	s9 =	sld [smem:$0x3FB5]  }
0x2f: {  	lr =	sadd.s32 s0, s3;
	s0 =	sld [smem:$0x3FAC]  }
0x30: {  	s3 =	sld [smem:$0x3FAF]  }
0x31: {  	[smem:$0x3FB8] =	sst s10  }
0x32: {  	s10 =	sld [smem:$0x3FB6];
	_ =	sdelay $0x3  }
0x33: {  	p0 =	seq.s32 s10, $0x1;
	s10 =	sld [smem:$0x3FB8];
	_ =	sdelay $0x3  }
0x34: {  	[smem:$0x3FB8] =	sst s10  }
0x35: {  	s10 =	sld [smem:$0x3FB7];
	_ =	sdelay $0x3  }
0x36: {  	p1 =	seq.s32 s10, $0x1;
	s10 =	sld [smem:$0x3FB8];
	_ =	sdelay $0x3  }
0x37: {  	[smem:$0x3FB8] =	sst s10  }
0x38: {  	s10 =	sld [smem:$0x3FB9]  }
0x39: {  	_ = 	snop;
	(pc) =	sbr.ind lr, $3  }
0x3a: {  	_ = 	snop  }
0x3b: {  	_ = 	snop  }
0x3c: {  	p2 =	seq.s32 s10, $0x1;
	s10 =	sld [smem:$0x3FB8]  }
0x3d: {  	_ =	shalt  }
0x3e: {  	_ =	shalt  }
0x3f: {  	_ =	shalt  }
0x40: {  	_ =	shalt  }
0x41: {  	_ =	shalt  }
0x42: {  	_ =	shalt  }
0x43: {  	_ =	shalt  }
0x44: {  	_ =	shalt  }
0x45: {  	_ =	shalt  }
0x46: {  	_ =	shalt  }
0x47: {  	_ =	shalt  }
0x48: {  	_ =	shalt  }
0x49: {  	_ =	shalt  }
0x4a: {  	_ =	shalt  }
0x4b: {  	_ =	shalt  }
0x4c: {  	_ =	shalt  }
0x4d: {  	_ =	shalt  }
0x4e: {  	_ =	shalt  }
0x4f: {  	_ =	shalt  }
0x50: {  	_ =	shalt  }
0x51: {  	_ =	shalt  }
0x52: {  	_ =	shalt  }
0x53: {  	_ =	shalt  }
0x54: {  	_ =	shalt  }
0x55: {  	_ =	shalt  }
0x56: {  	_ =	shalt  }
0x57: {  	_ =	shalt  }
0x58: {  	_ =	shalt  }
0x59: {  	_ =	shalt  }
0x5a: {  	_ =	shalt  }
0x5b: {  	_ =	shalt  }
0x5c: {  	_ =	shalt  }
0x5d: {  	_ =	shalt  }
0x5e: {  	_ =	shalt  }
0x5f: {  	_ =	shalt  }
0x60: {  	_ =	shalt  }
0x61: {  	_ =	shalt  }
0x62: {  	_ =	shalt  }
0x63: {  	_ =	shalt  }
0x64: {  	_ =	shalt  }
0x65: {  	_ =	shalt  }
0x66: {  	_ =	shalt  }
0x67: {  	_ =	shalt  }
0x68: {  	_ =	shalt  }
0x69: {  	_ =	shalt  }
0x6a: {  	_ =	shalt  }
0x6b: {  	_ =	shalt  }
0x6c: {  	_ =	shalt  }
0x6d: {  	_ =	shalt  }
0x6e: {  	_ =	shalt  }
0x6f: {  	_ =	shalt  }
0x70: {  	_ =	shalt  }
0x71: {  	_ =	shalt  }
0x72: {  	_ =	shalt  }
0x73: {  	_ =	shalt  }
0x74: {  	_ =	shalt  }
0x75: {  	_ =	shalt  }
0x76: {  	_ =	shalt  }
0x77: {  	_ =	shalt  }
0x78: {  	_ =	shalt  }
0x79: {  	_ =	shalt  }
0x7a: {  	_ =	shalt  }
0x7b: {  	_ =	shalt  }
0x7c: {  	_ =	shalt  }
0x7d: {  	_ =	shalt  }
0x7e: {  	_ =	shalt  }
0x7f: {  	_ =	shalt  }
0x80: {  	_ =	shalt  }
0x81: {  	_ =	shalt  }
0x82: {  	_ =	shalt  }
0x83: {  	_ =	shalt  }
0x84: {  	_ =	shalt  }
0x85: {  	_ =	shalt  }
0x86: {  	_ =	shalt  }
0x87: {  	_ =	shalt  }
.Lfunc_end0:
.L_simem_size_0:
called_computation_lowered:
.L_overlay_start_0:
0x88: {  	s2 =	sld [smem:$0x3FD9]  }
0x89: {  	s3 =	sld [smem:$0x3FFE];
	_ =	sdelay $0x1  }
0x8a: {  	s1 =	srdreg.scid  }
0x8b: {  	s0 =	sand.u32 $0x1, s1  }
0x8c: {  	s17 =	sshll.u32 s0, $0xA;
	s2 =	sadd.s32 s3, s2  }
0x8d: {  	s2 =	sadd.s32 s2, s17  }
0x8e: {  	[smem:$0x3FC4] =	sst s2  }
0x8f: {  	_ = 	snop  }
0x90: {  	s2 =	sld [smem:$0x3FD0];
	(tm) =	ssettm $0x1  }
0x91: {  	s18 =	sld [smem:$0x3FFB];
	_ =	sdelay $0x3  }
0x92: {  	_ =	strace s18  }
0x93: {  	s3 =	sld [smem:$0x3FFC];
	_ =	sdelay $0x3  }
0x94: {  	_ =	strace s3  }
0x95: {  	s3 =	sld [smem:$0x3FFD];
	_ =	sdelay $0x3  }
0x96: {  	_ =	strace s3  }
0x97: {  	_ =	strace $0x8FFFFFFF  }
0x98: {  	s19 =	sld [smem:$0x3FDB];
	_ =	sdelay $0x1  }
0x99: {  	s4 =	simm.s32 $_scs_section_size  }
0x9a: {  	s5 =	simm.s32 $_size__tile_overlayer_lowered;
	s6 =	simm.s32 $_tile_overlayer_lowered  }
0x9b: {  	s22 =	simm.s32 $0x1BFF;
	s21 =	sshll.u32 s6, $0x1;
	s3 =	sadd.s32 s4, s19  }
0x9c: {  	s7 =	simm.s32 $0x0;
	s20 =	sshll.u32 s5, $0x1;
	s5 =	sadd.s32 s21, s3  }
0x9d: {  	[timem:s7], [sflag:s22] =	dma.local [hbm:s5], s20  }
0x9e: {  	_ =	swait.ge [sflag:s22], s20  }
0x9f: {  	s4 =	ssub.s32 $0x0, s20;
	[sflag:s22] =	ssyncset.done $0x0  }
0xa0: {  	[sflag:s22] =	ssyncadd.s32 s4;
	_ =	sdelay $0x1  }
0xa1: {  	s23 =	simm.s32 $0x1B8B  }
0xa2: {  	_ =	swait.ge [sflag:s23], $0x1  }
0xa3: {  	[sflag:s23] =	ssyncset.done $0x0  }
0xa4: {  	s25 =	simm.s32 $0x1B8E;
	s24 =	sld [smem:$0x3FFE];
	[sflag:s23] =	ssyncadd.s32 $0xFFFFFFFF  }
0xa5: {  	s26 =	simm.s32 $execute0_lowered;
	[smem:$0x3FD2] =	sst s25  }
0xa6: {  	s5 =	sshll.u32 s26, $0x1;
	_ =	strace $0x80000046;
	[dreg:$0x1] =	wrdreg $0xFFFFFFFF  }
0xa7: {  	s28 =	simm.s32 $_size_execute0_lowered;
	s3 =	sadd.s32 s3, s5;
	[dreg:$0x0] =	wrdreg $0x0  }
0xa8: {  	s5 =	sshll.u32 s28, $0x1;
	[dreg:$0x2] =	wrdreg s3  }
0xa9: {  	[dreg:$0x3] =	wrdreg s5  }
0xaa: {  	[dreg:$0x4] =	wrdreg $0xC0  }
0xab: {  	_ =	task [dreg:s7], $0x5FFFF  }
0xac: {  	[dreg:$0x1] =	wrdreg $0xFFFFFFFF  }
0xad: {  	[dreg:$0x0] =	wrdreg $0x60  }
0xae: {  	[dreg:$0x2] =	wrdreg s24  }
0xaf: {  	[dreg:$0x3] =	wrdreg s2  }
0xb0: {  	[dreg:$0x4] =	wrdreg $0x79800  }
0xb1: {  	[dreg:$0x5] =	wrdreg $0x9  }
0xb2: {  	_ =	task.clear_ibuf [dreg:s7], $0x6FFFF;
	_ =	strace $0x90000046  }
0xb3: {  	s29 =	simm.s32 $0x9;
	_ =	strace $0x80000048  }
0xb4: {  	_ =	swait.ge [sflag:s29], $0x1  }
0xb5: {  	[sflag:s29] =	ssyncadd.s32 $0xFFFFFFFF  }
0xb6: {  	_ =	strace $0x90000048  }
0xb7: {  	_ =	sfence  }
0xb8: {  	s30 =	sld [smem:$0x0];
	_ =	sdelay $0x2  }
0xb9: {  	s31 =	sshll.u32 s1, $0xD;
	s1 =	sshrl.u32 s1, $0x2  }
0xba: {  	s3 =	sand.u32 $0x4000, s31;
	s1 =	sadd.s32 s1, s30  }
0xbb: {  	s0 =	sor.u32 s3, s0;
	s1 =	sshll.u32 s1, $0x11  }
0xbc: {  	s0 =	sor.u32 s1, s0  }
0xbd: {  	s0 =	sadd.s32 $0x8F2B, s0  }
0xbe: {  	[sflag:s0] =	ssyncadd.remote.s32 $0x1  }
0xbf: {  	_ =	sfence.sel $0xFFFF  }
0xc0: {  	[dreg:$0x0] =	wrdreg $0xFFFFFFFF;
	(pc) =	sbr.abs _section_cstart, $3  }
0xc1: {  	[dreg:$0x1] =	wrdreg $0xFFFFFFFF  }
0xc2: {  	_ =	task.clear_ibuf [dreg:s7], $0x2FFFF;
	_ =	strace $0x9FFFFFFF  }
0xc3: {  	(tm) =	ssettm $0x7FFFFFFF  }
tec
execute0_lowered:
.L_overlay_start_1:
0x0: {  	(tag) =	ssettag $0x1  }
0x1: {  	s1 =	rddreg [dreg:$0x0]  }
0x2: {  	s0 =	rddreg [dreg:$0x1]  }
0x3: {  	s2 =	rddreg [dreg:$0x2]  }
0x4: {  	s4 =	simm.s32 $0x0;
	s3 =	srdreg.scid;
	s23 =	stileid.u32  }
0x5: {  	[smem:$0x7FF] =	sst s4;
	s3 =	sand.u32 $0x1, s3;
	s6 =	smul.u32 $0x4F000, s23  }
0x6: {  	s11 =	sadd.s32 $0xA8A00, s1;
	s12 =	smul.u32 $0x13C00, s23;
	_ =	strace $0x80000047  }
0x7: {  	s5 =	ssub.s32 $0x2, s3;
	s8 =	sshll.u32 s3, $0x4;
	s20 =	smul.u32 $0x13C000, s3  }
0x8: {  	s3 =	smul.u32 $0x27100, s3;
	s7 =	sshrl.u32 s5, $0x1;
	s8 =	sor.u32 s23, s8  }
0x9: {  	s6 =	sshrl.u32 s6, $0x2;
	s15 =	sadd.s32 $0x2800, s12;
	s16 =	sadd.s32 $0x5000, s12  }
0xa: {  	s17 =	sadd.s32 $0x7800, s12;
	s18 =	sadd.s32 $0xA000, s12;
	s19 =	sadd.s32 $0xC800, s12  }
0xb: {  	s21 =	sadd.s32 $0xF000, s12;
	s22 =	sadd.s32 $0x11800, s12;
	s24 =	ssub.s32 s5, s7  }
0xc: {  	s26 =	smul.u32 $0x2710, s8;
	s25 =	sadd.s32 s6, s2;
	s6 =	sadd.s32 s15, s2  }
0xd: {  	s7 =	sadd.s32 s16, s2;
	s8 =	sadd.s32 s17, s2;
	s9 =	sadd.s32 s18, s2  }
0xe: {  	s10 =	sadd.s32 s19, s2;
	s12 =	sadd.s32 s12, s20;
	s15 =	sadd.s32 s20, s15  }
0xf: {  	s16 =	sadd.s32 s20, s16;
	s17 =	sadd.s32 s20, s17;
	s18 =	sadd.s32 s20, s18  }
0x10: {  	s14 =	sadd.s32 s20, s19;
	s19 =	sadd.s32 s20, s21;
	s20 =	sadd.s32 s20, s22  }
0x11: {  	s12 =	sshrl.u32 s12, $0x3;
	s15 =	sshrl.u32 s15, $0x3;
	s16 =	sshrl.u32 s16, $0x3  }
0x12: {  	[dreg:$0x4] =	wrdreg s25;
	s5 =	sadd.s32 s11, s12;
	s29 =	sadd.s32 s11, s15  }
0x13: {  	s13 =	sadd.s32 s11, s16;
	s12 =	sshrl.u32 s17, $0x3;
	[dreg:$0x5] =	wrdreg s5  }
0x14: {  	s15 =	sshrl.u32 s18, $0x3;
	s16 =	sshrl.u32 s14, $0x3;
	[dreg:$0x6] =	wrdreg s29  }
0x15: {  	s17 =	sadd.s32 s11, s12;
	s18 =	sadd.s32 s11, s15;
	[dreg:$0x7] =	wrdreg s13  }
0x16: {  	s16 =	sadd.s32 s11, s16;
	s12 =	sshrl.u32 s19, $0x3;
	[dreg:$0x8] =	wrdreg s17  }
0x17: {  	s15 =	sshrl.u32 s20, $0x3;
	s19 =	sadd.s32 s21, s2;
	[dreg:$0x9] =	wrdreg s18  }
0x18: {  	s14 =	sadd.s32 s11, s12;
	s15 =	sadd.s32 s11, s15;
	[dreg:$0xa] =	wrdreg s16  }
0x19: {  	s12 =	smul.u32 $0x2710, s23;
	s23 =	sshrl.u32 s26, $0x3;
	[dreg:$0xb] =	wrdreg s14  }
0x1a: {  	s26 =	sadd.s32 s1, s23;
	s21 =	sadd.s32 s0, s23;
	[dreg:$0xc] =	wrdreg s15  }
0x1b: {  	s20 =	sadd.s32 s22, s2;
	[dreg:$0xd] =	wrdreg s26;
	s11 =	sadd.s32 $0x4D8, s21  }
0x1c: {  	s3 =	sadd.s32 s12, s3;
	s26 =	smax.u32 s24, $0x1;
	[dreg:$0xe] =	wrdreg s11  }
0x1d: {  	s21 =	sadd.s32 $0xA8400, s1;
	s22 =	sshrl.u32 s3, $0x3;
	[dreg:$0xf] =	wrdreg s26  }
0x1e: {  	s23 =	sadd.s32 $0x50, s3;
	s3 =	sadd.s32 $0xA0, s3;
	[dreg:$0x11] =	wrdreg s21  }
0x1f: {  	s11 =	sadd.s32 $0x4F000, s29;
	[dreg:$0x10] =	wrdreg s3  }
0x20: {  	s21 =	sadd.s32 $0x4F000, s17;
	[dreg:$0x14] =	wrdreg s11  }
0x21: {  	s24 =	sadd.s32 s22, s0;
	s22 =	sadd.s32 $0xA7E00, s1;
	[dreg:$0x16] =	wrdreg s21  }
0x22: {  	s12 =	sshrl.u32 s23, $0x3;
	s23 =	sadd.s32 $0x4F000, s5;
	[dreg:$0x12] =	wrdreg s22  }
0x23: {  	s11 =	sadd.s32 $0x4F000, s14;
	[dreg:$0x13] =	wrdreg s23  }
0x24: {  	s21 =	sadd.s32 $0x9E000, s5;
	s26 =	sadd.s32 s12, s0;
	[dreg:$0x19] =	wrdreg s11  }
0x25: {  	s28 =	sadd.s32 s12, s1;
	s12 =	sadd.s32 $0x4F000, s13;
	[dreg:$0x1b] =	wrdreg s21  }
0x26: {  	s22 =	sadd.s32 $0x4F000, s18;
	[dreg:$0x15] =	wrdreg s12  }
0x27: {  	s23 =	sadd.s32 $0x4F000, s16;
	[dreg:$0x17] =	wrdreg s22  }
0x28: {  	s11 =	sadd.s32 $0x9E000, s17;
	[dreg:$0x18] =	wrdreg s23  }
0x29: {  	s21 =	sadd.s32 $0x9E000, s16;
	[dreg:$0x1e] =	wrdreg s11  }
0x2a: {  	s17 =	sadd.s32 $0xED000, s17;
	[smem:$0x7F3] =	sst s21  }
0x2b: {  	s12 =	sadd.s32 $0x4F000, s15;
	[smem:$0x7F9] =	sst s17  }
0x2c: {  	s22 =	sadd.s32 $0x9E000, s29;
	[dreg:$0x1a] =	wrdreg s12  }
0x2d: {  	s31 =	sadd.s32 $0x31600, s1;
	s23 =	sadd.s32 $0x9E000, s13;
	[dreg:$0x1c] =	wrdreg s22  }
0x2e: {  	s30 =	sadd.s32 $0x80600, s1;
	s11 =	sadd.s32 $0xED000, s5;
	[dreg:$0x1d] =	wrdreg s23  }
0x2f: {  	s3 =	simm.s32 $0x5180;
	s13 =	sadd.s32 $0xED000, s13;
	[smem:$0x7F6] =	sst s11  }
0x30: {  	s0 =	sadd.s32 $0x58E00, s1;
	s21 =	sadd.s32 $0xED000, s18;
	[smem:$0x7F8] =	sst s13  }
0x31: {  	s17 =	simm.s32 $0x2;
	s12 =	sadd.s32 $0x9E000, s18;
	[smem:$0x7FA] =	sst s21  }
0x32: {  	s22 =	sadd.s32 $0x9E000, s14;
	s23 =	sadd.s32 $0x9E000, s15;
	[dreg:$0x1f] =	wrdreg s12  }
0x33: {  	s11 =	simm.s32 $0x180;
	s13 =	simm.s32 $0x80;
	[smem:$0x7F4] =	sst s22  }
0x34: {  	s18 =	simm.s32 $0x0;
	[smem:$0x7F5] =	sst s23;
	s12 =	sadd.s32 $0xED000, s29  }
0x35: {  	s22 =	sadd.s32 $0xED000, s16;
	s23 =	sadd.s32 $0xED000, s14;
	[smem:$0x7F7] =	sst s12  }
0x36: {  	s29 =	sadd.s32 $0xED000, s15;
	s14 =	simm.s32 $0x2980;
	[smem:$0x7FB] =	sst s22  }
0x37: {  	s15 =	simm.s32 $0x100;
	s16 =	simm.s32 $0x1;
	[smem:$0x7FC] =	sst s23  }
0x38: {  	[smem:$0x7FD] =	sst s29;
	s23 =	simm.s32 $0x3;
	s12 =	simm.s32 $0x50  }
.LBB2_1:
0x39: {  	[smem:$0x7F1] =	sst s18  }
0x3a: {  	s5 =	rddreg [dreg:$0x12]  }
0x3b: {  	[tilespmem:s3], [sflag:$0x3] =	stream.linear.gather [hbm4b:s5+s4], $0x2800, $0x38;
	[tilespmem:$0x1B580] =	vst v63  }
0x3c: {  	_ =	swait.ge [sflag:s23], $0x2800  }
0x3d: {  	[sflag:s23] =	ssyncset.done $0x0  }
0x3e: {  	s22 =	rddreg [dreg:$0x11];
	[sflag:s23] =	ssyncadd.s32 $0xFFFFD800  }
0x3f: {  	[tilespmem:s11], [sflag:$0x3] =	stream.linear.gather [hbm4b:s22+s4], $0x2800, $0x38;
	[tilespmem:$0x1B580] =	vst v63  }
0x40: {  	_ =	swait.ge [sflag:s23], $0x2800  }
0x41: {  	[sflag:s23] =	ssyncset.done $0x0  }
0x42: {  	[sflag:s23] =	ssyncadd.s32 $0xFFFFD800  }
0x43: {  	[spmem:s25] =	stream.linear.scatter [tilespmem:s11], [sflag:$0x3], $0x2800, $0x38;
	[tilespmem:$0x1B580] =	vst v63  }
0x44: {  	_ =	swait.ge [sflag:s23], $0x2800  }
0x45: {  	[sflag:s23] =	ssyncset.done $0x0  }
0x46: {  	[sflag:s23] =	ssyncadd.s32 $0xFFFFD800  }
0x47: {  	[spmem:s6] =	stream.linear.scatter [tilespmem:s11], [sflag:$0x3], $0x2800, $0x38;
	[tilespmem:$0x1B580] =	vst v63  }
0x48: {  	_ =	swait.ge [sflag:s23], $0x2800  }
0x49: {  	[sflag:s23] =	ssyncset.done $0x0  }
0x4a: {  	[sflag:s23] =	ssyncadd.s32 $0xFFFFD800  }
0x4b: {  	[spmem:s7] =	stream.linear.scatter [tilespmem:s11], [sflag:$0x3], $0x2800, $0x38;
	[tilespmem:$0x1B580] =	vst v63  }
0x4c: {  	_ =	swait.ge [sflag:s23], $0x2800  }
0x4d: {  	[sflag:s23] =	ssyncset.done $0x0  }
0x4e: {  	[sflag:s23] =	ssyncadd.s32 $0xFFFFD800  }
0x4f: {  	[spmem:s8] =	stream.linear.scatter [tilespmem:s11], [sflag:$0x3], $0x2800, $0x38;
	[tilespmem:$0x1B580] =	vst v63  }
0x50: {  	_ =	swait.ge [sflag:s23], $0x2800  }
0x51: {  	[sflag:s23] =	ssyncset.done $0x0  }
0x52: {  	[sflag:s23] =	ssyncadd.s32 $0xFFFFD800  }
0x53: {  	[spmem:s9] =	stream.linear.scatter [tilespmem:s11], [sflag:$0x3], $0x2800, $0x38;
	[tilespmem:$0x1B580] =	vst v63  }
0x54: {  	_ =	swait.ge [sflag:s23], $0x2800  }
0x55: {  	[sflag:s23] =	ssyncset.done $0x0  }
0x56: {  	[sflag:s23] =	ssyncadd.s32 $0xFFFFD800  }
0x57: {  	[spmem:s10] =	stream.linear.scatter [tilespmem:s11], [sflag:$0x3], $0x2800, $0x38;
	[tilespmem:$0x1B580] =	vst v63  }
0x58: {  	_ =	swait.ge [sflag:s23], $0x2800  }
0x59: {  	[sflag:s23] =	ssyncset.done $0x0  }
0x5a: {  	[sflag:s23] =	ssyncadd.s32 $0xFFFFD800  }
0x5b: {  	[spmem:s19] =	stream.linear.scatter [tilespmem:s11], [sflag:$0x3], $0x2800, $0x38;
	[tilespmem:$0x1B580] =	vst v63  }
0x5c: {  	_ =	swait.ge [sflag:s23], $0x2800  }
0x5d: {  	[sflag:s23] =	ssyncset.done $0x0  }
0x5e: {  	[sflag:s23] =	ssyncadd.s32 $0xFFFFD800  }
0x5f: {  	[spmem:s20] =	stream.linear.scatter [tilespmem:s11], [sflag:$0x3], $0x2400, $0x38;
	[tilespmem:$0x1B580] =	vst v63  }
0x60: {  	_ =	swait.ge [sflag:s23], $0x2400  }
0x61: {  	[sflag:s23] =	ssyncset.done $0x0  }
0x62: {  	[sflag:s23] =	ssyncadd.s32 $0xFFFFDC00  }
0x63: {  	[bflag:$0x0] =	sbarrier.arrive $0xFFFF  }
0x64: {  	s25 =	rddreg [dreg:$0xd]  }
0x65: {  	[tilespmem:s4], [sflag:$0x3] =	stream.linear.gather [hbm4b:s25+s4], $0x50, $0x38;
	[tilespmem:$0x1B580] =	vst v63  }
0x66: {  	_ =	swait.ge [sflag:s23], $0x50  }
0x67: {  	[sflag:s23] =	ssyncset.done $0x0  }
0x68: {  	[sflag:s23] =	ssyncadd.s32 $0xFFFFFFB0  }
0x69: {  	[tilespmem:s11], [sflag:$0x1] =	stream.indirect.gather [hbm4b:s31+s12], $0x80, s4, s12, $0xb8;
	[tilespmem:$0x1B580] =	vst v63  }
0x6a: {  	s21 =	sadd.s32 $0x0, s28  }
0x6b: {  	[tilespmem:s13], [sflag:$0x3] =	stream.linear.gather [hbm4b:s21+s4], $0x50, $0x38;
	[tilespmem:$0x1B580] =	vst v63  }
0x6c: {  	_ =	swait.ge [sflag:s23], $0x50  }
0x6d: {  	[sflag:s23] =	ssyncset.done $0x0  }
0x6e: {  	[sflag:s23] =	ssyncadd.s32 $0xFFFFFFB0  }
0x6f: {  	[tilespmem:s14], [sflag:$0x2] =	stream.indirect.gather [hbm4b:s31+s12], $0x80, s13, s12, $0xb8;
	[tilespmem:$0x1B580] =	vst v63  }
0x70: {  	s5 =	sadd.s32 $0x0, s24  }
0x71: {  	[tilespmem:s15], [sflag:$0x3] =	stream.linear.gather [hbm4b:s5+s4], $0x50, $0x38;
	[tilespmem:$0x1B580] =	vst v63  }
0x72: {  	_ =	swait.ge [sflag:s23], $0x50  }
0x73: {  	[sflag:s23] =	ssyncset.done $0x0  }
0x74: {  	[sflag:s23] =	ssyncadd.s32 $0xFFFFFFB0  }
0x75: {  	_ =	swait.ge [sflag:s16], $0x2800  }
0x76: {  	[sflag:s16] =	ssyncset.done $0x0  }
0x77: {  	[sflag:s16] =	ssyncadd.s32 $0xFFFFD800  }
0x78: {  	[spmem:s2] =	stream.indirect.scatter.add.f32 [tilespmem:s11], [sflag:$0x3], $0x80, s15, s12, $0xb8;
	[tilespmem:$0x1B580] =	vst v63  }
0x79: {  	_ =	swait.ge [sflag:s23], $0x2800  }
0x7a: {  	s5 =	rddreg [dreg:$0x10]  }
0x7b: {  	s18 =	sshrl.u32 s5, $0x3  }
0x7c: {  	[sflag:s23] =	ssyncset.done $0x0;
	s22 =	sadd.s32 s1, s18  }
0x7d: {  	[sflag:s23] =	ssyncadd.s32 $0xFFFFD800;
	[smem:$0x7F2] =	sst s22  }
0x7e: {  	[tilespmem:s4], [sflag:$0x3] =	stream.linear.gather [hbm4b:s22+s4], $0x50, $0x38;
	[tilespmem:$0x1B580] =	vst v63  }
0x7f: {  	_ =	swait.ge [sflag:s23], $0x50  }
0x80: {  	[sflag:s23] =	ssyncset.done $0x0  }
0x81: {  	[sflag:s23] =	ssyncadd.s32 $0xFFFFFFB0  }
0x82: {  	[tilespmem:s11], [sflag:$0x1] =	stream.indirect.gather [hbm4b:s31+s12], $0x80, s4, s12, $0xb8;
	[tilespmem:$0x1B580] =	vst v63  }
0x83: {  	s25 =	sadd.s32 $0x0, s26  }
0x84: {  	[tilespmem:s15], [sflag:$0x3] =	stream.linear.gather [hbm4b:s25+s4], $0x50, $0x38;
	[tilespmem:$0x1B580] =	vst v63  }
0x85: {  	_ =	swait.ge [sflag:s23], $0x50  }
0x86: {  	[sflag:s23] =	ssyncset.done $0x0  }
0x87: {  	[sflag:s23] =	ssyncadd.s32 $0xFFFFFFB0  }
0x88: {  	_ =	swait.ge [sflag:s17], $0x2800  }
0x89: {  	[sflag:s17] =	ssyncset.done $0x0  }
0x8a: {  	[sflag:s17] =	ssyncadd.s32 $0xFFFFD800  }
0x8b: {  	[spmem:s2] =	stream.indirect.scatter.add.f32 [tilespmem:s14], [sflag:$0x3], $0x80, s15, s12, $0xb8;
	[tilespmem:$0x1B580] =	vst v63  }
0x8c: {  	s29 =	simm.s32 $0x28;
	_ =	swait.ge [sflag:s23], $0x2800  }
0x8d: {  	s22 =	simm.s32 $0x14;
	s25 =	sadd.s32 $0xA0, s5;
	[sflag:s23] =	ssyncset.done $0x0  }
.LBB2_2:
0x8e: {  	s18 =	sadd.s32 s22, s28  }
0x8f: {  	[sflag:s23] =	ssyncadd.s32 $0xFFFFD800;
	s5 =	smov.u32 s29;
	s21 =	sadd.s32 $0x14, s29  }
0x90: {  	[tilespmem:s13], [sflag:$0x3] =	stream.linear.gather [hbm4b:s18+s4], $0x50, $0x38;
	[tilespmem:$0x1B580] =	vst v63  }
0x91: {  	p0 =	sne.s32 s29, $0x4C4;
	_ =	swait.ge [sflag:s23], $0x50  }
0x92: {  	[sflag:s23] =	ssyncset.done $0x0  }
0x93: {  	[sflag:s23] =	ssyncadd.s32 $0xFFFFFFB0  }
0x94: {  	[tilespmem:s14], [sflag:$0x2] =	stream.indirect.gather [hbm4b:s31+s12], $0x80, s13, s12, $0xb8;
	[tilespmem:$0x1B580] =	vst v63  }
0x95: {  	s18 =	sadd.s32 s22, s24  }
0x96: {  	[tilespmem:s15], [sflag:$0x3] =	stream.linear.gather [hbm4b:s18+s4], $0x50, $0x38;
	[tilespmem:$0x1B580] =	vst v63  }
0x97: {  	_ =	swait.ge [sflag:s23], $0x50  }
0x98: {  	[sflag:s23] =	ssyncset.done $0x0  }
0x99: {  	[sflag:s23] =	ssyncadd.s32 $0xFFFFFFB0  }
0x9a: {  	_ =	swait.ge [sflag:s16], $0x2800  }
0x9b: {  	[sflag:s16] =	ssyncset.done $0x0  }
0x9c: {  	[sflag:s16] =	ssyncadd.s32 $0xFFFFD800  }
0x9d: {  	[spmem:s2] =	stream.indirect.scatter.add.f32 [tilespmem:s11], [sflag:$0x3], $0x80, s15, s12, $0xb8;
	[tilespmem:$0x1B580] =	vst v63  }
0x9e: {  	_ =	swait.ge [sflag:s23], $0x2800  }
0x9f: {  	s18 =	sshrl.u32 s25, $0x3;
	[sflag:s23] =	ssyncset.done $0x0  }
0xa0: {  	s18 =	sadd.s32 s1, s18;
	[sflag:s23] =	ssyncadd.s32 $0xFFFFD800  }
0xa1: {  	[tilespmem:s4], [sflag:$0x3] =	stream.linear.gather [hbm4b:s18+s4], $0x50, $0x38;
	[tilespmem:$0x1B580] =	vst v63  }
0xa2: {  	_ =	swait.ge [sflag:s23], $0x50  }
0xa3: {  	[sflag:s23] =	ssyncset.done $0x0  }
0xa4: {  	[sflag:s23] =	ssyncadd.s32 $0xFFFFFFB0  }
0xa5: {  	[tilespmem:s11], [sflag:$0x1] =	stream.indirect.gather [hbm4b:s31+s12], $0x80, s4, s12, $0xb8;
	[tilespmem:$0x1B580] =	vst v63  }
0xa6: {  	s18 =	sadd.s32 s22, s26;
	s22 =	smov.u32 s5  }
0xa7: {  	[tilespmem:s15], [sflag:$0x3] =	stream.linear.gather [hbm4b:s18+s4], $0x50, $0x38;
	[tilespmem:$0x1B580] =	vst v63  }
0xa8: {  	_ =	swait.ge [sflag:s23], $0x50  }
0xa9: {  	[sflag:s23] =	ssyncset.done $0x0  }
0xaa: {  	[sflag:s23] =	ssyncadd.s32 $0xFFFFFFB0  }
0xab: {  	_ =	swait.ge [sflag:s17], $0x2800  }
.Ltmp0:
0xac: {  	[sflag:s17] =	ssyncset.done $0x0;
	(pc) =	sbr.rel @p0 .LBB2_2-.Ltmp0, $4  }
0xad: {  	[sflag:s17] =	ssyncadd.s32 $0xFFFFD800  }
0xae: {  	[spmem:s2] =	stream.indirect.scatter.add.f32 [tilespmem:s14], [sflag:$0x3], $0x80, s15, s12, $0xb8;
	[tilespmem:$0x1B580] =	vst v63  }
0xaf: {  	_ =	swait.ge [sflag:s23], $0x2800  }
0xb0: {  	s29 =	smov.u32 s21;
	s25 =	sadd.s32 $0xA0, s25;
	[sflag:s23] =	ssyncset.done $0x0  }
0xb1: {  	s5 =	sadd.s32 s22, s28;
	[sflag:s23] =	ssyncadd.s32 $0xFFFFD800  }
0xb2: {  	[tilespmem:s13], [sflag:$0x3] =	stream.linear.gather [hbm4b:s5+s4], $0x50, $0x38;
	[tilespmem:$0x1B580] =	vst v63  }
0xb3: {  	_ =	swait.ge [sflag:s23], $0x50  }
0xb4: {  	[sflag:s23] =	ssyncset.done $0x0  }
0xb5: {  	[sflag:s23] =	ssyncadd.s32 $0xFFFFFFB0  }
0xb6: {  	[tilespmem:s14], [sflag:$0x2] =	stream.indirect.gather [hbm4b:s31+s12], $0x80, s13, s12, $0xb8;
	[tilespmem:$0x1B580] =	vst v63  }
0xb7: {  	s21 =	sadd.s32 s22, s24  }
0xb8: {  	[tilespmem:s15], [sflag:$0x3] =	stream.linear.gather [hbm4b:s21+s4], $0x50, $0x38;
	[tilespmem:$0x1B580] =	vst v63  }
0xb9: {  	_ =	swait.ge [sflag:s23], $0x50  }
0xba: {  	[sflag:s23] =	ssyncset.done $0x0  }
0xbb: {  	[sflag:s23] =	ssyncadd.s32 $0xFFFFFFB0  }
0xbc: {  	_ =	swait.ge [sflag:s16], $0x2800  }
0xbd: {  	[sflag:s16] =	ssyncset.done $0x0  }
0xbe: {  	[sflag:s16] =	ssyncadd.s32 $0xFFFFD800  }
0xbf: {  	[spmem:s2] =	stream.indirect.scatter.add.f32 [tilespmem:s11], [sflag:$0x3], $0x80, s15, s12, $0xb8;
	[tilespmem:$0x1B580] =	vst v63  }
0xc0: {  	_ =	swait.ge [sflag:s23], $0x2800  }
0xc1: {  	s25 =	sshrl.u32 s25, $0x3;
	[sflag:s23] =	ssyncset.done $0x0  }
0xc2: {  	s5 =	sadd.s32 s1, s25;
	[sflag:s23] =	ssyncadd.s32 $0xFFFFD800  }
0xc3: {  	[tilespmem:s4], [sflag:$0x3] =	stream.linear.gather [hbm4b:s5+s4], $0x50, $0x38;
	[tilespmem:$0x1B580] =	vst v63  }
0xc4: {  	_ =	swait.ge [sflag:s23], $0x50  }
0xc5: {  	[sflag:s23] =	ssyncset.done $0x0  }
0xc6: {  	[sflag:s23] =	ssyncadd.s32 $0xFFFFFFB0  }
0xc7: {  	[tilespmem:s11], [sflag:$0x1] =	stream.indirect.gather [hbm4b:s31+s12], $0x80, s4, s12, $0xb8;
	[tilespmem:$0x1B580] =	vst v63  }
0xc8: {  	s29 =	sadd.s32 s22, s26  }
0xc9: {  	[tilespmem:s15], [sflag:$0x3] =	stream.linear.gather [hbm4b:s29+s4], $0x50, $0x38;
	[tilespmem:$0x1B580] =	vst v63  }
0xca: {  	_ =	swait.ge [sflag:s23], $0x50  }
0xcb: {  	[sflag:s23] =	ssyncset.done $0x0  }
0xcc: {  	[sflag:s23] =	ssyncadd.s32 $0xFFFFFFB0  }
0xcd: {  	_ =	swait.ge [sflag:s17], $0x2800  }
0xce: {  	[sflag:s17] =	ssyncset.done $0x0  }
0xcf: {  	[sflag:s17] =	ssyncadd.s32 $0xFFFFD800  }
0xd0: {  	[spmem:s2] =	stream.indirect.scatter.add.f32 [tilespmem:s14], [sflag:$0x3], $0x80, s15, s12, $0xb8;
	[tilespmem:$0x1B580] =	vst v63  }
0xd1: {  	_ =	swait.ge [sflag:s23], $0x2800  }
0xd2: {  	[sflag:s23] =	ssyncset.done $0x0  }
0xd3: {  	s22 =	simm.s32 $0x0;
	s18 =	rddreg [dreg:$0xe];
	[sflag:s23] =	ssyncadd.s32 $0xFFFFD800  }
0xd4: {  	[tilespmem:s15], [sflag:$0x3] =	stream.linear.gather [hbm4b:s18+s22], $0x50, $0x38;
	[tilespmem:$0x1B580] =	vst v63  }
0xd5: {  	_ =	swait.ge [sflag:s23], $0x50  }
0xd6: {  	[sflag:s23] =	ssyncset.done $0x0  }
0xd7: {  	[sflag:s23] =	ssyncadd.s32 $0xFFFFFFB0  }
0xd8: {  	_ =	swait.ge [sflag:s16], $0x2800  }
0xd9: {  	[sflag:s16] =	ssyncset.done $0x0  }
0xda: {  	[sflag:s16] =	ssyncadd.s32 $0xFFFFD800  }
0xdb: {  	[spmem:s2] =	stream.indirect.scatter.add.f32 [tilespmem:s11], [sflag:$0x3], $0x80, s15, s12, $0xb8;
	[tilespmem:$0x1B580] =	vst v63  }
0xdc: {  	_ =	swait.ge [sflag:s23], $0x2800  }
0xdd: {  	[sflag:s23] =	ssyncset.done $0x0  }
0xde: {  	[sflag:s23] =	ssyncadd.s32 $0xFFFFD800  }
0xdf: {  	[bflag:$0x0] =	sbarrier.arrive $0xFFFF  }
0xe0: {  	s5 =	rddreg [dreg:$0x4]  }
0xe1: {  	[tilespmem:s11], [sflag:$0x3] =	stream.linear.gather [spmem:s5], $0x2800, $0x38;
	[tilespmem:$0x1B580] =	vst v63  }
0xe2: {  	_ =	swait.ge [sflag:s23], $0x2800  }
0xe3: {  	[sflag:s23] =	ssyncset.done $0x0  }
0xe4: {  	s18 =	rddreg [dreg:$0x5];
	[sflag:s23] =	ssyncadd.s32 $0xFFFFD800  }
0xe5: {  	[hbm4b:s18+s22] =	stream.linear.scatter [tilespmem:s11], [sflag:$0x3], $0x2800, $0x38;
	[tilespmem:$0x1B580] =	vst v63  }
0xe6: {  	_ =	swait.ge [sflag:s23], $0x2800  }
0xe7: {  	[sflag:s23] =	ssyncset.done $0x0  }
0xe8: {  	[sflag:s23] =	ssyncadd.s32 $0xFFFFD800  }
0xe9: {  	[tilespmem:s11], [sflag:$0x3] =	stream.linear.gather [spmem:s6], $0x2800, $0x38;
	[tilespmem:$0x1B580] =	vst v63  }
0xea: {  	_ =	swait.ge [sflag:s23], $0x2800  }
0xeb: {  	[sflag:s23] =	ssyncset.done $0x0  }
0xec: {  	s21 =	rddreg [dreg:$0x6];
	[sflag:s23] =	ssyncadd.s32 $0xFFFFD800  }
0xed: {  	[hbm4b:s21+s22] =	stream.linear.scatter [tilespmem:s11], [sflag:$0x3], $0x2800, $0x38;
	[tilespmem:$0x1B580] =	vst v63  }
0xee: {  	_ =	swait.ge [sflag:s23], $0x2800  }
0xef: {  	[sflag:s23] =	ssyncset.done $0x0  }
0xf0: {  	[sflag:s23] =	ssyncadd.s32 $0xFFFFD800  }
0xf1: {  	[tilespmem:s11], [sflag:$0x3] =	stream.linear.gather [spmem:s7], $0x2800, $0x38;
	[tilespmem:$0x1B580] =	vst v63  }
0xf2: {  	_ =	swait.ge [sflag:s23], $0x2800  }
0xf3: {  	[sflag:s23] =	ssyncset.done $0x0  }
0xf4: {  	s25 =	rddreg [dreg:$0x7];
	[sflag:s23] =	ssyncadd.s32 $0xFFFFD800  }
0xf5: {  	[hbm4b:s25+s22] =	stream.linear.scatter [tilespmem:s11], [sflag:$0x3], $0x2800, $0x38;
	[tilespmem:$0x1B580] =	vst v63  }
0xf6: {  	_ =	swait.ge [sflag:s23], $0x2800  }
0xf7: {  	[sflag:s23] =	ssyncset.done $0x0  }
0xf8: {  	[sflag:s23] =	ssyncadd.s32 $0xFFFFD800  }
0xf9: {  	[tilespmem:s11], [sflag:$0x3] =	stream.linear.gather [spmem:s8], $0x2800, $0x38;
	[tilespmem:$0x1B580] =	vst v63  }
0xfa: {  	_ =	swait.ge [sflag:s23], $0x2800  }
0xfb: {  	[sflag:s23] =	ssyncset.done $0x0  }
0xfc: {  	s29 =	rddreg [dreg:$0x8];
	[sflag:s23] =	ssyncadd.s32 $0xFFFFD800  }
0xfd: {  	[hbm4b:s29+s22] =	stream.linear.scatter [tilespmem:s11], [sflag:$0x3], $0x2800, $0x38;
	[tilespmem:$0x1B580] =	vst v63  }
0xfe: {  	_ =	swait.ge [sflag:s23], $0x2800  }
0xff: {  	[sflag:s23] =	ssyncset.done $0x0  }
0x100: {  	[sflag:s23] =	ssyncadd.s32 $0xFFFFD800  }
0x101: {  	[tilespmem:s11], [sflag:$0x3] =	stream.linear.gather [spmem:s9], $0x2800, $0x38;
	[tilespmem:$0x1B580] =	vst v63  }
0x102: {  	_ =	swait.ge [sflag:s23], $0x2800  }
0x103: {  	[sflag:s23] =	ssyncset.done $0x0  }
0x104: {  	s21 =	rddreg [dreg:$0x9];
	[sflag:s23] =	ssyncadd.s32 $0xFFFFD800  }
0x105: {  	[hbm4b:s21+s22] =	stream.linear.scatter [tilespmem:s11], [sflag:$0x3], $0x2800, $0x38;
	[tilespmem:$0x1B580] =	vst v63  }
0x106: {  	_ =	swait.ge [sflag:s23], $0x2800  }
0x107: {  	[sflag:s23] =	ssyncset.done $0x0  }
0x108: {  	[sflag:s23] =	ssyncadd.s32 $0xFFFFD800  }
0x109: {  	[tilespmem:s11], [sflag:$0x3] =	stream.linear.gather [spmem:s10], $0x2800, $0x38;
	[tilespmem:$0x1B580] =	vst v63  }
0x10a: {  	_ =	swait.ge [sflag:s23], $0x2800  }
0x10b: {  	[sflag:s23] =	ssyncset.done $0x0  }
0x10c: {  	s25 =	rddreg [dreg:$0xa];
	[sflag:s23] =	ssyncadd.s32 $0xFFFFD800  }
0x10d: {  	[hbm4b:s25+s22] =	stream.linear.scatter [tilespmem:s11], [sflag:$0x3], $0x2800, $0x38;
	[tilespmem:$0x1B580] =	vst v63  }
0x10e: {  	_ =	swait.ge [sflag:s23], $0x2800  }
0x10f: {  	[sflag:s23] =	ssyncset.done $0x0  }
0x110: {  	[sflag:s23] =	ssyncadd.s32 $0xFFFFD800  }
0x111: {  	[tilespmem:s11], [sflag:$0x3] =	stream.linear.gather [spmem:s19], $0x2800, $0x38;
	[tilespmem:$0x1B580] =	vst v63  }
0x112: {  	_ =	swait.ge [sflag:s23], $0x2800  }
0x113: {  	[sflag:s23] =	ssyncset.done $0x0  }
0x114: {  	s29 =	rddreg [dreg:$0xb];
	[sflag:s23] =	ssyncadd.s32 $0xFFFFD800  }
0x115: {  	[hbm4b:s29+s22] =	stream.linear.scatter [tilespmem:s11], [sflag:$0x3], $0x2800, $0x38;
	[tilespmem:$0x1B580] =	vst v63  }
0x116: {  	_ =	swait.ge [sflag:s23], $0x2800  }
0x117: {  	[sflag:s23] =	ssyncset.done $0x0  }
0x118: {  	[sflag:s23] =	ssyncadd.s32 $0xFFFFD800  }
0x119: {  	[tilespmem:s11], [sflag:$0x3] =	stream.linear.gather [spmem:s20], $0x2400, $0x38;
	[tilespmem:$0x1B580] =	vst v63  }
0x11a: {  	_ =	swait.ge [sflag:s23], $0x2400  }
0x11b: {  	[sflag:s23] =	ssyncset.done $0x0  }
0x11c: {  	s21 =	rddreg [dreg:$0xc];
	[sflag:s23] =	ssyncadd.s32 $0xFFFFDC00  }
0x11d: {  	[hbm4b:s21+s22] =	stream.linear.scatter [tilespmem:s11], [sflag:$0x3], $0x2400, $0x38;
	[tilespmem:$0x1B580] =	vst v63  }
0x11e: {  	_ =	swait.ge [sflag:s23], $0x2400  }
0x11f: {  	[sflag:s23] =	ssyncset.done $0x0  }
0x120: {  	s25 =	rddreg [dreg:$0x11];
	[sflag:s23] =	ssyncadd.s32 $0xFFFFDC00  }
0x121: {  	[tilespmem:s11], [sflag:$0x3] =	stream.linear.gather [hbm4b:s25+s22], $0x2800, $0x38;
	[tilespmem:$0x1B580] =	vst v63  }
0x122: {  	_ =	swait.ge [sflag:s23], $0x2800  }
0x123: {  	[sflag:s23] =	ssyncset.done $0x0  }
0x124: {  	[sflag:s23] =	ssyncadd.s32 $0xFFFFD800  }
0x125: {  	[spmem:s5] =	stream.linear.scatter [tilespmem:s11], [sflag:$0x3], $0x2800, $0x38;
	[tilespmem:$0x1B580] =	vst v63  }
0x126: {  	_ =	swait.ge [sflag:s23], $0x2800  }
0x127: {  	[sflag:s23] =	ssyncset.done $0x0  }
0x128: {  	[sflag:s23] =	ssyncadd.s32 $0xFFFFD800  }
0x129: {  	[spmem:s6] =	stream.linear.scatter [tilespmem:s11], [sflag:$0x3], $0x2800, $0x38;
	[tilespmem:$0x1B580] =	vst v63  }
0x12a: {  	_ =	swait.ge [sflag:s23], $0x2800  }
0x12b: {  	[sflag:s23] =	ssyncset.done $0x0  }
0x12c: {  	[sflag:s23] =	ssyncadd.s32 $0xFFFFD800  }
0x12d: {  	[spmem:s7] =	stream.linear.scatter [tilespmem:s11], [sflag:$0x3], $0x2800, $0x38;
	[tilespmem:$0x1B580] =	vst v63  }
0x12e: {  	_ =	swait.ge [sflag:s23], $0x2800  }
0x12f: {  	[sflag:s23] =	ssyncset.done $0x0  }
0x130: {  	[sflag:s23] =	ssyncadd.s32 $0xFFFFD800  }
0x131: {  	[spmem:s8] =	stream.linear.scatter [tilespmem:s11], [sflag:$0x3], $0x2800, $0x38;
	[tilespmem:$0x1B580] =	vst v63  }
0x132: {  	_ =	swait.ge [sflag:s23], $0x2800  }
0x133: {  	[sflag:s23] =	ssyncset.done $0x0  }
0x134: {  	[sflag:s23] =	ssyncadd.s32 $0xFFFFD800  }
0x135: {  	[spmem:s9] =	stream.linear.scatter [tilespmem:s11], [sflag:$0x3], $0x2800, $0x38;
	[tilespmem:$0x1B580] =	vst v63  }
0x136: {  	_ =	swait.ge [sflag:s23], $0x2800  }
0x137: {  	[sflag:s23] =	ssyncset.done $0x0  }
0x138: {  	[sflag:s23] =	ssyncadd.s32 $0xFFFFD800  }
0x139: {  	[spmem:s10] =	stream.linear.scatter [tilespmem:s11], [sflag:$0x3], $0x2800, $0x38;
	[tilespmem:$0x1B580] =	vst v63  }
0x13a: {  	_ =	swait.ge [sflag:s23], $0x2800  }
0x13b: {  	[sflag:s23] =	ssyncset.done $0x0  }
0x13c: {  	[sflag:s23] =	ssyncadd.s32 $0xFFFFD800  }
0x13d: {  	[spmem:s19] =	stream.linear.scatter [tilespmem:s11], [sflag:$0x3], $0x2800, $0x38;
	[tilespmem:$0x1B580] =	vst v63  }
0x13e: {  	_ =	swait.ge [sflag:s23], $0x2800  }
0x13f: {  	[sflag:s23] =	ssyncset.done $0x0  }
0x140: {  	[sflag:s23] =	ssyncadd.s32 $0xFFFFD800  }
0x141: {  	[spmem:s20] =	stream.linear.scatter [tilespmem:s11], [sflag:$0x3], $0x2400, $0x38;
	[tilespmem:$0x1B580] =	vst v63  }
0x142: {  	_ =	swait.ge [sflag:s23], $0x2400  }
0x143: {  	[sflag:s23] =	ssyncset.done $0x0  }
0x144: {  	[sflag:s23] =	ssyncadd.s32 $0xFFFFDC00  }
0x145: {  	[bflag:$0x0] =	sbarrier.arrive $0xFFFF  }
0x146: {  	s29 =	rddreg [dreg:$0xd]  }
0x147: {  	[tilespmem:s22], [sflag:$0x3] =	stream.linear.gather [hbm4b:s29+s22], $0x50, $0x38;
	[tilespmem:$0x1B580] =	vst v63  }
0x148: {  	_ =	swait.ge [sflag:s23], $0x50  }
0x149: {  	[sflag:s23] =	ssyncset.done $0x0  }
0x14a: {  	[sflag:s23] =	ssyncadd.s32 $0xFFFFFFB0  }
0x14b: {  	[tilespmem:s11], [sflag:$0x1] =	stream.indirect.gather [hbm4b:s0+s12], $0x80, s22, s12, $0xb8;
	[tilespmem:$0x1B580] =	vst v63  }
0x14c: {  	s18 =	sadd.s32 $0x0, s28  }
0x14d: {  	[tilespmem:s13], [sflag:$0x3] =	stream.linear.gather [hbm4b:s18+s4], $0x50, $0x38;
	[tilespmem:$0x1B580] =	vst v63  }
0x14e: {  	_ =	swait.ge [sflag:s23], $0x50  }
0x14f: {  	[sflag:s23] =	ssyncset.done $0x0  }
0x150: {  	[sflag:s23] =	ssyncadd.s32 $0xFFFFFFB0  }
0x151: {  	[tilespmem:s14], [sflag:$0x2] =	stream.indirect.gather [hbm4b:s0+s12], $0x80, s13, s12, $0xb8;
	[tilespmem:$0x1B580] =	vst v63  }
0x152: {  	s21 =	sadd.s32 $0x0, s24  }
0x153: {  	[tilespmem:s15], [sflag:$0x3] =	stream.linear.gather [hbm4b:s21+s4], $0x50, $0x38;
	[tilespmem:$0x1B580] =	vst v63  }
0x154: {  	_ =	swait.ge [sflag:s23], $0x50  }
0x155: {  	[sflag:s23] =	ssyncset.done $0x0  }
0x156: {  	[sflag:s23] =	ssyncadd.s32 $0xFFFFFFB0  }
0x157: {  	_ =	swait.ge [sflag:s16], $0x2800  }
0x158: {  	[sflag:s16] =	ssyncset.done $0x0  }
0x159: {  	[sflag:s16] =	ssyncadd.s32 $0xFFFFD800  }
0x15a: {  	[spmem:s2] =	stream.indirect.scatter.add.f32 [tilespmem:s11], [sflag:$0x3], $0x80, s15, s12, $0xb8;
	[tilespmem:$0x1B580] =	vst v63  }
0x15b: {  	_ =	swait.ge [sflag:s23], $0x2800  }
0x15c: {  	s22 =	sld [smem:$0x7F2]  }
0x15d: {  	[sflag:s23] =	ssyncset.done $0x0  }
0x15e: {  	[sflag:s23] =	ssyncadd.s32 $0xFFFFD800  }
0x15f: {  	[tilespmem:s4], [sflag:$0x3] =	stream.linear.gather [hbm4b:s22+s4], $0x50, $0x38;
	[tilespmem:$0x1B580] =	vst v63  }
0x160: {  	_ =	swait.ge [sflag:s23], $0x50  }
0x161: {  	[sflag:s23] =	ssyncset.done $0x0  }
0x162: {  	[sflag:s23] =	ssyncadd.s32 $0xFFFFFFB0  }
0x163: {  	[tilespmem:s11], [sflag:$0x1] =	stream.indirect.gather [hbm4b:s0+s12], $0x80, s4, s12, $0xb8;
	[tilespmem:$0x1B580] =	vst v63  }
0x164: {  	s25 =	sadd.s32 $0x0, s26  }
0x165: {  	[tilespmem:s15], [sflag:$0x3] =	stream.linear.gather [hbm4b:s25+s4], $0x50, $0x38;
	[tilespmem:$0x1B580] =	vst v63  }
0x166: {  	_ =	swait.ge [sflag:s23], $0x50  }
0x167: {  	[sflag:s23] =	ssyncset.done $0x0  }
0x168: {  	[sflag:s23] =	ssyncadd.s32 $0xFFFFFFB0  }
0x169: {  	_ =	swait.ge [sflag:s17], $0x2800  }
0x16a: {  	[sflag:s17] =	ssyncset.done $0x0  }
0x16b: {  	[sflag:s17] =	ssyncadd.s32 $0xFFFFD800  }
0x16c: {  	[spmem:s2] =	stream.indirect.scatter.add.f32 [tilespmem:s14], [sflag:$0x3], $0x80, s15, s12, $0xb8;
	[tilespmem:$0x1B580] =	vst v63  }
0x16d: {  	_ =	swait.ge [sflag:s23], $0x2800  }
0x16e: {  	s21 =	simm.s32 $0x28;
	s29 =	rddreg [dreg:$0x10]  }
0x16f: {  	s22 =	simm.s32 $0x14;
	[sflag:s23] =	ssyncset.done $0x0;
	s25 =	sadd.s32 $0xA0, s29  }
.LBB2_4:
0x170: {  	s5 =	sadd.s32 s22, s28  }
0x171: {  	[sflag:s23] =	ssyncadd.s32 $0xFFFFD800;
	s18 =	smov.u32 s21;
	s29 =	sadd.s32 $0x14, s21  }
0x172: {  	[tilespmem:s13], [sflag:$0x3] =	stream.linear.gather [hbm4b:s5+s4], $0x50, $0x38;
	[tilespmem:$0x1B580] =	vst v63  }
0x173: {  	p0 =	sne.s32 s21, $0x4C4;
	_ =	swait.ge [sflag:s23], $0x50  }
0x174: {  	[sflag:s23] =	ssyncset.done $0x0  }
0x175: {  	[sflag:s23] =	ssyncadd.s32 $0xFFFFFFB0  }
0x176: {  	[tilespmem:s14], [sflag:$0x2] =	stream.indirect.gather [hbm4b:s0+s12], $0x80, s13, s12, $0xb8;
	[tilespmem:$0x1B580] =	vst v63  }
0x177: {  	s5 =	sadd.s32 s22, s24  }
0x178: {  	[tilespmem:s15], [sflag:$0x3] =	stream.linear.gather [hbm4b:s5+s4], $0x50, $0x38;
	[tilespmem:$0x1B580] =	vst v63  }
0x179: {  	_ =	swait.ge [sflag:s23], $0x50  }
0x17a: {  	[sflag:s23] =	ssyncset.done $0x0  }
0x17b: {  	[sflag:s23] =	ssyncadd.s32 $0xFFFFFFB0  }
0x17c: {  	_ =	swait.ge [sflag:s16], $0x2800  }
0x17d: {  	[sflag:s16] =	ssyncset.done $0x0  }
0x17e: {  	[sflag:s16] =	ssyncadd.s32 $0xFFFFD800  }
0x17f: {  	[spmem:s2] =	stream.indirect.scatter.add.f32 [tilespmem:s11], [sflag:$0x3], $0x80, s15, s12, $0xb8;
	[tilespmem:$0x1B580] =	vst v63  }
0x180: {  	_ =	swait.ge [sflag:s23], $0x2800  }
0x181: {  	s5 =	sshrl.u32 s25, $0x3;
	[sflag:s23] =	ssyncset.done $0x0  }
0x182: {  	s5 =	sadd.s32 s1, s5;
	[sflag:s23] =	ssyncadd.s32 $0xFFFFD800  }
0x183: {  	[tilespmem:s4], [sflag:$0x3] =	stream.linear.gather [hbm4b:s5+s4], $0x50, $0x38;
	[tilespmem:$0x1B580] =	vst v63  }
0x184: {  	_ =	swait.ge [sflag:s23], $0x50  }
0x185: {  	[sflag:s23] =	ssyncset.done $0x0  }
0x186: {  	[sflag:s23] =	ssyncadd.s32 $0xFFFFFFB0  }
0x187: {  	[tilespmem:s11], [sflag:$0x1] =	stream.indirect.gather [hbm4b:s0+s12], $0x80, s4, s12, $0xb8;
	[tilespmem:$0x1B580] =	vst v63  }
0x188: {  	s5 =	sadd.s32 s22, s26;
	s22 =	smov.u32 s18  }
0x189: {  	[tilespmem:s15], [sflag:$0x3] =	stream.linear.gather [hbm4b:s5+s4], $0x50, $0x38;
	[tilespmem:$0x1B580] =	vst v63  }
0x18a: {  	_ =	swait.ge [sflag:s23], $0x50  }
0x18b: {  	[sflag:s23] =	ssyncset.done $0x0  }
0x18c: {  	[sflag:s23] =	ssyncadd.s32 $0xFFFFFFB0  }
0x18d: {  	_ =	swait.ge [sflag:s17], $0x2800  }
.Ltmp1:
0x18e: {  	[sflag:s17] =	ssyncset.done $0x0;
	(pc) =	sbr.rel @p0 .LBB2_4-.Ltmp1, $4  }
0x18f: {  	[sflag:s17] =	ssyncadd.s32 $0xFFFFD800  }
0x190: {  	[spmem:s2] =	stream.indirect.scatter.add.f32 [tilespmem:s14], [sflag:$0x3], $0x80, s15, s12, $0xb8;
	[tilespmem:$0x1B580] =	vst v63  }
0x191: {  	_ =	swait.ge [sflag:s23], $0x2800  }
0x192: {  	s21 =	smov.u32 s29;
	s25 =	sadd.s32 $0xA0, s25;
	[sflag:s23] =	ssyncset.done $0x0  }
0x193: {  	s5 =	sadd.s32 s22, s28;
	[sflag:s23] =	ssyncadd.s32 $0xFFFFD800  }
0x194: {  	[tilespmem:s13], [sflag:$0x3] =	stream.linear.gather [hbm4b:s5+s4], $0x50, $0x38;
	[tilespmem:$0x1B580] =	vst v63  }
0x195: {  	_ =	swait.ge [sflag:s23], $0x50  }
0x196: {  	[sflag:s23] =	ssyncset.done $0x0  }
0x197: {  	[sflag:s23] =	ssyncadd.s32 $0xFFFFFFB0  }
0x198: {  	[tilespmem:s14], [sflag:$0x2] =	stream.indirect.gather [hbm4b:s0+s12], $0x80, s13, s12, $0xb8;
	[tilespmem:$0x1B580] =	vst v63  }
0x199: {  	s18 =	sadd.s32 s22, s24  }
0x19a: {  	[tilespmem:s15], [sflag:$0x3] =	stream.linear.gather [hbm4b:s18+s4], $0x50, $0x38;
	[tilespmem:$0x1B580] =	vst v63  }
0x19b: {  	_ =	swait.ge [sflag:s23], $0x50  }
0x19c: {  	[sflag:s23] =	ssyncset.done $0x0  }
0x19d: {  	[sflag:s23] =	ssyncadd.s32 $0xFFFFFFB0  }
0x19e: {  	_ =	swait.ge [sflag:s16], $0x2800  }
0x19f: {  	[sflag:s16] =	ssyncset.done $0x0  }
0x1a0: {  	[sflag:s16] =	ssyncadd.s32 $0xFFFFD800  }
0x1a1: {  	[spmem:s2] =	stream.indirect.scatter.add.f32 [tilespmem:s11], [sflag:$0x3], $0x80, s15, s12, $0xb8;
	[tilespmem:$0x1B580] =	vst v63  }
0x1a2: {  	_ =	swait.ge [sflag:s23], $0x2800  }
0x1a3: {  	s21 =	sshrl.u32 s25, $0x3;
	[sflag:s23] =	ssyncset.done $0x0  }
0x1a4: {  	s5 =	sadd.s32 s1, s21;
	[sflag:s23] =	ssyncadd.s32 $0xFFFFD800  }
0x1a5: {  	[tilespmem:s4], [sflag:$0x3] =	stream.linear.gather [hbm4b:s5+s4], $0x50, $0x38;
	[tilespmem:$0x1B580] =	vst v63  }
0x1a6: {  	_ =	swait.ge [sflag:s23], $0x50  }
0x1a7: {  	[sflag:s23] =	ssyncset.done $0x0  }
0x1a8: {  	[sflag:s23] =	ssyncadd.s32 $0xFFFFFFB0  }
0x1a9: {  	[tilespmem:s11], [sflag:$0x1] =	stream.indirect.gather [hbm4b:s0+s12], $0x80, s4, s12, $0xb8;
	[tilespmem:$0x1B580] =	vst v63  }
0x1aa: {  	s25 =	sadd.s32 s22, s26  }
0x1ab: {  	[tilespmem:s15], [sflag:$0x3] =	stream.linear.gather [hbm4b:s25+s4], $0x50, $0x38;
	[tilespmem:$0x1B580] =	vst v63  }
0x1ac: {  	_ =	swait.ge [sflag:s23], $0x50  }
0x1ad: {  	[sflag:s23] =	ssyncset.done $0x0  }
0x1ae: {  	[sflag:s23] =	ssyncadd.s32 $0xFFFFFFB0  }
0x1af: {  	_ =	swait.ge [sflag:s17], $0x2800  }
0x1b0: {  	[sflag:s17] =	ssyncset.done $0x0  }
0x1b1: {  	[sflag:s17] =	ssyncadd.s32 $0xFFFFD800  }
0x1b2: {  	[spmem:s2] =	stream.indirect.scatter.add.f32 [tilespmem:s14], [sflag:$0x3], $0x80, s15, s12, $0xb8;
	[tilespmem:$0x1B580] =	vst v63  }
0x1b3: {  	_ =	swait.ge [sflag:s23], $0x2800  }
0x1b4: {  	[sflag:s23] =	ssyncset.done $0x0  }
0x1b5: {  	s22 =	simm.s32 $0x0;
	s18 =	rddreg [dreg:$0xe];
	[sflag:s23] =	ssyncadd.s32 $0xFFFFD800  }
0x1b6: {  	[tilespmem:s15], [sflag:$0x3] =	stream.linear.gather [hbm4b:s18+s22], $0x50, $0x38;
	[tilespmem:$0x1B580] =	vst v63  }
0x1b7: {  	_ =	swait.ge [sflag:s23], $0x50  }
0x1b8: {  	[sflag:s23] =	ssyncset.done $0x0  }
0x1b9: {  	[sflag:s23] =	ssyncadd.s32 $0xFFFFFFB0  }
0x1ba: {  	_ =	swait.ge [sflag:s16], $0x2800  }
0x1bb: {  	[sflag:s16] =	ssyncset.done $0x0  }
0x1bc: {  	[sflag:s16] =	ssyncadd.s32 $0xFFFFD800  }
0x1bd: {  	[spmem:s2] =	stream.indirect.scatter.add.f32 [tilespmem:s11], [sflag:$0x3], $0x80, s15, s12, $0xb8;
	[tilespmem:$0x1B580] =	vst v63  }
0x1be: {  	_ =	swait.ge [sflag:s23], $0x2800  }
0x1bf: {  	[sflag:s23] =	ssyncset.done $0x0  }
0x1c0: {  	[sflag:s23] =	ssyncadd.s32 $0xFFFFD800  }
0x1c1: {  	[bflag:$0x0] =	sbarrier.arrive $0xFFFF  }
0x1c2: {  	s5 =	rddreg [dreg:$0x4]  }
0x1c3: {  	[tilespmem:s11], [sflag:$0x3] =	stream.linear.gather [spmem:s5], $0x2800, $0x38;
	[tilespmem:$0x1B580] =	vst v63  }
0x1c4: {  	_ =	swait.ge [sflag:s23], $0x2800  }
0x1c5: {  	[sflag:s23] =	ssyncset.done $0x0  }
0x1c6: {  	s18 =	rddreg [dreg:$0x13];
	[sflag:s23] =	ssyncadd.s32 $0xFFFFD800  }
0x1c7: {  	[hbm4b:s18+s22] =	stream.linear.scatter [tilespmem:s11], [sflag:$0x3], $0x2800, $0x38;
	[tilespmem:$0x1B580] =	vst v63  }
0x1c8: {  	_ =	swait.ge [sflag:s23], $0x2800  }
0x1c9: {  	[sflag:s23] =	ssyncset.done $0x0  }
0x1ca: {  	[sflag:s23] =	ssyncadd.s32 $0xFFFFD800  }
0x1cb: {  	[tilespmem:s11], [sflag:$0x3] =	stream.linear.gather [spmem:s6], $0x2800, $0x38;
	[tilespmem:$0x1B580] =	vst v63  }
0x1cc: {  	_ =	swait.ge [sflag:s23], $0x2800  }
0x1cd: {  	[sflag:s23] =	ssyncset.done $0x0  }
0x1ce: {  	s21 =	rddreg [dreg:$0x14];
	[sflag:s23] =	ssyncadd.s32 $0xFFFFD800  }
0x1cf: {  	[hbm4b:s21+s22] =	stream.linear.scatter [tilespmem:s11], [sflag:$0x3], $0x2800, $0x38;
	[tilespmem:$0x1B580] =	vst v63  }
0x1d0: {  	_ =	swait.ge [sflag:s23], $0x2800  }
0x1d1: {  	[sflag:s23] =	ssyncset.done $0x0  }
0x1d2: {  	[sflag:s23] =	ssyncadd.s32 $0xFFFFD800  }
0x1d3: {  	[tilespmem:s11], [sflag:$0x3] =	stream.linear.gather [spmem:s7], $0x2800, $0x38;
	[tilespmem:$0x1B580] =	vst v63  }
0x1d4: {  	_ =	swait.ge [sflag:s23], $0x2800  }
0x1d5: {  	[sflag:s23] =	ssyncset.done $0x0  }
0x1d6: {  	s25 =	rddreg [dreg:$0x15];
	[sflag:s23] =	ssyncadd.s32 $0xFFFFD800  }
0x1d7: {  	[hbm4b:s25+s22] =	stream.linear.scatter [tilespmem:s11], [sflag:$0x3], $0x2800, $0x38;
	[tilespmem:$0x1B580] =	vst v63  }
0x1d8: {  	_ =	swait.ge [sflag:s23], $0x2800  }
0x1d9: {  	[sflag:s23] =	ssyncset.done $0x0  }
0x1da: {  	[sflag:s23] =	ssyncadd.s32 $0xFFFFD800  }
0x1db: {  	[tilespmem:s11], [sflag:$0x3] =	stream.linear.gather [spmem:s8], $0x2800, $0x38;
	[tilespmem:$0x1B580] =	vst v63  }
0x1dc: {  	_ =	swait.ge [sflag:s23], $0x2800  }
0x1dd: {  	[sflag:s23] =	ssyncset.done $0x0  }
0x1de: {  	s21 =	rddreg [dreg:$0x16];
	[sflag:s23] =	ssyncadd.s32 $0xFFFFD800  }
0x1df: {  	[hbm4b:s21+s22] =	stream.linear.scatter [tilespmem:s11], [sflag:$0x3], $0x2800, $0x38;
	[tilespmem:$0x1B580] =	vst v63  }
0x1e0: {  	_ =	swait.ge [sflag:s23], $0x2800  }
0x1e1: {  	[sflag:s23] =	ssyncset.done $0x0  }
0x1e2: {  	[sflag:s23] =	ssyncadd.s32 $0xFFFFD800  }
0x1e3: {  	[tilespmem:s11], [sflag:$0x3] =	stream.linear.gather [spmem:s9], $0x2800, $0x38;
	[tilespmem:$0x1B580] =	vst v63  }
0x1e4: {  	_ =	swait.ge [sflag:s23], $0x2800  }
0x1e5: {  	[sflag:s23] =	ssyncset.done $0x0  }
0x1e6: {  	s25 =	rddreg [dreg:$0x17];
	[sflag:s23] =	ssyncadd.s32 $0xFFFFD800  }
0x1e7: {  	[hbm4b:s25+s22] =	stream.linear.scatter [tilespmem:s11], [sflag:$0x3], $0x2800, $0x38;
	[tilespmem:$0x1B580] =	vst v63  }
0x1e8: {  	_ =	swait.ge [sflag:s23], $0x2800  }
0x1e9: {  	[sflag:s23] =	ssyncset.done $0x0  }
0x1ea: {  	[sflag:s23] =	ssyncadd.s32 $0xFFFFD800  }
0x1eb: {  	[tilespmem:s11], [sflag:$0x3] =	stream.linear.gather [spmem:s10], $0x2800, $0x38;
	[tilespmem:$0x1B580] =	vst v63  }
0x1ec: {  	_ =	swait.ge [sflag:s23], $0x2800  }
0x1ed: {  	[sflag:s23] =	ssyncset.done $0x0  }
0x1ee: {  	s21 =	rddreg [dreg:$0x18];
	[sflag:s23] =	ssyncadd.s32 $0xFFFFD800  }
0x1ef: {  	[hbm4b:s21+s22] =	stream.linear.scatter [tilespmem:s11], [sflag:$0x3], $0x2800, $0x38;
	[tilespmem:$0x1B580] =	vst v63  }
0x1f0: {  	_ =	swait.ge [sflag:s23], $0x2800  }
0x1f1: {  	[sflag:s23] =	ssyncset.done $0x0  }
0x1f2: {  	[sflag:s23] =	ssyncadd.s32 $0xFFFFD800  }
0x1f3: {  	[tilespmem:s11], [sflag:$0x3] =	stream.linear.gather [spmem:s19], $0x2800, $0x38;
	[tilespmem:$0x1B580] =	vst v63  }
0x1f4: {  	_ =	swait.ge [sflag:s23], $0x2800  }
0x1f5: {  	[sflag:s23] =	ssyncset.done $0x0  }
0x1f6: {  	s25 =	rddreg [dreg:$0x19];
	[sflag:s23] =	ssyncadd.s32 $0xFFFFD800  }
0x1f7: {  	[hbm4b:s25+s22] =	stream.linear.scatter [tilespmem:s11], [sflag:$0x3], $0x2800, $0x38;
	[tilespmem:$0x1B580] =	vst v63  }
0x1f8: {  	_ =	swait.ge [sflag:s23], $0x2800  }
0x1f9: {  	[sflag:s23] =	ssyncset.done $0x0  }
0x1fa: {  	[sflag:s23] =	ssyncadd.s32 $0xFFFFD800  }
0x1fb: {  	[tilespmem:s11], [sflag:$0x3] =	stream.linear.gather [spmem:s20], $0x2400, $0x38;
	[tilespmem:$0x1B580] =	vst v63  }
0x1fc: {  	_ =	swait.ge [sflag:s23], $0x2400  }
0x1fd: {  	[sflag:s23] =	ssyncset.done $0x0  }
0x1fe: {  	s21 =	rddreg [dreg:$0x1a];
	[sflag:s23] =	ssyncadd.s32 $0xFFFFDC00  }
0x1ff: {  	[hbm4b:s21+s22] =	stream.linear.scatter [tilespmem:s11], [sflag:$0x3], $0x2400, $0x38;
	[tilespmem:$0x1B580] =	vst v63  }
0x200: {  	_ =	swait.ge [sflag:s23], $0x2400  }
0x201: {  	[sflag:s23] =	ssyncset.done $0x0  }
0x202: {  	s25 =	rddreg [dreg:$0x11];
	[sflag:s23] =	ssyncadd.s32 $0xFFFFDC00  }
0x203: {  	[tilespmem:s11], [sflag:$0x3] =	stream.linear.gather [hbm4b:s25+s22], $0x2800, $0x38;
	[tilespmem:$0x1B580] =	vst v63  }
0x204: {  	_ =	swait.ge [sflag:s23], $0x2800  }
0x205: {  	[sflag:s23] =	ssyncset.done $0x0  }
0x206: {  	[sflag:s23] =	ssyncadd.s32 $0xFFFFD800  }
0x207: {  	[spmem:s5] =	stream.linear.scatter [tilespmem:s11], [sflag:$0x3], $0x2800, $0x38;
	[tilespmem:$0x1B580] =	vst v63  }
0x208: {  	_ =	swait.ge [sflag:s23], $0x2800  }
0x209: {  	[sflag:s23] =	ssyncset.done $0x0  }
0x20a: {  	[sflag:s23] =	ssyncadd.s32 $0xFFFFD800  }
0x20b: {  	[spmem:s6] =	stream.linear.scatter [tilespmem:s11], [sflag:$0x3], $0x2800, $0x38;
	[tilespmem:$0x1B580] =	vst v63  }
0x20c: {  	_ =	swait.ge [sflag:s23], $0x2800  }
0x20d: {  	[sflag:s23] =	ssyncset.done $0x0  }
0x20e: {  	[sflag:s23] =	ssyncadd.s32 $0xFFFFD800  }
0x20f: {  	[spmem:s7] =	stream.linear.scatter [tilespmem:s11], [sflag:$0x3], $0x2800, $0x38;
	[tilespmem:$0x1B580] =	vst v63  }
0x210: {  	_ =	swait.ge [sflag:s23], $0x2800  }
0x211: {  	[sflag:s23] =	ssyncset.done $0x0  }
0x212: {  	[sflag:s23] =	ssyncadd.s32 $0xFFFFD800  }
0x213: {  	[spmem:s8] =	stream.linear.scatter [tilespmem:s11], [sflag:$0x3], $0x2800, $0x38;
	[tilespmem:$0x1B580] =	vst v63  }
0x214: {  	_ =	swait.ge [sflag:s23], $0x2800  }
0x215: {  	[sflag:s23] =	ssyncset.done $0x0  }
0x216: {  	[sflag:s23] =	ssyncadd.s32 $0xFFFFD800  }
0x217: {  	[spmem:s9] =	stream.linear.scatter [tilespmem:s11], [sflag:$0x3], $0x2800, $0x38;
	[tilespmem:$0x1B580] =	vst v63  }
0x218: {  	_ =	swait.ge [sflag:s23], $0x2800  }
0x219: {  	[sflag:s23] =	ssyncset.done $0x0  }
0x21a: {  	[sflag:s23] =	ssyncadd.s32 $0xFFFFD800  }
0x21b: {  	[spmem:s10] =	stream.linear.scatter [tilespmem:s11], [sflag:$0x3], $0x2800, $0x38;
	[tilespmem:$0x1B580] =	vst v63  }
0x21c: {  	_ =	swait.ge [sflag:s23], $0x2800  }
0x21d: {  	[sflag:s23] =	ssyncset.done $0x0  }
0x21e: {  	[sflag:s23] =	ssyncadd.s32 $0xFFFFD800  }
0x21f: {  	[spmem:s19] =	stream.linear.scatter [tilespmem:s11], [sflag:$0x3], $0x2800, $0x38;
	[tilespmem:$0x1B580] =	vst v63  }
0x220: {  	_ =	swait.ge [sflag:s23], $0x2800  }
0x221: {  	[sflag:s23] =	ssyncset.done $0x0  }
0x222: {  	[sflag:s23] =	ssyncadd.s32 $0xFFFFD800  }
0x223: {  	[spmem:s20] =	stream.linear.scatter [tilespmem:s11], [sflag:$0x3], $0x2400, $0x38;
	[tilespmem:$0x1B580] =	vst v63  }
0x224: {  	_ =	swait.ge [sflag:s23], $0x2400  }
0x225: {  	[sflag:s23] =	ssyncset.done $0x0  }
0x226: {  	[sflag:s23] =	ssyncadd.s32 $0xFFFFDC00  }
0x227: {  	[bflag:$0x0] =	sbarrier.arrive $0xFFFF  }
0x228: {  	s21 =	rddreg [dreg:$0xd]  }
0x229: {  	[tilespmem:s22], [sflag:$0x3] =	stream.linear.gather [hbm4b:s21+s22], $0x50, $0x38;
	[tilespmem:$0x1B580] =	vst v63  }
0x22a: {  	_ =	swait.ge [sflag:s23], $0x50  }
0x22b: {  	[sflag:s23] =	ssyncset.done $0x0  }
0x22c: {  	[sflag:s23] =	ssyncadd.s32 $0xFFFFFFB0  }
0x22d: {  	[tilespmem:s11], [sflag:$0x1] =	stream.indirect.gather [hbm4b:s30+s12], $0x80, s22, s12, $0xb8;
	[tilespmem:$0x1B580] =	vst v63  }
0x22e: {  	s25 =	sadd.s32 $0x0, s28  }
0x22f: {  	[tilespmem:s13], [sflag:$0x3] =	stream.linear.gather [hbm4b:s25+s4], $0x50, $0x38;
	[tilespmem:$0x1B580] =	vst v63  }
0x230: {  	_ =	swait.ge [sflag:s23], $0x50  }
0x231: {  	[sflag:s23] =	ssyncset.done $0x0  }
0x232: {  	[sflag:s23] =	ssyncadd.s32 $0xFFFFFFB0  }
0x233: {  	[tilespmem:s14], [sflag:$0x2] =	stream.indirect.gather [hbm4b:s30+s12], $0x80, s13, s12, $0xb8;
	[tilespmem:$0x1B580] =	vst v63  }
0x234: {  	s18 =	sadd.s32 $0x0, s24  }
0x235: {  	[tilespmem:s15], [sflag:$0x3] =	stream.linear.gather [hbm4b:s18+s4], $0x50, $0x38;
	[tilespmem:$0x1B580] =	vst v63  }
0x236: {  	_ =	swait.ge [sflag:s23], $0x50  }
0x237: {  	[sflag:s23] =	ssyncset.done $0x0  }
0x238: {  	[sflag:s23] =	ssyncadd.s32 $0xFFFFFFB0  }
0x239: {  	_ =	swait.ge [sflag:s16], $0x2800  }
0x23a: {  	[sflag:s16] =	ssyncset.done $0x0  }
0x23b: {  	[sflag:s16] =	ssyncadd.s32 $0xFFFFD800  }
0x23c: {  	[spmem:s2] =	stream.indirect.scatter.add.f32 [tilespmem:s11], [sflag:$0x3], $0x80, s15, s12, $0xb8;
	[tilespmem:$0x1B580] =	vst v63  }
0x23d: {  	_ =	swait.ge [sflag:s23], $0x2800  }
0x23e: {  	s21 =	sld [smem:$0x7F2]  }
0x23f: {  	[sflag:s23] =	ssyncset.done $0x0  }
0x240: {  	[sflag:s23] =	ssyncadd.s32 $0xFFFFD800  }
0x241: {  	[tilespmem:s4], [sflag:$0x3] =	stream.linear.gather [hbm4b:s21+s4], $0x50, $0x38;
	[tilespmem:$0x1B580] =	vst v63  }
0x242: {  	_ =	swait.ge [sflag:s23], $0x50  }
0x243: {  	[sflag:s23] =	ssyncset.done $0x0  }
0x244: {  	[sflag:s23] =	ssyncadd.s32 $0xFFFFFFB0  }
0x245: {  	[tilespmem:s11], [sflag:$0x1] =	stream.indirect.gather [hbm4b:s30+s12], $0x80, s4, s12, $0xb8;
	[tilespmem:$0x1B580] =	vst v63  }
0x246: {  	s22 =	sadd.s32 $0x0, s26  }
0x247: {  	[tilespmem:s15], [sflag:$0x3] =	stream.linear.gather [hbm4b:s22+s4], $0x50, $0x38;
	[tilespmem:$0x1B580] =	vst v63  }
0x248: {  	_ =	swait.ge [sflag:s23], $0x50  }
0x249: {  	[sflag:s23] =	ssyncset.done $0x0  }
0x24a: {  	[sflag:s23] =	ssyncadd.s32 $0xFFFFFFB0  }
0x24b: {  	_ =	swait.ge [sflag:s17], $0x2800  }
0x24c: {  	[sflag:s17] =	ssyncset.done $0x0  }
0x24d: {  	[sflag:s17] =	ssyncadd.s32 $0xFFFFD800  }
0x24e: {  	[spmem:s2] =	stream.indirect.scatter.add.f32 [tilespmem:s14], [sflag:$0x3], $0x80, s15, s12, $0xb8;
	[tilespmem:$0x1B580] =	vst v63  }
0x24f: {  	_ =	swait.ge [sflag:s23], $0x2800  }
0x250: {  	s29 =	simm.s32 $0x28;
	s25 =	rddreg [dreg:$0x10]  }
0x251: {  	s21 =	simm.s32 $0x14;
	[sflag:s23] =	ssyncset.done $0x0;
	s22 =	sadd.s32 $0xA0, s25  }
.LBB2_6:
0x252: {  	s5 =	sadd.s32 s21, s28  }
0x253: {  	[sflag:s23] =	ssyncadd.s32 $0xFFFFD800;
	s18 =	smov.u32 s29;
	s25 =	sadd.s32 $0x14, s29  }
0x254: {  	[tilespmem:s13], [sflag:$0x3] =	stream.linear.gather [hbm4b:s5+s4], $0x50, $0x38;
	[tilespmem:$0x1B580] =	vst v63  }
0x255: {  	p0 =	sne.s32 s29, $0x4C4;
	_ =	swait.ge [sflag:s23], $0x50  }
0x256: {  	[sflag:s23] =	ssyncset.done $0x0  }
0x257: {  	[sflag:s23] =	ssyncadd.s32 $0xFFFFFFB0  }
0x258: {  	[tilespmem:s14], [sflag:$0x2] =	stream.indirect.gather [hbm4b:s30+s12], $0x80, s13, s12, $0xb8;
	[tilespmem:$0x1B580] =	vst v63  }
0x259: {  	s5 =	sadd.s32 s21, s24  }
0x25a: {  	[tilespmem:s15], [sflag:$0x3] =	stream.linear.gather [hbm4b:s5+s4], $0x50, $0x38;
	[tilespmem:$0x1B580] =	vst v63  }
0x25b: {  	_ =	swait.ge [sflag:s23], $0x50  }
0x25c: {  	[sflag:s23] =	ssyncset.done $0x0  }
0x25d: {  	[sflag:s23] =	ssyncadd.s32 $0xFFFFFFB0  }
0x25e: {  	_ =	swait.ge [sflag:s16], $0x2800  }
0x25f: {  	[sflag:s16] =	ssyncset.done $0x0  }
0x260: {  	[sflag:s16] =	ssyncadd.s32 $0xFFFFD800  }
0x261: {  	[spmem:s2] =	stream.indirect.scatter.add.f32 [tilespmem:s11], [sflag:$0x3], $0x80, s15, s12, $0xb8;
	[tilespmem:$0x1B580] =	vst v63  }
0x262: {  	_ =	swait.ge [sflag:s23], $0x2800  }
0x263: {  	s5 =	sshrl.u32 s22, $0x3;
	[sflag:s23] =	ssyncset.done $0x0  }
0x264: {  	s5 =	sadd.s32 s1, s5;
	[sflag:s23] =	ssyncadd.s32 $0xFFFFD800  }
0x265: {  	[tilespmem:s4], [sflag:$0x3] =	stream.linear.gather [hbm4b:s5+s4], $0x50, $0x38;
	[tilespmem:$0x1B580] =	vst v63  }
0x266: {  	_ =	swait.ge [sflag:s23], $0x50  }
0x267: {  	[sflag:s23] =	ssyncset.done $0x0  }
0x268: {  	[sflag:s23] =	ssyncadd.s32 $0xFFFFFFB0  }
0x269: {  	[tilespmem:s11], [sflag:$0x1] =	stream.indirect.gather [hbm4b:s30+s12], $0x80, s4, s12, $0xb8;
	[tilespmem:$0x1B580] =	vst v63  }
0x26a: {  	s5 =	sadd.s32 s21, s26;
	s21 =	smov.u32 s18  }
0x26b: {  	[tilespmem:s15], [sflag:$0x3] =	stream.linear.gather [hbm4b:s5+s4], $0x50, $0x38;
	[tilespmem:$0x1B580] =	vst v63  }
0x26c: {  	_ =	swait.ge [sflag:s23], $0x50  }
0x26d: {  	[sflag:s23] =	ssyncset.done $0x0  }
0x26e: {  	[sflag:s23] =	ssyncadd.s32 $0xFFFFFFB0  }
0x26f: {  	_ =	swait.ge [sflag:s17], $0x2800  }
.Ltmp2:
0x270: {  	[sflag:s17] =	ssyncset.done $0x0;
	(pc) =	sbr.rel @p0 .LBB2_6-.Ltmp2, $4  }
0x271: {  	[sflag:s17] =	ssyncadd.s32 $0xFFFFD800  }
0x272: {  	[spmem:s2] =	stream.indirect.scatter.add.f32 [tilespmem:s14], [sflag:$0x3], $0x80, s15, s12, $0xb8;
	[tilespmem:$0x1B580] =	vst v63  }
0x273: {  	_ =	swait.ge [sflag:s23], $0x2800  }
0x274: {  	s29 =	smov.u32 s25;
	s22 =	sadd.s32 $0xA0, s22;
	[sflag:s23] =	ssyncset.done $0x0  }
0x275: {  	s5 =	sadd.s32 s21, s28;
	[sflag:s23] =	ssyncadd.s32 $0xFFFFD800  }
0x276: {  	[tilespmem:s13], [sflag:$0x3] =	stream.linear.gather [hbm4b:s5+s4], $0x50, $0x38;
	[tilespmem:$0x1B580] =	vst v63  }
0x277: {  	_ =	swait.ge [sflag:s23], $0x50  }
0x278: {  	[sflag:s23] =	ssyncset.done $0x0  }
0x279: {  	[sflag:s23] =	ssyncadd.s32 $0xFFFFFFB0  }
0x27a: {  	[tilespmem:s14], [sflag:$0x2] =	stream.indirect.gather [hbm4b:s30+s12], $0x80, s13, s12, $0xb8;
	[tilespmem:$0x1B580] =	vst v63  }
0x27b: {  	s29 =	sadd.s32 s21, s24  }
0x27c: {  	[tilespmem:s15], [sflag:$0x3] =	stream.linear.gather [hbm4b:s29+s4], $0x50, $0x38;
	[tilespmem:$0x1B580] =	vst v63  }
0x27d: {  	_ =	swait.ge [sflag:s23], $0x50  }
0x27e: {  	[sflag:s23] =	ssyncset.done $0x0  }
0x27f: {  	[sflag:s23] =	ssyncadd.s32 $0xFFFFFFB0  }
0x280: {  	_ =	swait.ge [sflag:s16], $0x2800  }
0x281: {  	[sflag:s16] =	ssyncset.done $0x0  }
0x282: {  	[sflag:s16] =	ssyncadd.s32 $0xFFFFD800  }
0x283: {  	[spmem:s2] =	stream.indirect.scatter.add.f32 [tilespmem:s11], [sflag:$0x3], $0x80, s15, s12, $0xb8;
	[tilespmem:$0x1B580] =	vst v63  }
0x284: {  	_ =	swait.ge [sflag:s23], $0x2800  }
0x285: {  	s18 =	sshrl.u32 s22, $0x3;
	[sflag:s23] =	ssyncset.done $0x0  }
0x286: {  	s5 =	sadd.s32 s1, s18;
	[sflag:s23] =	ssyncadd.s32 $0xFFFFD800  }
0x287: {  	[tilespmem:s4], [sflag:$0x3] =	stream.linear.gather [hbm4b:s5+s4], $0x50, $0x38;
	[tilespmem:$0x1B580] =	vst v63  }
0x288: {  	_ =	swait.ge [sflag:s23], $0x50  }
0x289: {  	[sflag:s23] =	ssyncset.done $0x0  }
0x28a: {  	[sflag:s23] =	ssyncadd.s32 $0xFFFFFFB0  }
0x28b: {  	[tilespmem:s11], [sflag:$0x1] =	stream.indirect.gather [hbm4b:s30+s12], $0x80, s4, s12, $0xb8;
	[tilespmem:$0x1B580] =	vst v63  }
0x28c: {  	s22 =	sadd.s32 s21, s26  }
0x28d: {  	[tilespmem:s15], [sflag:$0x3] =	stream.linear.gather [hbm4b:s22+s4], $0x50, $0x38;
	[tilespmem:$0x1B580] =	vst v63  }
0x28e: {  	_ =	swait.ge [sflag:s23], $0x50  }
0x28f: {  	[sflag:s23] =	ssyncset.done $0x0  }
0x290: {  	[sflag:s23] =	ssyncadd.s32 $0xFFFFFFB0  }
0x291: {  	_ =	swait.ge [sflag:s17], $0x2800  }
0x292: {  	[sflag:s17] =	ssyncset.done $0x0  }
0x293: {  	[sflag:s17] =	ssyncadd.s32 $0xFFFFD800  }
0x294: {  	[spmem:s2] =	stream.indirect.scatter.add.f32 [tilespmem:s14], [sflag:$0x3], $0x80, s15, s12, $0xb8;
	[tilespmem:$0x1B580] =	vst v63  }
0x295: {  	_ =	swait.ge [sflag:s23], $0x2800  }
0x296: {  	[sflag:s23] =	ssyncset.done $0x0  }
0x297: {  	s21 =	simm.s32 $0x0;
	s25 =	rddreg [dreg:$0xe];
	[sflag:s23] =	ssyncadd.s32 $0xFFFFD800  }
0x298: {  	[tilespmem:s15], [sflag:$0x3] =	stream.linear.gather [hbm4b:s25+s21], $0x50, $0x38;
	[tilespmem:$0x1B580] =	vst v63  }
0x299: {  	_ =	swait.ge [sflag:s23], $0x50  }
0x29a: {  	[sflag:s23] =	ssyncset.done $0x0  }
0x29b: {  	[sflag:s23] =	ssyncadd.s32 $0xFFFFFFB0  }
0x29c: {  	_ =	swait.ge [sflag:s16], $0x2800  }
0x29d: {  	[sflag:s16] =	ssyncset.done $0x0  }
0x29e: {  	[sflag:s16] =	ssyncadd.s32 $0xFFFFD800  }
0x29f: {  	[spmem:s2] =	stream.indirect.scatter.add.f32 [tilespmem:s11], [sflag:$0x3], $0x80, s15, s12, $0xb8;
	[tilespmem:$0x1B580] =	vst v63  }
0x2a0: {  	_ =	swait.ge [sflag:s23], $0x2800  }
0x2a1: {  	[sflag:s23] =	ssyncset.done $0x0  }
0x2a2: {  	[sflag:s23] =	ssyncadd.s32 $0xFFFFD800  }
0x2a3: {  	[bflag:$0x0] =	sbarrier.arrive $0xFFFF  }
0x2a4: {  	s25 =	rddreg [dreg:$0x4]  }
0x2a5: {  	[tilespmem:s11], [sflag:$0x3] =	stream.linear.gather [spmem:s25], $0x2800, $0x38;
	[tilespmem:$0x1B580] =	vst v63  }
0x2a6: {  	_ =	swait.ge [sflag:s23], $0x2800  }
0x2a7: {  	[sflag:s23] =	ssyncset.done $0x0  }
0x2a8: {  	s29 =	rddreg [dreg:$0x1b];
	[sflag:s23] =	ssyncadd.s32 $0xFFFFD800  }
0x2a9: {  	[hbm4b:s29+s21] =	stream.linear.scatter [tilespmem:s11], [sflag:$0x3], $0x2800, $0x38;
	[tilespmem:$0x1B580] =	vst v63  }
0x2aa: {  	_ =	swait.ge [sflag:s23], $0x2800  }
0x2ab: {  	[sflag:s23] =	ssyncset.done $0x0  }
0x2ac: {  	[sflag:s23] =	ssyncadd.s32 $0xFFFFD800  }
0x2ad: {  	[tilespmem:s11], [sflag:$0x3] =	stream.linear.gather [spmem:s6], $0x2800, $0x38;
	[tilespmem:$0x1B580] =	vst v63  }
0x2ae: {  	_ =	swait.ge [sflag:s23], $0x2800  }
0x2af: {  	[sflag:s23] =	ssyncset.done $0x0  }
0x2b0: {  	s18 =	rddreg [dreg:$0x1c];
	[sflag:s23] =	ssyncadd.s32 $0xFFFFD800  }
0x2b1: {  	[hbm4b:s18+s21] =	stream.linear.scatter [tilespmem:s11], [sflag:$0x3], $0x2800, $0x38;
	[tilespmem:$0x1B580] =	vst v63  }
0x2b2: {  	_ =	swait.ge [sflag:s23], $0x2800  }
0x2b3: {  	[sflag:s23] =	ssyncset.done $0x0  }
0x2b4: {  	[sflag:s23] =	ssyncadd.s32 $0xFFFFD800  }
0x2b5: {  	[tilespmem:s11], [sflag:$0x3] =	stream.linear.gather [spmem:s7], $0x2800, $0x38;
	[tilespmem:$0x1B580] =	vst v63  }
0x2b6: {  	_ =	swait.ge [sflag:s23], $0x2800  }
0x2b7: {  	[sflag:s23] =	ssyncset.done $0x0  }
0x2b8: {  	s22 =	rddreg [dreg:$0x1d];
	[sflag:s23] =	ssyncadd.s32 $0xFFFFD800  }
0x2b9: {  	[hbm4b:s22+s21] =	stream.linear.scatter [tilespmem:s11], [sflag:$0x3], $0x2800, $0x38;
	[tilespmem:$0x1B580] =	vst v63  }
0x2ba: {  	_ =	swait.ge [sflag:s23], $0x2800  }
0x2bb: {  	[sflag:s23] =	ssyncset.done $0x0  }
0x2bc: {  	[sflag:s23] =	ssyncadd.s32 $0xFFFFD800  }
0x2bd: {  	[tilespmem:s11], [sflag:$0x3] =	stream.linear.gather [spmem:s8], $0x2800, $0x38;
	[tilespmem:$0x1B580] =	vst v63  }
0x2be: {  	_ =	swait.ge [sflag:s23], $0x2800  }
0x2bf: {  	[sflag:s23] =	ssyncset.done $0x0  }
0x2c0: {  	s29 =	rddreg [dreg:$0x1e];
	[sflag:s23] =	ssyncadd.s32 $0xFFFFD800  }
0x2c1: {  	[hbm4b:s29+s21] =	stream.linear.scatter [tilespmem:s11], [sflag:$0x3], $0x2800, $0x38;
	[tilespmem:$0x1B580] =	vst v63  }
0x2c2: {  	_ =	swait.ge [sflag:s23], $0x2800  }
0x2c3: {  	[sflag:s23] =	ssyncset.done $0x0  }
0x2c4: {  	[sflag:s23] =	ssyncadd.s32 $0xFFFFD800  }
0x2c5: {  	[tilespmem:s11], [sflag:$0x3] =	stream.linear.gather [spmem:s9], $0x2800, $0x38;
	[tilespmem:$0x1B580] =	vst v63  }
0x2c6: {  	_ =	swait.ge [sflag:s23], $0x2800  }
0x2c7: {  	[sflag:s23] =	ssyncset.done $0x0  }
0x2c8: {  	s18 =	rddreg [dreg:$0x1f];
	[sflag:s23] =	ssyncadd.s32 $0xFFFFD800  }
0x2c9: {  	[hbm4b:s18+s21] =	stream.linear.scatter [tilespmem:s11], [sflag:$0x3], $0x2800, $0x38;
	[tilespmem:$0x1B580] =	vst v63  }
0x2ca: {  	_ =	swait.ge [sflag:s23], $0x2800  }
0x2cb: {  	[sflag:s23] =	ssyncset.done $0x0  }
0x2cc: {  	[sflag:s23] =	ssyncadd.s32 $0xFFFFD800  }
0x2cd: {  	[tilespmem:s11], [sflag:$0x3] =	stream.linear.gather [spmem:s10], $0x2800, $0x38;
	[tilespmem:$0x1B580] =	vst v63  }
0x2ce: {  	_ =	swait.ge [sflag:s23], $0x2800  }
0x2cf: {  	s22 =	sld [smem:$0x7F3]  }
0x2d0: {  	[sflag:s23] =	ssyncset.done $0x0  }
0x2d1: {  	[sflag:s23] =	ssyncadd.s32 $0xFFFFD800  }
0x2d2: {  	[hbm4b:s22+s21] =	stream.linear.scatter [tilespmem:s11], [sflag:$0x3], $0x2800, $0x38;
	[tilespmem:$0x1B580] =	vst v63  }
0x2d3: {  	_ =	swait.ge [sflag:s23], $0x2800  }
0x2d4: {  	[sflag:s23] =	ssyncset.done $0x0  }
0x2d5: {  	[sflag:s23] =	ssyncadd.s32 $0xFFFFD800  }
0x2d6: {  	[tilespmem:s11], [sflag:$0x3] =	stream.linear.gather [spmem:s19], $0x2800, $0x38;
	[tilespmem:$0x1B580] =	vst v63  }
0x2d7: {  	_ =	swait.ge [sflag:s23], $0x2800  }
0x2d8: {  	s29 =	sld [smem:$0x7F4]  }
0x2d9: {  	[sflag:s23] =	ssyncset.done $0x0  }
0x2da: {  	[sflag:s23] =	ssyncadd.s32 $0xFFFFD800  }
0x2db: {  	[hbm4b:s29+s21] =	stream.linear.scatter [tilespmem:s11], [sflag:$0x3], $0x2800, $0x38;
	[tilespmem:$0x1B580] =	vst v63  }
0x2dc: {  	_ =	swait.ge [sflag:s23], $0x2800  }
0x2dd: {  	[sflag:s23] =	ssyncset.done $0x0  }
0x2de: {  	[sflag:s23] =	ssyncadd.s32 $0xFFFFD800  }
0x2df: {  	[tilespmem:s11], [sflag:$0x3] =	stream.linear.gather [spmem:s20], $0x2400, $0x38;
	[tilespmem:$0x1B580] =	vst v63  }
0x2e0: {  	_ =	swait.ge [sflag:s23], $0x2400  }
0x2e1: {  	s18 =	sld [smem:$0x7F5]  }
0x2e2: {  	[sflag:s23] =	ssyncset.done $0x0  }
0x2e3: {  	[sflag:s23] =	ssyncadd.s32 $0xFFFFDC00  }
0x2e4: {  	[hbm4b:s18+s21] =	stream.linear.scatter [tilespmem:s11], [sflag:$0x3], $0x2400, $0x38;
	[tilespmem:$0x1B580] =	vst v63  }
0x2e5: {  	_ =	swait.ge [sflag:s23], $0x2400  }
0x2e6: {  	[sflag:s23] =	ssyncset.done $0x0  }
0x2e7: {  	s22 =	rddreg [dreg:$0x11];
	[sflag:s23] =	ssyncadd.s32 $0xFFFFDC00  }
0x2e8: {  	[tilespmem:s11], [sflag:$0x3] =	stream.linear.gather [hbm4b:s22+s21], $0x2800, $0x38;
	[tilespmem:$0x1B580] =	vst v63  }
0x2e9: {  	_ =	swait.ge [sflag:s23], $0x2800  }
0x2ea: {  	[sflag:s23] =	ssyncset.done $0x0  }
0x2eb: {  	[sflag:s23] =	ssyncadd.s32 $0xFFFFD800  }
0x2ec: {  	[spmem:s25] =	stream.linear.scatter [tilespmem:s11], [sflag:$0x3], $0x2800, $0x38;
	[tilespmem:$0x1B580] =	vst v63  }
0x2ed: {  	_ =	swait.ge [sflag:s23], $0x2800  }
0x2ee: {  	[sflag:s23] =	ssyncset.done $0x0  }
0x2ef: {  	[sflag:s23] =	ssyncadd.s32 $0xFFFFD800  }
0x2f0: {  	[spmem:s6] =	stream.linear.scatter [tilespmem:s11], [sflag:$0x3], $0x2800, $0x38;
	[tilespmem:$0x1B580] =	vst v63  }
0x2f1: {  	_ =	swait.ge [sflag:s23], $0x2800  }
0x2f2: {  	[sflag:s23] =	ssyncset.done $0x0  }
0x2f3: {  	[sflag:s23] =	ssyncadd.s32 $0xFFFFD800  }
0x2f4: {  	[spmem:s7] =	stream.linear.scatter [tilespmem:s11], [sflag:$0x3], $0x2800, $0x38;
	[tilespmem:$0x1B580] =	vst v63  }
0x2f5: {  	_ =	swait.ge [sflag:s23], $0x2800  }
0x2f6: {  	[sflag:s23] =	ssyncset.done $0x0  }
0x2f7: {  	[sflag:s23] =	ssyncadd.s32 $0xFFFFD800  }
0x2f8: {  	[spmem:s8] =	stream.linear.scatter [tilespmem:s11], [sflag:$0x3], $0x2800, $0x38;
	[tilespmem:$0x1B580] =	vst v63  }
0x2f9: {  	_ =	swait.ge [sflag:s23], $0x2800  }
0x2fa: {  	[sflag:s23] =	ssyncset.done $0x0  }
0x2fb: {  	[sflag:s23] =	ssyncadd.s32 $0xFFFFD800  }
0x2fc: {  	[spmem:s9] =	stream.linear.scatter [tilespmem:s11], [sflag:$0x3], $0x2800, $0x38;
	[tilespmem:$0x1B580] =	vst v63  }
0x2fd: {  	_ =	swait.ge [sflag:s23], $0x2800  }
0x2fe: {  	[sflag:s23] =	ssyncset.done $0x0  }
0x2ff: {  	[sflag:s23] =	ssyncadd.s32 $0xFFFFD800  }
0x300: {  	[spmem:s10] =	stream.linear.scatter [tilespmem:s11], [sflag:$0x3], $0x2800, $0x38;
	[tilespmem:$0x1B580] =	vst v63  }
0x301: {  	_ =	swait.ge [sflag:s23], $0x2800  }
0x302: {  	[sflag:s23] =	ssyncset.done $0x0  }
0x303: {  	[sflag:s23] =	ssyncadd.s32 $0xFFFFD800  }
0x304: {  	[spmem:s19] =	stream.linear.scatter [tilespmem:s11], [sflag:$0x3], $0x2800, $0x38;
	[tilespmem:$0x1B580] =	vst v63  }
0x305: {  	_ =	swait.ge [sflag:s23], $0x2800  }
0x306: {  	[sflag:s23] =	ssyncset.done $0x0  }
0x307: {  	[sflag:s23] =	ssyncadd.s32 $0xFFFFD800  }
0x308: {  	[spmem:s20] =	stream.linear.scatter [tilespmem:s11], [sflag:$0x3], $0x2400, $0x38;
	[tilespmem:$0x1B580] =	vst v63  }
0x309: {  	_ =	swait.ge [sflag:s23], $0x2400  }
0x30a: {  	[sflag:s23] =	ssyncset.done $0x0  }
0x30b: {  	[sflag:s23] =	ssyncadd.s32 $0xFFFFDC00  }
0x30c: {  	s29 =	sadd.s32 $0x0, s24;
	[bflag:$0x0] =	sbarrier.arrive $0xFFFF  }
0x30d: {  	[tilespmem:s15], [sflag:$0x3] =	stream.linear.gather [hbm4b:s29+s4], $0x50, $0x38;
	[tilespmem:$0x1B580] =	vst v63  }
0x30e: {  	_ =	swait.ge [sflag:s23], $0x50  }
0x30f: {  	[sflag:s23] =	ssyncset.done $0x0  }
0x310: {  	[sflag:s23] =	ssyncadd.s32 $0xFFFFFFB0  }
0x311: {  	[spmem:s2] =	stream.indirect.scatter.add.f32 [tilespmem:s3], [sflag:$0x3], $0x80, s15, s12, $0xb8;
	[tilespmem:$0x1B580] =	vst v63  }
0x312: {  	_ =	swait.ge [sflag:s23], $0x2800  }
0x313: {  	s21 =	simm.s32 $0xA;
	s22 =	simm.s32 $0x14;
	[sflag:s23] =	ssyncset.done $0x0  }
.LBB2_8:
0x314: {  	s5 =	sadd.s32 s21, s24  }
0x315: {  	[sflag:s23] =	ssyncadd.s32 $0xFFFFD800;
	s21 =	smov.u32 s22;
	s18 =	sadd.s32 $0xA, s22  }
0x316: {  	[tilespmem:s15], [sflag:$0x3] =	stream.linear.gather [hbm4b:s5+s4], $0x50, $0x38;
	[tilespmem:$0x1B580] =	vst v63  }
0x317: {  	p0 =	sne.s32 s22, $0x4D8;
	_ =	swait.ge [sflag:s23], $0x50  }
.Ltmp3:
0x318: {  	[sflag:s23] =	ssyncset.done $0x0;
	(pc) =	sbr.rel @p0 .LBB2_8-.Ltmp3, $4  }
0x319: {  	[sflag:s23] =	ssyncadd.s32 $0xFFFFFFB0  }
0x31a: {  	[spmem:s2] =	stream.indirect.scatter.add.f32 [tilespmem:s3], [sflag:$0x3], $0x80, s15, s12, $0xb8;
	[tilespmem:$0x1B580] =	vst v63  }
0x31b: {  	_ =	swait.ge [sflag:s23], $0x2800  }
0x31c: {  	s22 =	smov.u32 s18;
	[sflag:s23] =	ssyncset.done $0x0  }
0x31d: {  	s5 =	sadd.s32 s21, s24;
	[sflag:s23] =	ssyncadd.s32 $0xFFFFD800  }
0x31e: {  	[tilespmem:s15], [sflag:$0x3] =	stream.linear.gather [hbm4b:s5+s4], $0x50, $0x38;
	[tilespmem:$0x1B580] =	vst v63  }
0x31f: {  	_ =	swait.ge [sflag:s23], $0x50  }
0x320: {  	[sflag:s23] =	ssyncset.done $0x0  }
0x321: {  	[sflag:s23] =	ssyncadd.s32 $0xFFFFFFB0  }
0x322: {  	[spmem:s2] =	stream.indirect.scatter.add.f32 [tilespmem:s3], [sflag:$0x3], $0x80, s15, s12, $0xb8;
	[tilespmem:$0x1B580] =	vst v63  }
0x323: {  	_ =	swait.ge [sflag:s23], $0x2800  }
0x324: {  	[sflag:s23] =	ssyncset.done $0x0  }
0x325: {  	[sflag:s23] =	ssyncadd.s32 $0xFFFFD800  }
0x326: {  	[bflag:$0x0] =	sbarrier.arrive $0xFFFF  }
0x327: {  	[tilespmem:s11], [sflag:$0x3] =	stream.linear.gather [spmem:s25], $0x2800, $0x38;
	[tilespmem:$0x1B580] =	vst v63  }
0x328: {  	_ =	swait.ge [sflag:s23], $0x2800  }
0x329: {  	s29 =	sld [smem:$0x7F6]  }
0x32a: {  	[sflag:s23] =	ssyncset.done $0x0  }
0x32b: {  	[sflag:s23] =	ssyncadd.s32 $0xFFFFD800  }
0x32c: {  	[hbm4b:s29+s4] =	stream.linear.scatter [tilespmem:s11], [sflag:$0x3], $0x2800, $0x38;
	[tilespmem:$0x1B580] =	vst v63  }
0x32d: {  	_ =	swait.ge [sflag:s23], $0x2800  }
0x32e: {  	[sflag:s23] =	ssyncset.done $0x0  }
0x32f: {  	[sflag:s23] =	ssyncadd.s32 $0xFFFFD800  }
0x330: {  	[tilespmem:s11], [sflag:$0x3] =	stream.linear.gather [spmem:s6], $0x2800, $0x38;
	[tilespmem:$0x1B580] =	vst v63  }
0x331: {  	_ =	swait.ge [sflag:s23], $0x2800  }
0x332: {  	s18 =	sld [smem:$0x7F7]  }
0x333: {  	[sflag:s23] =	ssyncset.done $0x0  }
0x334: {  	[sflag:s23] =	ssyncadd.s32 $0xFFFFD800  }
0x335: {  	[hbm4b:s18+s4] =	stream.linear.scatter [tilespmem:s11], [sflag:$0x3], $0x2800, $0x38;
	[tilespmem:$0x1B580] =	vst v63  }
0x336: {  	_ =	swait.ge [sflag:s23], $0x2800  }
0x337: {  	[sflag:s23] =	ssyncset.done $0x0  }
0x338: {  	[sflag:s23] =	ssyncadd.s32 $0xFFFFD800  }
0x339: {  	[tilespmem:s11], [sflag:$0x3] =	stream.linear.gather [spmem:s7], $0x2800, $0x38;
	[tilespmem:$0x1B580] =	vst v63  }
0x33a: {  	_ =	swait.ge [sflag:s23], $0x2800  }
0x33b: {  	s21 =	sld [smem:$0x7F8]  }
0x33c: {  	[sflag:s23] =	ssyncset.done $0x0  }
0x33d: {  	[sflag:s23] =	ssyncadd.s32 $0xFFFFD800  }
0x33e: {  	[hbm4b:s21+s4] =	stream.linear.scatter [tilespmem:s11], [sflag:$0x3], $0x2800, $0x38;
	[tilespmem:$0x1B580] =	vst v63  }
0x33f: {  	_ =	swait.ge [sflag:s23], $0x2800  }
0x340: {  	[sflag:s23] =	ssyncset.done $0x0  }
0x341: {  	[sflag:s23] =	ssyncadd.s32 $0xFFFFD800  }
0x342: {  	[tilespmem:s11], [sflag:$0x3] =	stream.linear.gather [spmem:s8], $0x2800, $0x38;
	[tilespmem:$0x1B580] =	vst v63  }
0x343: {  	_ =	swait.ge [sflag:s23], $0x2800  }
0x344: {  	s22 =	sld [smem:$0x7F9]  }
0x345: {  	[sflag:s23] =	ssyncset.done $0x0  }
0x346: {  	[sflag:s23] =	ssyncadd.s32 $0xFFFFD800  }
0x347: {  	[hbm4b:s22+s4] =	stream.linear.scatter [tilespmem:s11], [sflag:$0x3], $0x2800, $0x38;
	[tilespmem:$0x1B580] =	vst v63  }
0x348: {  	_ =	swait.ge [sflag:s23], $0x2800  }
0x349: {  	[sflag:s23] =	ssyncset.done $0x0  }
0x34a: {  	[sflag:s23] =	ssyncadd.s32 $0xFFFFD800  }
0x34b: {  	[tilespmem:s11], [sflag:$0x3] =	stream.linear.gather [spmem:s9], $0x2800, $0x38;
	[tilespmem:$0x1B580] =	vst v63  }
0x34c: {  	_ =	swait.ge [sflag:s23], $0x2800  }
0x34d: {  	s29 =	sld [smem:$0x7FA]  }
0x34e: {  	[sflag:s23] =	ssyncset.done $0x0  }
0x34f: {  	[sflag:s23] =	ssyncadd.s32 $0xFFFFD800  }
0x350: {  	[hbm4b:s29+s4] =	stream.linear.scatter [tilespmem:s11], [sflag:$0x3], $0x2800, $0x38;
	[tilespmem:$0x1B580] =	vst v63  }
0x351: {  	_ =	swait.ge [sflag:s23], $0x2800  }
0x352: {  	[sflag:s23] =	ssyncset.done $0x0  }
0x353: {  	[sflag:s23] =	ssyncadd.s32 $0xFFFFD800  }
0x354: {  	[tilespmem:s11], [sflag:$0x3] =	stream.linear.gather [spmem:s10], $0x2800, $0x38;
	[tilespmem:$0x1B580] =	vst v63  }
0x355: {  	_ =	swait.ge [sflag:s23], $0x2800  }
0x356: {  	s18 =	sld [smem:$0x7FB]  }
0x357: {  	[sflag:s23] =	ssyncset.done $0x0  }
0x358: {  	[sflag:s23] =	ssyncadd.s32 $0xFFFFD800  }
0x359: {  	[hbm4b:s18+s4] =	stream.linear.scatter [tilespmem:s11], [sflag:$0x3], $0x2800, $0x38;
	[tilespmem:$0x1B580] =	vst v63  }
0x35a: {  	_ =	swait.ge [sflag:s23], $0x2800  }
0x35b: {  	[sflag:s23] =	ssyncset.done $0x0  }
0x35c: {  	[sflag:s23] =	ssyncadd.s32 $0xFFFFD800  }
0x35d: {  	[tilespmem:s11], [sflag:$0x3] =	stream.linear.gather [spmem:s19], $0x2800, $0x38;
	[tilespmem:$0x1B580] =	vst v63  }
0x35e: {  	_ =	swait.ge [sflag:s23], $0x2800  }
0x35f: {  	s21 =	sld [smem:$0x7FC]  }
0x360: {  	[sflag:s23] =	ssyncset.done $0x0  }
0x361: {  	[sflag:s23] =	ssyncadd.s32 $0xFFFFD800  }
0x362: {  	[hbm4b:s21+s4] =	stream.linear.scatter [tilespmem:s11], [sflag:$0x3], $0x2800, $0x38;
	[tilespmem:$0x1B580] =	vst v63  }
0x363: {  	_ =	swait.ge [sflag:s23], $0x2800  }
0x364: {  	[sflag:s23] =	ssyncset.done $0x0  }
0x365: {  	[sflag:s23] =	ssyncadd.s32 $0xFFFFD800  }
0x366: {  	[tilespmem:s11], [sflag:$0x3] =	stream.linear.gather [spmem:s20], $0x2400, $0x38;
	[tilespmem:$0x1B580] =	vst v63  }
0x367: {  	_ =	swait.ge [sflag:s23], $0x2400  }
0x368: {  	s22 =	sld [smem:$0x7FD]  }
0x369: {  	[sflag:s23] =	ssyncset.done $0x0  }
0x36a: {  	[sflag:s23] =	ssyncadd.s32 $0xFFFFDC00  }
0x36b: {  	[hbm4b:s22+s4] =	stream.linear.scatter [tilespmem:s11], [sflag:$0x3], $0x2400, $0x38;
	[tilespmem:$0x1B580] =	vst v63  }
0x36c: {  	_ =	swait.ge [sflag:s23], $0x2400  }
0x36d: {  	s18 =	sld [smem:$0x7F1];
	_ =	sdelay $0x2  }
0x36e: {  	s29 =	rddreg [dreg:$0xf];
	s18 =	sadd.s32 $0x1, s18  }
0x36f: {  	p0 =	sne.s32 s18, s29  }
.Ltmp4:
0x370: {  	_ = 	snop;
	(pc) =	sbr.rel @p0 .LBB2_1-.Ltmp4, $3  }
0x371: {  	_ =	sdelay $0x1  }
0x372: {  	[sflag:s23] =	ssyncset.done $0x0  }
0x373: {  	[sflag:s23] =	ssyncadd.s32 $0xFFFFDC00  }
0x374: {  	_ =	sfence.sel $0x180000  }
0x375: {  	[bflag:$0x0] =	sbarrier.arrive $0xFFFF  }
0x376: {  	_ =	strace $0x90000047  }
0x377: {  	s0 =	stileid.u32;
	[bflag:$0x2] =	sbarrier.arrive $0xFFFF  }
0x378: {  	p0 =	sne.s32 s0, $0x0;
	s0 =	rddreg [dreg:$0x3]  }
0x379: {  	s0 =	sadd.s32 @!p0 $0x100000, s0  }
0x37a: {  	[sflag:s0] =	ssyncadd.tile.s32 @!p0 $0x1;
	_ =	shalt  }
.Lfunc_end2:
_tile_overlayer_lowered:
.L_overlay_start_2:
0x37b: {  	(tag) =	ssettag $0x2  }
0x37c: {  	s0 =	rddreg [dreg:$0x0];
	s2 =	stileid.u32  }
0x37d: {  	s1 =	rddreg [dreg:$0x1];
	p0 =	sne.s32 s2, $0x0  }
0x37e: {  	s3 =	rddreg [dreg:$0x2];
	[bflag:$0x3] =	sbarrier.arrive $0xFFFF;
	s2 =	simm.s32 @!p0 $0x1C03  }
0x37f: {  	[timem:s3], [sflag:s2] =	dma.local @!p0 [hbm:s0], s1  }
0x380: {  	s0 =	simm.s32 @!p0 $0x3  }
0x381: {  	_ =	swait.ge @!p0 [sflag:s0], s1  }
0x382: {  	s1 =	ssub.s32 @!p0 $0x0, s1;
	[sflag:s0] =	ssyncset.done @!p0 $0x0  }
0x383: {  	[sflag:s0] =	ssyncadd.s32 @!p0 s1  }
0x384: {  	[bflag:$0x3] =	sbarrier.arrive $0xFFFF  }
0x385: {  	_ =	shalt  }

</sc_bundles>
